<compile_context>
chip_gen: v7x
topology: tpu7x:2x2x1
jax: 0.10.2.dev20260603
libtpu: 0.0.44.dev20260713+nightly
codegen_flags: <defaults>
</compile_context>

<pallas_src>
import jax
import jax.numpy as jnp
from jax import lax
from jax.experimental import pallas as pl
from jax.experimental.pallas import tpu as pltpu
from jax.experimental.pallas import tpu_sc as plsc

N = 10000
H = 32
L = 4
NC, NS = 2, 16
NW = NC * NS
C = 128
NPAD = 10240
RPS = NPAD // NS
DW = 32
PK = 128 // H
NP = N // PK
NPP = NPAD // PK

_SC_PARAMS = pltpu.CompilerParams(use_tc_tiling_on_sc=False)


def _mesh():
    return plsc.VectorSubcoreMesh(
        core_axis_name="c", subcore_axis_name="s", num_cores=NC, num_subcores=NS
    )


def _deg_call(dst_r, ones16, zeros16):
    nchunk = dst_r.shape[1]

    NBD = 4
    assert nchunk % NBD == 0

    def body(dst_hbm, ones_hbm, zeros_hbm, out_hbm, dst_v, ones_v, acc,
             *dsems):
        ci = lax.axis_index("c")
        si = lax.axis_index("s")
        wid = si * NC + ci
        rows = pl.ds(si * RPS, RPS)
        pltpu.sync_copy(zeros_hbm, acc.at[rows, :])
        pltpu.sync_copy(dst_hbm.at[wid], dst_v)
        pltpu.sync_copy(ones_hbm, ones_v)
        plsc.subcore_barrier()

        def scat(i, b):
            pltpu.async_copy(ones_v, acc.at[dst_v.at[i]], dsems[b], add=True)

        def wscat(i, b):
            pltpu.make_async_copy(ones_v, acc.at[dst_v.at[i]], dsems[b]).wait()

        def outer(j, carry):
            for b in range(NBD):
                i = j * NBD + b

                @pl.when(i >= NBD)
                def _():
                    wscat(i - NBD, b)

                scat(i, b)
            return carry

        lax.fori_loop(0, nchunk // NBD, outer, 0)
        for i in range(nchunk - NBD, nchunk):
            wscat(i, i % NBD)
        plsc.subcore_barrier()
        pltpu.sync_copy(acc.at[rows, :], out_hbm.at[ci, rows, :])

    fn = pl.kernel(
        body,
        out_type=jax.ShapeDtypeStruct((NC, NPAD, DW), jnp.float32),
        mesh=_mesh(),
        compiler_params=_SC_PARAMS,
        scratch_types=[
            pltpu.VMEM((nchunk, C), jnp.int32),
            pltpu.VMEM((C, DW), jnp.float32),
            pltpu.VMEM_SHARED((NPAD, DW), jnp.float32),
        ] + [pltpu.SemaphoreType.DMA for _ in range(NBD)],
    )
    return fn(dst_r, ones16, zeros16)


def _agg_call(src_r, dst_r, table, zeros32):
    nchunk = src_r.shape[1]
    NB = 4
    assert nchunk > 2 * NB

    def body(src_hbm, dst_hbm, table_hbm, zeros_hbm, out_hbm,
             src_v, dst_v, *rest):
        bufs = rest[:NB]
        tbl, acc = rest[NB], rest[NB + 1]
        gsems = rest[NB + 2:2 * NB + 2]
        ssems = rest[2 * NB + 2:3 * NB + 2]
        ci = lax.axis_index("c")
        si = lax.axis_index("s")
        wid = si * NC + ci
        rows = pl.ds(si * RPS, RPS)
        pltpu.sync_copy(table_hbm.at[rows, :], tbl.at[rows, :])
        pltpu.sync_copy(zeros_hbm, acc.at[rows, :])
        pltpu.sync_copy(src_hbm.at[wid], src_v)
        pltpu.sync_copy(dst_hbm.at[wid], dst_v)
        plsc.subcore_barrier()

        def gather(i, b):
            pltpu.async_copy(tbl.at[src_v.at[i]], bufs[b], gsems[b])

        def wait_gather(i, b):
            pltpu.make_async_copy(tbl.at[src_v.at[i]], bufs[b], gsems[b]).wait()

        def scatter(i, b):
            pltpu.async_copy(bufs[b], acc.at[dst_v.at[i]], ssems[b], add=True)

        def wait_scatter(i, b):
            pltpu.make_async_copy(
                bufs[b], acc.at[dst_v.at[i]], ssems[b]
            ).wait()

        for b in range(NB - 1):
            gather(b, b)

        nouter = (nchunk - (NB - 1)) // NB

        def outer(j, carry):
            for b in range(NB):
                i = j * NB + b
                p = (b + NB - 1) % NB

                @pl.when(i >= 1)
                def _():
                    wait_scatter(i - 1, p)

                gather(i + NB - 1, p)
                wait_gather(i, b)
                scatter(i, b)
            return carry

        lax.fori_loop(0, nouter, outer, 0)
        for i in range(nouter * NB, nchunk):
            b = i % NB
            p = (b + NB - 1) % NB
            g = i + NB - 1
            if g < nchunk:
                wait_scatter(g - NB, p)
                gather(g, p)
            wait_gather(i, b)
            scatter(i, b)
        for i in range(nchunk - NB, nchunk):
            wait_scatter(i, i % NB)
        plsc.subcore_barrier()
        pltpu.sync_copy(acc.at[rows, :], out_hbm.at[ci, rows, :])

    fn = pl.kernel(
        body,
        out_type=jax.ShapeDtypeStruct((NC, NPAD, H), jnp.float32),
        mesh=_mesh(),
        compiler_params=_SC_PARAMS,
        scratch_types=[
            pltpu.VMEM((nchunk, C), jnp.int32),
            pltpu.VMEM((nchunk, C), jnp.int32),
        ] + [pltpu.VMEM((C, H), jnp.float32) for _ in range(NB)] + [
            pltpu.VMEM_SHARED((NPAD, H), jnp.float32),
            pltpu.VMEM_SHARED((NPAD, H), jnp.float32),
        ] + [pltpu.SemaphoreType.DMA for _ in range(2 * NB)],
    )
    return fn(src_r, dst_r, table, zeros32)


def _pack(v):
    k = v.shape[0] // PK
    v3 = jnp.reshape(v, (k, PK, H))
    return jnp.concatenate([v3[:, i, :] for i in range(PK)], axis=1)


def _unpack(v):
    k = v.shape[0]
    parts = [v[:, i * H:(i + 1) * H] for i in range(PK)]
    return jnp.reshape(jnp.stack(parts, axis=1), (k * PK, H))


def _prelude_call(degp, x, w0):
    def body(degp_ref, x_ref, w0_ref, disp_ref, hw_ref):
        dsum = degp_ref[0] + degp_ref[1]
        disp = lax.rsqrt(dsum + 1.0)[0:NP, :]
        hw = jnp.dot(x_ref[...], w0_ref[...],
                     preferred_element_type=jnp.float32)
        disp_ref[...] = disp
        hw_ref[0:NP, :] = _pack(hw) * disp
        hw_ref[NP:NPP, :] = jnp.zeros((NPP - NP, PK * H), jnp.float32)

    return pl.pallas_call(
        body,
        out_shape=(
            jax.ShapeDtypeStruct((NP, PK * H), jnp.float32),
            jax.ShapeDtypeStruct((NPP, PK * H), jnp.float32),
        ),
    )(degp, x, w0)


def _fold(s):
    parts = [s[:, i * H:(i + 1) * H] for i in range(PK)]
    f = parts[0]
    for p in parts[1:]:
        f = f + p
    return jnp.concatenate([f] * PK, axis=1)


def _bn_packed(t, gp, bep, relu):
    mean = _fold(jnp.sum(t, axis=0, keepdims=True)) / N
    d = t - mean
    var = _fold(jnp.sum(d * d, axis=0, keepdims=True)) / N
    h = d * lax.rsqrt(var + 1e-5) * gp + bep
    if relu:
        h = jnp.maximum(h, 0.0)
    return h


def _layer_call(aggp, hws, disp, bp, gp, bep, wblock):
    def body(aggp_ref, hws_ref, disp_ref, bp_ref, gp_ref, bep_ref,
             wb_ref, out_ref):
        a = aggp_ref[...]
        disp = disp_ref[...]
        t = disp * (a[0, 0:NP, :] + a[1, 0:NP, :] + hws_ref[0:NP, :]) + bp_ref[...]
        h = _bn_packed(t, gp_ref[...], bep_ref[...], relu=True)
        out_ref[0:NP, :] = (
            jnp.dot(h, wb_ref[...], preferred_element_type=jnp.float32) * disp
        )
        out_ref[NP:NPP, :] = jnp.zeros((NPP - NP, PK * H), jnp.float32)

    return pl.pallas_call(
        body, out_shape=jax.ShapeDtypeStruct((NPP, PK * H), jnp.float32)
    )(aggp, hws, disp, bp, gp, bep, wblock)


def _final_call(aggp, hws, disp, bp, gp, bep):
    def body(aggp_ref, hws_ref, disp_ref, bp_ref, gp_ref, bep_ref, out_ref):
        a = aggp_ref[...]
        disp = disp_ref[...]
        t = disp * (a[0, 0:NP, :] + a[1, 0:NP, :] + hws_ref[0:NP, :]) + bp_ref[...]
        h = _bn_packed(t, gp_ref[...], bep_ref[...], relu=False)
        out_ref[0:NP, :] = h
        out_ref[NP:NPP, :] = jnp.zeros((NPP - NP, PK * H), jnp.float32)

    return pl.pallas_call(
        body, out_shape=jax.ShapeDtypeStruct((NPP, PK * H), jnp.float32)
    )(aggp, hws, disp, bp, gp, bep)


def _pad_idx(a, nw, epw, nchunk, fill):
    a = a.reshape(nw, epw)
    pad = jnp.full((nw, nchunk * C - epw), fill, jnp.int32)
    return jnp.concatenate([a, pad], axis=1).reshape(nw, nchunk, C)


def kernel(x, edge_index, batch, Ws, bs, gammas, betas):
    del batch
    E = edge_index.shape[1]
    epw = E // NW
    nchunk = (-(-epw // C) + 7) // 8 * 8
    src_r = _pad_idx(edge_index[0], NW, epw, nchunk, 0)
    dst_r = _pad_idx(edge_index[1], NW, epw, nchunk, NPAD - 1)

    ones32 = jnp.ones((C, DW), jnp.float32)
    zeros32 = jnp.zeros((RPS, H), jnp.float32)

    degp = _deg_call(dst_r, ones32, zeros32)
    degp_pk = jnp.reshape(degp, (NC, NPP, 128))
    disp, hws = _prelude_call(degp_pk, x, Ws[0])

    for l in range(L):
        tbl = jnp.reshape(hws, (NPAD, H))
        aggp = jnp.reshape(_agg_call(src_r, dst_r, tbl, zeros32),
                           (NC, NPP, PK * H))
        bp = jnp.tile(bs[l], PK).reshape(1, PK * H)
        gp = jnp.tile(gammas[l], PK).reshape(1, PK * H)
        bep = jnp.tile(betas[l], PK).reshape(1, PK * H)
        if l != L - 1:
            wblock = jnp.kron(jnp.eye(PK, dtype=jnp.float32), Ws[l + 1])
            hws = _layer_call(aggp, hws, disp, bp, gp, bep, wblock)
        else:
            outp = _final_call(aggp, hws, disp, bp, gp, bep)
    return jnp.reshape(outp, (NPAD, H))[0:N]

# --- scband reference (transcript-rebuilt; emitter-appended) ---
"""Pipeline reference for scband-gcn-49254684950633 (READ-ONLY COPY).

The authoritative reference and input builder live on the scoring server;
editing this copy changes nothing except your own understanding.
"""

import jax, jax.numpy as jnp
import numpy as np

N = 10000
E = 320000
D_IN = 128
H = 32
L = 4


def setup_inputs(seed: int = 0) -> dict:
    key = jax.random.key(seed)
    ks = jax.random.split(key, 3 + L)
    x = jax.random.normal(ks[0], (N, D_IN), dtype=jnp.float32)
    edge_index = jax.random.randint(ks[1], (2, E), 0, N, dtype=jnp.int32)
    batch = jnp.sort(jax.random.randint(ks[2], (N,), 0, 64, dtype=jnp.int32))
    Ws = []
    bs = []
    gammas = []
    betas = []
    for l in range(L):
        din = D_IN if l == 0 else H
        Ws.append(jax.random.normal(ks[3 + l], (din, H), dtype=jnp.float32) * (1.0 / np.sqrt(din)))
        bs.append(jnp.zeros((H,), dtype=jnp.float32))
        gammas.append(jnp.ones((H,), dtype=jnp.float32))
        betas.append(jnp.zeros((H,), dtype=jnp.float32))
    return {
        'x': x,
        'edge_index': edge_index,
        'batch': batch,
        'Ws': tuple(Ws),
        'bs': tuple(bs),
        'gammas': tuple(gammas),
        'betas': tuple(betas),
    }


def reference(x, edge_index, batch, Ws, bs, gammas, betas):
    num_nodes = x.shape[0]
    # GCN normalization with added self-loops (PyG GCNConv default)
    loop = jnp.arange(num_nodes, dtype=edge_index.dtype)
    src = jnp.concatenate([edge_index[0], loop])
    dst = jnp.concatenate([edge_index[1], loop])
    deg = jnp.zeros((num_nodes,), dtype=jnp.float32).at[dst].add(1.0)
    dis = jnp.where(deg > 0, 1.0 / jnp.sqrt(deg), 0.0)
    norm = dis[src] * dis[dst]

    h = x.astype(jnp.float32)
    for l in range(L):
        # GCNConv: linear transform, then normalized scatter-add aggregation
        hw = h @ Ws[l]
        msg = hw[src] * norm[:, None]
        h = jnp.zeros_like(hw).at[dst].add(msg) + bs[l]
        # BatchNorm1d (training-mode batch statistics, biased variance, eps=1e-5)
        mean = jnp.mean(h, axis=0)
        var = jnp.var(h, axis=0)
        h = (h - mean) / jnp.sqrt(var + 1e-5) * gammas[l] + betas[l]
        if l != L - 1:
            h = jax.nn.relu(h)
    # pred=False: return node representations; batch is unused
    return h

if __name__ == "__main__":
    import jax
    _d = setup_inputs()
    print(jax.jit(kernel)(*tuple(_d.values())))

</pallas_src>

<mosaic_0001>
#map = affine_map<(d0, d1) -> (0, 0, 0)>
#map1 = affine_map<(d0, d1) -> (0, 0)>
module attributes {stable_mosaic.version = 14 : i64} {
  func.func @body(%arg0: i32, %arg1: i32, %arg2: memref<32x80x128xi32, #tpu.memory_space<hbm>>, %arg3: memref<32x80x128xi32, #tpu.memory_space<hbm>>, %arg4: memref<10240x32xf32, #tpu.memory_space<hbm>>, %arg5: memref<640x32xf32, #tpu.memory_space<hbm>>, %arg6: memref<2x10240x32xf32, #tpu.memory_space<hbm>>, %arg7: memref<80x128xi32, #tpu.memory_space<vmem>>, %arg8: memref<80x128xi32, #tpu.memory_space<vmem>>, %arg9: memref<128x32xf32, #tpu.memory_space<vmem>>, %arg10: memref<128x32xf32, #tpu.memory_space<vmem>>, %arg11: memref<128x32xf32, #tpu.memory_space<vmem>>, %arg12: memref<128x32xf32, #tpu.memory_space<vmem>>, %arg13: memref<10240x32xf32, #tpu.memory_space<vmem_shared>>, %arg14: memref<10240x32xf32, #tpu.memory_space<vmem_shared>>, %arg15: memref<!tpu.dma_semaphore, #tpu.memory_space<semaphore_mem>>, %arg16: memref<!tpu.dma_semaphore, #tpu.memory_space<semaphore_mem>>, %arg17: memref<!tpu.dma_semaphore, #tpu.memory_space<semaphore_mem>>, %arg18: memref<!tpu.dma_semaphore, #tpu.memory_space<semaphore_mem>>, %arg19: memref<!tpu.dma_semaphore, #tpu.memory_space<semaphore_mem>>, %arg20: memref<!tpu.dma_semaphore, #tpu.memory_space<semaphore_mem>>, %arg21: memref<!tpu.dma_semaphore, #tpu.memory_space<semaphore_mem>>, %arg22: memref<!tpu.dma_semaphore, #tpu.memory_space<semaphore_mem>>) attributes {dimension_semantics = [#tpu.dimension_semantics<core_parallel>, #tpu.dimension_semantics<subcore_parallel>], iteration_bounds = array<i64: 2, 16>, scalar_prefetch = 0 : i64, scratch_operands = 16 : i64, tpu.core_type = #tpu.core_type<sc_vector_subcore>, window_params = [{transform_indices = #map}, {transform_indices = #map}, {transform_indices = #map1}, {transform_indices = #map1}, {transform_indices = #map}]} {
    %mul3A = arith.constant 2 : i32
    %mul3A_0 = arith.muli %arg1, %mul3A : i32
    %add3A = arith.addi %mul3A_0, %arg0 : i32
    %mul3A_1 = arith.constant 640 : i32
    %mul3A_2 = arith.muli %arg1, %mul3A_1 : i32
    "tpu.region"() ({
      %run_scoped3A = tpu.sem_alloc : memref<!tpu.dma_semaphore, #tpu.memory_space<semaphore_mem>>
      %dma_start3A_126 = arith.constant 0 : i32
      %dma_start3A_127 = tpu.memref_slice %arg13[%mul3A_2, %dma_start3A_126] : memref<10240x32xf32, #tpu.memory_space<vmem_shared>> -> memref<640x32xf32, #tpu.memory_space<vmem_shared>>
      %dma_start3A_128 = arith.constant 0 : i32
      %dma_start3A_129 = tpu.memref_slice %arg4[%mul3A_2, %dma_start3A_128] : memref<10240x32xf32, #tpu.memory_space<hbm>> -> memref<640x32xf32, #tpu.memory_space<hbm>>
      tpu.enqueue_dma source(%dma_start3A_129 : memref<640x32xf32, #tpu.memory_space<hbm>>) target(%dma_start3A_127 : memref<640x32xf32, #tpu.memory_space<vmem_shared>>) target_semaphore(%run_scoped3A : memref<!tpu.dma_semaphore, #tpu.memory_space<semaphore_mem>>)
      %dma_wait3A_130 = arith.constant 0 : i32
      %dma_wait3A_131 = tpu.memref_slice %arg13[%mul3A_2, %dma_wait3A_130] : memref<10240x32xf32, #tpu.memory_space<vmem_shared>> -> memref<640x32xf32, #tpu.memory_space<vmem_shared>>
      %dma_wait3A_132 = arith.constant 0 : i32
      %dma_wait3A_133 = tpu.memref_slice %arg4[%mul3A_2, %dma_wait3A_132] : memref<10240x32xf32, #tpu.memory_space<hbm>> -> memref<640x32xf32, #tpu.memory_space<hbm>>
      tpu.wait_dma2 semaphore(%run_scoped3A : memref<!tpu.dma_semaphore, #tpu.memory_space<semaphore_mem>>) src(%dma_wait3A_133 : memref<640x32xf32, #tpu.memory_space<hbm>>) dst(%dma_wait3A_131 : memref<640x32xf32, #tpu.memory_space<vmem_shared>>)
      tpu.yield
    }) : () -> ()
    "tpu.region"() ({
      %run_scoped3A = tpu.sem_alloc : memref<!tpu.dma_semaphore, #tpu.memory_space<semaphore_mem>>
      %dma_start3A_126 = arith.constant 0 : i32
      %dma_start3A_127 = tpu.memref_slice %arg14[%mul3A_2, %dma_start3A_126] : memref<10240x32xf32, #tpu.memory_space<vmem_shared>> -> memref<640x32xf32, #tpu.memory_space<vmem_shared>>
      tpu.enqueue_dma source(%arg5 : memref<640x32xf32, #tpu.memory_space<hbm>>) target(%dma_start3A_127 : memref<640x32xf32, #tpu.memory_space<vmem_shared>>) target_semaphore(%run_scoped3A : memref<!tpu.dma_semaphore, #tpu.memory_space<semaphore_mem>>)
      %dma_wait3A_128 = arith.constant 0 : i32
      %dma_wait3A_129 = tpu.memref_slice %arg14[%mul3A_2, %dma_wait3A_128] : memref<10240x32xf32, #tpu.memory_space<vmem_shared>> -> memref<640x32xf32, #tpu.memory_space<vmem_shared>>
      tpu.wait_dma2 semaphore(%run_scoped3A : memref<!tpu.dma_semaphore, #tpu.memory_space<semaphore_mem>>) src(%arg5 : memref<640x32xf32, #tpu.memory_space<hbm>>) dst(%dma_wait3A_129 : memref<640x32xf32, #tpu.memory_space<vmem_shared>>)
      tpu.yield
    }) : () -> ()
    "tpu.region"() ({
      %run_scoped3A = tpu.sem_alloc : memref<!tpu.dma_semaphore, #tpu.memory_space<semaphore_mem>>
      %dma_start3A_126 = arith.constant 0 : i32
      %dma_start3A_127 = arith.constant 0 : i32
      %dma_start3A_128 = tpu.memref_slice %arg2[%add3A, %dma_start3A_126, %dma_start3A_127] : memref<32x80x128xi32, #tpu.memory_space<hbm>> -> memref<1x80x128xi32, #tpu.memory_space<hbm>>
      %dma_start3A_129 = tpu.memref_squeeze %dma_start3A_128 : memref<1x80x128xi32, #tpu.memory_space<hbm>> -> memref<80x128xi32, #tpu.memory_space<hbm>>
      %dma_start3A_130 = arith.constant 0 : i32
      %dma_start3A_131 = arith.constant 0 : i32
      %dma_start3A_132 = tpu.memref_slice %arg2[%add3A, %dma_start3A_130, %dma_start3A_131] : memref<32x80x128xi32, #tpu.memory_space<hbm>> -> memref<1x80x128xi32, #tpu.memory_space<hbm>>
      %dma_start3A_133 = tpu.memref_squeeze %dma_start3A_132 : memref<1x80x128xi32, #tpu.memory_space<hbm>> -> memref<80x128xi32, #tpu.memory_space<hbm>>
      tpu.enqueue_dma source(%dma_start3A_133 : memref<80x128xi32, #tpu.memory_space<hbm>>) target(%arg7 : memref<80x128xi32, #tpu.memory_space<vmem>>) target_semaphore(%run_scoped3A : memref<!tpu.dma_semaphore, #tpu.memory_space<semaphore_mem>>)
      %dma_wait3A_134 = arith.constant 0 : i32
      %dma_wait3A_135 = arith.constant 0 : i32
      %dma_wait3A_136 = tpu.memref_slice %arg2[%add3A, %dma_wait3A_134, %dma_wait3A_135] : memref<32x80x128xi32, #tpu.memory_space<hbm>> -> memref<1x80x128xi32, #tpu.memory_space<hbm>>
      %dma_wait3A_137 = tpu.memref_squeeze %dma_wait3A_136 : memref<1x80x128xi32, #tpu.memory_space<hbm>> -> memref<80x128xi32, #tpu.memory_space<hbm>>
      %dma_wait3A_138 = arith.constant 0 : i32
      %dma_wait3A_139 = arith.constant 0 : i32
      %dma_wait3A_140 = tpu.memref_slice %arg2[%add3A, %dma_wait3A_138, %dma_wait3A_139] : memref<32x80x128xi32, #tpu.memory_space<hbm>> -> memref<1x80x128xi32, #tpu.memory_space<hbm>>
      %dma_wait3A_141 = tpu.memref_squeeze %dma_wait3A_140 : memref<1x80x128xi32, #tpu.memory_space<hbm>> -> memref<80x128xi32, #tpu.memory_space<hbm>>
      tpu.wait_dma2 semaphore(%run_scoped3A : memref<!tpu.dma_semaphore, #tpu.memory_space<semaphore_mem>>) src(%dma_wait3A_141 : memref<80x128xi32, #tpu.memory_space<hbm>>) dst(%arg7 : memref<80x128xi32, #tpu.memory_space<vmem>>)
      tpu.yield
    }) : () -> ()
    "tpu.region"() ({
      %run_scoped3A = tpu.sem_alloc : memref<!tpu.dma_semaphore, #tpu.memory_space<semaphore_mem>>
      %dma_start3A_126 = arith.constant 0 : i32
      %dma_start3A_127 = arith.constant 0 : i32
      %dma_start3A_128 = tpu.memref_slice %arg3[%add3A, %dma_start3A_126, %dma_start3A_127] : memref<32x80x128xi32, #tpu.memory_space<hbm>> -> memref<1x80x128xi32, #tpu.memory_space<hbm>>
      %dma_start3A_129 = tpu.memref_squeeze %dma_start3A_128 : memref<1x80x128xi32, #tpu.memory_space<hbm>> -> memref<80x128xi32, #tpu.memory_space<hbm>>
      %dma_start3A_130 = arith.constant 0 : i32
      %dma_start3A_131 = arith.constant 0 : i32
      %dma_start3A_132 = tpu.memref_slice %arg3[%add3A, %dma_start3A_130, %dma_start3A_131] : memref<32x80x128xi32, #tpu.memory_space<hbm>> -> memref<1x80x128xi32, #tpu.memory_space<hbm>>
      %dma_start3A_133 = tpu.memref_squeeze %dma_start3A_132 : memref<1x80x128xi32, #tpu.memory_space<hbm>> -> memref<80x128xi32, #tpu.memory_space<hbm>>
      tpu.enqueue_dma source(%dma_start3A_133 : memref<80x128xi32, #tpu.memory_space<hbm>>) target(%arg8 : memref<80x128xi32, #tpu.memory_space<vmem>>) target_semaphore(%run_scoped3A : memref<!tpu.dma_semaphore, #tpu.memory_space<semaphore_mem>>)
      %dma_wait3A_134 = arith.constant 0 : i32
      %dma_wait3A_135 = arith.constant 0 : i32
      %dma_wait3A_136 = tpu.memref_slice %arg3[%add3A, %dma_wait3A_134, %dma_wait3A_135] : memref<32x80x128xi32, #tpu.memory_space<hbm>> -> memref<1x80x128xi32, #tpu.memory_space<hbm>>
      %dma_wait3A_137 = tpu.memref_squeeze %dma_wait3A_136 : memref<1x80x128xi32, #tpu.memory_space<hbm>> -> memref<80x128xi32, #tpu.memory_space<hbm>>
      %dma_wait3A_138 = arith.constant 0 : i32
      %dma_wait3A_139 = arith.constant 0 : i32
      %dma_wait3A_140 = tpu.memref_slice %arg3[%add3A, %dma_wait3A_138, %dma_wait3A_139] : memref<32x80x128xi32, #tpu.memory_space<hbm>> -> memref<1x80x128xi32, #tpu.memory_space<hbm>>
      %dma_wait3A_141 = tpu.memref_squeeze %dma_wait3A_140 : memref<1x80x128xi32, #tpu.memory_space<hbm>> -> memref<80x128xi32, #tpu.memory_space<hbm>>
      tpu.wait_dma2 semaphore(%run_scoped3A : memref<!tpu.dma_semaphore, #tpu.memory_space<semaphore_mem>>) src(%dma_wait3A_141 : memref<80x128xi32, #tpu.memory_space<hbm>>) dst(%arg8 : memref<80x128xi32, #tpu.memory_space<vmem>>)
      tpu.yield
    }) : () -> ()
    %barrier3A = arith.constant 0 : index
    tpu.barrier barrier_id(%barrier3A)
    %dma_start3A = arith.constant 0 : i32
    %dma_start3A_3 = arith.constant 0 : i32
    %dma_start3A_4 = tpu.memref_slice %arg7[%dma_start3A, %dma_start3A_3] : memref<80x128xi32, #tpu.memory_space<vmem>> -> memref<1x128xi32, #tpu.memory_space<vmem>>
    %dma_start3A_5 = tpu.memref_squeeze %dma_start3A_4 : memref<1x128xi32, #tpu.memory_space<vmem>> -> memref<128xi32, #tpu.memory_space<vmem>>
    %dma_start3A_6 = arith.constant 0 : i32
    %dma_start3A_7 = arith.constant 0 : i32
    %dma_start3A_8 = tpu.memref_slice %arg13[%dma_start3A_6, %dma_start3A_7] : memref<10240x32xf32, #tpu.memory_space<vmem_shared>> -> memref<10240x32xf32, #tpu.memory_space<vmem_shared>>
    tpu.enqueue_indirect_dma source(%dma_start3A_8 : memref<10240x32xf32, #tpu.memory_space<vmem_shared>>) target(%arg9 : memref<128x32xf32, #tpu.memory_space<vmem>>) offsets(%dma_start3A_5 : memref<128xi32, #tpu.memory_space<vmem>>) semaphore(%arg15 : memref<!tpu.dma_semaphore, #tpu.memory_space<semaphore_mem>>)
    %dma_start3A_9 = arith.constant 1 : i32
    %dma_start3A_10 = arith.constant 0 : i32
    %dma_start3A_11 = tpu.memref_slice %arg7[%dma_start3A_9, %dma_start3A_10] : memref<80x128xi32, #tpu.memory_space<vmem>> -> memref<1x128xi32, #tpu.memory_space<vmem>>
    %dma_start3A_12 = tpu.memref_squeeze %dma_start3A_11 : memref<1x128xi32, #tpu.memory_space<vmem>> -> memref<128xi32, #tpu.memory_space<vmem>>
    %dma_start3A_13 = arith.constant 0 : i32
    %dma_start3A_14 = arith.constant 0 : i32
    %dma_start3A_15 = tpu.memref_slice %arg13[%dma_start3A_13, %dma_start3A_14] : memref<10240x32xf32, #tpu.memory_space<vmem_shared>> -> memref<10240x32xf32, #tpu.memory_space<vmem_shared>>
    tpu.enqueue_indirect_dma source(%dma_start3A_15 : memref<10240x32xf32, #tpu.memory_space<vmem_shared>>) target(%arg10 : memref<128x32xf32, #tpu.memory_space<vmem>>) offsets(%dma_start3A_12 : memref<128xi32, #tpu.memory_space<vmem>>) semaphore(%arg16 : memref<!tpu.dma_semaphore, #tpu.memory_space<semaphore_mem>>)
    %dma_start3A_16 = arith.constant 2 : i32
    %dma_start3A_17 = arith.constant 0 : i32
    %dma_start3A_18 = tpu.memref_slice %arg7[%dma_start3A_16, %dma_start3A_17] : memref<80x128xi32, #tpu.memory_space<vmem>> -> memref<1x128xi32, #tpu.memory_space<vmem>>
    %dma_start3A_19 = tpu.memref_squeeze %dma_start3A_18 : memref<1x128xi32, #tpu.memory_space<vmem>> -> memref<128xi32, #tpu.memory_space<vmem>>
    %dma_start3A_20 = arith.constant 0 : i32
    %dma_start3A_21 = arith.constant 0 : i32
    %dma_start3A_22 = tpu.memref_slice %arg13[%dma_start3A_20, %dma_start3A_21] : memref<10240x32xf32, #tpu.memory_space<vmem_shared>> -> memref<10240x32xf32, #tpu.memory_space<vmem_shared>>
    tpu.enqueue_indirect_dma source(%dma_start3A_22 : memref<10240x32xf32, #tpu.memory_space<vmem_shared>>) target(%arg11 : memref<128x32xf32, #tpu.memory_space<vmem>>) offsets(%dma_start3A_19 : memref<128xi32, #tpu.memory_space<vmem>>) semaphore(%arg17 : memref<!tpu.dma_semaphore, #tpu.memory_space<semaphore_mem>>)
    %scan3A = arith.constant 0 : i32
    %scan3A_23 = arith.constant 0 : i32
    %scan3A_24 = arith.constant 19 : i32
    %scan3A_25 = arith.addi %scan3A_23, %scan3A_24 : i32
    %scan3A_26 = arith.constant 1 : i32
    scf.for %scan3A_126 = %scan3A_23 to %scan3A_25 step %scan3A_26  : i32 {
      %mul3A_127 = arith.constant 4 : i32
      %mul3A_128 = arith.muli %scan3A_126, %mul3A_127 : i32
      %add3A_129 = arith.constant 0 : i32
      %add3A_130 = arith.addi %mul3A_128, %add3A_129 : i32
      %ge3A = arith.constant 1 : i32
      %ge3A_131 = arith.cmpi sge, %add3A_130, %ge3A : i32
      %convert_element_type3A = arith.extui %ge3A_131 : i1 to i32
      %cond3A = arith.constant 0 : i32
      %cond3A_132 = arith.cmpi ne, %convert_element_type3A, %cond3A : i32
      scf.if %cond3A_132 {
        %sub3A_247 = arith.constant 1 : i32
        %sub3A_248 = arith.subi %add3A_130, %sub3A_247 : i32
        %dma_wait3A_249 = arith.constant 0 : i32
        %dma_wait3A_250 = tpu.memref_slice %arg8[%sub3A_248, %dma_wait3A_249] : memref<80x128xi32, #tpu.memory_space<vmem>> -> memref<1x128xi32, #tpu.memory_space<vmem>>
        %dma_wait3A_251 = tpu.memref_squeeze %dma_wait3A_250 : memref<1x128xi32, #tpu.memory_space<vmem>> -> memref<128xi32, #tpu.memory_space<vmem>>
        %dma_wait3A_252 = arith.constant 0 : i32
        %dma_wait3A_253 = arith.constant 0 : i32
        %dma_wait3A_254 = tpu.memref_slice %arg14[%dma_wait3A_252, %dma_wait3A_253] : memref<10240x32xf32, #tpu.memory_space<vmem_shared>> -> memref<10240x32xf32, #tpu.memory_space<vmem_shared>>
        tpu.wait_indirect_dma semaphore(%arg22 : memref<!tpu.dma_semaphore, #tpu.memory_space<semaphore_mem>>) src(%arg12 : memref<128x32xf32, #tpu.memory_space<vmem>>) dst(%dma_wait3A_254 : memref<10240x32xf32, #tpu.memory_space<vmem_shared>>)
      } else {
      }
      %add3A_133 = arith.constant 4 : i32
      %add3A_134 = arith.addi %add3A_130, %add3A_133 : i32
      %sub3A = arith.constant 1 : i32
      %sub3A_135 = arith.subi %add3A_134, %sub3A : i32
      %dma_start3A_136 = arith.constant 0 : i32
      %dma_start3A_137 = tpu.memref_slice %arg7[%sub3A_135, %dma_start3A_136] : memref<80x128xi32, #tpu.memory_space<vmem>> -> memref<1x128xi32, #tpu.memory_space<vmem>>
      %dma_start3A_138 = tpu.memref_squeeze %dma_start3A_137 : memref<1x128xi32, #tpu.memory_space<vmem>> -> memref<128xi32, #tpu.memory_space<vmem>>
      %dma_start3A_139 = arith.constant 0 : i32
      %dma_start3A_140 = arith.constant 0 : i32
      %dma_start3A_141 = tpu.memref_slice %arg13[%dma_start3A_139, %dma_start3A_140] : memref<10240x32xf32, #tpu.memory_space<vmem_shared>> -> memref<10240x32xf32, #tpu.memory_space<vmem_shared>>
      tpu.enqueue_indirect_dma source(%dma_start3A_141 : memref<10240x32xf32, #tpu.memory_space<vmem_shared>>) target(%arg12 : memref<128x32xf32, #tpu.memory_space<vmem>>) offsets(%dma_start3A_138 : memref<128xi32, #tpu.memory_space<vmem>>) semaphore(%arg18 : memref<!tpu.dma_semaphore, #tpu.memory_space<semaphore_mem>>)
      %dma_wait3A_142 = arith.constant 0 : i32
      %dma_wait3A_143 = tpu.memref_slice %arg7[%add3A_130, %dma_wait3A_142] : memref<80x128xi32, #tpu.memory_space<vmem>> -> memref<1x128xi32, #tpu.memory_space<vmem>>
      %dma_wait3A_144 = tpu.memref_squeeze %dma_wait3A_143 : memref<1x128xi32, #tpu.memory_space<vmem>> -> memref<128xi32, #tpu.memory_space<vmem>>
      %dma_wait3A_145 = arith.constant 0 : i32
      %dma_wait3A_146 = arith.constant 0 : i32
      %dma_wait3A_147 = tpu.memref_slice %arg13[%dma_wait3A_145, %dma_wait3A_146] : memref<10240x32xf32, #tpu.memory_space<vmem_shared>> -> memref<10240x32xf32, #tpu.memory_space<vmem_shared>>
      tpu.wait_indirect_dma semaphore(%arg15 : memref<!tpu.dma_semaphore, #tpu.memory_space<semaphore_mem>>) src(%dma_wait3A_147 : memref<10240x32xf32, #tpu.memory_space<vmem_shared>>) dst(%arg9 : memref<128x32xf32, #tpu.memory_space<vmem>>)
      %dma_start3A_148 = arith.constant 0 : i32
      %dma_start3A_149 = tpu.memref_slice %arg8[%add3A_130, %dma_start3A_148] : memref<80x128xi32, #tpu.memory_space<vmem>> -> memref<1x128xi32, #tpu.memory_space<vmem>>
      %dma_start3A_150 = tpu.memref_squeeze %dma_start3A_149 : memref<1x128xi32, #tpu.memory_space<vmem>> -> memref<128xi32, #tpu.memory_space<vmem>>
      %dma_start3A_151 = arith.constant 0 : i32
      %dma_start3A_152 = arith.constant 0 : i32
      %dma_start3A_153 = tpu.memref_slice %arg14[%dma_start3A_151, %dma_start3A_152] : memref<10240x32xf32, #tpu.memory_space<vmem_shared>> -> memref<10240x32xf32, #tpu.memory_space<vmem_shared>>
      tpu.enqueue_indirect_dma source(%arg9 : memref<128x32xf32, #tpu.memory_space<vmem>>) target(%dma_start3A_153 : memref<10240x32xf32, #tpu.memory_space<vmem_shared>>) offsets(%dma_start3A_150 : memref<128xi32, #tpu.memory_space<vmem>>) semaphore(%arg19 : memref<!tpu.dma_semaphore, #tpu.memory_space<semaphore_mem>>) {add = true}
      %mul3A_154 = arith.constant 4 : i32
      %mul3A_155 = arith.muli %scan3A_126, %mul3A_154 : i32
      %add3A_156 = arith.constant 1 : i32
      %add3A_157 = arith.addi %mul3A_155, %add3A_156 : i32
      %ge3A_158 = arith.constant 1 : i32
      %ge3A_159 = arith.cmpi sge, %add3A_157, %ge3A_158 : i32
      %convert_element_type3A_160 = arith.extui %ge3A_159 : i1 to i32
      %cond3A_161 = arith.constant 0 : i32
      %cond3A_162 = arith.cmpi ne, %convert_element_type3A_160, %cond3A_161 : i32
      scf.if %cond3A_162 {
        %sub3A_247 = arith.constant 1 : i32
        %sub3A_248 = arith.subi %add3A_157, %sub3A_247 : i32
        %dma_wait3A_249 = arith.constant 0 : i32
        %dma_wait3A_250 = tpu.memref_slice %arg8[%sub3A_248, %dma_wait3A_249] : memref<80x128xi32, #tpu.memory_space<vmem>> -> memref<1x128xi32, #tpu.memory_space<vmem>>
        %dma_wait3A_251 = tpu.memref_squeeze %dma_wait3A_250 : memref<1x128xi32, #tpu.memory_space<vmem>> -> memref<128xi32, #tpu.memory_space<vmem>>
        %dma_wait3A_252 = arith.constant 0 : i32
        %dma_wait3A_253 = arith.constant 0 : i32
        %dma_wait3A_254 = tpu.memref_slice %arg14[%dma_wait3A_252, %dma_wait3A_253] : memref<10240x32xf32, #tpu.memory_space<vmem_shared>> -> memref<10240x32xf32, #tpu.memory_space<vmem_shared>>
        tpu.wait_indirect_dma semaphore(%arg19 : memref<!tpu.dma_semaphore, #tpu.memory_space<semaphore_mem>>) src(%arg9 : memref<128x32xf32, #tpu.memory_space<vmem>>) dst(%dma_wait3A_254 : memref<10240x32xf32, #tpu.memory_space<vmem_shared>>)
      } else {
      }
      %add3A_163 = arith.constant 4 : i32
      %add3A_164 = arith.addi %add3A_157, %add3A_163 : i32
      %sub3A_165 = arith.constant 1 : i32
      %sub3A_166 = arith.subi %add3A_164, %sub3A_165 : i32
      %dma_start3A_167 = arith.constant 0 : i32
      %dma_start3A_168 = tpu.memref_slice %arg7[%sub3A_166, %dma_start3A_167] : memref<80x128xi32, #tpu.memory_space<vmem>> -> memref<1x128xi32, #tpu.memory_space<vmem>>
      %dma_start3A_169 = tpu.memref_squeeze %dma_start3A_168 : memref<1x128xi32, #tpu.memory_space<vmem>> -> memref<128xi32, #tpu.memory_space<vmem>>
      %dma_start3A_170 = arith.constant 0 : i32
      %dma_start3A_171 = arith.constant 0 : i32
      %dma_start3A_172 = tpu.memref_slice %arg13[%dma_start3A_170, %dma_start3A_171] : memref<10240x32xf32, #tpu.memory_space<vmem_shared>> -> memref<10240x32xf32, #tpu.memory_space<vmem_shared>>
      tpu.enqueue_indirect_dma source(%dma_start3A_172 : memref<10240x32xf32, #tpu.memory_space<vmem_shared>>) target(%arg9 : memref<128x32xf32, #tpu.memory_space<vmem>>) offsets(%dma_start3A_169 : memref<128xi32, #tpu.memory_space<vmem>>) semaphore(%arg15 : memref<!tpu.dma_semaphore, #tpu.memory_space<semaphore_mem>>)
      %dma_wait3A_173 = arith.constant 0 : i32
      %dma_wait3A_174 = tpu.memref_slice %arg7[%add3A_157, %dma_wait3A_173] : memref<80x128xi32, #tpu.memory_space<vmem>> -> memref<1x128xi32, #tpu.memory_space<vmem>>
      %dma_wait3A_175 = tpu.memref_squeeze %dma_wait3A_174 : memref<1x128xi32, #tpu.memory_space<vmem>> -> memref<128xi32, #tpu.memory_space<vmem>>
      %dma_wait3A_176 = arith.constant 0 : i32
      %dma_wait3A_177 = arith.constant 0 : i32
      %dma_wait3A_178 = tpu.memref_slice %arg13[%dma_wait3A_176, %dma_wait3A_177] : memref<10240x32xf32, #tpu.memory_space<vmem_shared>> -> memref<10240x32xf32, #tpu.memory_space<vmem_shared>>
      tpu.wait_indirect_dma semaphore(%arg16 : memref<!tpu.dma_semaphore, #tpu.memory_space<semaphore_mem>>) src(%dma_wait3A_178 : memref<10240x32xf32, #tpu.memory_space<vmem_shared>>) dst(%arg10 : memref<128x32xf32, #tpu.memory_space<vmem>>)
      %dma_start3A_179 = arith.constant 0 : i32
      %dma_start3A_180 = tpu.memref_slice %arg8[%add3A_157, %dma_start3A_179] : memref<80x128xi32, #tpu.memory_space<vmem>> -> memref<1x128xi32, #tpu.memory_space<vmem>>
      %dma_start3A_181 = tpu.memref_squeeze %dma_start3A_180 : memref<1x128xi32, #tpu.memory_space<vmem>> -> memref<128xi32, #tpu.memory_space<vmem>>
      %dma_start3A_182 = arith.constant 0 : i32
      %dma_start3A_183 = arith.constant 0 : i32
      %dma_start3A_184 = tpu.memref_slice %arg14[%dma_start3A_182, %dma_start3A_183] : memref<10240x32xf32, #tpu.memory_space<vmem_shared>> -> memref<10240x32xf32, #tpu.memory_space<vmem_shared>>
      tpu.enqueue_indirect_dma source(%arg10 : memref<128x32xf32, #tpu.memory_space<vmem>>) target(%dma_start3A_184 : memref<10240x32xf32, #tpu.memory_space<vmem_shared>>) offsets(%dma_start3A_181 : memref<128xi32, #tpu.memory_space<vmem>>) semaphore(%arg20 : memref<!tpu.dma_semaphore, #tpu.memory_space<semaphore_mem>>) {add = true}
      %mul3A_185 = arith.constant 4 : i32
      %mul3A_186 = arith.muli %scan3A_126, %mul3A_185 : i32
      %add3A_187 = arith.constant 2 : i32
      %add3A_188 = arith.addi %mul3A_186, %add3A_187 : i32
      %ge3A_189 = arith.constant 1 : i32
      %ge3A_190 = arith.cmpi sge, %add3A_188, %ge3A_189 : i32
      %convert_element_type3A_191 = arith.extui %ge3A_190 : i1 to i32
      %cond3A_192 = arith.constant 0 : i32
      %cond3A_193 = arith.cmpi ne, %convert_element_type3A_191, %cond3A_192 : i32
      scf.if %cond3A_193 {
        %sub3A_247 = arith.constant 1 : i32
        %sub3A_248 = arith.subi %add3A_188, %sub3A_247 : i32
        %dma_wait3A_249 = arith.constant 0 : i32
        %dma_wait3A_250 = tpu.memref_slice %arg8[%sub3A_248, %dma_wait3A_249] : memref<80x128xi32, #tpu.memory_space<vmem>> -> memref<1x128xi32, #tpu.memory_space<vmem>>
        %dma_wait3A_251 = tpu.memref_squeeze %dma_wait3A_250 : memref<1x128xi32, #tpu.memory_space<vmem>> -> memref<128xi32, #tpu.memory_space<vmem>>
        %dma_wait3A_252 = arith.constant 0 : i32
        %dma_wait3A_253 = arith.constant 0 : i32
        %dma_wait3A_254 = tpu.memref_slice %arg14[%dma_wait3A_252, %dma_wait3A_253] : memref<10240x32xf32, #tpu.memory_space<vmem_shared>> -> memref<10240x32xf32, #tpu.memory_space<vmem_shared>>
        tpu.wait_indirect_dma semaphore(%arg20 : memref<!tpu.dma_semaphore, #tpu.memory_space<semaphore_mem>>) src(%arg10 : memref<128x32xf32, #tpu.memory_space<vmem>>) dst(%dma_wait3A_254 : memref<10240x32xf32, #tpu.memory_space<vmem_shared>>)
      } else {
      }
      %add3A_194 = arith.constant 4 : i32
      %add3A_195 = arith.addi %add3A_188, %add3A_194 : i32
      %sub3A_196 = arith.constant 1 : i32
      %sub3A_197 = arith.subi %add3A_195, %sub3A_196 : i32
      %dma_start3A_198 = arith.constant 0 : i32
      %dma_start3A_199 = tpu.memref_slice %arg7[%sub3A_197, %dma_start3A_198] : memref<80x128xi32, #tpu.memory_space<vmem>> -> memref<1x128xi32, #tpu.memory_space<vmem>>
      %dma_start3A_200 = tpu.memref_squeeze %dma_start3A_199 : memref<1x128xi32, #tpu.memory_space<vmem>> -> memref<128xi32, #tpu.memory_space<vmem>>
      %dma_start3A_201 = arith.constant 0 : i32
      %dma_start3A_202 = arith.constant 0 : i32
      %dma_start3A_203 = tpu.memref_slice %arg13[%dma_start3A_201, %dma_start3A_202] : memref<10240x32xf32, #tpu.memory_space<vmem_shared>> -> memref<10240x32xf32, #tpu.memory_space<vmem_shared>>
      tpu.enqueue_indirect_dma source(%dma_start3A_203 : memref<10240x32xf32, #tpu.memory_space<vmem_shared>>) target(%arg10 : memref<128x32xf32, #tpu.memory_space<vmem>>) offsets(%dma_start3A_200 : memref<128xi32, #tpu.memory_space<vmem>>) semaphore(%arg16 : memref<!tpu.dma_semaphore, #tpu.memory_space<semaphore_mem>>)
      %dma_wait3A_204 = arith.constant 0 : i32
      %dma_wait3A_205 = tpu.memref_slice %arg7[%add3A_188, %dma_wait3A_204] : memref<80x128xi32, #tpu.memory_space<vmem>> -> memref<1x128xi32, #tpu.memory_space<vmem>>
      %dma_wait3A_206 = tpu.memref_squeeze %dma_wait3A_205 : memref<1x128xi32, #tpu.memory_space<vmem>> -> memref<128xi32, #tpu.memory_space<vmem>>
      %dma_wait3A_207 = arith.constant 0 : i32
      %dma_wait3A_208 = arith.constant 0 : i32
      %dma_wait3A_209 = tpu.memref_slice %arg13[%dma_wait3A_207, %dma_wait3A_208] : memref<10240x32xf32, #tpu.memory_space<vmem_shared>> -> memref<10240x32xf32, #tpu.memory_space<vmem_shared>>
      tpu.wait_indirect_dma semaphore(%arg17 : memref<!tpu.dma_semaphore, #tpu.memory_space<semaphore_mem>>) src(%dma_wait3A_209 : memref<10240x32xf32, #tpu.memory_space<vmem_shared>>) dst(%arg11 : memref<128x32xf32, #tpu.memory_space<vmem>>)
      %dma_start3A_210 = arith.constant 0 : i32
      %dma_start3A_211 = tpu.memref_slice %arg8[%add3A_188, %dma_start3A_210] : memref<80x128xi32, #tpu.memory_space<vmem>> -> memref<1x128xi32, #tpu.memory_space<vmem>>
      %dma_start3A_212 = tpu.memref_squeeze %dma_start3A_211 : memref<1x128xi32, #tpu.memory_space<vmem>> -> memref<128xi32, #tpu.memory_space<vmem>>
      %dma_start3A_213 = arith.constant 0 : i32
      %dma_start3A_214 = arith.constant 0 : i32
      %dma_start3A_215 = tpu.memref_slice %arg14[%dma_start3A_213, %dma_start3A_214] : memref<10240x32xf32, #tpu.memory_space<vmem_shared>> -> memref<10240x32xf32, #tpu.memory_space<vmem_shared>>
      tpu.enqueue_indirect_dma source(%arg11 : memref<128x32xf32, #tpu.memory_space<vmem>>) target(%dma_start3A_215 : memref<10240x32xf32, #tpu.memory_space<vmem_shared>>) offsets(%dma_start3A_212 : memref<128xi32, #tpu.memory_space<vmem>>) semaphore(%arg21 : memref<!tpu.dma_semaphore, #tpu.memory_space<semaphore_mem>>) {add = true}
      %mul3A_216 = arith.constant 4 : i32
      %mul3A_217 = arith.muli %scan3A_126, %mul3A_216 : i32
      %add3A_218 = arith.constant 3 : i32
      %add3A_219 = arith.addi %mul3A_217, %add3A_218 : i32
      %ge3A_220 = arith.constant 1 : i32
      %ge3A_221 = arith.cmpi sge, %add3A_219, %ge3A_220 : i32
      %convert_element_type3A_222 = arith.extui %ge3A_221 : i1 to i32
      %cond3A_223 = arith.constant 0 : i32
      %cond3A_224 = arith.cmpi ne, %convert_element_type3A_222, %cond3A_223 : i32
      scf.if %cond3A_224 {
        %sub3A_247 = arith.constant 1 : i32
        %sub3A_248 = arith.subi %add3A_219, %sub3A_247 : i32
        %dma_wait3A_249 = arith.constant 0 : i32
        %dma_wait3A_250 = tpu.memref_slice %arg8[%sub3A_248, %dma_wait3A_249] : memref<80x128xi32, #tpu.memory_space<vmem>> -> memref<1x128xi32, #tpu.memory_space<vmem>>
        %dma_wait3A_251 = tpu.memref_squeeze %dma_wait3A_250 : memref<1x128xi32, #tpu.memory_space<vmem>> -> memref<128xi32, #tpu.memory_space<vmem>>
        %dma_wait3A_252 = arith.constant 0 : i32
        %dma_wait3A_253 = arith.constant 0 : i32
        %dma_wait3A_254 = tpu.memref_slice %arg14[%dma_wait3A_252, %dma_wait3A_253] : memref<10240x32xf32, #tpu.memory_space<vmem_shared>> -> memref<10240x32xf32, #tpu.memory_space<vmem_shared>>
        tpu.wait_indirect_dma semaphore(%arg21 : memref<!tpu.dma_semaphore, #tpu.memory_space<semaphore_mem>>) src(%arg11 : memref<128x32xf32, #tpu.memory_space<vmem>>) dst(%dma_wait3A_254 : memref<10240x32xf32, #tpu.memory_space<vmem_shared>>)
      } else {
      }
      %add3A_225 = arith.constant 4 : i32
      %add3A_226 = arith.addi %add3A_219, %add3A_225 : i32
      %sub3A_227 = arith.constant 1 : i32
      %sub3A_228 = arith.subi %add3A_226, %sub3A_227 : i32
      %dma_start3A_229 = arith.constant 0 : i32
      %dma_start3A_230 = tpu.memref_slice %arg7[%sub3A_228, %dma_start3A_229] : memref<80x128xi32, #tpu.memory_space<vmem>> -> memref<1x128xi32, #tpu.memory_space<vmem>>
      %dma_start3A_231 = tpu.memref_squeeze %dma_start3A_230 : memref<1x128xi32, #tpu.memory_space<vmem>> -> memref<128xi32, #tpu.memory_space<vmem>>
      %dma_start3A_232 = arith.constant 0 : i32
      %dma_start3A_233 = arith.constant 0 : i32
      %dma_start3A_234 = tpu.memref_slice %arg13[%dma_start3A_232, %dma_start3A_233] : memref<10240x32xf32, #tpu.memory_space<vmem_shared>> -> memref<10240x32xf32, #tpu.memory_space<vmem_shared>>
      tpu.enqueue_indirect_dma source(%dma_start3A_234 : memref<10240x32xf32, #tpu.memory_space<vmem_shared>>) target(%arg11 : memref<128x32xf32, #tpu.memory_space<vmem>>) offsets(%dma_start3A_231 : memref<128xi32, #tpu.memory_space<vmem>>) semaphore(%arg17 : memref<!tpu.dma_semaphore, #tpu.memory_space<semaphore_mem>>)
      %dma_wait3A_235 = arith.constant 0 : i32
      %dma_wait3A_236 = tpu.memref_slice %arg7[%add3A_219, %dma_wait3A_235] : memref<80x128xi32, #tpu.memory_space<vmem>> -> memref<1x128xi32, #tpu.memory_space<vmem>>
      %dma_wait3A_237 = tpu.memref_squeeze %dma_wait3A_236 : memref<1x128xi32, #tpu.memory_space<vmem>> -> memref<128xi32, #tpu.memory_space<vmem>>
      %dma_wait3A_238 = arith.constant 0 : i32
      %dma_wait3A_239 = arith.constant 0 : i32
      %dma_wait3A_240 = tpu.memref_slice %arg13[%dma_wait3A_238, %dma_wait3A_239] : memref<10240x32xf32, #tpu.memory_space<vmem_shared>> -> memref<10240x32xf32, #tpu.memory_space<vmem_shared>>
      tpu.wait_indirect_dma semaphore(%arg18 : memref<!tpu.dma_semaphore, #tpu.memory_space<semaphore_mem>>) src(%dma_wait3A_240 : memref<10240x32xf32, #tpu.memory_space<vmem_shared>>) dst(%arg12 : memref<128x32xf32, #tpu.memory_space<vmem>>)
      %dma_start3A_241 = arith.constant 0 : i32
      %dma_start3A_242 = tpu.memref_slice %arg8[%add3A_219, %dma_start3A_241] : memref<80x128xi32, #tpu.memory_space<vmem>> -> memref<1x128xi32, #tpu.memory_space<vmem>>
      %dma_start3A_243 = tpu.memref_squeeze %dma_start3A_242 : memref<1x128xi32, #tpu.memory_space<vmem>> -> memref<128xi32, #tpu.memory_space<vmem>>
      %dma_start3A_244 = arith.constant 0 : i32
      %dma_start3A_245 = arith.constant 0 : i32
      %dma_start3A_246 = tpu.memref_slice %arg14[%dma_start3A_244, %dma_start3A_245] : memref<10240x32xf32, #tpu.memory_space<vmem_shared>> -> memref<10240x32xf32, #tpu.memory_space<vmem_shared>>
      tpu.enqueue_indirect_dma source(%arg12 : memref<128x32xf32, #tpu.memory_space<vmem>>) target(%dma_start3A_246 : memref<10240x32xf32, #tpu.memory_space<vmem_shared>>) offsets(%dma_start3A_243 : memref<128xi32, #tpu.memory_space<vmem>>) semaphore(%arg22 : memref<!tpu.dma_semaphore, #tpu.memory_space<semaphore_mem>>) {add = true}
    }
    %scan3A_27 = arith.constant 19 : i32
    %dma_wait3A = arith.constant 75 : i32
    %dma_wait3A_28 = arith.constant 0 : i32
    %dma_wait3A_29 = tpu.memref_slice %arg8[%dma_wait3A, %dma_wait3A_28] : memref<80x128xi32, #tpu.memory_space<vmem>> -> memref<1x128xi32, #tpu.memory_space<vmem>>
    %dma_wait3A_30 = tpu.memref_squeeze %dma_wait3A_29 : memref<1x128xi32, #tpu.memory_space<vmem>> -> memref<128xi32, #tpu.memory_space<vmem>>
    %dma_wait3A_31 = arith.constant 0 : i32
    %dma_wait3A_32 = arith.constant 0 : i32
    %dma_wait3A_33 = tpu.memref_slice %arg14[%dma_wait3A_31, %dma_wait3A_32] : memref<10240x32xf32, #tpu.memory_space<vmem_shared>> -> memref<10240x32xf32, #tpu.memory_space<vmem_shared>>
    tpu.wait_indirect_dma semaphore(%arg22 : memref<!tpu.dma_semaphore, #tpu.memory_space<semaphore_mem>>) src(%arg12 : memref<128x32xf32, #tpu.memory_space<vmem>>) dst(%dma_wait3A_33 : memref<10240x32xf32, #tpu.memory_space<vmem_shared>>)
    %dma_start3A_34 = arith.constant 79 : i32
    %dma_start3A_35 = arith.constant 0 : i32
    %dma_start3A_36 = tpu.memref_slice %arg7[%dma_start3A_34, %dma_start3A_35] : memref<80x128xi32, #tpu.memory_space<vmem>> -> memref<1x128xi32, #tpu.memory_space<vmem>>
    %dma_start3A_37 = tpu.memref_squeeze %dma_start3A_36 : memref<1x128xi32, #tpu.memory_space<vmem>> -> memref<128xi32, #tpu.memory_space<vmem>>
    %dma_start3A_38 = arith.constant 0 : i32
    %dma_start3A_39 = arith.constant 0 : i32
    %dma_start3A_40 = tpu.memref_slice %arg13[%dma_start3A_38, %dma_start3A_39] : memref<10240x32xf32, #tpu.memory_space<vmem_shared>> -> memref<10240x32xf32, #tpu.memory_space<vmem_shared>>
    tpu.enqueue_indirect_dma source(%dma_start3A_40 : memref<10240x32xf32, #tpu.memory_space<vmem_shared>>) target(%arg12 : memref<128x32xf32, #tpu.memory_space<vmem>>) offsets(%dma_start3A_37 : memref<128xi32, #tpu.memory_space<vmem>>) semaphore(%arg18 : memref<!tpu.dma_semaphore, #tpu.memory_space<semaphore_mem>>)
    %dma_wait3A_41 = arith.constant 76 : i32
    %dma_wait3A_42 = arith.constant 0 : i32
    %dma_wait3A_43 = tpu.memref_slice %arg7[%dma_wait3A_41, %dma_wait3A_42] : memref<80x128xi32, #tpu.memory_space<vmem>> -> memref<1x128xi32, #tpu.memory_space<vmem>>
    %dma_wait3A_44 = tpu.memref_squeeze %dma_wait3A_43 : memref<1x128xi32, #tpu.memory_space<vmem>> -> memref<128xi32, #tpu.memory_space<vmem>>
    %dma_wait3A_45 = arith.constant 0 : i32
    %dma_wait3A_46 = arith.constant 0 : i32
    %dma_wait3A_47 = tpu.memref_slice %arg13[%dma_wait3A_45, %dma_wait3A_46] : memref<10240x32xf32, #tpu.memory_space<vmem_shared>> -> memref<10240x32xf32, #tpu.memory_space<vmem_shared>>
    tpu.wait_indirect_dma semaphore(%arg15 : memref<!tpu.dma_semaphore, #tpu.memory_space<semaphore_mem>>) src(%dma_wait3A_47 : memref<10240x32xf32, #tpu.memory_space<vmem_shared>>) dst(%arg9 : memref<128x32xf32, #tpu.memory_space<vmem>>)
    %dma_start3A_48 = arith.constant 76 : i32
    %dma_start3A_49 = arith.constant 0 : i32
    %dma_start3A_50 = tpu.memref_slice %arg8[%dma_start3A_48, %dma_start3A_49] : memref<80x128xi32, #tpu.memory_space<vmem>> -> memref<1x128xi32, #tpu.memory_space<vmem>>
    %dma_start3A_51 = tpu.memref_squeeze %dma_start3A_50 : memref<1x128xi32, #tpu.memory_space<vmem>> -> memref<128xi32, #tpu.memory_space<vmem>>
    %dma_start3A_52 = arith.constant 0 : i32
    %dma_start3A_53 = arith.constant 0 : i32
    %dma_start3A_54 = tpu.memref_slice %arg14[%dma_start3A_52, %dma_start3A_53] : memref<10240x32xf32, #tpu.memory_space<vmem_shared>> -> memref<10240x32xf32, #tpu.memory_space<vmem_shared>>
    tpu.enqueue_indirect_dma source(%arg9 : memref<128x32xf32, #tpu.memory_space<vmem>>) target(%dma_start3A_54 : memref<10240x32xf32, #tpu.memory_space<vmem_shared>>) offsets(%dma_start3A_51 : memref<128xi32, #tpu.memory_space<vmem>>) semaphore(%arg19 : memref<!tpu.dma_semaphore, #tpu.memory_space<semaphore_mem>>) {add = true}
    %dma_wait3A_55 = arith.constant 77 : i32
    %dma_wait3A_56 = arith.constant 0 : i32
    %dma_wait3A_57 = tpu.memref_slice %arg7[%dma_wait3A_55, %dma_wait3A_56] : memref<80x128xi32, #tpu.memory_space<vmem>> -> memref<1x128xi32, #tpu.memory_space<vmem>>
    %dma_wait3A_58 = tpu.memref_squeeze %dma_wait3A_57 : memref<1x128xi32, #tpu.memory_space<vmem>> -> memref<128xi32, #tpu.memory_space<vmem>>
    %dma_wait3A_59 = arith.constant 0 : i32
    %dma_wait3A_60 = arith.constant 0 : i32
    %dma_wait3A_61 = tpu.memref_slice %arg13[%dma_wait3A_59, %dma_wait3A_60] : memref<10240x32xf32, #tpu.memory_space<vmem_shared>> -> memref<10240x32xf32, #tpu.memory_space<vmem_shared>>
    tpu.wait_indirect_dma semaphore(%arg16 : memref<!tpu.dma_semaphore, #tpu.memory_space<semaphore_mem>>) src(%dma_wait3A_61 : memref<10240x32xf32, #tpu.memory_space<vmem_shared>>) dst(%arg10 : memref<128x32xf32, #tpu.memory_space<vmem>>)
    %dma_start3A_62 = arith.constant 77 : i32
    %dma_start3A_63 = arith.constant 0 : i32
    %dma_start3A_64 = tpu.memref_slice %arg8[%dma_start3A_62, %dma_start3A_63] : memref<80x128xi32, #tpu.memory_space<vmem>> -> memref<1x128xi32, #tpu.memory_space<vmem>>
    %dma_start3A_65 = tpu.memref_squeeze %dma_start3A_64 : memref<1x128xi32, #tpu.memory_space<vmem>> -> memref<128xi32, #tpu.memory_space<vmem>>
    %dma_start3A_66 = arith.constant 0 : i32
    %dma_start3A_67 = arith.constant 0 : i32
    %dma_start3A_68 = tpu.memref_slice %arg14[%dma_start3A_66, %dma_start3A_67] : memref<10240x32xf32, #tpu.memory_space<vmem_shared>> -> memref<10240x32xf32, #tpu.memory_space<vmem_shared>>
    tpu.enqueue_indirect_dma source(%arg10 : memref<128x32xf32, #tpu.memory_space<vmem>>) target(%dma_start3A_68 : memref<10240x32xf32, #tpu.memory_space<vmem_shared>>) offsets(%dma_start3A_65 : memref<128xi32, #tpu.memory_space<vmem>>) semaphore(%arg20 : memref<!tpu.dma_semaphore, #tpu.memory_space<semaphore_mem>>) {add = true}
    %dma_wait3A_69 = arith.constant 78 : i32
    %dma_wait3A_70 = arith.constant 0 : i32
    %dma_wait3A_71 = tpu.memref_slice %arg7[%dma_wait3A_69, %dma_wait3A_70] : memref<80x128xi32, #tpu.memory_space<vmem>> -> memref<1x128xi32, #tpu.memory_space<vmem>>
    %dma_wait3A_72 = tpu.memref_squeeze %dma_wait3A_71 : memref<1x128xi32, #tpu.memory_space<vmem>> -> memref<128xi32, #tpu.memory_space<vmem>>
    %dma_wait3A_73 = arith.constant 0 : i32
    %dma_wait3A_74 = arith.constant 0 : i32
    %dma_wait3A_75 = tpu.memref_slice %arg13[%dma_wait3A_73, %dma_wait3A_74] : memref<10240x32xf32, #tpu.memory_space<vmem_shared>> -> memref<10240x32xf32, #tpu.memory_space<vmem_shared>>
    tpu.wait_indirect_dma semaphore(%arg17 : memref<!tpu.dma_semaphore, #tpu.memory_space<semaphore_mem>>) src(%dma_wait3A_75 : memref<10240x32xf32, #tpu.memory_space<vmem_shared>>) dst(%arg11 : memref<128x32xf32, #tpu.memory_space<vmem>>)
    %dma_start3A_76 = arith.constant 78 : i32
    %dma_start3A_77 = arith.constant 0 : i32
    %dma_start3A_78 = tpu.memref_slice %arg8[%dma_start3A_76, %dma_start3A_77] : memref<80x128xi32, #tpu.memory_space<vmem>> -> memref<1x128xi32, #tpu.memory_space<vmem>>
    %dma_start3A_79 = tpu.memref_squeeze %dma_start3A_78 : memref<1x128xi32, #tpu.memory_space<vmem>> -> memref<128xi32, #tpu.memory_space<vmem>>
    %dma_start3A_80 = arith.constant 0 : i32
    %dma_start3A_81 = arith.constant 0 : i32
    %dma_start3A_82 = tpu.memref_slice %arg14[%dma_start3A_80, %dma_start3A_81] : memref<10240x32xf32, #tpu.memory_space<vmem_shared>> -> memref<10240x32xf32, #tpu.memory_space<vmem_shared>>
    tpu.enqueue_indirect_dma source(%arg11 : memref<128x32xf32, #tpu.memory_space<vmem>>) target(%dma_start3A_82 : memref<10240x32xf32, #tpu.memory_space<vmem_shared>>) offsets(%dma_start3A_79 : memref<128xi32, #tpu.memory_space<vmem>>) semaphore(%arg21 : memref<!tpu.dma_semaphore, #tpu.memory_space<semaphore_mem>>) {add = true}
    %dma_wait3A_83 = arith.constant 79 : i32
    %dma_wait3A_84 = arith.constant 0 : i32
    %dma_wait3A_85 = tpu.memref_slice %arg7[%dma_wait3A_83, %dma_wait3A_84] : memref<80x128xi32, #tpu.memory_space<vmem>> -> memref<1x128xi32, #tpu.memory_space<vmem>>
    %dma_wait3A_86 = tpu.memref_squeeze %dma_wait3A_85 : memref<1x128xi32, #tpu.memory_space<vmem>> -> memref<128xi32, #tpu.memory_space<vmem>>
    %dma_wait3A_87 = arith.constant 0 : i32
    %dma_wait3A_88 = arith.constant 0 : i32
    %dma_wait3A_89 = tpu.memref_slice %arg13[%dma_wait3A_87, %dma_wait3A_88] : memref<10240x32xf32, #tpu.memory_space<vmem_shared>> -> memref<10240x32xf32, #tpu.memory_space<vmem_shared>>
    tpu.wait_indirect_dma semaphore(%arg18 : memref<!tpu.dma_semaphore, #tpu.memory_space<semaphore_mem>>) src(%dma_wait3A_89 : memref<10240x32xf32, #tpu.memory_space<vmem_shared>>) dst(%arg12 : memref<128x32xf32, #tpu.memory_space<vmem>>)
    %dma_start3A_90 = arith.constant 79 : i32
    %dma_start3A_91 = arith.constant 0 : i32
    %dma_start3A_92 = tpu.memref_slice %arg8[%dma_start3A_90, %dma_start3A_91] : memref<80x128xi32, #tpu.memory_space<vmem>> -> memref<1x128xi32, #tpu.memory_space<vmem>>
    %dma_start3A_93 = tpu.memref_squeeze %dma_start3A_92 : memref<1x128xi32, #tpu.memory_space<vmem>> -> memref<128xi32, #tpu.memory_space<vmem>>
    %dma_start3A_94 = arith.constant 0 : i32
    %dma_start3A_95 = arith.constant 0 : i32
    %dma_start3A_96 = tpu.memref_slice %arg14[%dma_start3A_94, %dma_start3A_95] : memref<10240x32xf32, #tpu.memory_space<vmem_shared>> -> memref<10240x32xf32, #tpu.memory_space<vmem_shared>>
    tpu.enqueue_indirect_dma source(%arg12 : memref<128x32xf32, #tpu.memory_space<vmem>>) target(%dma_start3A_96 : memref<10240x32xf32, #tpu.memory_space<vmem_shared>>) offsets(%dma_start3A_93 : memref<128xi32, #tpu.memory_space<vmem>>) semaphore(%arg22 : memref<!tpu.dma_semaphore, #tpu.memory_space<semaphore_mem>>) {add = true}
    %dma_wait3A_97 = arith.constant 76 : i32
    %dma_wait3A_98 = arith.constant 0 : i32
    %dma_wait3A_99 = tpu.memref_slice %arg8[%dma_wait3A_97, %dma_wait3A_98] : memref<80x128xi32, #tpu.memory_space<vmem>> -> memref<1x128xi32, #tpu.memory_space<vmem>>
    %dma_wait3A_100 = tpu.memref_squeeze %dma_wait3A_99 : memref<1x128xi32, #tpu.memory_space<vmem>> -> memref<128xi32, #tpu.memory_space<vmem>>
    %dma_wait3A_101 = arith.constant 0 : i32
    %dma_wait3A_102 = arith.constant 0 : i32
    %dma_wait3A_103 = tpu.memref_slice %arg14[%dma_wait3A_101, %dma_wait3A_102] : memref<10240x32xf32, #tpu.memory_space<vmem_shared>> -> memref<10240x32xf32, #tpu.memory_space<vmem_shared>>
    tpu.wait_indirect_dma semaphore(%arg19 : memref<!tpu.dma_semaphore, #tpu.memory_space<semaphore_mem>>) src(%arg9 : memref<128x32xf32, #tpu.memory_space<vmem>>) dst(%dma_wait3A_103 : memref<10240x32xf32, #tpu.memory_space<vmem_shared>>)
    %dma_wait3A_104 = arith.constant 77 : i32
    %dma_wait3A_105 = arith.constant 0 : i32
    %dma_wait3A_106 = tpu.memref_slice %arg8[%dma_wait3A_104, %dma_wait3A_105] : memref<80x128xi32, #tpu.memory_space<vmem>> -> memref<1x128xi32, #tpu.memory_space<vmem>>
    %dma_wait3A_107 = tpu.memref_squeeze %dma_wait3A_106 : memref<1x128xi32, #tpu.memory_space<vmem>> -> memref<128xi32, #tpu.memory_space<vmem>>
    %dma_wait3A_108 = arith.constant 0 : i32
    %dma_wait3A_109 = arith.constant 0 : i32
    %dma_wait3A_110 = tpu.memref_slice %arg14[%dma_wait3A_108, %dma_wait3A_109] : memref<10240x32xf32, #tpu.memory_space<vmem_shared>> -> memref<10240x32xf32, #tpu.memory_space<vmem_shared>>
    tpu.wait_indirect_dma semaphore(%arg20 : memref<!tpu.dma_semaphore, #tpu.memory_space<semaphore_mem>>) src(%arg10 : memref<128x32xf32, #tpu.memory_space<vmem>>) dst(%dma_wait3A_110 : memref<10240x32xf32, #tpu.memory_space<vmem_shared>>)
    %dma_wait3A_111 = arith.constant 78 : i32
    %dma_wait3A_112 = arith.constant 0 : i32
    %dma_wait3A_113 = tpu.memref_slice %arg8[%dma_wait3A_111, %dma_wait3A_112] : memref<80x128xi32, #tpu.memory_space<vmem>> -> memref<1x128xi32, #tpu.memory_space<vmem>>
    %dma_wait3A_114 = tpu.memref_squeeze %dma_wait3A_113 : memref<1x128xi32, #tpu.memory_space<vmem>> -> memref<128xi32, #tpu.memory_space<vmem>>
    %dma_wait3A_115 = arith.constant 0 : i32
    %dma_wait3A_116 = arith.constant 0 : i32
    %dma_wait3A_117 = tpu.memref_slice %arg14[%dma_wait3A_115, %dma_wait3A_116] : memref<10240x32xf32, #tpu.memory_space<vmem_shared>> -> memref<10240x32xf32, #tpu.memory_space<vmem_shared>>
    tpu.wait_indirect_dma semaphore(%arg21 : memref<!tpu.dma_semaphore, #tpu.memory_space<semaphore_mem>>) src(%arg11 : memref<128x32xf32, #tpu.memory_space<vmem>>) dst(%dma_wait3A_117 : memref<10240x32xf32, #tpu.memory_space<vmem_shared>>)
    %dma_wait3A_118 = arith.constant 79 : i32
    %dma_wait3A_119 = arith.constant 0 : i32
    %dma_wait3A_120 = tpu.memref_slice %arg8[%dma_wait3A_118, %dma_wait3A_119] : memref<80x128xi32, #tpu.memory_space<vmem>> -> memref<1x128xi32, #tpu.memory_space<vmem>>
    %dma_wait3A_121 = tpu.memref_squeeze %dma_wait3A_120 : memref<1x128xi32, #tpu.memory_space<vmem>> -> memref<128xi32, #tpu.memory_space<vmem>>
    %dma_wait3A_122 = arith.constant 0 : i32
    %dma_wait3A_123 = arith.constant 0 : i32
    %dma_wait3A_124 = tpu.memref_slice %arg14[%dma_wait3A_122, %dma_wait3A_123] : memref<10240x32xf32, #tpu.memory_space<vmem_shared>> -> memref<10240x32xf32, #tpu.memory_space<vmem_shared>>
    tpu.wait_indirect_dma semaphore(%arg22 : memref<!tpu.dma_semaphore, #tpu.memory_space<semaphore_mem>>) src(%arg12 : memref<128x32xf32, #tpu.memory_space<vmem>>) dst(%dma_wait3A_124 : memref<10240x32xf32, #tpu.memory_space<vmem_shared>>)
    %barrier3A_125 = arith.constant 0 : index
    tpu.barrier barrier_id(%barrier3A_125)
    "tpu.region"() ({
      %run_scoped3A = tpu.sem_alloc : memref<!tpu.dma_semaphore, #tpu.memory_space<semaphore_mem>>
      %dma_start3A_126 = arith.constant 0 : i32
      %dma_start3A_127 = tpu.memref_slice %arg6[%arg0, %mul3A_2, %dma_start3A_126] : memref<2x10240x32xf32, #tpu.memory_space<hbm>> -> memref<1x640x32xf32, #tpu.memory_space<hbm>>
      %dma_start3A_128 = tpu.memref_squeeze %dma_start3A_127 : memref<1x640x32xf32, #tpu.memory_space<hbm>> -> memref<640x32xf32, #tpu.memory_space<hbm>>
      %dma_start3A_129 = arith.constant 0 : i32
      %dma_start3A_130 = tpu.memref_slice %arg14[%mul3A_2, %dma_start3A_129] : memref<10240x32xf32, #tpu.memory_space<vmem_shared>> -> memref<640x32xf32, #tpu.memory_space<vmem_shared>>
      tpu.enqueue_dma source(%dma_start3A_130 : memref<640x32xf32, #tpu.memory_space<vmem_shared>>) target(%dma_start3A_128 : memref<640x32xf32, #tpu.memory_space<hbm>>) target_semaphore(%run_scoped3A : memref<!tpu.dma_semaphore, #tpu.memory_space<semaphore_mem>>)
      %dma_wait3A_131 = arith.constant 0 : i32
      %dma_wait3A_132 = tpu.memref_slice %arg6[%arg0, %mul3A_2, %dma_wait3A_131] : memref<2x10240x32xf32, #tpu.memory_space<hbm>> -> memref<1x640x32xf32, #tpu.memory_space<hbm>>
      %dma_wait3A_133 = tpu.memref_squeeze %dma_wait3A_132 : memref<1x640x32xf32, #tpu.memory_space<hbm>> -> memref<640x32xf32, #tpu.memory_space<hbm>>
      %dma_wait3A_134 = arith.constant 0 : i32
      %dma_wait3A_135 = tpu.memref_slice %arg14[%mul3A_2, %dma_wait3A_134] : memref<10240x32xf32, #tpu.memory_space<vmem_shared>> -> memref<640x32xf32, #tpu.memory_space<vmem_shared>>
      tpu.wait_dma2 semaphore(%run_scoped3A : memref<!tpu.dma_semaphore, #tpu.memory_space<semaphore_mem>>) src(%dma_wait3A_135 : memref<640x32xf32, #tpu.memory_space<vmem_shared>>) dst(%dma_wait3A_133 : memref<640x32xf32, #tpu.memory_space<hbm>>)
      tpu.yield
    }) : () -> ()
    return
  }
}

#map = affine_map<(d0, d1) -> (0, 0, 0)>
#map1 = affine_map<(d0, d1) -> (0, 0)>
module attributes {stable_mosaic.version = 14 : i64} {
  func.func @body(%arg0: i32, %arg1: i32, %arg2: memref<32x80x128xi32, #tpu.memory_space<hbm>>, %arg3: memref<128x32xf32, #tpu.memory_space<hbm>>, %arg4: memref<640x32xf32, #tpu.memory_space<hbm>>, %arg5: memref<2x10240x32xf32, #tpu.memory_space<hbm>>, %arg6: memref<80x128xi32, #tpu.memory_space<vmem>>, %arg7: memref<128x32xf32, #tpu.memory_space<vmem>>, %arg8: memref<10240x32xf32, #tpu.memory_space<vmem_shared>>, %arg9: memref<!tpu.dma_semaphore, #tpu.memory_space<semaphore_mem>>, %arg10: memref<!tpu.dma_semaphore, #tpu.memory_space<semaphore_mem>>, %arg11: memref<!tpu.dma_semaphore, #tpu.memory_space<semaphore_mem>>, %arg12: memref<!tpu.dma_semaphore, #tpu.memory_space<semaphore_mem>>) attributes {dimension_semantics = [#tpu.dimension_semantics<core_parallel>, #tpu.dimension_semantics<subcore_parallel>], iteration_bounds = array<i64: 2, 16>, scalar_prefetch = 0 : i64, scratch_operands = 7 : i64, tpu.core_type = #tpu.core_type<sc_vector_subcore>, window_params = [{transform_indices = #map}, {transform_indices = #map1}, {transform_indices = #map1}, {transform_indices = #map}]} {
    %mul3A = arith.constant 2 : i32
    %mul3A_0 = arith.muli %arg1, %mul3A : i32
    %add3A = arith.addi %mul3A_0, %arg0 : i32
    %mul3A_1 = arith.constant 640 : i32
    %mul3A_2 = arith.muli %arg1, %mul3A_1 : i32
    "tpu.region"() ({
      %run_scoped3A = tpu.sem_alloc : memref<!tpu.dma_semaphore, #tpu.memory_space<semaphore_mem>>
      %dma_start3A = arith.constant 0 : i32
      %dma_start3A_36 = tpu.memref_slice %arg8[%mul3A_2, %dma_start3A] : memref<10240x32xf32, #tpu.memory_space<vmem_shared>> -> memref<640x32xf32, #tpu.memory_space<vmem_shared>>
      tpu.enqueue_dma source(%arg4 : memref<640x32xf32, #tpu.memory_space<hbm>>) target(%dma_start3A_36 : memref<640x32xf32, #tpu.memory_space<vmem_shared>>) target_semaphore(%run_scoped3A : memref<!tpu.dma_semaphore, #tpu.memory_space<semaphore_mem>>)
      %dma_wait3A_37 = arith.constant 0 : i32
      %dma_wait3A_38 = tpu.memref_slice %arg8[%mul3A_2, %dma_wait3A_37] : memref<10240x32xf32, #tpu.memory_space<vmem_shared>> -> memref<640x32xf32, #tpu.memory_space<vmem_shared>>
      tpu.wait_dma2 semaphore(%run_scoped3A : memref<!tpu.dma_semaphore, #tpu.memory_space<semaphore_mem>>) src(%arg4 : memref<640x32xf32, #tpu.memory_space<hbm>>) dst(%dma_wait3A_38 : memref<640x32xf32, #tpu.memory_space<vmem_shared>>)
      tpu.yield
    }) : () -> ()
    "tpu.region"() ({
      %run_scoped3A = tpu.sem_alloc : memref<!tpu.dma_semaphore, #tpu.memory_space<semaphore_mem>>
      %dma_start3A = arith.constant 0 : i32
      %dma_start3A_36 = arith.constant 0 : i32
      %dma_start3A_37 = tpu.memref_slice %arg2[%add3A, %dma_start3A, %dma_start3A_36] : memref<32x80x128xi32, #tpu.memory_space<hbm>> -> memref<1x80x128xi32, #tpu.memory_space<hbm>>
      %dma_start3A_38 = tpu.memref_squeeze %dma_start3A_37 : memref<1x80x128xi32, #tpu.memory_space<hbm>> -> memref<80x128xi32, #tpu.memory_space<hbm>>
      %dma_start3A_39 = arith.constant 0 : i32
      %dma_start3A_40 = arith.constant 0 : i32
      %dma_start3A_41 = tpu.memref_slice %arg2[%add3A, %dma_start3A_39, %dma_start3A_40] : memref<32x80x128xi32, #tpu.memory_space<hbm>> -> memref<1x80x128xi32, #tpu.memory_space<hbm>>
      %dma_start3A_42 = tpu.memref_squeeze %dma_start3A_41 : memref<1x80x128xi32, #tpu.memory_space<hbm>> -> memref<80x128xi32, #tpu.memory_space<hbm>>
      tpu.enqueue_dma source(%dma_start3A_42 : memref<80x128xi32, #tpu.memory_space<hbm>>) target(%arg6 : memref<80x128xi32, #tpu.memory_space<vmem>>) target_semaphore(%run_scoped3A : memref<!tpu.dma_semaphore, #tpu.memory_space<semaphore_mem>>)
      %dma_wait3A_43 = arith.constant 0 : i32
      %dma_wait3A_44 = arith.constant 0 : i32
      %dma_wait3A_45 = tpu.memref_slice %arg2[%add3A, %dma_wait3A_43, %dma_wait3A_44] : memref<32x80x128xi32, #tpu.memory_space<hbm>> -> memref<1x80x128xi32, #tpu.memory_space<hbm>>
      %dma_wait3A_46 = tpu.memref_squeeze %dma_wait3A_45 : memref<1x80x128xi32, #tpu.memory_space<hbm>> -> memref<80x128xi32, #tpu.memory_space<hbm>>
      %dma_wait3A_47 = arith.constant 0 : i32
      %dma_wait3A_48 = arith.constant 0 : i32
      %dma_wait3A_49 = tpu.memref_slice %arg2[%add3A, %dma_wait3A_47, %dma_wait3A_48] : memref<32x80x128xi32, #tpu.memory_space<hbm>> -> memref<1x80x128xi32, #tpu.memory_space<hbm>>
      %dma_wait3A_50 = tpu.memref_squeeze %dma_wait3A_49 : memref<1x80x128xi32, #tpu.memory_space<hbm>> -> memref<80x128xi32, #tpu.memory_space<hbm>>
      tpu.wait_dma2 semaphore(%run_scoped3A : memref<!tpu.dma_semaphore, #tpu.memory_space<semaphore_mem>>) src(%dma_wait3A_50 : memref<80x128xi32, #tpu.memory_space<hbm>>) dst(%arg6 : memref<80x128xi32, #tpu.memory_space<vmem>>)
      tpu.yield
    }) : () -> ()
    "tpu.region"() ({
      %run_scoped3A = tpu.sem_alloc : memref<!tpu.dma_semaphore, #tpu.memory_space<semaphore_mem>>
      tpu.enqueue_dma source(%arg3 : memref<128x32xf32, #tpu.memory_space<hbm>>) target(%arg7 : memref<128x32xf32, #tpu.memory_space<vmem>>) target_semaphore(%run_scoped3A : memref<!tpu.dma_semaphore, #tpu.memory_space<semaphore_mem>>)
      tpu.wait_dma2 semaphore(%run_scoped3A : memref<!tpu.dma_semaphore, #tpu.memory_space<semaphore_mem>>) src(%arg3 : memref<128x32xf32, #tpu.memory_space<hbm>>) dst(%arg7 : memref<128x32xf32, #tpu.memory_space<vmem>>)
      tpu.yield
    }) : () -> ()
    %barrier3A = arith.constant 0 : index
    tpu.barrier barrier_id(%barrier3A)
    %scan3A = arith.constant 0 : i32
    %scan3A_3 = arith.constant 0 : i32
    %scan3A_4 = arith.constant 20 : i32
    %scan3A_5 = arith.addi %scan3A_3, %scan3A_4 : i32
    %scan3A_6 = arith.constant 1 : i32
    scf.for %scan3A_36 = %scan3A_3 to %scan3A_5 step %scan3A_6  : i32 {
      %mul3A_37 = arith.constant 4 : i32
      %mul3A_38 = arith.muli %scan3A_36, %mul3A_37 : i32
      %add3A_39 = arith.constant 0 : i32
      %add3A_40 = arith.addi %mul3A_38, %add3A_39 : i32
      %ge3A = arith.constant 4 : i32
      %ge3A_41 = arith.cmpi sge, %add3A_40, %ge3A : i32
      %convert_element_type3A = arith.extui %ge3A_41 : i1 to i32
      %cond3A = arith.constant 0 : i32
      %cond3A_42 = arith.cmpi ne, %convert_element_type3A, %cond3A : i32
      scf.if %cond3A_42 {
        %sub3A = arith.constant 4 : i32
        %sub3A_93 = arith.subi %add3A_40, %sub3A : i32
        %dma_wait3A_94 = arith.constant 0 : i32
        %dma_wait3A_95 = tpu.memref_slice %arg6[%sub3A_93, %dma_wait3A_94] : memref<80x128xi32, #tpu.memory_space<vmem>> -> memref<1x128xi32, #tpu.memory_space<vmem>>
        %dma_wait3A_96 = tpu.memref_squeeze %dma_wait3A_95 : memref<1x128xi32, #tpu.memory_space<vmem>> -> memref<128xi32, #tpu.memory_space<vmem>>
        %dma_wait3A_97 = arith.constant 0 : i32
        %dma_wait3A_98 = arith.constant 0 : i32
        %dma_wait3A_99 = tpu.memref_slice %arg8[%dma_wait3A_97, %dma_wait3A_98] : memref<10240x32xf32, #tpu.memory_space<vmem_shared>> -> memref<10240x32xf32, #tpu.memory_space<vmem_shared>>
        tpu.wait_indirect_dma semaphore(%arg9 : memref<!tpu.dma_semaphore, #tpu.memory_space<semaphore_mem>>) src(%arg7 : memref<128x32xf32, #tpu.memory_space<vmem>>) dst(%dma_wait3A_99 : memref<10240x32xf32, #tpu.memory_space<vmem_shared>>)
      } else {
      }
      %dma_start3A = arith.constant 0 : i32
      %dma_start3A_43 = tpu.memref_slice %arg6[%add3A_40, %dma_start3A] : memref<80x128xi32, #tpu.memory_space<vmem>> -> memref<1x128xi32, #tpu.memory_space<vmem>>
      %dma_start3A_44 = tpu.memref_squeeze %dma_start3A_43 : memref<1x128xi32, #tpu.memory_space<vmem>> -> memref<128xi32, #tpu.memory_space<vmem>>
      %dma_start3A_45 = arith.constant 0 : i32
      %dma_start3A_46 = arith.constant 0 : i32
      %dma_start3A_47 = tpu.memref_slice %arg8[%dma_start3A_45, %dma_start3A_46] : memref<10240x32xf32, #tpu.memory_space<vmem_shared>> -> memref<10240x32xf32, #tpu.memory_space<vmem_shared>>
      tpu.enqueue_indirect_dma source(%arg7 : memref<128x32xf32, #tpu.memory_space<vmem>>) target(%dma_start3A_47 : memref<10240x32xf32, #tpu.memory_space<vmem_shared>>) offsets(%dma_start3A_44 : memref<128xi32, #tpu.memory_space<vmem>>) semaphore(%arg9 : memref<!tpu.dma_semaphore, #tpu.memory_space<semaphore_mem>>) {add = true}
      %mul3A_48 = arith.constant 4 : i32
      %mul3A_49 = arith.muli %scan3A_36, %mul3A_48 : i32
      %add3A_50 = arith.constant 1 : i32
      %add3A_51 = arith.addi %mul3A_49, %add3A_50 : i32
      %ge3A_52 = arith.constant 4 : i32
      %ge3A_53 = arith.cmpi sge, %add3A_51, %ge3A_52 : i32
      %convert_element_type3A_54 = arith.extui %ge3A_53 : i1 to i32
      %cond3A_55 = arith.constant 0 : i32
      %cond3A_56 = arith.cmpi ne, %convert_element_type3A_54, %cond3A_55 : i32
      scf.if %cond3A_56 {
        %sub3A = arith.constant 4 : i32
        %sub3A_93 = arith.subi %add3A_51, %sub3A : i32
        %dma_wait3A_94 = arith.constant 0 : i32
        %dma_wait3A_95 = tpu.memref_slice %arg6[%sub3A_93, %dma_wait3A_94] : memref<80x128xi32, #tpu.memory_space<vmem>> -> memref<1x128xi32, #tpu.memory_space<vmem>>
        %dma_wait3A_96 = tpu.memref_squeeze %dma_wait3A_95 : memref<1x128xi32, #tpu.memory_space<vmem>> -> memref<128xi32, #tpu.memory_space<vmem>>
        %dma_wait3A_97 = arith.constant 0 : i32
        %dma_wait3A_98 = arith.constant 0 : i32
        %dma_wait3A_99 = tpu.memref_slice %arg8[%dma_wait3A_97, %dma_wait3A_98] : memref<10240x32xf32, #tpu.memory_space<vmem_shared>> -> memref<10240x32xf32, #tpu.memory_space<vmem_shared>>
        tpu.wait_indirect_dma semaphore(%arg10 : memref<!tpu.dma_semaphore, #tpu.memory_space<semaphore_mem>>) src(%arg7 : memref<128x32xf32, #tpu.memory_space<vmem>>) dst(%dma_wait3A_99 : memref<10240x32xf32, #tpu.memory_space<vmem_shared>>)
      } else {
      }
      %dma_start3A_57 = arith.constant 0 : i32
      %dma_start3A_58 = tpu.memref_slice %arg6[%add3A_51, %dma_start3A_57] : memref<80x128xi32, #tpu.memory_space<vmem>> -> memref<1x128xi32, #tpu.memory_space<vmem>>
      %dma_start3A_59 = tpu.memref_squeeze %dma_start3A_58 : memref<1x128xi32, #tpu.memory_space<vmem>> -> memref<128xi32, #tpu.memory_space<vmem>>
      %dma_start3A_60 = arith.constant 0 : i32
      %dma_start3A_61 = arith.constant 0 : i32
      %dma_start3A_62 = tpu.memref_slice %arg8[%dma_start3A_60, %dma_start3A_61] : memref<10240x32xf32, #tpu.memory_space<vmem_shared>> -> memref<10240x32xf32, #tpu.memory_space<vmem_shared>>
      tpu.enqueue_indirect_dma source(%arg7 : memref<128x32xf32, #tpu.memory_space<vmem>>) target(%dma_start3A_62 : memref<10240x32xf32, #tpu.memory_space<vmem_shared>>) offsets(%dma_start3A_59 : memref<128xi32, #tpu.memory_space<vmem>>) semaphore(%arg10 : memref<!tpu.dma_semaphore, #tpu.memory_space<semaphore_mem>>) {add = true}
      %mul3A_63 = arith.constant 4 : i32
      %mul3A_64 = arith.muli %scan3A_36, %mul3A_63 : i32
      %add3A_65 = arith.constant 2 : i32
      %add3A_66 = arith.addi %mul3A_64, %add3A_65 : i32
      %ge3A_67 = arith.constant 4 : i32
      %ge3A_68 = arith.cmpi sge, %add3A_66, %ge3A_67 : i32
      %convert_element_type3A_69 = arith.extui %ge3A_68 : i1 to i32
      %cond3A_70 = arith.constant 0 : i32
      %cond3A_71 = arith.cmpi ne, %convert_element_type3A_69, %cond3A_70 : i32
      scf.if %cond3A_71 {
        %sub3A = arith.constant 4 : i32
        %sub3A_93 = arith.subi %add3A_66, %sub3A : i32
        %dma_wait3A_94 = arith.constant 0 : i32
        %dma_wait3A_95 = tpu.memref_slice %arg6[%sub3A_93, %dma_wait3A_94] : memref<80x128xi32, #tpu.memory_space<vmem>> -> memref<1x128xi32, #tpu.memory_space<vmem>>
        %dma_wait3A_96 = tpu.memref_squeeze %dma_wait3A_95 : memref<1x128xi32, #tpu.memory_space<vmem>> -> memref<128xi32, #tpu.memory_space<vmem>>
        %dma_wait3A_97 = arith.constant 0 : i32
        %dma_wait3A_98 = arith.constant 0 : i32
        %dma_wait3A_99 = tpu.memref_slice %arg8[%dma_wait3A_97, %dma_wait3A_98] : memref<10240x32xf32, #tpu.memory_space<vmem_shared>> -> memref<10240x32xf32, #tpu.memory_space<vmem_shared>>
        tpu.wait_indirect_dma semaphore(%arg11 : memref<!tpu.dma_semaphore, #tpu.memory_space<semaphore_mem>>) src(%arg7 : memref<128x32xf32, #tpu.memory_space<vmem>>) dst(%dma_wait3A_99 : memref<10240x32xf32, #tpu.memory_space<vmem_shared>>)
      } else {
      }
      %dma_start3A_72 = arith.constant 0 : i32
      %dma_start3A_73 = tpu.memref_slice %arg6[%add3A_66, %dma_start3A_72] : memref<80x128xi32, #tpu.memory_space<vmem>> -> memref<1x128xi32, #tpu.memory_space<vmem>>
      %dma_start3A_74 = tpu.memref_squeeze %dma_start3A_73 : memref<1x128xi32, #tpu.memory_space<vmem>> -> memref<128xi32, #tpu.memory_space<vmem>>
      %dma_start3A_75 = arith.constant 0 : i32
      %dma_start3A_76 = arith.constant 0 : i32
      %dma_start3A_77 = tpu.memref_slice %arg8[%dma_start3A_75, %dma_start3A_76] : memref<10240x32xf32, #tpu.memory_space<vmem_shared>> -> memref<10240x32xf32, #tpu.memory_space<vmem_shared>>
      tpu.enqueue_indirect_dma source(%arg7 : memref<128x32xf32, #tpu.memory_space<vmem>>) target(%dma_start3A_77 : memref<10240x32xf32, #tpu.memory_space<vmem_shared>>) offsets(%dma_start3A_74 : memref<128xi32, #tpu.memory_space<vmem>>) semaphore(%arg11 : memref<!tpu.dma_semaphore, #tpu.memory_space<semaphore_mem>>) {add = true}
      %mul3A_78 = arith.constant 4 : i32
      %mul3A_79 = arith.muli %scan3A_36, %mul3A_78 : i32
      %add3A_80 = arith.constant 3 : i32
      %add3A_81 = arith.addi %mul3A_79, %add3A_80 : i32
      %ge3A_82 = arith.constant 4 : i32
      %ge3A_83 = arith.cmpi sge, %add3A_81, %ge3A_82 : i32
      %convert_element_type3A_84 = arith.extui %ge3A_83 : i1 to i32
      %cond3A_85 = arith.constant 0 : i32
      %cond3A_86 = arith.cmpi ne, %convert_element_type3A_84, %cond3A_85 : i32
      scf.if %cond3A_86 {
        %sub3A = arith.constant 4 : i32
        %sub3A_93 = arith.subi %add3A_81, %sub3A : i32
        %dma_wait3A_94 = arith.constant 0 : i32
        %dma_wait3A_95 = tpu.memref_slice %arg6[%sub3A_93, %dma_wait3A_94] : memref<80x128xi32, #tpu.memory_space<vmem>> -> memref<1x128xi32, #tpu.memory_space<vmem>>
        %dma_wait3A_96 = tpu.memref_squeeze %dma_wait3A_95 : memref<1x128xi32, #tpu.memory_space<vmem>> -> memref<128xi32, #tpu.memory_space<vmem>>
        %dma_wait3A_97 = arith.constant 0 : i32
        %dma_wait3A_98 = arith.constant 0 : i32
        %dma_wait3A_99 = tpu.memref_slice %arg8[%dma_wait3A_97, %dma_wait3A_98] : memref<10240x32xf32, #tpu.memory_space<vmem_shared>> -> memref<10240x32xf32, #tpu.memory_space<vmem_shared>>
        tpu.wait_indirect_dma semaphore(%arg12 : memref<!tpu.dma_semaphore, #tpu.memory_space<semaphore_mem>>) src(%arg7 : memref<128x32xf32, #tpu.memory_space<vmem>>) dst(%dma_wait3A_99 : memref<10240x32xf32, #tpu.memory_space<vmem_shared>>)
      } else {
      }
      %dma_start3A_87 = arith.constant 0 : i32
      %dma_start3A_88 = tpu.memref_slice %arg6[%add3A_81, %dma_start3A_87] : memref<80x128xi32, #tpu.memory_space<vmem>> -> memref<1x128xi32, #tpu.memory_space<vmem>>
      %dma_start3A_89 = tpu.memref_squeeze %dma_start3A_88 : memref<1x128xi32, #tpu.memory_space<vmem>> -> memref<128xi32, #tpu.memory_space<vmem>>
      %dma_start3A_90 = arith.constant 0 : i32
      %dma_start3A_91 = arith.constant 0 : i32
      %dma_start3A_92 = tpu.memref_slice %arg8[%dma_start3A_90, %dma_start3A_91] : memref<10240x32xf32, #tpu.memory_space<vmem_shared>> -> memref<10240x32xf32, #tpu.memory_space<vmem_shared>>
      tpu.enqueue_indirect_dma source(%arg7 : memref<128x32xf32, #tpu.memory_space<vmem>>) target(%dma_start3A_92 : memref<10240x32xf32, #tpu.memory_space<vmem_shared>>) offsets(%dma_start3A_89 : memref<128xi32, #tpu.memory_space<vmem>>) semaphore(%arg12 : memref<!tpu.dma_semaphore, #tpu.memory_space<semaphore_mem>>) {add = true}
    }
    %scan3A_7 = arith.constant 20 : i32
    %dma_wait3A = arith.constant 76 : i32
    %dma_wait3A_8 = arith.constant 0 : i32
    %dma_wait3A_9 = tpu.memref_slice %arg6[%dma_wait3A, %dma_wait3A_8] : memref<80x128xi32, #tpu.memory_space<vmem>> -> memref<1x128xi32, #tpu.memory_space<vmem>>
    %dma_wait3A_10 = tpu.memref_squeeze %dma_wait3A_9 : memref<1x128xi32, #tpu.memory_space<vmem>> -> memref<128xi32, #tpu.memory_space<vmem>>
    %dma_wait3A_11 = arith.constant 0 : i32
    %dma_wait3A_12 = arith.constant 0 : i32
    %dma_wait3A_13 = tpu.memref_slice %arg8[%dma_wait3A_11, %dma_wait3A_12] : memref<10240x32xf32, #tpu.memory_space<vmem_shared>> -> memref<10240x32xf32, #tpu.memory_space<vmem_shared>>
    tpu.wait_indirect_dma semaphore(%arg9 : memref<!tpu.dma_semaphore, #tpu.memory_space<semaphore_mem>>) src(%arg7 : memref<128x32xf32, #tpu.memory_space<vmem>>) dst(%dma_wait3A_13 : memref<10240x32xf32, #tpu.memory_space<vmem_shared>>)
    %dma_wait3A_14 = arith.constant 77 : i32
    %dma_wait3A_15 = arith.constant 0 : i32
    %dma_wait3A_16 = tpu.memref_slice %arg6[%dma_wait3A_14, %dma_wait3A_15] : memref<80x128xi32, #tpu.memory_space<vmem>> -> memref<1x128xi32, #tpu.memory_space<vmem>>
    %dma_wait3A_17 = tpu.memref_squeeze %dma_wait3A_16 : memref<1x128xi32, #tpu.memory_space<vmem>> -> memref<128xi32, #tpu.memory_space<vmem>>
    %dma_wait3A_18 = arith.constant 0 : i32
    %dma_wait3A_19 = arith.constant 0 : i32
    %dma_wait3A_20 = tpu.memref_slice %arg8[%dma_wait3A_18, %dma_wait3A_19] : memref<10240x32xf32, #tpu.memory_space<vmem_shared>> -> memref<10240x32xf32, #tpu.memory_space<vmem_shared>>
    tpu.wait_indirect_dma semaphore(%arg10 : memref<!tpu.dma_semaphore, #tpu.memory_space<semaphore_mem>>) src(%arg7 : memref<128x32xf32, #tpu.memory_space<vmem>>) dst(%dma_wait3A_20 : memref<10240x32xf32, #tpu.memory_space<vmem_shared>>)
    %dma_wait3A_21 = arith.constant 78 : i32
    %dma_wait3A_22 = arith.constant 0 : i32
    %dma_wait3A_23 = tpu.memref_slice %arg6[%dma_wait3A_21, %dma_wait3A_22] : memref<80x128xi32, #tpu.memory_space<vmem>> -> memref<1x128xi32, #tpu.memory_space<vmem>>
    %dma_wait3A_24 = tpu.memref_squeeze %dma_wait3A_23 : memref<1x128xi32, #tpu.memory_space<vmem>> -> memref<128xi32, #tpu.memory_space<vmem>>
    %dma_wait3A_25 = arith.constant 0 : i32
    %dma_wait3A_26 = arith.constant 0 : i32
    %dma_wait3A_27 = tpu.memref_slice %arg8[%dma_wait3A_25, %dma_wait3A_26] : memref<10240x32xf32, #tpu.memory_space<vmem_shared>> -> memref<10240x32xf32, #tpu.memory_space<vmem_shared>>
    tpu.wait_indirect_dma semaphore(%arg11 : memref<!tpu.dma_semaphore, #tpu.memory_space<semaphore_mem>>) src(%arg7 : memref<128x32xf32, #tpu.memory_space<vmem>>) dst(%dma_wait3A_27 : memref<10240x32xf32, #tpu.memory_space<vmem_shared>>)
    %dma_wait3A_28 = arith.constant 79 : i32
    %dma_wait3A_29 = arith.constant 0 : i32
    %dma_wait3A_30 = tpu.memref_slice %arg6[%dma_wait3A_28, %dma_wait3A_29] : memref<80x128xi32, #tpu.memory_space<vmem>> -> memref<1x128xi32, #tpu.memory_space<vmem>>
    %dma_wait3A_31 = tpu.memref_squeeze %dma_wait3A_30 : memref<1x128xi32, #tpu.memory_space<vmem>> -> memref<128xi32, #tpu.memory_space<vmem>>
    %dma_wait3A_32 = arith.constant 0 : i32
    %dma_wait3A_33 = arith.constant 0 : i32
    %dma_wait3A_34 = tpu.memref_slice %arg8[%dma_wait3A_32, %dma_wait3A_33] : memref<10240x32xf32, #tpu.memory_space<vmem_shared>> -> memref<10240x32xf32, #tpu.memory_space<vmem_shared>>
    tpu.wait_indirect_dma semaphore(%arg12 : memref<!tpu.dma_semaphore, #tpu.memory_space<semaphore_mem>>) src(%arg7 : memref<128x32xf32, #tpu.memory_space<vmem>>) dst(%dma_wait3A_34 : memref<10240x32xf32, #tpu.memory_space<vmem_shared>>)
    %barrier3A_35 = arith.constant 0 : index
    tpu.barrier barrier_id(%barrier3A_35)
    "tpu.region"() ({
      %run_scoped3A = tpu.sem_alloc : memref<!tpu.dma_semaphore, #tpu.memory_space<semaphore_mem>>
      %dma_start3A = arith.constant 0 : i32
      %dma_start3A_36 = tpu.memref_slice %arg5[%arg0, %mul3A_2, %dma_start3A] : memref<2x10240x32xf32, #tpu.memory_space<hbm>> -> memref<1x640x32xf32, #tpu.memory_space<hbm>>
      %dma_start3A_37 = tpu.memref_squeeze %dma_start3A_36 : memref<1x640x32xf32, #tpu.memory_space<hbm>> -> memref<640x32xf32, #tpu.memory_space<hbm>>
      %dma_start3A_38 = arith.constant 0 : i32
      %dma_start3A_39 = tpu.memref_slice %arg8[%mul3A_2, %dma_start3A_38] : memref<10240x32xf32, #tpu.memory_space<vmem_shared>> -> memref<640x32xf32, #tpu.memory_space<vmem_shared>>
      tpu.enqueue_dma source(%dma_start3A_39 : memref<640x32xf32, #tpu.memory_space<vmem_shared>>) target(%dma_start3A_37 : memref<640x32xf32, #tpu.memory_space<hbm>>) target_semaphore(%run_scoped3A : memref<!tpu.dma_semaphore, #tpu.memory_space<semaphore_mem>>)
      %dma_wait3A_40 = arith.constant 0 : i32
      %dma_wait3A_41 = tpu.memref_slice %arg5[%arg0, %mul3A_2, %dma_wait3A_40] : memref<2x10240x32xf32, #tpu.memory_space<hbm>> -> memref<1x640x32xf32, #tpu.memory_space<hbm>>
      %dma_wait3A_42 = tpu.memref_squeeze %dma_wait3A_41 : memref<1x640x32xf32, #tpu.memory_space<hbm>> -> memref<640x32xf32, #tpu.memory_space<hbm>>
      %dma_wait3A_43 = arith.constant 0 : i32
      %dma_wait3A_44 = tpu.memref_slice %arg8[%mul3A_2, %dma_wait3A_43] : memref<10240x32xf32, #tpu.memory_space<vmem_shared>> -> memref<640x32xf32, #tpu.memory_space<vmem_shared>>
      tpu.wait_dma2 semaphore(%run_scoped3A : memref<!tpu.dma_semaphore, #tpu.memory_space<semaphore_mem>>) src(%dma_wait3A_44 : memref<640x32xf32, #tpu.memory_space<vmem_shared>>) dst(%dma_wait3A_42 : memref<640x32xf32, #tpu.memory_space<hbm>>)
      tpu.yield
    }) : () -> ()
    return
  }
}

#map = affine_map<(d0, d1) -> (0, 0, 0)>
#map1 = affine_map<(d0, d1) -> (0, 0)>
module attributes {stable_mosaic.version = 14 : i64} {
  func.func @body(%arg0: i32, %arg1: i32, %arg2: memref<32x80x128xi32, #tpu.memory_space<hbm>>, %arg3: memref<32x80x128xi32, #tpu.memory_space<hbm>>, %arg4: memref<10240x32xf32, #tpu.memory_space<hbm>>, %arg5: memref<640x32xf32, #tpu.memory_space<hbm>>, %arg6: memref<2x10240x32xf32, #tpu.memory_space<hbm>>, %arg7: memref<80x128xi32, #tpu.memory_space<vmem>>, %arg8: memref<80x128xi32, #tpu.memory_space<vmem>>, %arg9: memref<128x32xf32, #tpu.memory_space<vmem>>, %arg10: memref<128x32xf32, #tpu.memory_space<vmem>>, %arg11: memref<128x32xf32, #tpu.memory_space<vmem>>, %arg12: memref<128x32xf32, #tpu.memory_space<vmem>>, %arg13: memref<10240x32xf32, #tpu.memory_space<vmem_shared>>, %arg14: memref<10240x32xf32, #tpu.memory_space<vmem_shared>>, %arg15: memref<!tpu.dma_semaphore, #tpu.memory_space<semaphore_mem>>, %arg16: memref<!tpu.dma_semaphore, #tpu.memory_space<semaphore_mem>>, %arg17: memref<!tpu.dma_semaphore, #tpu.memory_space<semaphore_mem>>, %arg18: memref<!tpu.dma_semaphore, #tpu.memory_space<semaphore_mem>>, %arg19: memref<!tpu.dma_semaphore, #tpu.memory_space<semaphore_mem>>, %arg20: memref<!tpu.dma_semaphore, #tpu.memory_space<semaphore_mem>>, %arg21: memref<!tpu.dma_semaphore, #tpu.memory_space<semaphore_mem>>, %arg22: memref<!tpu.dma_semaphore, #tpu.memory_space<semaphore_mem>>) attributes {dimension_semantics = [#tpu.dimension_semantics<core_parallel>, #tpu.dimension_semantics<subcore_parallel>], iteration_bounds = array<i64: 2, 16>, scalar_prefetch = 0 : i64, scratch_operands = 16 : i64, tpu.core_type = #tpu.core_type<sc_vector_subcore>, window_params = [{transform_indices = #map}, {transform_indices = #map}, {transform_indices = #map1}, {transform_indices = #map1}, {transform_indices = #map}]} {
    %mul3A = arith.constant 2 : i32
    %mul3A_0 = arith.muli %arg1, %mul3A : i32
    %add3A = arith.addi %mul3A_0, %arg0 : i32
    %mul3A_1 = arith.constant 640 : i32
    %mul3A_2 = arith.muli %arg1, %mul3A_1 : i32
    "tpu.region"() ({
      %run_scoped3A = tpu.sem_alloc : memref<!tpu.dma_semaphore, #tpu.memory_space<semaphore_mem>>
      %dma_start3A_126 = arith.constant 0 : i32
      %dma_start3A_127 = tpu.memref_slice %arg13[%mul3A_2, %dma_start3A_126] : memref<10240x32xf32, #tpu.memory_space<vmem_shared>> -> memref<640x32xf32, #tpu.memory_space<vmem_shared>>
      %dma_start3A_128 = arith.constant 0 : i32
      %dma_start3A_129 = tpu.memref_slice %arg4[%mul3A_2, %dma_start3A_128] : memref<10240x32xf32, #tpu.memory_space<hbm>> -> memref<640x32xf32, #tpu.memory_space<hbm>>
      tpu.enqueue_dma source(%dma_start3A_129 : memref<640x32xf32, #tpu.memory_space<hbm>>) target(%dma_start3A_127 : memref<640x32xf32, #tpu.memory_space<vmem_shared>>) target_semaphore(%run_scoped3A : memref<!tpu.dma_semaphore, #tpu.memory_space<semaphore_mem>>)
      %dma_wait3A_130 = arith.constant 0 : i32
      %dma_wait3A_131 = tpu.memref_slice %arg13[%mul3A_2, %dma_wait3A_130] : memref<10240x32xf32, #tpu.memory_space<vmem_shared>> -> memref<640x32xf32, #tpu.memory_space<vmem_shared>>
      %dma_wait3A_132 = arith.constant 0 : i32
      %dma_wait3A_133 = tpu.memref_slice %arg4[%mul3A_2, %dma_wait3A_132] : memref<10240x32xf32, #tpu.memory_space<hbm>> -> memref<640x32xf32, #tpu.memory_space<hbm>>
      tpu.wait_dma2 semaphore(%run_scoped3A : memref<!tpu.dma_semaphore, #tpu.memory_space<semaphore_mem>>) src(%dma_wait3A_133 : memref<640x32xf32, #tpu.memory_space<hbm>>) dst(%dma_wait3A_131 : memref<640x32xf32, #tpu.memory_space<vmem_shared>>)
      tpu.yield
    }) : () -> ()
    "tpu.region"() ({
      %run_scoped3A = tpu.sem_alloc : memref<!tpu.dma_semaphore, #tpu.memory_space<semaphore_mem>>
      %dma_start3A_126 = arith.constant 0 : i32
      %dma_start3A_127 = tpu.memref_slice %arg14[%mul3A_2, %dma_start3A_126] : memref<10240x32xf32, #tpu.memory_space<vmem_shared>> -> memref<640x32xf32, #tpu.memory_space<vmem_shared>>
      tpu.enqueue_dma source(%arg5 : memref<640x32xf32, #tpu.memory_space<hbm>>) target(%dma_start3A_127 : memref<640x32xf32, #tpu.memory_space<vmem_shared>>) target_semaphore(%run_scoped3A : memref<!tpu.dma_semaphore, #tpu.memory_space<semaphore_mem>>)
      %dma_wait3A_128 = arith.constant 0 : i32
      %dma_wait3A_129 = tpu.memref_slice %arg14[%mul3A_2, %dma_wait3A_128] : memref<10240x32xf32, #tpu.memory_space<vmem_shared>> -> memref<640x32xf32, #tpu.memory_space<vmem_shared>>
      tpu.wait_dma2 semaphore(%run_scoped3A : memref<!tpu.dma_semaphore, #tpu.memory_space<semaphore_mem>>) src(%arg5 : memref<640x32xf32, #tpu.memory_space<hbm>>) dst(%dma_wait3A_129 : memref<640x32xf32, #tpu.memory_space<vmem_shared>>)
      tpu.yield
    }) : () -> ()
    "tpu.region"() ({
      %run_scoped3A = tpu.sem_alloc : memref<!tpu.dma_semaphore, #tpu.memory_space<semaphore_mem>>
      %dma_start3A_126 = arith.constant 0 : i32
      %dma_start3A_127 = arith.constant 0 : i32
      %dma_start3A_128 = tpu.memref_slice %arg2[%add3A, %dma_start3A_126, %dma_start3A_127] : memref<32x80x128xi32, #tpu.memory_space<hbm>> -> memref<1x80x128xi32, #tpu.memory_space<hbm>>
      %dma_start3A_129 = tpu.memref_squeeze %dma_start3A_128 : memref<1x80x128xi32, #tpu.memory_space<hbm>> -> memref<80x128xi32, #tpu.memory_space<hbm>>
      %dma_start3A_130 = arith.constant 0 : i32
      %dma_start3A_131 = arith.constant 0 : i32
      %dma_start3A_132 = tpu.memref_slice %arg2[%add3A, %dma_start3A_130, %dma_start3A_131] : memref<32x80x128xi32, #tpu.memory_space<hbm>> -> memref<1x80x128xi32, #tpu.memory_space<hbm>>
      %dma_start3A_133 = tpu.memref_squeeze %dma_start3A_132 : memref<1x80x128xi32, #tpu.memory_space<hbm>> -> memref<80x128xi32, #tpu.memory_space<hbm>>
      tpu.enqueue_dma source(%dma_start3A_133 : memref<80x128xi32, #tpu.memory_space<hbm>>) target(%arg7 : memref<80x128xi32, #tpu.memory_space<vmem>>) target_semaphore(%run_scoped3A : memref<!tpu.dma_semaphore, #tpu.memory_space<semaphore_mem>>)
      %dma_wait3A_134 = arith.constant 0 : i32
      %dma_wait3A_135 = arith.constant 0 : i32
      %dma_wait3A_136 = tpu.memref_slice %arg2[%add3A, %dma_wait3A_134, %dma_wait3A_135] : memref<32x80x128xi32, #tpu.memory_space<hbm>> -> memref<1x80x128xi32, #tpu.memory_space<hbm>>
      %dma_wait3A_137 = tpu.memref_squeeze %dma_wait3A_136 : memref<1x80x128xi32, #tpu.memory_space<hbm>> -> memref<80x128xi32, #tpu.memory_space<hbm>>
      %dma_wait3A_138 = arith.constant 0 : i32
      %dma_wait3A_139 = arith.constant 0 : i32
      %dma_wait3A_140 = tpu.memref_slice %arg2[%add3A, %dma_wait3A_138, %dma_wait3A_139] : memref<32x80x128xi32, #tpu.memory_space<hbm>> -> memref<1x80x128xi32, #tpu.memory_space<hbm>>
      %dma_wait3A_141 = tpu.memref_squeeze %dma_wait3A_140 : memref<1x80x128xi32, #tpu.memory_space<hbm>> -> memref<80x128xi32, #tpu.memory_space<hbm>>
      tpu.wait_dma2 semaphore(%run_scoped3A : memref<!tpu.dma_semaphore, #tpu.memory_space<semaphore_mem>>) src(%dma_wait3A_141 : memref<80x128xi32, #tpu.memory_space<hbm>>) dst(%arg7 : memref<80x128xi32, #tpu.memory_space<vmem>>)
      tpu.yield
    }) : () -> ()
    "tpu.region"() ({
      %run_scoped3A = tpu.sem_alloc : memref<!tpu.dma_semaphore, #tpu.memory_space<semaphore_mem>>
      %dma_start3A_126 = arith.constant 0 : i32
      %dma_start3A_127 = arith.constant 0 : i32
      %dma_start3A_128 = tpu.memref_slice %arg3[%add3A, %dma_start3A_126, %dma_start3A_127] : memref<32x80x128xi32, #tpu.memory_space<hbm>> -> memref<1x80x128xi32, #tpu.memory_space<hbm>>
      %dma_start3A_129 = tpu.memref_squeeze %dma_start3A_128 : memref<1x80x128xi32, #tpu.memory_space<hbm>> -> memref<80x128xi32, #tpu.memory_space<hbm>>
      %dma_start3A_130 = arith.constant 0 : i32
      %dma_start3A_131 = arith.constant 0 : i32
      %dma_start3A_132 = tpu.memref_slice %arg3[%add3A, %dma_start3A_130, %dma_start3A_131] : memref<32x80x128xi32, #tpu.memory_space<hbm>> -> memref<1x80x128xi32, #tpu.memory_space<hbm>>
      %dma_start3A_133 = tpu.memref_squeeze %dma_start3A_132 : memref<1x80x128xi32, #tpu.memory_space<hbm>> -> memref<80x128xi32, #tpu.memory_space<hbm>>
      tpu.enqueue_dma source(%dma_start3A_133 : memref<80x128xi32, #tpu.memory_space<hbm>>) target(%arg8 : memref<80x128xi32, #tpu.memory_space<vmem>>) target_semaphore(%run_scoped3A : memref<!tpu.dma_semaphore, #tpu.memory_space<semaphore_mem>>)
      %dma_wait3A_134 = arith.constant 0 : i32
      %dma_wait3A_135 = arith.constant 0 : i32
      %dma_wait3A_136 = tpu.memref_slice %arg3[%add3A, %dma_wait3A_134, %dma_wait3A_135] : memref<32x80x128xi32, #tpu.memory_space<hbm>> -> memref<1x80x128xi32, #tpu.memory_space<hbm>>
      %dma_wait3A_137 = tpu.memref_squeeze %dma_wait3A_136 : memref<1x80x128xi32, #tpu.memory_space<hbm>> -> memref<80x128xi32, #tpu.memory_space<hbm>>
      %dma_wait3A_138 = arith.constant 0 : i32
      %dma_wait3A_139 = arith.constant 0 : i32
      %dma_wait3A_140 = tpu.memref_slice %arg3[%add3A, %dma_wait3A_138, %dma_wait3A_139] : memref<32x80x128xi32, #tpu.memory_space<hbm>> -> memref<1x80x128xi32, #tpu.memory_space<hbm>>
      %dma_wait3A_141 = tpu.memref_squeeze %dma_wait3A_140 : memref<1x80x128xi32, #tpu.memory_space<hbm>> -> memref<80x128xi32, #tpu.memory_space<hbm>>
      tpu.wait_dma2 semaphore(%run_scoped3A : memref<!tpu.dma_semaphore, #tpu.memory_space<semaphore_mem>>) src(%dma_wait3A_141 : memref<80x128xi32, #tpu.memory_space<hbm>>) dst(%arg8 : memref<80x128xi32, #tpu.memory_space<vmem>>)
      tpu.yield
    }) : () -> ()
    %barrier3A = arith.constant 0 : index
    tpu.barrier barrier_id(%barrier3A)
    %dma_start3A = arith.constant 0 : i32
    %dma_start3A_3 = arith.constant 0 : i32
    %dma_start3A_4 = tpu.memref_slice %arg7[%dma_start3A, %dma_start3A_3] : memref<80x128xi32, #tpu.memory_space<vmem>> -> memref<1x128xi32, #tpu.memory_space<vmem>>
    %dma_start3A_5 = tpu.memref_squeeze %dma_start3A_4 : memref<1x128xi32, #tpu.memory_space<vmem>> -> memref<128xi32, #tpu.memory_space<vmem>>
    %dma_start3A_6 = arith.constant 0 : i32
    %dma_start3A_7 = arith.constant 0 : i32
    %dma_start3A_8 = tpu.memref_slice %arg13[%dma_start3A_6, %dma_start3A_7] : memref<10240x32xf32, #tpu.memory_space<vmem_shared>> -> memref<10240x32xf32, #tpu.memory_space<vmem_shared>>
    tpu.enqueue_indirect_dma source(%dma_start3A_8 : memref<10240x32xf32, #tpu.memory_space<vmem_shared>>) target(%arg9 : memref<128x32xf32, #tpu.memory_space<vmem>>) offsets(%dma_start3A_5 : memref<128xi32, #tpu.memory_space<vmem>>) semaphore(%arg15 : memref<!tpu.dma_semaphore, #tpu.memory_space<semaphore_mem>>)
    %dma_start3A_9 = arith.constant 1 : i32
    %dma_start3A_10 = arith.constant 0 : i32
    %dma_start3A_11 = tpu.memref_slice %arg7[%dma_start3A_9, %dma_start3A_10] : memref<80x128xi32, #tpu.memory_space<vmem>> -> memref<1x128xi32, #tpu.memory_space<vmem>>
    %dma_start3A_12 = tpu.memref_squeeze %dma_start3A_11 : memref<1x128xi32, #tpu.memory_space<vmem>> -> memref<128xi32, #tpu.memory_space<vmem>>
    %dma_start3A_13 = arith.constant 0 : i32
    %dma_start3A_14 = arith.constant 0 : i32
    %dma_start3A_15 = tpu.memref_slice %arg13[%dma_start3A_13, %dma_start3A_14] : memref<10240x32xf32, #tpu.memory_space<vmem_shared>> -> memref<10240x32xf32, #tpu.memory_space<vmem_shared>>
    tpu.enqueue_indirect_dma source(%dma_start3A_15 : memref<10240x32xf32, #tpu.memory_space<vmem_shared>>) target(%arg10 : memref<128x32xf32, #tpu.memory_space<vmem>>) offsets(%dma_start3A_12 : memref<128xi32, #tpu.memory_space<vmem>>) semaphore(%arg16 : memref<!tpu.dma_semaphore, #tpu.memory_space<semaphore_mem>>)
    %dma_start3A_16 = arith.constant 2 : i32
    %dma_start3A_17 = arith.constant 0 : i32
    %dma_start3A_18 = tpu.memref_slice %arg7[%dma_start3A_16, %dma_start3A_17] : memref<80x128xi32, #tpu.memory_space<vmem>> -> memref<1x128xi32, #tpu.memory_space<vmem>>
    %dma_start3A_19 = tpu.memref_squeeze %dma_start3A_18 : memref<1x128xi32, #tpu.memory_space<vmem>> -> memref<128xi32, #tpu.memory_space<vmem>>
    %dma_start3A_20 = arith.constant 0 : i32
    %dma_start3A_21 = arith.constant 0 : i32
    %dma_start3A_22 = tpu.memref_slice %arg13[%dma_start3A_20, %dma_start3A_21] : memref<10240x32xf32, #tpu.memory_space<vmem_shared>> -> memref<10240x32xf32, #tpu.memory_space<vmem_shared>>
    tpu.enqueue_indirect_dma source(%dma_start3A_22 : memref<10240x32xf32, #tpu.memory_space<vmem_shared>>) target(%arg11 : memref<128x32xf32, #tpu.memory_space<vmem>>) offsets(%dma_start3A_19 : memref<128xi32, #tpu.memory_space<vmem>>) semaphore(%arg17 : memref<!tpu.dma_semaphore, #tpu.memory_space<semaphore_mem>>)
    %scan3A = arith.constant 0 : i32
    %scan3A_23 = arith.constant 0 : i32
    %scan3A_24 = arith.constant 19 : i32
    %scan3A_25 = arith.addi %scan3A_23, %scan3A_24 : i32
    %scan3A_26 = arith.constant 1 : i32
    scf.for %scan3A_126 = %scan3A_23 to %scan3A_25 step %scan3A_26  : i32 {
      %mul3A_127 = arith.constant 4 : i32
      %mul3A_128 = arith.muli %scan3A_126, %mul3A_127 : i32
      %add3A_129 = arith.constant 0 : i32
      %add3A_130 = arith.addi %mul3A_128, %add3A_129 : i32
      %ge3A = arith.constant 1 : i32
      %ge3A_131 = arith.cmpi sge, %add3A_130, %ge3A : i32
      %convert_element_type3A = arith.extui %ge3A_131 : i1 to i32
      %cond3A = arith.constant 0 : i32
      %cond3A_132 = arith.cmpi ne, %convert_element_type3A, %cond3A : i32
      scf.if %cond3A_132 {
        %sub3A_247 = arith.constant 1 : i32
        %sub3A_248 = arith.subi %add3A_130, %sub3A_247 : i32
        %dma_wait3A_249 = arith.constant 0 : i32
        %dma_wait3A_250 = tpu.memref_slice %arg8[%sub3A_248, %dma_wait3A_249] : memref<80x128xi32, #tpu.memory_space<vmem>> -> memref<1x128xi32, #tpu.memory_space<vmem>>
        %dma_wait3A_251 = tpu.memref_squeeze %dma_wait3A_250 : memref<1x128xi32, #tpu.memory_space<vmem>> -> memref<128xi32, #tpu.memory_space<vmem>>
        %dma_wait3A_252 = arith.constant 0 : i32
        %dma_wait3A_253 = arith.constant 0 : i32
        %dma_wait3A_254 = tpu.memref_slice %arg14[%dma_wait3A_252, %dma_wait3A_253] : memref<10240x32xf32, #tpu.memory_space<vmem_shared>> -> memref<10240x32xf32, #tpu.memory_space<vmem_shared>>
        tpu.wait_indirect_dma semaphore(%arg22 : memref<!tpu.dma_semaphore, #tpu.memory_space<semaphore_mem>>) src(%arg12 : memref<128x32xf32, #tpu.memory_space<vmem>>) dst(%dma_wait3A_254 : memref<10240x32xf32, #tpu.memory_space<vmem_shared>>)
      } else {
      }
      %add3A_133 = arith.constant 4 : i32
      %add3A_134 = arith.addi %add3A_130, %add3A_133 : i32
      %sub3A = arith.constant 1 : i32
      %sub3A_135 = arith.subi %add3A_134, %sub3A : i32
      %dma_start3A_136 = arith.constant 0 : i32
      %dma_start3A_137 = tpu.memref_slice %arg7[%sub3A_135, %dma_start3A_136] : memref<80x128xi32, #tpu.memory_space<vmem>> -> memref<1x128xi32, #tpu.memory_space<vmem>>
      %dma_start3A_138 = tpu.memref_squeeze %dma_start3A_137 : memref<1x128xi32, #tpu.memory_space<vmem>> -> memref<128xi32, #tpu.memory_space<vmem>>
      %dma_start3A_139 = arith.constant 0 : i32
      %dma_start3A_140 = arith.constant 0 : i32
      %dma_start3A_141 = tpu.memref_slice %arg13[%dma_start3A_139, %dma_start3A_140] : memref<10240x32xf32, #tpu.memory_space<vmem_shared>> -> memref<10240x32xf32, #tpu.memory_space<vmem_shared>>
      tpu.enqueue_indirect_dma source(%dma_start3A_141 : memref<10240x32xf32, #tpu.memory_space<vmem_shared>>) target(%arg12 : memref<128x32xf32, #tpu.memory_space<vmem>>) offsets(%dma_start3A_138 : memref<128xi32, #tpu.memory_space<vmem>>) semaphore(%arg18 : memref<!tpu.dma_semaphore, #tpu.memory_space<semaphore_mem>>)
      %dma_wait3A_142 = arith.constant 0 : i32
      %dma_wait3A_143 = tpu.memref_slice %arg7[%add3A_130, %dma_wait3A_142] : memref<80x128xi32, #tpu.memory_space<vmem>> -> memref<1x128xi32, #tpu.memory_space<vmem>>
      %dma_wait3A_144 = tpu.memref_squeeze %dma_wait3A_143 : memref<1x128xi32, #tpu.memory_space<vmem>> -> memref<128xi32, #tpu.memory_space<vmem>>
      %dma_wait3A_145 = arith.constant 0 : i32
      %dma_wait3A_146 = arith.constant 0 : i32
      %dma_wait3A_147 = tpu.memref_slice %arg13[%dma_wait3A_145, %dma_wait3A_146] : memref<10240x32xf32, #tpu.memory_space<vmem_shared>> -> memref<10240x32xf32, #tpu.memory_space<vmem_shared>>
      tpu.wait_indirect_dma semaphore(%arg15 : memref<!tpu.dma_semaphore, #tpu.memory_space<semaphore_mem>>) src(%dma_wait3A_147 : memref<10240x32xf32, #tpu.memory_space<vmem_shared>>) dst(%arg9 : memref<128x32xf32, #tpu.memory_space<vmem>>)
      %dma_start3A_148 = arith.constant 0 : i32
      %dma_start3A_149 = tpu.memref_slice %arg8[%add3A_130, %dma_start3A_148] : memref<80x128xi32, #tpu.memory_space<vmem>> -> memref<1x128xi32, #tpu.memory_space<vmem>>
      %dma_start3A_150 = tpu.memref_squeeze %dma_start3A_149 : memref<1x128xi32, #tpu.memory_space<vmem>> -> memref<128xi32, #tpu.memory_space<vmem>>
      %dma_start3A_151 = arith.constant 0 : i32
      %dma_start3A_152 = arith.constant 0 : i32
      %dma_start3A_153 = tpu.memref_slice %arg14[%dma_start3A_151, %dma_start3A_152] : memref<10240x32xf32, #tpu.memory_space<vmem_shared>> -> memref<10240x32xf32, #tpu.memory_space<vmem_shared>>
      tpu.enqueue_indirect_dma source(%arg9 : memref<128x32xf32, #tpu.memory_space<vmem>>) target(%dma_start3A_153 : memref<10240x32xf32, #tpu.memory_space<vmem_shared>>) offsets(%dma_start3A_150 : memref<128xi32, #tpu.memory_space<vmem>>) semaphore(%arg19 : memref<!tpu.dma_semaphore, #tpu.memory_space<semaphore_mem>>) {add = true}
      %mul3A_154 = arith.constant 4 : i32
      %mul3A_155 = arith.muli %scan3A_126, %mul3A_154 : i32
      %add3A_156 = arith.constant 1 : i32
      %add3A_157 = arith.addi %mul3A_155, %add3A_156 : i32
      %ge3A_158 = arith.constant 1 : i32
      %ge3A_159 = arith.cmpi sge, %add3A_157, %ge3A_158 : i32
      %convert_element_type3A_160 = arith.extui %ge3A_159 : i1 to i32
      %cond3A_161 = arith.constant 0 : i32
      %cond3A_162 = arith.cmpi ne, %convert_element_type3A_160, %cond3A_161 : i32
      scf.if %cond3A_162 {
        %sub3A_247 = arith.constant 1 : i32
        %sub3A_248 = arith.subi %add3A_157, %sub3A_247 : i32
        %dma_wait3A_249 = arith.constant 0 : i32
        %dma_wait3A_250 = tpu.memref_slice %arg8[%sub3A_248, %dma_wait3A_249] : memref<80x128xi32, #tpu.memory_space<vmem>> -> memref<1x128xi32, #tpu.memory_space<vmem>>
        %dma_wait3A_251 = tpu.memref_squeeze %dma_wait3A_250 : memref<1x128xi32, #tpu.memory_space<vmem>> -> memref<128xi32, #tpu.memory_space<vmem>>
        %dma_wait3A_252 = arith.constant 0 : i32
        %dma_wait3A_253 = arith.constant 0 : i32
        %dma_wait3A_254 = tpu.memref_slice %arg14[%dma_wait3A_252, %dma_wait3A_253] : memref<10240x32xf32, #tpu.memory_space<vmem_shared>> -> memref<10240x32xf32, #tpu.memory_space<vmem_shared>>
        tpu.wait_indirect_dma semaphore(%arg19 : memref<!tpu.dma_semaphore, #tpu.memory_space<semaphore_mem>>) src(%arg9 : memref<128x32xf32, #tpu.memory_space<vmem>>) dst(%dma_wait3A_254 : memref<10240x32xf32, #tpu.memory_space<vmem_shared>>)
      } else {
      }
      %add3A_163 = arith.constant 4 : i32
      %add3A_164 = arith.addi %add3A_157, %add3A_163 : i32
      %sub3A_165 = arith.constant 1 : i32
      %sub3A_166 = arith.subi %add3A_164, %sub3A_165 : i32
      %dma_start3A_167 = arith.constant 0 : i32
      %dma_start3A_168 = tpu.memref_slice %arg7[%sub3A_166, %dma_start3A_167] : memref<80x128xi32, #tpu.memory_space<vmem>> -> memref<1x128xi32, #tpu.memory_space<vmem>>
      %dma_start3A_169 = tpu.memref_squeeze %dma_start3A_168 : memref<1x128xi32, #tpu.memory_space<vmem>> -> memref<128xi32, #tpu.memory_space<vmem>>
      %dma_start3A_170 = arith.constant 0 : i32
      %dma_start3A_171 = arith.constant 0 : i32
      %dma_start3A_172 = tpu.memref_slice %arg13[%dma_start3A_170, %dma_start3A_171] : memref<10240x32xf32, #tpu.memory_space<vmem_shared>> -> memref<10240x32xf32, #tpu.memory_space<vmem_shared>>
      tpu.enqueue_indirect_dma source(%dma_start3A_172 : memref<10240x32xf32, #tpu.memory_space<vmem_shared>>) target(%arg9 : memref<128x32xf32, #tpu.memory_space<vmem>>) offsets(%dma_start3A_169 : memref<128xi32, #tpu.memory_space<vmem>>) semaphore(%arg15 : memref<!tpu.dma_semaphore, #tpu.memory_space<semaphore_mem>>)
      %dma_wait3A_173 = arith.constant 0 : i32
      %dma_wait3A_174 = tpu.memref_slice %arg7[%add3A_157, %dma_wait3A_173] : memref<80x128xi32, #tpu.memory_space<vmem>> -> memref<1x128xi32, #tpu.memory_space<vmem>>
      %dma_wait3A_175 = tpu.memref_squeeze %dma_wait3A_174 : memref<1x128xi32, #tpu.memory_space<vmem>> -> memref<128xi32, #tpu.memory_space<vmem>>
      %dma_wait3A_176 = arith.constant 0 : i32
      %dma_wait3A_177 = arith.constant 0 : i32
      %dma_wait3A_178 = tpu.memref_slice %arg13[%dma_wait3A_176, %dma_wait3A_177] : memref<10240x32xf32, #tpu.memory_space<vmem_shared>> -> memref<10240x32xf32, #tpu.memory_space<vmem_shared>>
      tpu.wait_indirect_dma semaphore(%arg16 : memref<!tpu.dma_semaphore, #tpu.memory_space<semaphore_mem>>) src(%dma_wait3A_178 : memref<10240x32xf32, #tpu.memory_space<vmem_shared>>) dst(%arg10 : memref<128x32xf32, #tpu.memory_space<vmem>>)
      %dma_start3A_179 = arith.constant 0 : i32
      %dma_start3A_180 = tpu.memref_slice %arg8[%add3A_157, %dma_start3A_179] : memref<80x128xi32, #tpu.memory_space<vmem>> -> memref<1x128xi32, #tpu.memory_space<vmem>>
      %dma_start3A_181 = tpu.memref_squeeze %dma_start3A_180 : memref<1x128xi32, #tpu.memory_space<vmem>> -> memref<128xi32, #tpu.memory_space<vmem>>
      %dma_start3A_182 = arith.constant 0 : i32
      %dma_start3A_183 = arith.constant 0 : i32
      %dma_start3A_184 = tpu.memref_slice %arg14[%dma_start3A_182, %dma_start3A_183] : memref<10240x32xf32, #tpu.memory_space<vmem_shared>> -> memref<10240x32xf32, #tpu.memory_space<vmem_shared>>
      tpu.enqueue_indirect_dma source(%arg10 : memref<128x32xf32, #tpu.memory_space<vmem>>) target(%dma_start3A_184 : memref<10240x32xf32, #tpu.memory_space<vmem_shared>>) offsets(%dma_start3A_181 : memref<128xi32, #tpu.memory_space<vmem>>) semaphore(%arg20 : memref<!tpu.dma_semaphore, #tpu.memory_space<semaphore_mem>>) {add = true}
      %mul3A_185 = arith.constant 4 : i32
      %mul3A_186 = arith.muli %scan3A_126, %mul3A_185 : i32
      %add3A_187 = arith.constant 2 : i32
      %add3A_188 = arith.addi %mul3A_186, %add3A_187 : i32
      %ge3A_189 = arith.constant 1 : i32
      %ge3A_190 = arith.cmpi sge, %add3A_188, %ge3A_189 : i32
      %convert_element_type3A_191 = arith.extui %ge3A_190 : i1 to i32
      %cond3A_192 = arith.constant 0 : i32
      %cond3A_193 = arith.cmpi ne, %convert_element_type3A_191, %cond3A_192 : i32
      scf.if %cond3A_193 {
        %sub3A_247 = arith.constant 1 : i32
        %sub3A_248 = arith.subi %add3A_188, %sub3A_247 : i32
        %dma_wait3A_249 = arith.constant 0 : i32
        %dma_wait3A_250 = tpu.memref_slice %arg8[%sub3A_248, %dma_wait3A_249] : memref<80x128xi32, #tpu.memory_space<vmem>> -> memref<1x128xi32, #tpu.memory_space<vmem>>
        %dma_wait3A_251 = tpu.memref_squeeze %dma_wait3A_250 : memref<1x128xi32, #tpu.memory_space<vmem>> -> memref<128xi32, #tpu.memory_space<vmem>>
        %dma_wait3A_252 = arith.constant 0 : i32
        %dma_wait3A_253 = arith.constant 0 : i32
        %dma_wait3A_254 = tpu.memref_slice %arg14[%dma_wait3A_252, %dma_wait3A_253] : memref<10240x32xf32, #tpu.memory_space<vmem_shared>> -> memref<10240x32xf32, #tpu.memory_space<vmem_shared>>
        tpu.wait_indirect_dma semaphore(%arg20 : memref<!tpu.dma_semaphore, #tpu.memory_space<semaphore_mem>>) src(%arg10 : memref<128x32xf32, #tpu.memory_space<vmem>>) dst(%dma_wait3A_254 : memref<10240x32xf32, #tpu.memory_space<vmem_shared>>)
      } else {
      }
      %add3A_194 = arith.constant 4 : i32
      %add3A_195 = arith.addi %add3A_188, %add3A_194 : i32
      %sub3A_196 = arith.constant 1 : i32
      %sub3A_197 = arith.subi %add3A_195, %sub3A_196 : i32
      %dma_start3A_198 = arith.constant 0 : i32
      %dma_start3A_199 = tpu.memref_slice %arg7[%sub3A_197, %dma_start3A_198] : memref<80x128xi32, #tpu.memory_space<vmem>> -> memref<1x128xi32, #tpu.memory_space<vmem>>
      %dma_start3A_200 = tpu.memref_squeeze %dma_start3A_199 : memref<1x128xi32, #tpu.memory_space<vmem>> -> memref<128xi32, #tpu.memory_space<vmem>>
      %dma_start3A_201 = arith.constant 0 : i32
      %dma_start3A_202 = arith.constant 0 : i32
      %dma_start3A_203 = tpu.memref_slice %arg13[%dma_start3A_201, %dma_start3A_202] : memref<10240x32xf32, #tpu.memory_space<vmem_shared>> -> memref<10240x32xf32, #tpu.memory_space<vmem_shared>>
      tpu.enqueue_indirect_dma source(%dma_start3A_203 : memref<10240x32xf32, #tpu.memory_space<vmem_shared>>) target(%arg10 : memref<128x32xf32, #tpu.memory_space<vmem>>) offsets(%dma_start3A_200 : memref<128xi32, #tpu.memory_space<vmem>>) semaphore(%arg16 : memref<!tpu.dma_semaphore, #tpu.memory_space<semaphore_mem>>)
      %dma_wait3A_204 = arith.constant 0 : i32
      %dma_wait3A_205 = tpu.memref_slice %arg7[%add3A_188, %dma_wait3A_204] : memref<80x128xi32, #tpu.memory_space<vmem>> -> memref<1x128xi32, #tpu.memory_space<vmem>>
      %dma_wait3A_206 = tpu.memref_squeeze %dma_wait3A_205 : memref<1x128xi32, #tpu.memory_space<vmem>> -> memref<128xi32, #tpu.memory_space<vmem>>
      %dma_wait3A_207 = arith.constant 0 : i32
      %dma_wait3A_208 = arith.constant 0 : i32
      %dma_wait3A_209 = tpu.memref_slice %arg13[%dma_wait3A_207, %dma_wait3A_208] : memref<10240x32xf32, #tpu.memory_space<vmem_shared>> -> memref<10240x32xf32, #tpu.memory_space<vmem_shared>>
      tpu.wait_indirect_dma semaphore(%arg17 : memref<!tpu.dma_semaphore, #tpu.memory_space<semaphore_mem>>) src(%dma_wait3A_209 : memref<10240x32xf32, #tpu.memory_space<vmem_shared>>) dst(%arg11 : memref<128x32xf32, #tpu.memory_space<vmem>>)
      %dma_start3A_210 = arith.constant 0 : i32
      %dma_start3A_211 = tpu.memref_slice %arg8[%add3A_188, %dma_start3A_210] : memref<80x128xi32, #tpu.memory_space<vmem>> -> memref<1x128xi32, #tpu.memory_space<vmem>>
      %dma_start3A_212 = tpu.memref_squeeze %dma_start3A_211 : memref<1x128xi32, #tpu.memory_space<vmem>> -> memref<128xi32, #tpu.memory_space<vmem>>
      %dma_start3A_213 = arith.constant 0 : i32
      %dma_start3A_214 = arith.constant 0 : i32
      %dma_start3A_215 = tpu.memref_slice %arg14[%dma_start3A_213, %dma_start3A_214] : memref<10240x32xf32, #tpu.memory_space<vmem_shared>> -> memref<10240x32xf32, #tpu.memory_space<vmem_shared>>
      tpu.enqueue_indirect_dma source(%arg11 : memref<128x32xf32, #tpu.memory_space<vmem>>) target(%dma_start3A_215 : memref<10240x32xf32, #tpu.memory_space<vmem_shared>>) offsets(%dma_start3A_212 : memref<128xi32, #tpu.memory_space<vmem>>) semaphore(%arg21 : memref<!tpu.dma_semaphore, #tpu.memory_space<semaphore_mem>>) {add = true}
      %mul3A_216 = arith.constant 4 : i32
      %mul3A_217 = arith.muli %scan3A_126, %mul3A_216 : i32
      %add3A_218 = arith.constant 3 : i32
      %add3A_219 = arith.addi %mul3A_217, %add3A_218 : i32
      %ge3A_220 = arith.constant 1 : i32
      %ge3A_221 = arith.cmpi sge, %add3A_219, %ge3A_220 : i32
      %convert_element_type3A_222 = arith.extui %ge3A_221 : i1 to i32
      %cond3A_223 = arith.constant 0 : i32
      %cond3A_224 = arith.cmpi ne, %convert_element_type3A_222, %cond3A_223 : i32
      scf.if %cond3A_224 {
        %sub3A_247 = arith.constant 1 : i32
        %sub3A_248 = arith.subi %add3A_219, %sub3A_247 : i32
        %dma_wait3A_249 = arith.constant 0 : i32
        %dma_wait3A_250 = tpu.memref_slice %arg8[%sub3A_248, %dma_wait3A_249] : memref<80x128xi32, #tpu.memory_space<vmem>> -> memref<1x128xi32, #tpu.memory_space<vmem>>
        %dma_wait3A_251 = tpu.memref_squeeze %dma_wait3A_250 : memref<1x128xi32, #tpu.memory_space<vmem>> -> memref<128xi32, #tpu.memory_space<vmem>>
        %dma_wait3A_252 = arith.constant 0 : i32
        %dma_wait3A_253 = arith.constant 0 : i32
        %dma_wait3A_254 = tpu.memref_slice %arg14[%dma_wait3A_252, %dma_wait3A_253] : memref<10240x32xf32, #tpu.memory_space<vmem_shared>> -> memref<10240x32xf32, #tpu.memory_space<vmem_shared>>
        tpu.wait_indirect_dma semaphore(%arg21 : memref<!tpu.dma_semaphore, #tpu.memory_space<semaphore_mem>>) src(%arg11 : memref<128x32xf32, #tpu.memory_space<vmem>>) dst(%dma_wait3A_254 : memref<10240x32xf32, #tpu.memory_space<vmem_shared>>)
      } else {
      }
      %add3A_225 = arith.constant 4 : i32
      %add3A_226 = arith.addi %add3A_219, %add3A_225 : i32
      %sub3A_227 = arith.constant 1 : i32
      %sub3A_228 = arith.subi %add3A_226, %sub3A_227 : i32
      %dma_start3A_229 = arith.constant 0 : i32
      %dma_start3A_230 = tpu.memref_slice %arg7[%sub3A_228, %dma_start3A_229] : memref<80x128xi32, #tpu.memory_space<vmem>> -> memref<1x128xi32, #tpu.memory_space<vmem>>
      %dma_start3A_231 = tpu.memref_squeeze %dma_start3A_230 : memref<1x128xi32, #tpu.memory_space<vmem>> -> memref<128xi32, #tpu.memory_space<vmem>>
      %dma_start3A_232 = arith.constant 0 : i32
      %dma_start3A_233 = arith.constant 0 : i32
      %dma_start3A_234 = tpu.memref_slice %arg13[%dma_start3A_232, %dma_start3A_233] : memref<10240x32xf32, #tpu.memory_space<vmem_shared>> -> memref<10240x32xf32, #tpu.memory_space<vmem_shared>>
      tpu.enqueue_indirect_dma source(%dma_start3A_234 : memref<10240x32xf32, #tpu.memory_space<vmem_shared>>) target(%arg11 : memref<128x32xf32, #tpu.memory_space<vmem>>) offsets(%dma_start3A_231 : memref<128xi32, #tpu.memory_space<vmem>>) semaphore(%arg17 : memref<!tpu.dma_semaphore, #tpu.memory_space<semaphore_mem>>)
      %dma_wait3A_235 = arith.constant 0 : i32
      %dma_wait3A_236 = tpu.memref_slice %arg7[%add3A_219, %dma_wait3A_235] : memref<80x128xi32, #tpu.memory_space<vmem>> -> memref<1x128xi32, #tpu.memory_space<vmem>>
      %dma_wait3A_237 = tpu.memref_squeeze %dma_wait3A_236 : memref<1x128xi32, #tpu.memory_space<vmem>> -> memref<128xi32, #tpu.memory_space<vmem>>
      %dma_wait3A_238 = arith.constant 0 : i32
      %dma_wait3A_239 = arith.constant 0 : i32
      %dma_wait3A_240 = tpu.memref_slice %arg13[%dma_wait3A_238, %dma_wait3A_239] : memref<10240x32xf32, #tpu.memory_space<vmem_shared>> -> memref<10240x32xf32, #tpu.memory_space<vmem_shared>>
      tpu.wait_indirect_dma semaphore(%arg18 : memref<!tpu.dma_semaphore, #tpu.memory_space<semaphore_mem>>) src(%dma_wait3A_240 : memref<10240x32xf32, #tpu.memory_space<vmem_shared>>) dst(%arg12 : memref<128x32xf32, #tpu.memory_space<vmem>>)
      %dma_start3A_241 = arith.constant 0 : i32
      %dma_start3A_242 = tpu.memref_slice %arg8[%add3A_219, %dma_start3A_241] : memref<80x128xi32, #tpu.memory_space<vmem>> -> memref<1x128xi32, #tpu.memory_space<vmem>>
      %dma_start3A_243 = tpu.memref_squeeze %dma_start3A_242 : memref<1x128xi32, #tpu.memory_space<vmem>> -> memref<128xi32, #tpu.memory_space<vmem>>
      %dma_start3A_244 = arith.constant 0 : i32
      %dma_start3A_245 = arith.constant 0 : i32
      %dma_start3A_246 = tpu.memref_slice %arg14[%dma_start3A_244, %dma_start3A_245] : memref<10240x32xf32, #tpu.memory_space<vmem_shared>> -> memref<10240x32xf32, #tpu.memory_space<vmem_shared>>
      tpu.enqueue_indirect_dma source(%arg12 : memref<128x32xf32, #tpu.memory_space<vmem>>) target(%dma_start3A_246 : memref<10240x32xf32, #tpu.memory_space<vmem_shared>>) offsets(%dma_start3A_243 : memref<128xi32, #tpu.memory_space<vmem>>) semaphore(%arg22 : memref<!tpu.dma_semaphore, #tpu.memory_space<semaphore_mem>>) {add = true}
    }
    %scan3A_27 = arith.constant 19 : i32
    %dma_wait3A = arith.constant 75 : i32
    %dma_wait3A_28 = arith.constant 0 : i32
    %dma_wait3A_29 = tpu.memref_slice %arg8[%dma_wait3A, %dma_wait3A_28] : memref<80x128xi32, #tpu.memory_space<vmem>> -> memref<1x128xi32, #tpu.memory_space<vmem>>
    %dma_wait3A_30 = tpu.memref_squeeze %dma_wait3A_29 : memref<1x128xi32, #tpu.memory_space<vmem>> -> memref<128xi32, #tpu.memory_space<vmem>>
    %dma_wait3A_31 = arith.constant 0 : i32
    %dma_wait3A_32 = arith.constant 0 : i32
    %dma_wait3A_33 = tpu.memref_slice %arg14[%dma_wait3A_31, %dma_wait3A_32] : memref<10240x32xf32, #tpu.memory_space<vmem_shared>> -> memref<10240x32xf32, #tpu.memory_space<vmem_shared>>
    tpu.wait_indirect_dma semaphore(%arg22 : memref<!tpu.dma_semaphore, #tpu.memory_space<semaphore_mem>>) src(%arg12 : memref<128x32xf32, #tpu.memory_space<vmem>>) dst(%dma_wait3A_33 : memref<10240x32xf32, #tpu.memory_space<vmem_shared>>)
    %dma_start3A_34 = arith.constant 79 : i32
    %dma_start3A_35 = arith.constant 0 : i32
    %dma_start3A_36 = tpu.memref_slice %arg7[%dma_start3A_34, %dma_start3A_35] : memref<80x128xi32, #tpu.memory_space<vmem>> -> memref<1x128xi32, #tpu.memory_space<vmem>>
    %dma_start3A_37 = tpu.memref_squeeze %dma_start3A_36 : memref<1x128xi32, #tpu.memory_space<vmem>> -> memref<128xi32, #tpu.memory_space<vmem>>
    %dma_start3A_38 = arith.constant 0 : i32
    %dma_start3A_39 = arith.constant 0 : i32
    %dma_start3A_40 = tpu.memref_slice %arg13[%dma_start3A_38, %dma_start3A_39] : memref<10240x32xf32, #tpu.memory_space<vmem_shared>> -> memref<10240x32xf32, #tpu.memory_space<vmem_shared>>
    tpu.enqueue_indirect_dma source(%dma_start3A_40 : memref<10240x32xf32, #tpu.memory_space<vmem_shared>>) target(%arg12 : memref<128x32xf32, #tpu.memory_space<vmem>>) offsets(%dma_start3A_37 : memref<128xi32, #tpu.memory_space<vmem>>) semaphore(%arg18 : memref<!tpu.dma_semaphore, #tpu.memory_space<semaphore_mem>>)
    %dma_wait3A_41 = arith.constant 76 : i32
    %dma_wait3A_42 = arith.constant 0 : i32
    %dma_wait3A_43 = tpu.memref_slice %arg7[%dma_wait3A_41, %dma_wait3A_42] : memref<80x128xi32, #tpu.memory_space<vmem>> -> memref<1x128xi32, #tpu.memory_space<vmem>>
    %dma_wait3A_44 = tpu.memref_squeeze %dma_wait3A_43 : memref<1x128xi32, #tpu.memory_space<vmem>> -> memref<128xi32, #tpu.memory_space<vmem>>
    %dma_wait3A_45 = arith.constant 0 : i32
    %dma_wait3A_46 = arith.constant 0 : i32
    %dma_wait3A_47 = tpu.memref_slice %arg13[%dma_wait3A_45, %dma_wait3A_46] : memref<10240x32xf32, #tpu.memory_space<vmem_shared>> -> memref<10240x32xf32, #tpu.memory_space<vmem_shared>>
    tpu.wait_indirect_dma semaphore(%arg15 : memref<!tpu.dma_semaphore, #tpu.memory_space<semaphore_mem>>) src(%dma_wait3A_47 : memref<10240x32xf32, #tpu.memory_space<vmem_shared>>) dst(%arg9 : memref<128x32xf32, #tpu.memory_space<vmem>>)
    %dma_start3A_48 = arith.constant 76 : i32
    %dma_start3A_49 = arith.constant 0 : i32
    %dma_start3A_50 = tpu.memref_slice %arg8[%dma_start3A_48, %dma_start3A_49] : memref<80x128xi32, #tpu.memory_space<vmem>> -> memref<1x128xi32, #tpu.memory_space<vmem>>
    %dma_start3A_51 = tpu.memref_squeeze %dma_start3A_50 : memref<1x128xi32, #tpu.memory_space<vmem>> -> memref<128xi32, #tpu.memory_space<vmem>>
    %dma_start3A_52 = arith.constant 0 : i32
    %dma_start3A_53 = arith.constant 0 : i32
    %dma_start3A_54 = tpu.memref_slice %arg14[%dma_start3A_52, %dma_start3A_53] : memref<10240x32xf32, #tpu.memory_space<vmem_shared>> -> memref<10240x32xf32, #tpu.memory_space<vmem_shared>>
    tpu.enqueue_indirect_dma source(%arg9 : memref<128x32xf32, #tpu.memory_space<vmem>>) target(%dma_start3A_54 : memref<10240x32xf32, #tpu.memory_space<vmem_shared>>) offsets(%dma_start3A_51 : memref<128xi32, #tpu.memory_space<vmem>>) semaphore(%arg19 : memref<!tpu.dma_semaphore, #tpu.memory_space<semaphore_mem>>) {add = true}
    %dma_wait3A_55 = arith.constant 77 : i32
    %dma_wait3A_56 = arith.constant 0 : i32
    %dma_wait3A_57 = tpu.memref_slice %arg7[%dma_wait3A_55, %dma_wait3A_56] : memref<80x128xi32, #tpu.memory_space<vmem>> -> memref<1x128xi32, #tpu.memory_space<vmem>>
    %dma_wait3A_58 = tpu.memref_squeeze %dma_wait3A_57 : memref<1x128xi32, #tpu.memory_space<vmem>> -> memref<128xi32, #tpu.memory_space<vmem>>
    %dma_wait3A_59 = arith.constant 0 : i32
    %dma_wait3A_60 = arith.constant 0 : i32
    %dma_wait3A_61 = tpu.memref_slice %arg13[%dma_wait3A_59, %dma_wait3A_60] : memref<10240x32xf32, #tpu.memory_space<vmem_shared>> -> memref<10240x32xf32, #tpu.memory_space<vmem_shared>>
    tpu.wait_indirect_dma semaphore(%arg16 : memref<!tpu.dma_semaphore, #tpu.memory_space<semaphore_mem>>) src(%dma_wait3A_61 : memref<10240x32xf32, #tpu.memory_space<vmem_shared>>) dst(%arg10 : memref<128x32xf32, #tpu.memory_space<vmem>>)
    %dma_start3A_62 = arith.constant 77 : i32
    %dma_start3A_63 = arith.constant 0 : i32
    %dma_start3A_64 = tpu.memref_slice %arg8[%dma_start3A_62, %dma_start3A_63] : memref<80x128xi32, #tpu.memory_space<vmem>> -> memref<1x128xi32, #tpu.memory_space<vmem>>
    %dma_start3A_65 = tpu.memref_squeeze %dma_start3A_64 : memref<1x128xi32, #tpu.memory_space<vmem>> -> memref<128xi32, #tpu.memory_space<vmem>>
    %dma_start3A_66 = arith.constant 0 : i32
    %dma_start3A_67 = arith.constant 0 : i32
    %dma_start3A_68 = tpu.memref_slice %arg14[%dma_start3A_66, %dma_start3A_67] : memref<10240x32xf32, #tpu.memory_space<vmem_shared>> -> memref<10240x32xf32, #tpu.memory_space<vmem_shared>>
    tpu.enqueue_indirect_dma source(%arg10 : memref<128x32xf32, #tpu.memory_space<vmem>>) target(%dma_start3A_68 : memref<10240x32xf32, #tpu.memory_space<vmem_shared>>) offsets(%dma_start3A_65 : memref<128xi32, #tpu.memory_space<vmem>>) semaphore(%arg20 : memref<!tpu.dma_semaphore, #tpu.memory_space<semaphore_mem>>) {add = true}
    %dma_wait3A_69 = arith.constant 78 : i32
    %dma_wait3A_70 = arith.constant 0 : i32
    %dma_wait3A_71 = tpu.memref_slice %arg7[%dma_wait3A_69, %dma_wait3A_70] : memref<80x128xi32, #tpu.memory_space<vmem>> -> memref<1x128xi32, #tpu.memory_space<vmem>>
    %dma_wait3A_72 = tpu.memref_squeeze %dma_wait3A_71 : memref<1x128xi32, #tpu.memory_space<vmem>> -> memref<128xi32, #tpu.memory_space<vmem>>
    %dma_wait3A_73 = arith.constant 0 : i32
    %dma_wait3A_74 = arith.constant 0 : i32
    %dma_wait3A_75 = tpu.memref_slice %arg13[%dma_wait3A_73, %dma_wait3A_74] : memref<10240x32xf32, #tpu.memory_space<vmem_shared>> -> memref<10240x32xf32, #tpu.memory_space<vmem_shared>>
    tpu.wait_indirect_dma semaphore(%arg17 : memref<!tpu.dma_semaphore, #tpu.memory_space<semaphore_mem>>) src(%dma_wait3A_75 : memref<10240x32xf32, #tpu.memory_space<vmem_shared>>) dst(%arg11 : memref<128x32xf32, #tpu.memory_space<vmem>>)
    %dma_start3A_76 = arith.constant 78 : i32
    %dma_start3A_77 = arith.constant 0 : i32
    %dma_start3A_78 = tpu.memref_slice %arg8[%dma_start3A_76, %dma_start3A_77] : memref<80x128xi32, #tpu.memory_space<vmem>> -> memref<1x128xi32, #tpu.memory_space<vmem>>
    %dma_start3A_79 = tpu.memref_squeeze %dma_start3A_78 : memref<1x128xi32, #tpu.memory_space<vmem>> -> memref<128xi32, #tpu.memory_space<vmem>>
    %dma_start3A_80 = arith.constant 0 : i32
    %dma_start3A_81 = arith.constant 0 : i32
    %dma_start3A_82 = tpu.memref_slice %arg14[%dma_start3A_80, %dma_start3A_81] : memref<10240x32xf32, #tpu.memory_space<vmem_shared>> -> memref<10240x32xf32, #tpu.memory_space<vmem_shared>>
    tpu.enqueue_indirect_dma source(%arg11 : memref<128x32xf32, #tpu.memory_space<vmem>>) target(%dma_start3A_82 : memref<10240x32xf32, #tpu.memory_space<vmem_shared>>) offsets(%dma_start3A_79 : memref<128xi32, #tpu.memory_space<vmem>>) semaphore(%arg21 : memref<!tpu.dma_semaphore, #tpu.memory_space<semaphore_mem>>) {add = true}
    %dma_wait3A_83 = arith.constant 79 : i32
    %dma_wait3A_84 = arith.constant 0 : i32
    %dma_wait3A_85 = tpu.memref_slice %arg7[%dma_wait3A_83, %dma_wait3A_84] : memref<80x128xi32, #tpu.memory_space<vmem>> -> memref<1x128xi32, #tpu.memory_space<vmem>>
    %dma_wait3A_86 = tpu.memref_squeeze %dma_wait3A_85 : memref<1x128xi32, #tpu.memory_space<vmem>> -> memref<128xi32, #tpu.memory_space<vmem>>
    %dma_wait3A_87 = arith.constant 0 : i32
    %dma_wait3A_88 = arith.constant 0 : i32
    %dma_wait3A_89 = tpu.memref_slice %arg13[%dma_wait3A_87, %dma_wait3A_88] : memref<10240x32xf32, #tpu.memory_space<vmem_shared>> -> memref<10240x32xf32, #tpu.memory_space<vmem_shared>>
    tpu.wait_indirect_dma semaphore(%arg18 : memref<!tpu.dma_semaphore, #tpu.memory_space<semaphore_mem>>) src(%dma_wait3A_89 : memref<10240x32xf32, #tpu.memory_space<vmem_shared>>) dst(%arg12 : memref<128x32xf32, #tpu.memory_space<vmem>>)
    %dma_start3A_90 = arith.constant 79 : i32
    %dma_start3A_91 = arith.constant 0 : i32
    %dma_start3A_92 = tpu.memref_slice %arg8[%dma_start3A_90, %dma_start3A_91] : memref<80x128xi32, #tpu.memory_space<vmem>> -> memref<1x128xi32, #tpu.memory_space<vmem>>
    %dma_start3A_93 = tpu.memref_squeeze %dma_start3A_92 : memref<1x128xi32, #tpu.memory_space<vmem>> -> memref<128xi32, #tpu.memory_space<vmem>>
    %dma_start3A_94 = arith.constant 0 : i32
    %dma_start3A_95 = arith.constant 0 : i32
    %dma_start3A_96 = tpu.memref_slice %arg14[%dma_start3A_94, %dma_start3A_95] : memref<10240x32xf32, #tpu.memory_space<vmem_shared>> -> memref<10240x32xf32, #tpu.memory_space<vmem_shared>>
    tpu.enqueue_indirect_dma source(%arg12 : memref<128x32xf32, #tpu.memory_space<vmem>>) target(%dma_start3A_96 : memref<10240x32xf32, #tpu.memory_space<vmem_shared>>) offsets(%dma_start3A_93 : memref<128xi32, #tpu.memory_space<vmem>>) semaphore(%arg22 : memref<!tpu.dma_semaphore, #tpu.memory_space<semaphore_mem>>) {add = true}
    %dma_wait3A_97 = arith.constant 76 : i32
    %dma_wait3A_98 = arith.constant 0 : i32
    %dma_wait3A_99 = tpu.memref_slice %arg8[%dma_wait3A_97, %dma_wait3A_98] : memref<80x128xi32, #tpu.memory_space<vmem>> -> memref<1x128xi32, #tpu.memory_space<vmem>>
    %dma_wait3A_100 = tpu.memref_squeeze %dma_wait3A_99 : memref<1x128xi32, #tpu.memory_space<vmem>> -> memref<128xi32, #tpu.memory_space<vmem>>
    %dma_wait3A_101 = arith.constant 0 : i32
    %dma_wait3A_102 = arith.constant 0 : i32
    %dma_wait3A_103 = tpu.memref_slice %arg14[%dma_wait3A_101, %dma_wait3A_102] : memref<10240x32xf32, #tpu.memory_space<vmem_shared>> -> memref<10240x32xf32, #tpu.memory_space<vmem_shared>>
    tpu.wait_indirect_dma semaphore(%arg19 : memref<!tpu.dma_semaphore, #tpu.memory_space<semaphore_mem>>) src(%arg9 : memref<128x32xf32, #tpu.memory_space<vmem>>) dst(%dma_wait3A_103 : memref<10240x32xf32, #tpu.memory_space<vmem_shared>>)
    %dma_wait3A_104 = arith.constant 77 : i32
    %dma_wait3A_105 = arith.constant 0 : i32
    %dma_wait3A_106 = tpu.memref_slice %arg8[%dma_wait3A_104, %dma_wait3A_105] : memref<80x128xi32, #tpu.memory_space<vmem>> -> memref<1x128xi32, #tpu.memory_space<vmem>>
    %dma_wait3A_107 = tpu.memref_squeeze %dma_wait3A_106 : memref<1x128xi32, #tpu.memory_space<vmem>> -> memref<128xi32, #tpu.memory_space<vmem>>
    %dma_wait3A_108 = arith.constant 0 : i32
    %dma_wait3A_109 = arith.constant 0 : i32
    %dma_wait3A_110 = tpu.memref_slice %arg14[%dma_wait3A_108, %dma_wait3A_109] : memref<10240x32xf32, #tpu.memory_space<vmem_shared>> -> memref<10240x32xf32, #tpu.memory_space<vmem_shared>>
    tpu.wait_indirect_dma semaphore(%arg20 : memref<!tpu.dma_semaphore, #tpu.memory_space<semaphore_mem>>) src(%arg10 : memref<128x32xf32, #tpu.memory_space<vmem>>) dst(%dma_wait3A_110 : memref<10240x32xf32, #tpu.memory_space<vmem_shared>>)
    %dma_wait3A_111 = arith.constant 78 : i32
    %dma_wait3A_112 = arith.constant 0 : i32
    %dma_wait3A_113 = tpu.memref_slice %arg8[%dma_wait3A_111, %dma_wait3A_112] : memref<80x128xi32, #tpu.memory_space<vmem>> -> memref<1x128xi32, #tpu.memory_space<vmem>>
    %dma_wait3A_114 = tpu.memref_squeeze %dma_wait3A_113 : memref<1x128xi32, #tpu.memory_space<vmem>> -> memref<128xi32, #tpu.memory_space<vmem>>
    %dma_wait3A_115 = arith.constant 0 : i32
    %dma_wait3A_116 = arith.constant 0 : i32
    %dma_wait3A_117 = tpu.memref_slice %arg14[%dma_wait3A_115, %dma_wait3A_116] : memref<10240x32xf32, #tpu.memory_space<vmem_shared>> -> memref<10240x32xf32, #tpu.memory_space<vmem_shared>>
    tpu.wait_indirect_dma semaphore(%arg21 : memref<!tpu.dma_semaphore, #tpu.memory_space<semaphore_mem>>) src(%arg11 : memref<128x32xf32, #tpu.memory_space<vmem>>) dst(%dma_wait3A_117 : memref<10240x32xf32, #tpu.memory_space<vmem_shared>>)
    %dma_wait3A_118 = arith.constant 79 : i32
    %dma_wait3A_119 = arith.constant 0 : i32
    %dma_wait3A_120 = tpu.memref_slice %arg8[%dma_wait3A_118, %dma_wait3A_119] : memref<80x128xi32, #tpu.memory_space<vmem>> -> memref<1x128xi32, #tpu.memory_space<vmem>>
    %dma_wait3A_121 = tpu.memref_squeeze %dma_wait3A_120 : memref<1x128xi32, #tpu.memory_space<vmem>> -> memref<128xi32, #tpu.memory_space<vmem>>
    %dma_wait3A_122 = arith.constant 0 : i32
    %dma_wait3A_123 = arith.constant 0 : i32
    %dma_wait3A_124 = tpu.memref_slice %arg14[%dma_wait3A_122, %dma_wait3A_123] : memref<10240x32xf32, #tpu.memory_space<vmem_shared>> -> memref<10240x32xf32, #tpu.memory_space<vmem_shared>>
    tpu.wait_indirect_dma semaphore(%arg22 : memref<!tpu.dma_semaphore, #tpu.memory_space<semaphore_mem>>) src(%arg12 : memref<128x32xf32, #tpu.memory_space<vmem>>) dst(%dma_wait3A_124 : memref<10240x32xf32, #tpu.memory_space<vmem_shared>>)
    %barrier3A_125 = arith.constant 0 : index
    tpu.barrier barrier_id(%barrier3A_125)
    "tpu.region"() ({
      %run_scoped3A = tpu.sem_alloc : memref<!tpu.dma_semaphore, #tpu.memory_space<semaphore_mem>>
      %dma_start3A_126 = arith.constant 0 : i32
      %dma_start3A_127 = tpu.memref_slice %arg6[%arg0, %mul3A_2, %dma_start3A_126] : memref<2x10240x32xf32, #tpu.memory_space<hbm>> -> memref<1x640x32xf32, #tpu.memory_space<hbm>>
      %dma_start3A_128 = tpu.memref_squeeze %dma_start3A_127 : memref<1x640x32xf32, #tpu.memory_space<hbm>> -> memref<640x32xf32, #tpu.memory_space<hbm>>
      %dma_start3A_129 = arith.constant 0 : i32
      %dma_start3A_130 = tpu.memref_slice %arg14[%mul3A_2, %dma_start3A_129] : memref<10240x32xf32, #tpu.memory_space<vmem_shared>> -> memref<640x32xf32, #tpu.memory_space<vmem_shared>>
      tpu.enqueue_dma source(%dma_start3A_130 : memref<640x32xf32, #tpu.memory_space<vmem_shared>>) target(%dma_start3A_128 : memref<640x32xf32, #tpu.memory_space<hbm>>) target_semaphore(%run_scoped3A : memref<!tpu.dma_semaphore, #tpu.memory_space<semaphore_mem>>)
      %dma_wait3A_131 = arith.constant 0 : i32
      %dma_wait3A_132 = tpu.memref_slice %arg6[%arg0, %mul3A_2, %dma_wait3A_131] : memref<2x10240x32xf32, #tpu.memory_space<hbm>> -> memref<1x640x32xf32, #tpu.memory_space<hbm>>
      %dma_wait3A_133 = tpu.memref_squeeze %dma_wait3A_132 : memref<1x640x32xf32, #tpu.memory_space<hbm>> -> memref<640x32xf32, #tpu.memory_space<hbm>>
      %dma_wait3A_134 = arith.constant 0 : i32
      %dma_wait3A_135 = tpu.memref_slice %arg14[%mul3A_2, %dma_wait3A_134] : memref<10240x32xf32, #tpu.memory_space<vmem_shared>> -> memref<640x32xf32, #tpu.memory_space<vmem_shared>>
      tpu.wait_dma2 semaphore(%run_scoped3A : memref<!tpu.dma_semaphore, #tpu.memory_space<semaphore_mem>>) src(%dma_wait3A_135 : memref<640x32xf32, #tpu.memory_space<vmem_shared>>) dst(%dma_wait3A_133 : memref<640x32xf32, #tpu.memory_space<hbm>>)
      tpu.yield
    }) : () -> ()
    return
  }
}

#map = affine_map<(d0, d1) -> (0, 0, 0)>
#map1 = affine_map<(d0, d1) -> (0, 0)>
module attributes {stable_mosaic.version = 14 : i64} {
  func.func @body(%arg0: i32, %arg1: i32, %arg2: memref<32x80x128xi32, #tpu.memory_space<hbm>>, %arg3: memref<32x80x128xi32, #tpu.memory_space<hbm>>, %arg4: memref<10240x32xf32, #tpu.memory_space<hbm>>, %arg5: memref<640x32xf32, #tpu.memory_space<hbm>>, %arg6: memref<2x10240x32xf32, #tpu.memory_space<hbm>>, %arg7: memref<80x128xi32, #tpu.memory_space<vmem>>, %arg8: memref<80x128xi32, #tpu.memory_space<vmem>>, %arg9: memref<128x32xf32, #tpu.memory_space<vmem>>, %arg10: memref<128x32xf32, #tpu.memory_space<vmem>>, %arg11: memref<128x32xf32, #tpu.memory_space<vmem>>, %arg12: memref<128x32xf32, #tpu.memory_space<vmem>>, %arg13: memref<10240x32xf32, #tpu.memory_space<vmem_shared>>, %arg14: memref<10240x32xf32, #tpu.memory_space<vmem_shared>>, %arg15: memref<!tpu.dma_semaphore, #tpu.memory_space<semaphore_mem>>, %arg16: memref<!tpu.dma_semaphore, #tpu.memory_space<semaphore_mem>>, %arg17: memref<!tpu.dma_semaphore, #tpu.memory_space<semaphore_mem>>, %arg18: memref<!tpu.dma_semaphore, #tpu.memory_space<semaphore_mem>>, %arg19: memref<!tpu.dma_semaphore, #tpu.memory_space<semaphore_mem>>, %arg20: memref<!tpu.dma_semaphore, #tpu.memory_space<semaphore_mem>>, %arg21: memref<!tpu.dma_semaphore, #tpu.memory_space<semaphore_mem>>, %arg22: memref<!tpu.dma_semaphore, #tpu.memory_space<semaphore_mem>>) attributes {dimension_semantics = [#tpu.dimension_semantics<core_parallel>, #tpu.dimension_semantics<subcore_parallel>], iteration_bounds = array<i64: 2, 16>, scalar_prefetch = 0 : i64, scratch_operands = 16 : i64, tpu.core_type = #tpu.core_type<sc_vector_subcore>, window_params = [{transform_indices = #map}, {transform_indices = #map}, {transform_indices = #map1}, {transform_indices = #map1}, {transform_indices = #map}]} {
    %mul3A = arith.constant 2 : i32
    %mul3A_0 = arith.muli %arg1, %mul3A : i32
    %add3A = arith.addi %mul3A_0, %arg0 : i32
    %mul3A_1 = arith.constant 640 : i32
    %mul3A_2 = arith.muli %arg1, %mul3A_1 : i32
    "tpu.region"() ({
      %run_scoped3A = tpu.sem_alloc : memref<!tpu.dma_semaphore, #tpu.memory_space<semaphore_mem>>
      %dma_start3A_126 = arith.constant 0 : i32
      %dma_start3A_127 = tpu.memref_slice %arg13[%mul3A_2, %dma_start3A_126] : memref<10240x32xf32, #tpu.memory_space<vmem_shared>> -> memref<640x32xf32, #tpu.memory_space<vmem_shared>>
      %dma_start3A_128 = arith.constant 0 : i32
      %dma_start3A_129 = tpu.memref_slice %arg4[%mul3A_2, %dma_start3A_128] : memref<10240x32xf32, #tpu.memory_space<hbm>> -> memref<640x32xf32, #tpu.memory_space<hbm>>
      tpu.enqueue_dma source(%dma_start3A_129 : memref<640x32xf32, #tpu.memory_space<hbm>>) target(%dma_start3A_127 : memref<640x32xf32, #tpu.memory_space<vmem_shared>>) target_semaphore(%run_scoped3A : memref<!tpu.dma_semaphore, #tpu.memory_space<semaphore_mem>>)
      %dma_wait3A_130 = arith.constant 0 : i32
      %dma_wait3A_131 = tpu.memref_slice %arg13[%mul3A_2, %dma_wait3A_130] : memref<10240x32xf32, #tpu.memory_space<vmem_shared>> -> memref<640x32xf32, #tpu.memory_space<vmem_shared>>
      %dma_wait3A_132 = arith.constant 0 : i32
      %dma_wait3A_133 = tpu.memref_slice %arg4[%mul3A_2, %dma_wait3A_132] : memref<10240x32xf32, #tpu.memory_space<hbm>> -> memref<640x32xf32, #tpu.memory_space<hbm>>
      tpu.wait_dma2 semaphore(%run_scoped3A : memref<!tpu.dma_semaphore, #tpu.memory_space<semaphore_mem>>) src(%dma_wait3A_133 : memref<640x32xf32, #tpu.memory_space<hbm>>) dst(%dma_wait3A_131 : memref<640x32xf32, #tpu.memory_space<vmem_shared>>)
      tpu.yield
    }) : () -> ()
    "tpu.region"() ({
      %run_scoped3A = tpu.sem_alloc : memref<!tpu.dma_semaphore, #tpu.memory_space<semaphore_mem>>
      %dma_start3A_126 = arith.constant 0 : i32
      %dma_start3A_127 = tpu.memref_slice %arg14[%mul3A_2, %dma_start3A_126] : memref<10240x32xf32, #tpu.memory_space<vmem_shared>> -> memref<640x32xf32, #tpu.memory_space<vmem_shared>>
      tpu.enqueue_dma source(%arg5 : memref<640x32xf32, #tpu.memory_space<hbm>>) target(%dma_start3A_127 : memref<640x32xf32, #tpu.memory_space<vmem_shared>>) target_semaphore(%run_scoped3A : memref<!tpu.dma_semaphore, #tpu.memory_space<semaphore_mem>>)
      %dma_wait3A_128 = arith.constant 0 : i32
      %dma_wait3A_129 = tpu.memref_slice %arg14[%mul3A_2, %dma_wait3A_128] : memref<10240x32xf32, #tpu.memory_space<vmem_shared>> -> memref<640x32xf32, #tpu.memory_space<vmem_shared>>
      tpu.wait_dma2 semaphore(%run_scoped3A : memref<!tpu.dma_semaphore, #tpu.memory_space<semaphore_mem>>) src(%arg5 : memref<640x32xf32, #tpu.memory_space<hbm>>) dst(%dma_wait3A_129 : memref<640x32xf32, #tpu.memory_space<vmem_shared>>)
      tpu.yield
    }) : () -> ()
    "tpu.region"() ({
      %run_scoped3A = tpu.sem_alloc : memref<!tpu.dma_semaphore, #tpu.memory_space<semaphore_mem>>
      %dma_start3A_126 = arith.constant 0 : i32
      %dma_start3A_127 = arith.constant 0 : i32
      %dma_start3A_128 = tpu.memref_slice %arg2[%add3A, %dma_start3A_126, %dma_start3A_127] : memref<32x80x128xi32, #tpu.memory_space<hbm>> -> memref<1x80x128xi32, #tpu.memory_space<hbm>>
      %dma_start3A_129 = tpu.memref_squeeze %dma_start3A_128 : memref<1x80x128xi32, #tpu.memory_space<hbm>> -> memref<80x128xi32, #tpu.memory_space<hbm>>
      %dma_start3A_130 = arith.constant 0 : i32
      %dma_start3A_131 = arith.constant 0 : i32
      %dma_start3A_132 = tpu.memref_slice %arg2[%add3A, %dma_start3A_130, %dma_start3A_131] : memref<32x80x128xi32, #tpu.memory_space<hbm>> -> memref<1x80x128xi32, #tpu.memory_space<hbm>>
      %dma_start3A_133 = tpu.memref_squeeze %dma_start3A_132 : memref<1x80x128xi32, #tpu.memory_space<hbm>> -> memref<80x128xi32, #tpu.memory_space<hbm>>
      tpu.enqueue_dma source(%dma_start3A_133 : memref<80x128xi32, #tpu.memory_space<hbm>>) target(%arg7 : memref<80x128xi32, #tpu.memory_space<vmem>>) target_semaphore(%run_scoped3A : memref<!tpu.dma_semaphore, #tpu.memory_space<semaphore_mem>>)
      %dma_wait3A_134 = arith.constant 0 : i32
      %dma_wait3A_135 = arith.constant 0 : i32
      %dma_wait3A_136 = tpu.memref_slice %arg2[%add3A, %dma_wait3A_134, %dma_wait3A_135] : memref<32x80x128xi32, #tpu.memory_space<hbm>> -> memref<1x80x128xi32, #tpu.memory_space<hbm>>
      %dma_wait3A_137 = tpu.memref_squeeze %dma_wait3A_136 : memref<1x80x128xi32, #tpu.memory_space<hbm>> -> memref<80x128xi32, #tpu.memory_space<hbm>>
      %dma_wait3A_138 = arith.constant 0 : i32
      %dma_wait3A_139 = arith.constant 0 : i32
      %dma_wait3A_140 = tpu.memref_slice %arg2[%add3A, %dma_wait3A_138, %dma_wait3A_139] : memref<32x80x128xi32, #tpu.memory_space<hbm>> -> memref<1x80x128xi32, #tpu.memory_space<hbm>>
      %dma_wait3A_141 = tpu.memref_squeeze %dma_wait3A_140 : memref<1x80x128xi32, #tpu.memory_space<hbm>> -> memref<80x128xi32, #tpu.memory_space<hbm>>
      tpu.wait_dma2 semaphore(%run_scoped3A : memref<!tpu.dma_semaphore, #tpu.memory_space<semaphore_mem>>) src(%dma_wait3A_141 : memref<80x128xi32, #tpu.memory_space<hbm>>) dst(%arg7 : memref<80x128xi32, #tpu.memory_space<vmem>>)
      tpu.yield
    }) : () -> ()
    "tpu.region"() ({
      %run_scoped3A = tpu.sem_alloc : memref<!tpu.dma_semaphore, #tpu.memory_space<semaphore_mem>>
      %dma_start3A_126 = arith.constant 0 : i32
      %dma_start3A_127 = arith.constant 0 : i32
      %dma_start3A_128 = tpu.memref_slice %arg3[%add3A, %dma_start3A_126, %dma_start3A_127] : memref<32x80x128xi32, #tpu.memory_space<hbm>> -> memref<1x80x128xi32, #tpu.memory_space<hbm>>
      %dma_start3A_129 = tpu.memref_squeeze %dma_start3A_128 : memref<1x80x128xi32, #tpu.memory_space<hbm>> -> memref<80x128xi32, #tpu.memory_space<hbm>>
      %dma_start3A_130 = arith.constant 0 : i32
      %dma_start3A_131 = arith.constant 0 : i32
      %dma_start3A_132 = tpu.memref_slice %arg3[%add3A, %dma_start3A_130, %dma_start3A_131] : memref<32x80x128xi32, #tpu.memory_space<hbm>> -> memref<1x80x128xi32, #tpu.memory_space<hbm>>
      %dma_start3A_133 = tpu.memref_squeeze %dma_start3A_132 : memref<1x80x128xi32, #tpu.memory_space<hbm>> -> memref<80x128xi32, #tpu.memory_space<hbm>>
      tpu.enqueue_dma source(%dma_start3A_133 : memref<80x128xi32, #tpu.memory_space<hbm>>) target(%arg8 : memref<80x128xi32, #tpu.memory_space<vmem>>) target_semaphore(%run_scoped3A : memref<!tpu.dma_semaphore, #tpu.memory_space<semaphore_mem>>)
      %dma_wait3A_134 = arith.constant 0 : i32
      %dma_wait3A_135 = arith.constant 0 : i32
      %dma_wait3A_136 = tpu.memref_slice %arg3[%add3A, %dma_wait3A_134, %dma_wait3A_135] : memref<32x80x128xi32, #tpu.memory_space<hbm>> -> memref<1x80x128xi32, #tpu.memory_space<hbm>>
      %dma_wait3A_137 = tpu.memref_squeeze %dma_wait3A_136 : memref<1x80x128xi32, #tpu.memory_space<hbm>> -> memref<80x128xi32, #tpu.memory_space<hbm>>
      %dma_wait3A_138 = arith.constant 0 : i32
      %dma_wait3A_139 = arith.constant 0 : i32
      %dma_wait3A_140 = tpu.memref_slice %arg3[%add3A, %dma_wait3A_138, %dma_wait3A_139] : memref<32x80x128xi32, #tpu.memory_space<hbm>> -> memref<1x80x128xi32, #tpu.memory_space<hbm>>
      %dma_wait3A_141 = tpu.memref_squeeze %dma_wait3A_140 : memref<1x80x128xi32, #tpu.memory_space<hbm>> -> memref<80x128xi32, #tpu.memory_space<hbm>>
      tpu.wait_dma2 semaphore(%run_scoped3A : memref<!tpu.dma_semaphore, #tpu.memory_space<semaphore_mem>>) src(%dma_wait3A_141 : memref<80x128xi32, #tpu.memory_space<hbm>>) dst(%arg8 : memref<80x128xi32, #tpu.memory_space<vmem>>)
      tpu.yield
    }) : () -> ()
    %barrier3A = arith.constant 0 : index
    tpu.barrier barrier_id(%barrier3A)
    %dma_start3A = arith.constant 0 : i32
    %dma_start3A_3 = arith.constant 0 : i32
    %dma_start3A_4 = tpu.memref_slice %arg7[%dma_start3A, %dma_start3A_3] : memref<80x128xi32, #tpu.memory_space<vmem>> -> memref<1x128xi32, #tpu.memory_space<vmem>>
    %dma_start3A_5 = tpu.memref_squeeze %dma_start3A_4 : memref<1x128xi32, #tpu.memory_space<vmem>> -> memref<128xi32, #tpu.memory_space<vmem>>
    %dma_start3A_6 = arith.constant 0 : i32
    %dma_start3A_7 = arith.constant 0 : i32
    %dma_start3A_8 = tpu.memref_slice %arg13[%dma_start3A_6, %dma_start3A_7] : memref<10240x32xf32, #tpu.memory_space<vmem_shared>> -> memref<10240x32xf32, #tpu.memory_space<vmem_shared>>
    tpu.enqueue_indirect_dma source(%dma_start3A_8 : memref<10240x32xf32, #tpu.memory_space<vmem_shared>>) target(%arg9 : memref<128x32xf32, #tpu.memory_space<vmem>>) offsets(%dma_start3A_5 : memref<128xi32, #tpu.memory_space<vmem>>) semaphore(%arg15 : memref<!tpu.dma_semaphore, #tpu.memory_space<semaphore_mem>>)
    %dma_start3A_9 = arith.constant 1 : i32
    %dma_start3A_10 = arith.constant 0 : i32
    %dma_start3A_11 = tpu.memref_slice %arg7[%dma_start3A_9, %dma_start3A_10] : memref<80x128xi32, #tpu.memory_space<vmem>> -> memref<1x128xi32, #tpu.memory_space<vmem>>
    %dma_start3A_12 = tpu.memref_squeeze %dma_start3A_11 : memref<1x128xi32, #tpu.memory_space<vmem>> -> memref<128xi32, #tpu.memory_space<vmem>>
    %dma_start3A_13 = arith.constant 0 : i32
    %dma_start3A_14 = arith.constant 0 : i32
    %dma_start3A_15 = tpu.memref_slice %arg13[%dma_start3A_13, %dma_start3A_14] : memref<10240x32xf32, #tpu.memory_space<vmem_shared>> -> memref<10240x32xf32, #tpu.memory_space<vmem_shared>>
    tpu.enqueue_indirect_dma source(%dma_start3A_15 : memref<10240x32xf32, #tpu.memory_space<vmem_shared>>) target(%arg10 : memref<128x32xf32, #tpu.memory_space<vmem>>) offsets(%dma_start3A_12 : memref<128xi32, #tpu.memory_space<vmem>>) semaphore(%arg16 : memref<!tpu.dma_semaphore, #tpu.memory_space<semaphore_mem>>)
    %dma_start3A_16 = arith.constant 2 : i32
    %dma_start3A_17 = arith.constant 0 : i32
    %dma_start3A_18 = tpu.memref_slice %arg7[%dma_start3A_16, %dma_start3A_17] : memref<80x128xi32, #tpu.memory_space<vmem>> -> memref<1x128xi32, #tpu.memory_space<vmem>>
    %dma_start3A_19 = tpu.memref_squeeze %dma_start3A_18 : memref<1x128xi32, #tpu.memory_space<vmem>> -> memref<128xi32, #tpu.memory_space<vmem>>
    %dma_start3A_20 = arith.constant 0 : i32
    %dma_start3A_21 = arith.constant 0 : i32
    %dma_start3A_22 = tpu.memref_slice %arg13[%dma_start3A_20, %dma_start3A_21] : memref<10240x32xf32, #tpu.memory_space<vmem_shared>> -> memref<10240x32xf32, #tpu.memory_space<vmem_shared>>
    tpu.enqueue_indirect_dma source(%dma_start3A_22 : memref<10240x32xf32, #tpu.memory_space<vmem_shared>>) target(%arg11 : memref<128x32xf32, #tpu.memory_space<vmem>>) offsets(%dma_start3A_19 : memref<128xi32, #tpu.memory_space<vmem>>) semaphore(%arg17 : memref<!tpu.dma_semaphore, #tpu.memory_space<semaphore_mem>>)
    %scan3A = arith.constant 0 : i32
    %scan3A_23 = arith.constant 0 : i32
    %scan3A_24 = arith.constant 19 : i32
    %scan3A_25 = arith.addi %scan3A_23, %scan3A_24 : i32
    %scan3A_26 = arith.constant 1 : i32
    scf.for %scan3A_126 = %scan3A_23 to %scan3A_25 step %scan3A_26  : i32 {
      %mul3A_127 = arith.constant 4 : i32
      %mul3A_128 = arith.muli %scan3A_126, %mul3A_127 : i32
      %add3A_129 = arith.constant 0 : i32
      %add3A_130 = arith.addi %mul3A_128, %add3A_129 : i32
      %ge3A = arith.constant 1 : i32
      %ge3A_131 = arith.cmpi sge, %add3A_130, %ge3A : i32
      %convert_element_type3A = arith.extui %ge3A_131 : i1 to i32
      %cond3A = arith.constant 0 : i32
      %cond3A_132 = arith.cmpi ne, %convert_element_type3A, %cond3A : i32
      scf.if %cond3A_132 {
        %sub3A_247 = arith.constant 1 : i32
        %sub3A_248 = arith.subi %add3A_130, %sub3A_247 : i32
        %dma_wait3A_249 = arith.constant 0 : i32
        %dma_wait3A_250 = tpu.memref_slice %arg8[%sub3A_248, %dma_wait3A_249] : memref<80x128xi32, #tpu.memory_space<vmem>> -> memref<1x128xi32, #tpu.memory_space<vmem>>
        %dma_wait3A_251 = tpu.memref_squeeze %dma_wait3A_250 : memref<1x128xi32, #tpu.memory_space<vmem>> -> memref<128xi32, #tpu.memory_space<vmem>>
        %dma_wait3A_252 = arith.constant 0 : i32
        %dma_wait3A_253 = arith.constant 0 : i32
        %dma_wait3A_254 = tpu.memref_slice %arg14[%dma_wait3A_252, %dma_wait3A_253] : memref<10240x32xf32, #tpu.memory_space<vmem_shared>> -> memref<10240x32xf32, #tpu.memory_space<vmem_shared>>
        tpu.wait_indirect_dma semaphore(%arg22 : memref<!tpu.dma_semaphore, #tpu.memory_space<semaphore_mem>>) src(%arg12 : memref<128x32xf32, #tpu.memory_space<vmem>>) dst(%dma_wait3A_254 : memref<10240x32xf32, #tpu.memory_space<vmem_shared>>)
      } else {
      }
      %add3A_133 = arith.constant 4 : i32
      %add3A_134 = arith.addi %add3A_130, %add3A_133 : i32
      %sub3A = arith.constant 1 : i32
      %sub3A_135 = arith.subi %add3A_134, %sub3A : i32
      %dma_start3A_136 = arith.constant 0 : i32
      %dma_start3A_137 = tpu.memref_slice %arg7[%sub3A_135, %dma_start3A_136] : memref<80x128xi32, #tpu.memory_space<vmem>> -> memref<1x128xi32, #tpu.memory_space<vmem>>
      %dma_start3A_138 = tpu.memref_squeeze %dma_start3A_137 : memref<1x128xi32, #tpu.memory_space<vmem>> -> memref<128xi32, #tpu.memory_space<vmem>>
      %dma_start3A_139 = arith.constant 0 : i32
      %dma_start3A_140 = arith.constant 0 : i32
      %dma_start3A_141 = tpu.memref_slice %arg13[%dma_start3A_139, %dma_start3A_140] : memref<10240x32xf32, #tpu.memory_space<vmem_shared>> -> memref<10240x32xf32, #tpu.memory_space<vmem_shared>>
      tpu.enqueue_indirect_dma source(%dma_start3A_141 : memref<10240x32xf32, #tpu.memory_space<vmem_shared>>) target(%arg12 : memref<128x32xf32, #tpu.memory_space<vmem>>) offsets(%dma_start3A_138 : memref<128xi32, #tpu.memory_space<vmem>>) semaphore(%arg18 : memref<!tpu.dma_semaphore, #tpu.memory_space<semaphore_mem>>)
      %dma_wait3A_142 = arith.constant 0 : i32
      %dma_wait3A_143 = tpu.memref_slice %arg7[%add3A_130, %dma_wait3A_142] : memref<80x128xi32, #tpu.memory_space<vmem>> -> memref<1x128xi32, #tpu.memory_space<vmem>>
      %dma_wait3A_144 = tpu.memref_squeeze %dma_wait3A_143 : memref<1x128xi32, #tpu.memory_space<vmem>> -> memref<128xi32, #tpu.memory_space<vmem>>
      %dma_wait3A_145 = arith.constant 0 : i32
      %dma_wait3A_146 = arith.constant 0 : i32
      %dma_wait3A_147 = tpu.memref_slice %arg13[%dma_wait3A_145, %dma_wait3A_146] : memref<10240x32xf32, #tpu.memory_space<vmem_shared>> -> memref<10240x32xf32, #tpu.memory_space<vmem_shared>>
      tpu.wait_indirect_dma semaphore(%arg15 : memref<!tpu.dma_semaphore, #tpu.memory_space<semaphore_mem>>) src(%dma_wait3A_147 : memref<10240x32xf32, #tpu.memory_space<vmem_shared>>) dst(%arg9 : memref<128x32xf32, #tpu.memory_space<vmem>>)
      %dma_start3A_148 = arith.constant 0 : i32
      %dma_start3A_149 = tpu.memref_slice %arg8[%add3A_130, %dma_start3A_148] : memref<80x128xi32, #tpu.memory_space<vmem>> -> memref<1x128xi32, #tpu.memory_space<vmem>>
      %dma_start3A_150 = tpu.memref_squeeze %dma_start3A_149 : memref<1x128xi32, #tpu.memory_space<vmem>> -> memref<128xi32, #tpu.memory_space<vmem>>
      %dma_start3A_151 = arith.constant 0 : i32
      %dma_start3A_152 = arith.constant 0 : i32
      %dma_start3A_153 = tpu.memref_slice %arg14[%dma_start3A_151, %dma_start3A_152] : memref<10240x32xf32, #tpu.memory_space<vmem_shared>> -> memref<10240x32xf32, #tpu.memory_space<vmem_shared>>
      tpu.enqueue_indirect_dma source(%arg9 : memref<128x32xf32, #tpu.memory_space<vmem>>) target(%dma_start3A_153 : memref<10240x32xf32, #tpu.memory_space<vmem_shared>>) offsets(%dma_start3A_150 : memref<128xi32, #tpu.memory_space<vmem>>) semaphore(%arg19 : memref<!tpu.dma_semaphore, #tpu.memory_space<semaphore_mem>>) {add = true}
      %mul3A_154 = arith.constant 4 : i32
      %mul3A_155 = arith.muli %scan3A_126, %mul3A_154 : i32
      %add3A_156 = arith.constant 1 : i32
      %add3A_157 = arith.addi %mul3A_155, %add3A_156 : i32
      %ge3A_158 = arith.constant 1 : i32
      %ge3A_159 = arith.cmpi sge, %add3A_157, %ge3A_158 : i32
      %convert_element_type3A_160 = arith.extui %ge3A_159 : i1 to i32
      %cond3A_161 = arith.constant 0 : i32
      %cond3A_162 = arith.cmpi ne, %convert_element_type3A_160, %cond3A_161 : i32
      scf.if %cond3A_162 {
        %sub3A_247 = arith.constant 1 : i32
        %sub3A_248 = arith.subi %add3A_157, %sub3A_247 : i32
        %dma_wait3A_249 = arith.constant 0 : i32
        %dma_wait3A_250 = tpu.memref_slice %arg8[%sub3A_248, %dma_wait3A_249] : memref<80x128xi32, #tpu.memory_space<vmem>> -> memref<1x128xi32, #tpu.memory_space<vmem>>
        %dma_wait3A_251 = tpu.memref_squeeze %dma_wait3A_250 : memref<1x128xi32, #tpu.memory_space<vmem>> -> memref<128xi32, #tpu.memory_space<vmem>>
        %dma_wait3A_252 = arith.constant 0 : i32
        %dma_wait3A_253 = arith.constant 0 : i32
        %dma_wait3A_254 = tpu.memref_slice %arg14[%dma_wait3A_252, %dma_wait3A_253] : memref<10240x32xf32, #tpu.memory_space<vmem_shared>> -> memref<10240x32xf32, #tpu.memory_space<vmem_shared>>
        tpu.wait_indirect_dma semaphore(%arg19 : memref<!tpu.dma_semaphore, #tpu.memory_space<semaphore_mem>>) src(%arg9 : memref<128x32xf32, #tpu.memory_space<vmem>>) dst(%dma_wait3A_254 : memref<10240x32xf32, #tpu.memory_space<vmem_shared>>)
      } else {
      }
      %add3A_163 = arith.constant 4 : i32
      %add3A_164 = arith.addi %add3A_157, %add3A_163 : i32
      %sub3A_165 = arith.constant 1 : i32
      %sub3A_166 = arith.subi %add3A_164, %sub3A_165 : i32
      %dma_start3A_167 = arith.constant 0 : i32
      %dma_start3A_168 = tpu.memref_slice %arg7[%sub3A_166, %dma_start3A_167] : memref<80x128xi32, #tpu.memory_space<vmem>> -> memref<1x128xi32, #tpu.memory_space<vmem>>
      %dma_start3A_169 = tpu.memref_squeeze %dma_start3A_168 : memref<1x128xi32, #tpu.memory_space<vmem>> -> memref<128xi32, #tpu.memory_space<vmem>>
      %dma_start3A_170 = arith.constant 0 : i32
      %dma_start3A_171 = arith.constant 0 : i32
      %dma_start3A_172 = tpu.memref_slice %arg13[%dma_start3A_170, %dma_start3A_171] : memref<10240x32xf32, #tpu.memory_space<vmem_shared>> -> memref<10240x32xf32, #tpu.memory_space<vmem_shared>>
      tpu.enqueue_indirect_dma source(%dma_start3A_172 : memref<10240x32xf32, #tpu.memory_space<vmem_shared>>) target(%arg9 : memref<128x32xf32, #tpu.memory_space<vmem>>) offsets(%dma_start3A_169 : memref<128xi32, #tpu.memory_space<vmem>>) semaphore(%arg15 : memref<!tpu.dma_semaphore, #tpu.memory_space<semaphore_mem>>)
      %dma_wait3A_173 = arith.constant 0 : i32
      %dma_wait3A_174 = tpu.memref_slice %arg7[%add3A_157, %dma_wait3A_173] : memref<80x128xi32, #tpu.memory_space<vmem>> -> memref<1x128xi32, #tpu.memory_space<vmem>>
      %dma_wait3A_175 = tpu.memref_squeeze %dma_wait3A_174 : memref<1x128xi32, #tpu.memory_space<vmem>> -> memref<128xi32, #tpu.memory_space<vmem>>
      %dma_wait3A_176 = arith.constant 0 : i32
      %dma_wait3A_177 = arith.constant 0 : i32
      %dma_wait3A_178 = tpu.memref_slice %arg13[%dma_wait3A_176, %dma_wait3A_177] : memref<10240x32xf32, #tpu.memory_space<vmem_shared>> -> memref<10240x32xf32, #tpu.memory_space<vmem_shared>>
      tpu.wait_indirect_dma semaphore(%arg16 : memref<!tpu.dma_semaphore, #tpu.memory_space<semaphore_mem>>) src(%dma_wait3A_178 : memref<10240x32xf32, #tpu.memory_space<vmem_shared>>) dst(%arg10 : memref<128x32xf32, #tpu.memory_space<vmem>>)
      %dma_start3A_179 = arith.constant 0 : i32
      %dma_start3A_180 = tpu.memref_slice %arg8[%add3A_157, %dma_start3A_179] : memref<80x128xi32, #tpu.memory_space<vmem>> -> memref<1x128xi32, #tpu.memory_space<vmem>>
      %dma_start3A_181 = tpu.memref_squeeze %dma_start3A_180 : memref<1x128xi32, #tpu.memory_space<vmem>> -> memref<128xi32, #tpu.memory_space<vmem>>
      %dma_start3A_182 = arith.constant 0 : i32
      %dma_start3A_183 = arith.constant 0 : i32
      %dma_start3A_184 = tpu.memref_slice %arg14[%dma_start3A_182, %dma_start3A_183] : memref<10240x32xf32, #tpu.memory_space<vmem_shared>> -> memref<10240x32xf32, #tpu.memory_space<vmem_shared>>
      tpu.enqueue_indirect_dma source(%arg10 : memref<128x32xf32, #tpu.memory_space<vmem>>) target(%dma_start3A_184 : memref<10240x32xf32, #tpu.memory_space<vmem_shared>>) offsets(%dma_start3A_181 : memref<128xi32, #tpu.memory_space<vmem>>) semaphore(%arg20 : memref<!tpu.dma_semaphore, #tpu.memory_space<semaphore_mem>>) {add = true}
      %mul3A_185 = arith.constant 4 : i32
      %mul3A_186 = arith.muli %scan3A_126, %mul3A_185 : i32
      %add3A_187 = arith.constant 2 : i32
      %add3A_188 = arith.addi %mul3A_186, %add3A_187 : i32
      %ge3A_189 = arith.constant 1 : i32
      %ge3A_190 = arith.cmpi sge, %add3A_188, %ge3A_189 : i32
      %convert_element_type3A_191 = arith.extui %ge3A_190 : i1 to i32
      %cond3A_192 = arith.constant 0 : i32
      %cond3A_193 = arith.cmpi ne, %convert_element_type3A_191, %cond3A_192 : i32
      scf.if %cond3A_193 {
        %sub3A_247 = arith.constant 1 : i32
        %sub3A_248 = arith.subi %add3A_188, %sub3A_247 : i32
        %dma_wait3A_249 = arith.constant 0 : i32
        %dma_wait3A_250 = tpu.memref_slice %arg8[%sub3A_248, %dma_wait3A_249] : memref<80x128xi32, #tpu.memory_space<vmem>> -> memref<1x128xi32, #tpu.memory_space<vmem>>
        %dma_wait3A_251 = tpu.memref_squeeze %dma_wait3A_250 : memref<1x128xi32, #tpu.memory_space<vmem>> -> memref<128xi32, #tpu.memory_space<vmem>>
        %dma_wait3A_252 = arith.constant 0 : i32
        %dma_wait3A_253 = arith.constant 0 : i32
        %dma_wait3A_254 = tpu.memref_slice %arg14[%dma_wait3A_252, %dma_wait3A_253] : memref<10240x32xf32, #tpu.memory_space<vmem_shared>> -> memref<10240x32xf32, #tpu.memory_space<vmem_shared>>
        tpu.wait_indirect_dma semaphore(%arg20 : memref<!tpu.dma_semaphore, #tpu.memory_space<semaphore_mem>>) src(%arg10 : memref<128x32xf32, #tpu.memory_space<vmem>>) dst(%dma_wait3A_254 : memref<10240x32xf32, #tpu.memory_space<vmem_shared>>)
      } else {
      }
      %add3A_194 = arith.constant 4 : i32
      %add3A_195 = arith.addi %add3A_188, %add3A_194 : i32
      %sub3A_196 = arith.constant 1 : i32
      %sub3A_197 = arith.subi %add3A_195, %sub3A_196 : i32
      %dma_start3A_198 = arith.constant 0 : i32
      %dma_start3A_199 = tpu.memref_slice %arg7[%sub3A_197, %dma_start3A_198] : memref<80x128xi32, #tpu.memory_space<vmem>> -> memref<1x128xi32, #tpu.memory_space<vmem>>
      %dma_start3A_200 = tpu.memref_squeeze %dma_start3A_199 : memref<1x128xi32, #tpu.memory_space<vmem>> -> memref<128xi32, #tpu.memory_space<vmem>>
      %dma_start3A_201 = arith.constant 0 : i32
      %dma_start3A_202 = arith.constant 0 : i32
      %dma_start3A_203 = tpu.memref_slice %arg13[%dma_start3A_201, %dma_start3A_202] : memref<10240x32xf32, #tpu.memory_space<vmem_shared>> -> memref<10240x32xf32, #tpu.memory_space<vmem_shared>>
      tpu.enqueue_indirect_dma source(%dma_start3A_203 : memref<10240x32xf32, #tpu.memory_space<vmem_shared>>) target(%arg10 : memref<128x32xf32, #tpu.memory_space<vmem>>) offsets(%dma_start3A_200 : memref<128xi32, #tpu.memory_space<vmem>>) semaphore(%arg16 : memref<!tpu.dma_semaphore, #tpu.memory_space<semaphore_mem>>)
      %dma_wait3A_204 = arith.constant 0 : i32
      %dma_wait3A_205 = tpu.memref_slice %arg7[%add3A_188, %dma_wait3A_204] : memref<80x128xi32, #tpu.memory_space<vmem>> -> memref<1x128xi32, #tpu.memory_space<vmem>>
      %dma_wait3A_206 = tpu.memref_squeeze %dma_wait3A_205 : memref<1x128xi32, #tpu.memory_space<vmem>> -> memref<128xi32, #tpu.memory_space<vmem>>
      %dma_wait3A_207 = arith.constant 0 : i32
      %dma_wait3A_208 = arith.constant 0 : i32
      %dma_wait3A_209 = tpu.memref_slice %arg13[%dma_wait3A_207, %dma_wait3A_208] : memref<10240x32xf32, #tpu.memory_space<vmem_shared>> -> memref<10240x32xf32, #tpu.memory_space<vmem_shared>>
      tpu.wait_indirect_dma semaphore(%arg17 : memref<!tpu.dma_semaphore, #tpu.memory_space<semaphore_mem>>) src(%dma_wait3A_209 : memref<10240x32xf32, #tpu.memory_space<vmem_shared>>) dst(%arg11 : memref<128x32xf32, #tpu.memory_space<vmem>>)
      %dma_start3A_210 = arith.constant 0 : i32
      %dma_start3A_211 = tpu.memref_slice %arg8[%add3A_188, %dma_start3A_210] : memref<80x128xi32, #tpu.memory_space<vmem>> -> memref<1x128xi32, #tpu.memory_space<vmem>>
      %dma_start3A_212 = tpu.memref_squeeze %dma_start3A_211 : memref<1x128xi32, #tpu.memory_space<vmem>> -> memref<128xi32, #tpu.memory_space<vmem>>
      %dma_start3A_213 = arith.constant 0 : i32
      %dma_start3A_214 = arith.constant 0 : i32
      %dma_start3A_215 = tpu.memref_slice %arg14[%dma_start3A_213, %dma_start3A_214] : memref<10240x32xf32, #tpu.memory_space<vmem_shared>> -> memref<10240x32xf32, #tpu.memory_space<vmem_shared>>
      tpu.enqueue_indirect_dma source(%arg11 : memref<128x32xf32, #tpu.memory_space<vmem>>) target(%dma_start3A_215 : memref<10240x32xf32, #tpu.memory_space<vmem_shared>>) offsets(%dma_start3A_212 : memref<128xi32, #tpu.memory_space<vmem>>) semaphore(%arg21 : memref<!tpu.dma_semaphore, #tpu.memory_space<semaphore_mem>>) {add = true}
      %mul3A_216 = arith.constant 4 : i32
      %mul3A_217 = arith.muli %scan3A_126, %mul3A_216 : i32
      %add3A_218 = arith.constant 3 : i32
      %add3A_219 = arith.addi %mul3A_217, %add3A_218 : i32
      %ge3A_220 = arith.constant 1 : i32
      %ge3A_221 = arith.cmpi sge, %add3A_219, %ge3A_220 : i32
      %convert_element_type3A_222 = arith.extui %ge3A_221 : i1 to i32
      %cond3A_223 = arith.constant 0 : i32
      %cond3A_224 = arith.cmpi ne, %convert_element_type3A_222, %cond3A_223 : i32
      scf.if %cond3A_224 {
        %sub3A_247 = arith.constant 1 : i32
        %sub3A_248 = arith.subi %add3A_219, %sub3A_247 : i32
        %dma_wait3A_249 = arith.constant 0 : i32
        %dma_wait3A_250 = tpu.memref_slice %arg8[%sub3A_248, %dma_wait3A_249] : memref<80x128xi32, #tpu.memory_space<vmem>> -> memref<1x128xi32, #tpu.memory_space<vmem>>
        %dma_wait3A_251 = tpu.memref_squeeze %dma_wait3A_250 : memref<1x128xi32, #tpu.memory_space<vmem>> -> memref<128xi32, #tpu.memory_space<vmem>>
        %dma_wait3A_252 = arith.constant 0 : i32
        %dma_wait3A_253 = arith.constant 0 : i32
        %dma_wait3A_254 = tpu.memref_slice %arg14[%dma_wait3A_252, %dma_wait3A_253] : memref<10240x32xf32, #tpu.memory_space<vmem_shared>> -> memref<10240x32xf32, #tpu.memory_space<vmem_shared>>
        tpu.wait_indirect_dma semaphore(%arg21 : memref<!tpu.dma_semaphore, #tpu.memory_space<semaphore_mem>>) src(%arg11 : memref<128x32xf32, #tpu.memory_space<vmem>>) dst(%dma_wait3A_254 : memref<10240x32xf32, #tpu.memory_space<vmem_shared>>)
      } else {
      }
      %add3A_225 = arith.constant 4 : i32
      %add3A_226 = arith.addi %add3A_219, %add3A_225 : i32
      %sub3A_227 = arith.constant 1 : i32
      %sub3A_228 = arith.subi %add3A_226, %sub3A_227 : i32
      %dma_start3A_229 = arith.constant 0 : i32
      %dma_start3A_230 = tpu.memref_slice %arg7[%sub3A_228, %dma_start3A_229] : memref<80x128xi32, #tpu.memory_space<vmem>> -> memref<1x128xi32, #tpu.memory_space<vmem>>
      %dma_start3A_231 = tpu.memref_squeeze %dma_start3A_230 : memref<1x128xi32, #tpu.memory_space<vmem>> -> memref<128xi32, #tpu.memory_space<vmem>>
      %dma_start3A_232 = arith.constant 0 : i32
      %dma_start3A_233 = arith.constant 0 : i32
      %dma_start3A_234 = tpu.memref_slice %arg13[%dma_start3A_232, %dma_start3A_233] : memref<10240x32xf32, #tpu.memory_space<vmem_shared>> -> memref<10240x32xf32, #tpu.memory_space<vmem_shared>>
      tpu.enqueue_indirect_dma source(%dma_start3A_234 : memref<10240x32xf32, #tpu.memory_space<vmem_shared>>) target(%arg11 : memref<128x32xf32, #tpu.memory_space<vmem>>) offsets(%dma_start3A_231 : memref<128xi32, #tpu.memory_space<vmem>>) semaphore(%arg17 : memref<!tpu.dma_semaphore, #tpu.memory_space<semaphore_mem>>)
      %dma_wait3A_235 = arith.constant 0 : i32
      %dma_wait3A_236 = tpu.memref_slice %arg7[%add3A_219, %dma_wait3A_235] : memref<80x128xi32, #tpu.memory_space<vmem>> -> memref<1x128xi32, #tpu.memory_space<vmem>>
      %dma_wait3A_237 = tpu.memref_squeeze %dma_wait3A_236 : memref<1x128xi32, #tpu.memory_space<vmem>> -> memref<128xi32, #tpu.memory_space<vmem>>
      %dma_wait3A_238 = arith.constant 0 : i32
      %dma_wait3A_239 = arith.constant 0 : i32
      %dma_wait3A_240 = tpu.memref_slice %arg13[%dma_wait3A_238, %dma_wait3A_239] : memref<10240x32xf32, #tpu.memory_space<vmem_shared>> -> memref<10240x32xf32, #tpu.memory_space<vmem_shared>>
      tpu.wait_indirect_dma semaphore(%arg18 : memref<!tpu.dma_semaphore, #tpu.memory_space<semaphore_mem>>) src(%dma_wait3A_240 : memref<10240x32xf32, #tpu.memory_space<vmem_shared>>) dst(%arg12 : memref<128x32xf32, #tpu.memory_space<vmem>>)
      %dma_start3A_241 = arith.constant 0 : i32
      %dma_start3A_242 = tpu.memref_slice %arg8[%add3A_219, %dma_start3A_241] : memref<80x128xi32, #tpu.memory_space<vmem>> -> memref<1x128xi32, #tpu.memory_space<vmem>>
      %dma_start3A_243 = tpu.memref_squeeze %dma_start3A_242 : memref<1x128xi32, #tpu.memory_space<vmem>> -> memref<128xi32, #tpu.memory_space<vmem>>
      %dma_start3A_244 = arith.constant 0 : i32
      %dma_start3A_245 = arith.constant 0 : i32
      %dma_start3A_246 = tpu.memref_slice %arg14[%dma_start3A_244, %dma_start3A_245] : memref<10240x32xf32, #tpu.memory_space<vmem_shared>> -> memref<10240x32xf32, #tpu.memory_space<vmem_shared>>
      tpu.enqueue_indirect_dma source(%arg12 : memref<128x32xf32, #tpu.memory_space<vmem>>) target(%dma_start3A_246 : memref<10240x32xf32, #tpu.memory_space<vmem_shared>>) offsets(%dma_start3A_243 : memref<128xi32, #tpu.memory_space<vmem>>) semaphore(%arg22 : memref<!tpu.dma_semaphore, #tpu.memory_space<semaphore_mem>>) {add = true}
    }
    %scan3A_27 = arith.constant 19 : i32
    %dma_wait3A = arith.constant 75 : i32
    %dma_wait3A_28 = arith.constant 0 : i32
    %dma_wait3A_29 = tpu.memref_slice %arg8[%dma_wait3A, %dma_wait3A_28] : memref<80x128xi32, #tpu.memory_space<vmem>> -> memref<1x128xi32, #tpu.memory_space<vmem>>
    %dma_wait3A_30 = tpu.memref_squeeze %dma_wait3A_29 : memref<1x128xi32, #tpu.memory_space<vmem>> -> memref<128xi32, #tpu.memory_space<vmem>>
    %dma_wait3A_31 = arith.constant 0 : i32
    %dma_wait3A_32 = arith.constant 0 : i32
    %dma_wait3A_33 = tpu.memref_slice %arg14[%dma_wait3A_31, %dma_wait3A_32] : memref<10240x32xf32, #tpu.memory_space<vmem_shared>> -> memref<10240x32xf32, #tpu.memory_space<vmem_shared>>
    tpu.wait_indirect_dma semaphore(%arg22 : memref<!tpu.dma_semaphore, #tpu.memory_space<semaphore_mem>>) src(%arg12 : memref<128x32xf32, #tpu.memory_space<vmem>>) dst(%dma_wait3A_33 : memref<10240x32xf32, #tpu.memory_space<vmem_shared>>)
    %dma_start3A_34 = arith.constant 79 : i32
    %dma_start3A_35 = arith.constant 0 : i32
    %dma_start3A_36 = tpu.memref_slice %arg7[%dma_start3A_34, %dma_start3A_35] : memref<80x128xi32, #tpu.memory_space<vmem>> -> memref<1x128xi32, #tpu.memory_space<vmem>>
    %dma_start3A_37 = tpu.memref_squeeze %dma_start3A_36 : memref<1x128xi32, #tpu.memory_space<vmem>> -> memref<128xi32, #tpu.memory_space<vmem>>
    %dma_start3A_38 = arith.constant 0 : i32
    %dma_start3A_39 = arith.constant 0 : i32
    %dma_start3A_40 = tpu.memref_slice %arg13[%dma_start3A_38, %dma_start3A_39] : memref<10240x32xf32, #tpu.memory_space<vmem_shared>> -> memref<10240x32xf32, #tpu.memory_space<vmem_shared>>
    tpu.enqueue_indirect_dma source(%dma_start3A_40 : memref<10240x32xf32, #tpu.memory_space<vmem_shared>>) target(%arg12 : memref<128x32xf32, #tpu.memory_space<vmem>>) offsets(%dma_start3A_37 : memref<128xi32, #tpu.memory_space<vmem>>) semaphore(%arg18 : memref<!tpu.dma_semaphore, #tpu.memory_space<semaphore_mem>>)
    %dma_wait3A_41 = arith.constant 76 : i32
    %dma_wait3A_42 = arith.constant 0 : i32
    %dma_wait3A_43 = tpu.memref_slice %arg7[%dma_wait3A_41, %dma_wait3A_42] : memref<80x128xi32, #tpu.memory_space<vmem>> -> memref<1x128xi32, #tpu.memory_space<vmem>>
    %dma_wait3A_44 = tpu.memref_squeeze %dma_wait3A_43 : memref<1x128xi32, #tpu.memory_space<vmem>> -> memref<128xi32, #tpu.memory_space<vmem>>
    %dma_wait3A_45 = arith.constant 0 : i32
    %dma_wait3A_46 = arith.constant 0 : i32
    %dma_wait3A_47 = tpu.memref_slice %arg13[%dma_wait3A_45, %dma_wait3A_46] : memref<10240x32xf32, #tpu.memory_space<vmem_shared>> -> memref<10240x32xf32, #tpu.memory_space<vmem_shared>>
    tpu.wait_indirect_dma semaphore(%arg15 : memref<!tpu.dma_semaphore, #tpu.memory_space<semaphore_mem>>) src(%dma_wait3A_47 : memref<10240x32xf32, #tpu.memory_space<vmem_shared>>) dst(%arg9 : memref<128x32xf32, #tpu.memory_space<vmem>>)
    %dma_start3A_48 = arith.constant 76 : i32
    %dma_start3A_49 = arith.constant 0 : i32
    %dma_start3A_50 = tpu.memref_slice %arg8[%dma_start3A_48, %dma_start3A_49] : memref<80x128xi32, #tpu.memory_space<vmem>> -> memref<1x128xi32, #tpu.memory_space<vmem>>
    %dma_start3A_51 = tpu.memref_squeeze %dma_start3A_50 : memref<1x128xi32, #tpu.memory_space<vmem>> -> memref<128xi32, #tpu.memory_space<vmem>>
    %dma_start3A_52 = arith.constant 0 : i32
    %dma_start3A_53 = arith.constant 0 : i32
    %dma_start3A_54 = tpu.memref_slice %arg14[%dma_start3A_52, %dma_start3A_53] : memref<10240x32xf32, #tpu.memory_space<vmem_shared>> -> memref<10240x32xf32, #tpu.memory_space<vmem_shared>>
    tpu.enqueue_indirect_dma source(%arg9 : memref<128x32xf32, #tpu.memory_space<vmem>>) target(%dma_start3A_54 : memref<10240x32xf32, #tpu.memory_space<vmem_shared>>) offsets(%dma_start3A_51 : memref<128xi32, #tpu.memory_space<vmem>>) semaphore(%arg19 : memref<!tpu.dma_semaphore, #tpu.memory_space<semaphore_mem>>) {add = true}
    %dma_wait3A_55 = arith.constant 77 : i32
    %dma_wait3A_56 = arith.constant 0 : i32
    %dma_wait3A_57 = tpu.memref_slice %arg7[%dma_wait3A_55, %dma_wait3A_56] : memref<80x128xi32, #tpu.memory_space<vmem>> -> memref<1x128xi32, #tpu.memory_space<vmem>>
    %dma_wait3A_58 = tpu.memref_squeeze %dma_wait3A_57 : memref<1x128xi32, #tpu.memory_space<vmem>> -> memref<128xi32, #tpu.memory_space<vmem>>
    %dma_wait3A_59 = arith.constant 0 : i32
    %dma_wait3A_60 = arith.constant 0 : i32
    %dma_wait3A_61 = tpu.memref_slice %arg13[%dma_wait3A_59, %dma_wait3A_60] : memref<10240x32xf32, #tpu.memory_space<vmem_shared>> -> memref<10240x32xf32, #tpu.memory_space<vmem_shared>>
    tpu.wait_indirect_dma semaphore(%arg16 : memref<!tpu.dma_semaphore, #tpu.memory_space<semaphore_mem>>) src(%dma_wait3A_61 : memref<10240x32xf32, #tpu.memory_space<vmem_shared>>) dst(%arg10 : memref<128x32xf32, #tpu.memory_space<vmem>>)
    %dma_start3A_62 = arith.constant 77 : i32
    %dma_start3A_63 = arith.constant 0 : i32
    %dma_start3A_64 = tpu.memref_slice %arg8[%dma_start3A_62, %dma_start3A_63] : memref<80x128xi32, #tpu.memory_space<vmem>> -> memref<1x128xi32, #tpu.memory_space<vmem>>
    %dma_start3A_65 = tpu.memref_squeeze %dma_start3A_64 : memref<1x128xi32, #tpu.memory_space<vmem>> -> memref<128xi32, #tpu.memory_space<vmem>>
    %dma_start3A_66 = arith.constant 0 : i32
    %dma_start3A_67 = arith.constant 0 : i32
    %dma_start3A_68 = tpu.memref_slice %arg14[%dma_start3A_66, %dma_start3A_67] : memref<10240x32xf32, #tpu.memory_space<vmem_shared>> -> memref<10240x32xf32, #tpu.memory_space<vmem_shared>>
    tpu.enqueue_indirect_dma source(%arg10 : memref<128x32xf32, #tpu.memory_space<vmem>>) target(%dma_start3A_68 : memref<10240x32xf32, #tpu.memory_space<vmem_shared>>) offsets(%dma_start3A_65 : memref<128xi32, #tpu.memory_space<vmem>>) semaphore(%arg20 : memref<!tpu.dma_semaphore, #tpu.memory_space<semaphore_mem>>) {add = true}
    %dma_wait3A_69 = arith.constant 78 : i32
    %dma_wait3A_70 = arith.constant 0 : i32
    %dma_wait3A_71 = tpu.memref_slice %arg7[%dma_wait3A_69, %dma_wait3A_70] : memref<80x128xi32, #tpu.memory_space<vmem>> -> memref<1x128xi32, #tpu.memory_space<vmem>>
    %dma_wait3A_72 = tpu.memref_squeeze %dma_wait3A_71 : memref<1x128xi32, #tpu.memory_space<vmem>> -> memref<128xi32, #tpu.memory_space<vmem>>
    %dma_wait3A_73 = arith.constant 0 : i32
    %dma_wait3A_74 = arith.constant 0 : i32
    %dma_wait3A_75 = tpu.memref_slice %arg13[%dma_wait3A_73, %dma_wait3A_74] : memref<10240x32xf32, #tpu.memory_space<vmem_shared>> -> memref<10240x32xf32, #tpu.memory_space<vmem_shared>>
    tpu.wait_indirect_dma semaphore(%arg17 : memref<!tpu.dma_semaphore, #tpu.memory_space<semaphore_mem>>) src(%dma_wait3A_75 : memref<10240x32xf32, #tpu.memory_space<vmem_shared>>) dst(%arg11 : memref<128x32xf32, #tpu.memory_space<vmem>>)
    %dma_start3A_76 = arith.constant 78 : i32
    %dma_start3A_77 = arith.constant 0 : i32
    %dma_start3A_78 = tpu.memref_slice %arg8[%dma_start3A_76, %dma_start3A_77] : memref<80x128xi32, #tpu.memory_space<vmem>> -> memref<1x128xi32, #tpu.memory_space<vmem>>
    %dma_start3A_79 = tpu.memref_squeeze %dma_start3A_78 : memref<1x128xi32, #tpu.memory_space<vmem>> -> memref<128xi32, #tpu.memory_space<vmem>>
    %dma_start3A_80 = arith.constant 0 : i32
    %dma_start3A_81 = arith.constant 0 : i32
    %dma_start3A_82 = tpu.memref_slice %arg14[%dma_start3A_80, %dma_start3A_81] : memref<10240x32xf32, #tpu.memory_space<vmem_shared>> -> memref<10240x32xf32, #tpu.memory_space<vmem_shared>>
    tpu.enqueue_indirect_dma source(%arg11 : memref<128x32xf32, #tpu.memory_space<vmem>>) target(%dma_start3A_82 : memref<10240x32xf32, #tpu.memory_space<vmem_shared>>) offsets(%dma_start3A_79 : memref<128xi32, #tpu.memory_space<vmem>>) semaphore(%arg21 : memref<!tpu.dma_semaphore, #tpu.memory_space<semaphore_mem>>) {add = true}
    %dma_wait3A_83 = arith.constant 79 : i32
    %dma_wait3A_84 = arith.constant 0 : i32
    %dma_wait3A_85 = tpu.memref_slice %arg7[%dma_wait3A_83, %dma_wait3A_84] : memref<80x128xi32, #tpu.memory_space<vmem>> -> memref<1x128xi32, #tpu.memory_space<vmem>>
    %dma_wait3A_86 = tpu.memref_squeeze %dma_wait3A_85 : memref<1x128xi32, #tpu.memory_space<vmem>> -> memref<128xi32, #tpu.memory_space<vmem>>
    %dma_wait3A_87 = arith.constant 0 : i32
    %dma_wait3A_88 = arith.constant 0 : i32
    %dma_wait3A_89 = tpu.memref_slice %arg13[%dma_wait3A_87, %dma_wait3A_88] : memref<10240x32xf32, #tpu.memory_space<vmem_shared>> -> memref<10240x32xf32, #tpu.memory_space<vmem_shared>>
    tpu.wait_indirect_dma semaphore(%arg18 : memref<!tpu.dma_semaphore, #tpu.memory_space<semaphore_mem>>) src(%dma_wait3A_89 : memref<10240x32xf32, #tpu.memory_space<vmem_shared>>) dst(%arg12 : memref<128x32xf32, #tpu.memory_space<vmem>>)
    %dma_start3A_90 = arith.constant 79 : i32
    %dma_start3A_91 = arith.constant 0 : i32
    %dma_start3A_92 = tpu.memref_slice %arg8[%dma_start3A_90, %dma_start3A_91] : memref<80x128xi32, #tpu.memory_space<vmem>> -> memref<1x128xi32, #tpu.memory_space<vmem>>
    %dma_start3A_93 = tpu.memref_squeeze %dma_start3A_92 : memref<1x128xi32, #tpu.memory_space<vmem>> -> memref<128xi32, #tpu.memory_space<vmem>>
    %dma_start3A_94 = arith.constant 0 : i32
    %dma_start3A_95 = arith.constant 0 : i32
    %dma_start3A_96 = tpu.memref_slice %arg14[%dma_start3A_94, %dma_start3A_95] : memref<10240x32xf32, #tpu.memory_space<vmem_shared>> -> memref<10240x32xf32, #tpu.memory_space<vmem_shared>>
    tpu.enqueue_indirect_dma source(%arg12 : memref<128x32xf32, #tpu.memory_space<vmem>>) target(%dma_start3A_96 : memref<10240x32xf32, #tpu.memory_space<vmem_shared>>) offsets(%dma_start3A_93 : memref<128xi32, #tpu.memory_space<vmem>>) semaphore(%arg22 : memref<!tpu.dma_semaphore, #tpu.memory_space<semaphore_mem>>) {add = true}
    %dma_wait3A_97 = arith.constant 76 : i32
    %dma_wait3A_98 = arith.constant 0 : i32
    %dma_wait3A_99 = tpu.memref_slice %arg8[%dma_wait3A_97, %dma_wait3A_98] : memref<80x128xi32, #tpu.memory_space<vmem>> -> memref<1x128xi32, #tpu.memory_space<vmem>>
    %dma_wait3A_100 = tpu.memref_squeeze %dma_wait3A_99 : memref<1x128xi32, #tpu.memory_space<vmem>> -> memref<128xi32, #tpu.memory_space<vmem>>
    %dma_wait3A_101 = arith.constant 0 : i32
    %dma_wait3A_102 = arith.constant 0 : i32
    %dma_wait3A_103 = tpu.memref_slice %arg14[%dma_wait3A_101, %dma_wait3A_102] : memref<10240x32xf32, #tpu.memory_space<vmem_shared>> -> memref<10240x32xf32, #tpu.memory_space<vmem_shared>>
    tpu.wait_indirect_dma semaphore(%arg19 : memref<!tpu.dma_semaphore, #tpu.memory_space<semaphore_mem>>) src(%arg9 : memref<128x32xf32, #tpu.memory_space<vmem>>) dst(%dma_wait3A_103 : memref<10240x32xf32, #tpu.memory_space<vmem_shared>>)
    %dma_wait3A_104 = arith.constant 77 : i32
    %dma_wait3A_105 = arith.constant 0 : i32
    %dma_wait3A_106 = tpu.memref_slice %arg8[%dma_wait3A_104, %dma_wait3A_105] : memref<80x128xi32, #tpu.memory_space<vmem>> -> memref<1x128xi32, #tpu.memory_space<vmem>>
    %dma_wait3A_107 = tpu.memref_squeeze %dma_wait3A_106 : memref<1x128xi32, #tpu.memory_space<vmem>> -> memref<128xi32, #tpu.memory_space<vmem>>
    %dma_wait3A_108 = arith.constant 0 : i32
    %dma_wait3A_109 = arith.constant 0 : i32
    %dma_wait3A_110 = tpu.memref_slice %arg14[%dma_wait3A_108, %dma_wait3A_109] : memref<10240x32xf32, #tpu.memory_space<vmem_shared>> -> memref<10240x32xf32, #tpu.memory_space<vmem_shared>>
    tpu.wait_indirect_dma semaphore(%arg20 : memref<!tpu.dma_semaphore, #tpu.memory_space<semaphore_mem>>) src(%arg10 : memref<128x32xf32, #tpu.memory_space<vmem>>) dst(%dma_wait3A_110 : memref<10240x32xf32, #tpu.memory_space<vmem_shared>>)
    %dma_wait3A_111 = arith.constant 78 : i32
    %dma_wait3A_112 = arith.constant 0 : i32
    %dma_wait3A_113 = tpu.memref_slice %arg8[%dma_wait3A_111, %dma_wait3A_112] : memref<80x128xi32, #tpu.memory_space<vmem>> -> memref<1x128xi32, #tpu.memory_space<vmem>>
    %dma_wait3A_114 = tpu.memref_squeeze %dma_wait3A_113 : memref<1x128xi32, #tpu.memory_space<vmem>> -> memref<128xi32, #tpu.memory_space<vmem>>
    %dma_wait3A_115 = arith.constant 0 : i32
    %dma_wait3A_116 = arith.constant 0 : i32
    %dma_wait3A_117 = tpu.memref_slice %arg14[%dma_wait3A_115, %dma_wait3A_116] : memref<10240x32xf32, #tpu.memory_space<vmem_shared>> -> memref<10240x32xf32, #tpu.memory_space<vmem_shared>>
    tpu.wait_indirect_dma semaphore(%arg21 : memref<!tpu.dma_semaphore, #tpu.memory_space<semaphore_mem>>) src(%arg11 : memref<128x32xf32, #tpu.memory_space<vmem>>) dst(%dma_wait3A_117 : memref<10240x32xf32, #tpu.memory_space<vmem_shared>>)
    %dma_wait3A_118 = arith.constant 79 : i32
    %dma_wait3A_119 = arith.constant 0 : i32
    %dma_wait3A_120 = tpu.memref_slice %arg8[%dma_wait3A_118, %dma_wait3A_119] : memref<80x128xi32, #tpu.memory_space<vmem>> -> memref<1x128xi32, #tpu.memory_space<vmem>>
    %dma_wait3A_121 = tpu.memref_squeeze %dma_wait3A_120 : memref<1x128xi32, #tpu.memory_space<vmem>> -> memref<128xi32, #tpu.memory_space<vmem>>
    %dma_wait3A_122 = arith.constant 0 : i32
    %dma_wait3A_123 = arith.constant 0 : i32
    %dma_wait3A_124 = tpu.memref_slice %arg14[%dma_wait3A_122, %dma_wait3A_123] : memref<10240x32xf32, #tpu.memory_space<vmem_shared>> -> memref<10240x32xf32, #tpu.memory_space<vmem_shared>>
    tpu.wait_indirect_dma semaphore(%arg22 : memref<!tpu.dma_semaphore, #tpu.memory_space<semaphore_mem>>) src(%arg12 : memref<128x32xf32, #tpu.memory_space<vmem>>) dst(%dma_wait3A_124 : memref<10240x32xf32, #tpu.memory_space<vmem_shared>>)
    %barrier3A_125 = arith.constant 0 : index
    tpu.barrier barrier_id(%barrier3A_125)
    "tpu.region"() ({
      %run_scoped3A = tpu.sem_alloc : memref<!tpu.dma_semaphore, #tpu.memory_space<semaphore_mem>>
      %dma_start3A_126 = arith.constant 0 : i32
      %dma_start3A_127 = tpu.memref_slice %arg6[%arg0, %mul3A_2, %dma_start3A_126] : memref<2x10240x32xf32, #tpu.memory_space<hbm>> -> memref<1x640x32xf32, #tpu.memory_space<hbm>>
      %dma_start3A_128 = tpu.memref_squeeze %dma_start3A_127 : memref<1x640x32xf32, #tpu.memory_space<hbm>> -> memref<640x32xf32, #tpu.memory_space<hbm>>
      %dma_start3A_129 = arith.constant 0 : i32
      %dma_start3A_130 = tpu.memref_slice %arg14[%mul3A_2, %dma_start3A_129] : memref<10240x32xf32, #tpu.memory_space<vmem_shared>> -> memref<640x32xf32, #tpu.memory_space<vmem_shared>>
      tpu.enqueue_dma source(%dma_start3A_130 : memref<640x32xf32, #tpu.memory_space<vmem_shared>>) target(%dma_start3A_128 : memref<640x32xf32, #tpu.memory_space<hbm>>) target_semaphore(%run_scoped3A : memref<!tpu.dma_semaphore, #tpu.memory_space<semaphore_mem>>)
      %dma_wait3A_131 = arith.constant 0 : i32
      %dma_wait3A_132 = tpu.memref_slice %arg6[%arg0, %mul3A_2, %dma_wait3A_131] : memref<2x10240x32xf32, #tpu.memory_space<hbm>> -> memref<1x640x32xf32, #tpu.memory_space<hbm>>
      %dma_wait3A_133 = tpu.memref_squeeze %dma_wait3A_132 : memref<1x640x32xf32, #tpu.memory_space<hbm>> -> memref<640x32xf32, #tpu.memory_space<hbm>>
      %dma_wait3A_134 = arith.constant 0 : i32
      %dma_wait3A_135 = tpu.memref_slice %arg14[%mul3A_2, %dma_wait3A_134] : memref<10240x32xf32, #tpu.memory_space<vmem_shared>> -> memref<640x32xf32, #tpu.memory_space<vmem_shared>>
      tpu.wait_dma2 semaphore(%run_scoped3A : memref<!tpu.dma_semaphore, #tpu.memory_space<semaphore_mem>>) src(%dma_wait3A_135 : memref<640x32xf32, #tpu.memory_space<vmem_shared>>) dst(%dma_wait3A_133 : memref<640x32xf32, #tpu.memory_space<hbm>>)
      tpu.yield
    }) : () -> ()
    return
  }
}

#map = affine_map<(d0, d1) -> (0, 0, 0)>
#map1 = affine_map<(d0, d1) -> (0, 0)>
module attributes {stable_mosaic.version = 14 : i64} {
  func.func @body(%arg0: i32, %arg1: i32, %arg2: memref<32x80x128xi32, #tpu.memory_space<hbm>>, %arg3: memref<32x80x128xi32, #tpu.memory_space<hbm>>, %arg4: memref<10240x32xf32, #tpu.memory_space<hbm>>, %arg5: memref<640x32xf32, #tpu.memory_space<hbm>>, %arg6: memref<2x10240x32xf32, #tpu.memory_space<hbm>>, %arg7: memref<80x128xi32, #tpu.memory_space<vmem>>, %arg8: memref<80x128xi32, #tpu.memory_space<vmem>>, %arg9: memref<128x32xf32, #tpu.memory_space<vmem>>, %arg10: memref<128x32xf32, #tpu.memory_space<vmem>>, %arg11: memref<128x32xf32, #tpu.memory_space<vmem>>, %arg12: memref<128x32xf32, #tpu.memory_space<vmem>>, %arg13: memref<10240x32xf32, #tpu.memory_space<vmem_shared>>, %arg14: memref<10240x32xf32, #tpu.memory_space<vmem_shared>>, %arg15: memref<!tpu.dma_semaphore, #tpu.memory_space<semaphore_mem>>, %arg16: memref<!tpu.dma_semaphore, #tpu.memory_space<semaphore_mem>>, %arg17: memref<!tpu.dma_semaphore, #tpu.memory_space<semaphore_mem>>, %arg18: memref<!tpu.dma_semaphore, #tpu.memory_space<semaphore_mem>>, %arg19: memref<!tpu.dma_semaphore, #tpu.memory_space<semaphore_mem>>, %arg20: memref<!tpu.dma_semaphore, #tpu.memory_space<semaphore_mem>>, %arg21: memref<!tpu.dma_semaphore, #tpu.memory_space<semaphore_mem>>, %arg22: memref<!tpu.dma_semaphore, #tpu.memory_space<semaphore_mem>>) attributes {dimension_semantics = [#tpu.dimension_semantics<core_parallel>, #tpu.dimension_semantics<subcore_parallel>], iteration_bounds = array<i64: 2, 16>, scalar_prefetch = 0 : i64, scratch_operands = 16 : i64, tpu.core_type = #tpu.core_type<sc_vector_subcore>, window_params = [{transform_indices = #map}, {transform_indices = #map}, {transform_indices = #map1}, {transform_indices = #map1}, {transform_indices = #map}]} {
    %mul3A = arith.constant 2 : i32
    %mul3A_0 = arith.muli %arg1, %mul3A : i32
    %add3A = arith.addi %mul3A_0, %arg0 : i32
    %mul3A_1 = arith.constant 640 : i32
    %mul3A_2 = arith.muli %arg1, %mul3A_1 : i32
    "tpu.region"() ({
      %run_scoped3A = tpu.sem_alloc : memref<!tpu.dma_semaphore, #tpu.memory_space<semaphore_mem>>
      %dma_start3A_126 = arith.constant 0 : i32
      %dma_start3A_127 = tpu.memref_slice %arg13[%mul3A_2, %dma_start3A_126] : memref<10240x32xf32, #tpu.memory_space<vmem_shared>> -> memref<640x32xf32, #tpu.memory_space<vmem_shared>>
      %dma_start3A_128 = arith.constant 0 : i32
      %dma_start3A_129 = tpu.memref_slice %arg4[%mul3A_2, %dma_start3A_128] : memref<10240x32xf32, #tpu.memory_space<hbm>> -> memref<640x32xf32, #tpu.memory_space<hbm>>
      tpu.enqueue_dma source(%dma_start3A_129 : memref<640x32xf32, #tpu.memory_space<hbm>>) target(%dma_start3A_127 : memref<640x32xf32, #tpu.memory_space<vmem_shared>>) target_semaphore(%run_scoped3A : memref<!tpu.dma_semaphore, #tpu.memory_space<semaphore_mem>>)
      %dma_wait3A_130 = arith.constant 0 : i32
      %dma_wait3A_131 = tpu.memref_slice %arg13[%mul3A_2, %dma_wait3A_130] : memref<10240x32xf32, #tpu.memory_space<vmem_shared>> -> memref<640x32xf32, #tpu.memory_space<vmem_shared>>
      %dma_wait3A_132 = arith.constant 0 : i32
      %dma_wait3A_133 = tpu.memref_slice %arg4[%mul3A_2, %dma_wait3A_132] : memref<10240x32xf32, #tpu.memory_space<hbm>> -> memref<640x32xf32, #tpu.memory_space<hbm>>
      tpu.wait_dma2 semaphore(%run_scoped3A : memref<!tpu.dma_semaphore, #tpu.memory_space<semaphore_mem>>) src(%dma_wait3A_133 : memref<640x32xf32, #tpu.memory_space<hbm>>) dst(%dma_wait3A_131 : memref<640x32xf32, #tpu.memory_space<vmem_shared>>)
      tpu.yield
    }) : () -> ()
    "tpu.region"() ({
      %run_scoped3A = tpu.sem_alloc : memref<!tpu.dma_semaphore, #tpu.memory_space<semaphore_mem>>
      %dma_start3A_126 = arith.constant 0 : i32
      %dma_start3A_127 = tpu.memref_slice %arg14[%mul3A_2, %dma_start3A_126] : memref<10240x32xf32, #tpu.memory_space<vmem_shared>> -> memref<640x32xf32, #tpu.memory_space<vmem_shared>>
      tpu.enqueue_dma source(%arg5 : memref<640x32xf32, #tpu.memory_space<hbm>>) target(%dma_start3A_127 : memref<640x32xf32, #tpu.memory_space<vmem_shared>>) target_semaphore(%run_scoped3A : memref<!tpu.dma_semaphore, #tpu.memory_space<semaphore_mem>>)
      %dma_wait3A_128 = arith.constant 0 : i32
      %dma_wait3A_129 = tpu.memref_slice %arg14[%mul3A_2, %dma_wait3A_128] : memref<10240x32xf32, #tpu.memory_space<vmem_shared>> -> memref<640x32xf32, #tpu.memory_space<vmem_shared>>
      tpu.wait_dma2 semaphore(%run_scoped3A : memref<!tpu.dma_semaphore, #tpu.memory_space<semaphore_mem>>) src(%arg5 : memref<640x32xf32, #tpu.memory_space<hbm>>) dst(%dma_wait3A_129 : memref<640x32xf32, #tpu.memory_space<vmem_shared>>)
      tpu.yield
    }) : () -> ()
    "tpu.region"() ({
      %run_scoped3A = tpu.sem_alloc : memref<!tpu.dma_semaphore, #tpu.memory_space<semaphore_mem>>
      %dma_start3A_126 = arith.constant 0 : i32
      %dma_start3A_127 = arith.constant 0 : i32
      %dma_start3A_128 = tpu.memref_slice %arg2[%add3A, %dma_start3A_126, %dma_start3A_127] : memref<32x80x128xi32, #tpu.memory_space<hbm>> -> memref<1x80x128xi32, #tpu.memory_space<hbm>>
      %dma_start3A_129 = tpu.memref_squeeze %dma_start3A_128 : memref<1x80x128xi32, #tpu.memory_space<hbm>> -> memref<80x128xi32, #tpu.memory_space<hbm>>
      %dma_start3A_130 = arith.constant 0 : i32
      %dma_start3A_131 = arith.constant 0 : i32
      %dma_start3A_132 = tpu.memref_slice %arg2[%add3A, %dma_start3A_130, %dma_start3A_131] : memref<32x80x128xi32, #tpu.memory_space<hbm>> -> memref<1x80x128xi32, #tpu.memory_space<hbm>>
      %dma_start3A_133 = tpu.memref_squeeze %dma_start3A_132 : memref<1x80x128xi32, #tpu.memory_space<hbm>> -> memref<80x128xi32, #tpu.memory_space<hbm>>
      tpu.enqueue_dma source(%dma_start3A_133 : memref<80x128xi32, #tpu.memory_space<hbm>>) target(%arg7 : memref<80x128xi32, #tpu.memory_space<vmem>>) target_semaphore(%run_scoped3A : memref<!tpu.dma_semaphore, #tpu.memory_space<semaphore_mem>>)
      %dma_wait3A_134 = arith.constant 0 : i32
      %dma_wait3A_135 = arith.constant 0 : i32
      %dma_wait3A_136 = tpu.memref_slice %arg2[%add3A, %dma_wait3A_134, %dma_wait3A_135] : memref<32x80x128xi32, #tpu.memory_space<hbm>> -> memref<1x80x128xi32, #tpu.memory_space<hbm>>
      %dma_wait3A_137 = tpu.memref_squeeze %dma_wait3A_136 : memref<1x80x128xi32, #tpu.memory_space<hbm>> -> memref<80x128xi32, #tpu.memory_space<hbm>>
      %dma_wait3A_138 = arith.constant 0 : i32
      %dma_wait3A_139 = arith.constant 0 : i32
      %dma_wait3A_140 = tpu.memref_slice %arg2[%add3A, %dma_wait3A_138, %dma_wait3A_139] : memref<32x80x128xi32, #tpu.memory_space<hbm>> -> memref<1x80x128xi32, #tpu.memory_space<hbm>>
      %dma_wait3A_141 = tpu.memref_squeeze %dma_wait3A_140 : memref<1x80x128xi32, #tpu.memory_space<hbm>> -> memref<80x128xi32, #tpu.memory_space<hbm>>
      tpu.wait_dma2 semaphore(%run_scoped3A : memref<!tpu.dma_semaphore, #tpu.memory_space<semaphore_mem>>) src(%dma_wait3A_141 : memref<80x128xi32, #tpu.memory_space<hbm>>) dst(%arg7 : memref<80x128xi32, #tpu.memory_space<vmem>>)
      tpu.yield
    }) : () -> ()
    "tpu.region"() ({
      %run_scoped3A = tpu.sem_alloc : memref<!tpu.dma_semaphore, #tpu.memory_space<semaphore_mem>>
      %dma_start3A_126 = arith.constant 0 : i32
      %dma_start3A_127 = arith.constant 0 : i32
      %dma_start3A_128 = tpu.memref_slice %arg3[%add3A, %dma_start3A_126, %dma_start3A_127] : memref<32x80x128xi32, #tpu.memory_space<hbm>> -> memref<1x80x128xi32, #tpu.memory_space<hbm>>
      %dma_start3A_129 = tpu.memref_squeeze %dma_start3A_128 : memref<1x80x128xi32, #tpu.memory_space<hbm>> -> memref<80x128xi32, #tpu.memory_space<hbm>>
      %dma_start3A_130 = arith.constant 0 : i32
      %dma_start3A_131 = arith.constant 0 : i32
      %dma_start3A_132 = tpu.memref_slice %arg3[%add3A, %dma_start3A_130, %dma_start3A_131] : memref<32x80x128xi32, #tpu.memory_space<hbm>> -> memref<1x80x128xi32, #tpu.memory_space<hbm>>
      %dma_start3A_133 = tpu.memref_squeeze %dma_start3A_132 : memref<1x80x128xi32, #tpu.memory_space<hbm>> -> memref<80x128xi32, #tpu.memory_space<hbm>>
      tpu.enqueue_dma source(%dma_start3A_133 : memref<80x128xi32, #tpu.memory_space<hbm>>) target(%arg8 : memref<80x128xi32, #tpu.memory_space<vmem>>) target_semaphore(%run_scoped3A : memref<!tpu.dma_semaphore, #tpu.memory_space<semaphore_mem>>)
      %dma_wait3A_134 = arith.constant 0 : i32
      %dma_wait3A_135 = arith.constant 0 : i32
      %dma_wait3A_136 = tpu.memref_slice %arg3[%add3A, %dma_wait3A_134, %dma_wait3A_135] : memref<32x80x128xi32, #tpu.memory_space<hbm>> -> memref<1x80x128xi32, #tpu.memory_space<hbm>>
      %dma_wait3A_137 = tpu.memref_squeeze %dma_wait3A_136 : memref<1x80x128xi32, #tpu.memory_space<hbm>> -> memref<80x128xi32, #tpu.memory_space<hbm>>
      %dma_wait3A_138 = arith.constant 0 : i32
      %dma_wait3A_139 = arith.constant 0 : i32
      %dma_wait3A_140 = tpu.memref_slice %arg3[%add3A, %dma_wait3A_138, %dma_wait3A_139] : memref<32x80x128xi32, #tpu.memory_space<hbm>> -> memref<1x80x128xi32, #tpu.memory_space<hbm>>
      %dma_wait3A_141 = tpu.memref_squeeze %dma_wait3A_140 : memref<1x80x128xi32, #tpu.memory_space<hbm>> -> memref<80x128xi32, #tpu.memory_space<hbm>>
      tpu.wait_dma2 semaphore(%run_scoped3A : memref<!tpu.dma_semaphore, #tpu.memory_space<semaphore_mem>>) src(%dma_wait3A_141 : memref<80x128xi32, #tpu.memory_space<hbm>>) dst(%arg8 : memref<80x128xi32, #tpu.memory_space<vmem>>)
      tpu.yield
    }) : () -> ()
    %barrier3A = arith.constant 0 : index
    tpu.barrier barrier_id(%barrier3A)
    %dma_start3A = arith.constant 0 : i32
    %dma_start3A_3 = arith.constant 0 : i32
    %dma_start3A_4 = tpu.memref_slice %arg7[%dma_start3A, %dma_start3A_3] : memref<80x128xi32, #tpu.memory_space<vmem>> -> memref<1x128xi32, #tpu.memory_space<vmem>>
    %dma_start3A_5 = tpu.memref_squeeze %dma_start3A_4 : memref<1x128xi32, #tpu.memory_space<vmem>> -> memref<128xi32, #tpu.memory_space<vmem>>
    %dma_start3A_6 = arith.constant 0 : i32
    %dma_start3A_7 = arith.constant 0 : i32
    %dma_start3A_8 = tpu.memref_slice %arg13[%dma_start3A_6, %dma_start3A_7] : memref<10240x32xf32, #tpu.memory_space<vmem_shared>> -> memref<10240x32xf32, #tpu.memory_space<vmem_shared>>
    tpu.enqueue_indirect_dma source(%dma_start3A_8 : memref<10240x32xf32, #tpu.memory_space<vmem_shared>>) target(%arg9 : memref<128x32xf32, #tpu.memory_space<vmem>>) offsets(%dma_start3A_5 : memref<128xi32, #tpu.memory_space<vmem>>) semaphore(%arg15 : memref<!tpu.dma_semaphore, #tpu.memory_space<semaphore_mem>>)
    %dma_start3A_9 = arith.constant 1 : i32
    %dma_start3A_10 = arith.constant 0 : i32
    %dma_start3A_11 = tpu.memref_slice %arg7[%dma_start3A_9, %dma_start3A_10] : memref<80x128xi32, #tpu.memory_space<vmem>> -> memref<1x128xi32, #tpu.memory_space<vmem>>
    %dma_start3A_12 = tpu.memref_squeeze %dma_start3A_11 : memref<1x128xi32, #tpu.memory_space<vmem>> -> memref<128xi32, #tpu.memory_space<vmem>>
    %dma_start3A_13 = arith.constant 0 : i32
    %dma_start3A_14 = arith.constant 0 : i32
    %dma_start3A_15 = tpu.memref_slice %arg13[%dma_start3A_13, %dma_start3A_14] : memref<10240x32xf32, #tpu.memory_space<vmem_shared>> -> memref<10240x32xf32, #tpu.memory_space<vmem_shared>>
    tpu.enqueue_indirect_dma source(%dma_start3A_15 : memref<10240x32xf32, #tpu.memory_space<vmem_shared>>) target(%arg10 : memref<128x32xf32, #tpu.memory_space<vmem>>) offsets(%dma_start3A_12 : memref<128xi32, #tpu.memory_space<vmem>>) semaphore(%arg16 : memref<!tpu.dma_semaphore, #tpu.memory_space<semaphore_mem>>)
    %dma_start3A_16 = arith.constant 2 : i32
    %dma_start3A_17 = arith.constant 0 : i32
    %dma_start3A_18 = tpu.memref_slice %arg7[%dma_start3A_16, %dma_start3A_17] : memref<80x128xi32, #tpu.memory_space<vmem>> -> memref<1x128xi32, #tpu.memory_space<vmem>>
    %dma_start3A_19 = tpu.memref_squeeze %dma_start3A_18 : memref<1x128xi32, #tpu.memory_space<vmem>> -> memref<128xi32, #tpu.memory_space<vmem>>
    %dma_start3A_20 = arith.constant 0 : i32
    %dma_start3A_21 = arith.constant 0 : i32
    %dma_start3A_22 = tpu.memref_slice %arg13[%dma_start3A_20, %dma_start3A_21] : memref<10240x32xf32, #tpu.memory_space<vmem_shared>> -> memref<10240x32xf32, #tpu.memory_space<vmem_shared>>
    tpu.enqueue_indirect_dma source(%dma_start3A_22 : memref<10240x32xf32, #tpu.memory_space<vmem_shared>>) target(%arg11 : memref<128x32xf32, #tpu.memory_space<vmem>>) offsets(%dma_start3A_19 : memref<128xi32, #tpu.memory_space<vmem>>) semaphore(%arg17 : memref<!tpu.dma_semaphore, #tpu.memory_space<semaphore_mem>>)
    %scan3A = arith.constant 0 : i32
    %scan3A_23 = arith.constant 0 : i32
    %scan3A_24 = arith.constant 19 : i32
    %scan3A_25 = arith.addi %scan3A_23, %scan3A_24 : i32
    %scan3A_26 = arith.constant 1 : i32
    scf.for %scan3A_126 = %scan3A_23 to %scan3A_25 step %scan3A_26  : i32 {
      %mul3A_127 = arith.constant 4 : i32
      %mul3A_128 = arith.muli %scan3A_126, %mul3A_127 : i32
      %add3A_129 = arith.constant 0 : i32
      %add3A_130 = arith.addi %mul3A_128, %add3A_129 : i32
      %ge3A = arith.constant 1 : i32
      %ge3A_131 = arith.cmpi sge, %add3A_130, %ge3A : i32
      %convert_element_type3A = arith.extui %ge3A_131 : i1 to i32
      %cond3A = arith.constant 0 : i32
      %cond3A_132 = arith.cmpi ne, %convert_element_type3A, %cond3A : i32
      scf.if %cond3A_132 {
        %sub3A_247 = arith.constant 1 : i32
        %sub3A_248 = arith.subi %add3A_130, %sub3A_247 : i32
        %dma_wait3A_249 = arith.constant 0 : i32
        %dma_wait3A_250 = tpu.memref_slice %arg8[%sub3A_248, %dma_wait3A_249] : memref<80x128xi32, #tpu.memory_space<vmem>> -> memref<1x128xi32, #tpu.memory_space<vmem>>
        %dma_wait3A_251 = tpu.memref_squeeze %dma_wait3A_250 : memref<1x128xi32, #tpu.memory_space<vmem>> -> memref<128xi32, #tpu.memory_space<vmem>>
        %dma_wait3A_252 = arith.constant 0 : i32
        %dma_wait3A_253 = arith.constant 0 : i32
        %dma_wait3A_254 = tpu.memref_slice %arg14[%dma_wait3A_252, %dma_wait3A_253] : memref<10240x32xf32, #tpu.memory_space<vmem_shared>> -> memref<10240x32xf32, #tpu.memory_space<vmem_shared>>
        tpu.wait_indirect_dma semaphore(%arg22 : memref<!tpu.dma_semaphore, #tpu.memory_space<semaphore_mem>>) src(%arg12 : memref<128x32xf32, #tpu.memory_space<vmem>>) dst(%dma_wait3A_254 : memref<10240x32xf32, #tpu.memory_space<vmem_shared>>)
      } else {
      }
      %add3A_133 = arith.constant 4 : i32
      %add3A_134 = arith.addi %add3A_130, %add3A_133 : i32
      %sub3A = arith.constant 1 : i32
      %sub3A_135 = arith.subi %add3A_134, %sub3A : i32
      %dma_start3A_136 = arith.constant 0 : i32
      %dma_start3A_137 = tpu.memref_slice %arg7[%sub3A_135, %dma_start3A_136] : memref<80x128xi32, #tpu.memory_space<vmem>> -> memref<1x128xi32, #tpu.memory_space<vmem>>
      %dma_start3A_138 = tpu.memref_squeeze %dma_start3A_137 : memref<1x128xi32, #tpu.memory_space<vmem>> -> memref<128xi32, #tpu.memory_space<vmem>>
      %dma_start3A_139 = arith.constant 0 : i32
      %dma_start3A_140 = arith.constant 0 : i32
      %dma_start3A_141 = tpu.memref_slice %arg13[%dma_start3A_139, %dma_start3A_140] : memref<10240x32xf32, #tpu.memory_space<vmem_shared>> -> memref<10240x32xf32, #tpu.memory_space<vmem_shared>>
      tpu.enqueue_indirect_dma source(%dma_start3A_141 : memref<10240x32xf32, #tpu.memory_space<vmem_shared>>) target(%arg12 : memref<128x32xf32, #tpu.memory_space<vmem>>) offsets(%dma_start3A_138 : memref<128xi32, #tpu.memory_space<vmem>>) semaphore(%arg18 : memref<!tpu.dma_semaphore, #tpu.memory_space<semaphore_mem>>)
      %dma_wait3A_142 = arith.constant 0 : i32
      %dma_wait3A_143 = tpu.memref_slice %arg7[%add3A_130, %dma_wait3A_142] : memref<80x128xi32, #tpu.memory_space<vmem>> -> memref<1x128xi32, #tpu.memory_space<vmem>>
      %dma_wait3A_144 = tpu.memref_squeeze %dma_wait3A_143 : memref<1x128xi32, #tpu.memory_space<vmem>> -> memref<128xi32, #tpu.memory_space<vmem>>
      %dma_wait3A_145 = arith.constant 0 : i32
      %dma_wait3A_146 = arith.constant 0 : i32
      %dma_wait3A_147 = tpu.memref_slice %arg13[%dma_wait3A_145, %dma_wait3A_146] : memref<10240x32xf32, #tpu.memory_space<vmem_shared>> -> memref<10240x32xf32, #tpu.memory_space<vmem_shared>>
      tpu.wait_indirect_dma semaphore(%arg15 : memref<!tpu.dma_semaphore, #tpu.memory_space<semaphore_mem>>) src(%dma_wait3A_147 : memref<10240x32xf32, #tpu.memory_space<vmem_shared>>) dst(%arg9 : memref<128x32xf32, #tpu.memory_space<vmem>>)
      %dma_start3A_148 = arith.constant 0 : i32
      %dma_start3A_149 = tpu.memref_slice %arg8[%add3A_130, %dma_start3A_148] : memref<80x128xi32, #tpu.memory_space<vmem>> -> memref<1x128xi32, #tpu.memory_space<vmem>>
      %dma_start3A_150 = tpu.memref_squeeze %dma_start3A_149 : memref<1x128xi32, #tpu.memory_space<vmem>> -> memref<128xi32, #tpu.memory_space<vmem>>
      %dma_start3A_151 = arith.constant 0 : i32
      %dma_start3A_152 = arith.constant 0 : i32
      %dma_start3A_153 = tpu.memref_slice %arg14[%dma_start3A_151, %dma_start3A_152] : memref<10240x32xf32, #tpu.memory_space<vmem_shared>> -> memref<10240x32xf32, #tpu.memory_space<vmem_shared>>
      tpu.enqueue_indirect_dma source(%arg9 : memref<128x32xf32, #tpu.memory_space<vmem>>) target(%dma_start3A_153 : memref<10240x32xf32, #tpu.memory_space<vmem_shared>>) offsets(%dma_start3A_150 : memref<128xi32, #tpu.memory_space<vmem>>) semaphore(%arg19 : memref<!tpu.dma_semaphore, #tpu.memory_space<semaphore_mem>>) {add = true}
      %mul3A_154 = arith.constant 4 : i32
      %mul3A_155 = arith.muli %scan3A_126, %mul3A_154 : i32
      %add3A_156 = arith.constant 1 : i32
      %add3A_157 = arith.addi %mul3A_155, %add3A_156 : i32
      %ge3A_158 = arith.constant 1 : i32
      %ge3A_159 = arith.cmpi sge, %add3A_157, %ge3A_158 : i32
      %convert_element_type3A_160 = arith.extui %ge3A_159 : i1 to i32
      %cond3A_161 = arith.constant 0 : i32
      %cond3A_162 = arith.cmpi ne, %convert_element_type3A_160, %cond3A_161 : i32
      scf.if %cond3A_162 {
        %sub3A_247 = arith.constant 1 : i32
        %sub3A_248 = arith.subi %add3A_157, %sub3A_247 : i32
        %dma_wait3A_249 = arith.constant 0 : i32
        %dma_wait3A_250 = tpu.memref_slice %arg8[%sub3A_248, %dma_wait3A_249] : memref<80x128xi32, #tpu.memory_space<vmem>> -> memref<1x128xi32, #tpu.memory_space<vmem>>
        %dma_wait3A_251 = tpu.memref_squeeze %dma_wait3A_250 : memref<1x128xi32, #tpu.memory_space<vmem>> -> memref<128xi32, #tpu.memory_space<vmem>>
        %dma_wait3A_252 = arith.constant 0 : i32
        %dma_wait3A_253 = arith.constant 0 : i32
        %dma_wait3A_254 = tpu.memref_slice %arg14[%dma_wait3A_252, %dma_wait3A_253] : memref<10240x32xf32, #tpu.memory_space<vmem_shared>> -> memref<10240x32xf32, #tpu.memory_space<vmem_shared>>
        tpu.wait_indirect_dma semaphore(%arg19 : memref<!tpu.dma_semaphore, #tpu.memory_space<semaphore_mem>>) src(%arg9 : memref<128x32xf32, #tpu.memory_space<vmem>>) dst(%dma_wait3A_254 : memref<10240x32xf32, #tpu.memory_space<vmem_shared>>)
      } else {
      }
      %add3A_163 = arith.constant 4 : i32
      %add3A_164 = arith.addi %add3A_157, %add3A_163 : i32
      %sub3A_165 = arith.constant 1 : i32
      %sub3A_166 = arith.subi %add3A_164, %sub3A_165 : i32
      %dma_start3A_167 = arith.constant 0 : i32
      %dma_start3A_168 = tpu.memref_slice %arg7[%sub3A_166, %dma_start3A_167] : memref<80x128xi32, #tpu.memory_space<vmem>> -> memref<1x128xi32, #tpu.memory_space<vmem>>
      %dma_start3A_169 = tpu.memref_squeeze %dma_start3A_168 : memref<1x128xi32, #tpu.memory_space<vmem>> -> memref<128xi32, #tpu.memory_space<vmem>>
      %dma_start3A_170 = arith.constant 0 : i32
      %dma_start3A_171 = arith.constant 0 : i32
      %dma_start3A_172 = tpu.memref_slice %arg13[%dma_start3A_170, %dma_start3A_171] : memref<10240x32xf32, #tpu.memory_space<vmem_shared>> -> memref<10240x32xf32, #tpu.memory_space<vmem_shared>>
      tpu.enqueue_indirect_dma source(%dma_start3A_172 : memref<10240x32xf32, #tpu.memory_space<vmem_shared>>) target(%arg9 : memref<128x32xf32, #tpu.memory_space<vmem>>) offsets(%dma_start3A_169 : memref<128xi32, #tpu.memory_space<vmem>>) semaphore(%arg15 : memref<!tpu.dma_semaphore, #tpu.memory_space<semaphore_mem>>)
      %dma_wait3A_173 = arith.constant 0 : i32
      %dma_wait3A_174 = tpu.memref_slice %arg7[%add3A_157, %dma_wait3A_173] : memref<80x128xi32, #tpu.memory_space<vmem>> -> memref<1x128xi32, #tpu.memory_space<vmem>>
      %dma_wait3A_175 = tpu.memref_squeeze %dma_wait3A_174 : memref<1x128xi32, #tpu.memory_space<vmem>> -> memref<128xi32, #tpu.memory_space<vmem>>
      %dma_wait3A_176 = arith.constant 0 : i32
      %dma_wait3A_177 = arith.constant 0 : i32
      %dma_wait3A_178 = tpu.memref_slice %arg13[%dma_wait3A_176, %dma_wait3A_177] : memref<10240x32xf32, #tpu.memory_space<vmem_shared>> -> memref<10240x32xf32, #tpu.memory_space<vmem_shared>>
      tpu.wait_indirect_dma semaphore(%arg16 : memref<!tpu.dma_semaphore, #tpu.memory_space<semaphore_mem>>) src(%dma_wait3A_178 : memref<10240x32xf32, #tpu.memory_space<vmem_shared>>) dst(%arg10 : memref<128x32xf32, #tpu.memory_space<vmem>>)
      %dma_start3A_179 = arith.constant 0 : i32
      %dma_start3A_180 = tpu.memref_slice %arg8[%add3A_157, %dma_start3A_179] : memref<80x128xi32, #tpu.memory_space<vmem>> -> memref<1x128xi32, #tpu.memory_space<vmem>>
      %dma_start3A_181 = tpu.memref_squeeze %dma_start3A_180 : memref<1x128xi32, #tpu.memory_space<vmem>> -> memref<128xi32, #tpu.memory_space<vmem>>
      %dma_start3A_182 = arith.constant 0 : i32
      %dma_start3A_183 = arith.constant 0 : i32
      %dma_start3A_184 = tpu.memref_slice %arg14[%dma_start3A_182, %dma_start3A_183] : memref<10240x32xf32, #tpu.memory_space<vmem_shared>> -> memref<10240x32xf32, #tpu.memory_space<vmem_shared>>
      tpu.enqueue_indirect_dma source(%arg10 : memref<128x32xf32, #tpu.memory_space<vmem>>) target(%dma_start3A_184 : memref<10240x32xf32, #tpu.memory_space<vmem_shared>>) offsets(%dma_start3A_181 : memref<128xi32, #tpu.memory_space<vmem>>) semaphore(%arg20 : memref<!tpu.dma_semaphore, #tpu.memory_space<semaphore_mem>>) {add = true}
      %mul3A_185 = arith.constant 4 : i32
      %mul3A_186 = arith.muli %scan3A_126, %mul3A_185 : i32
      %add3A_187 = arith.constant 2 : i32
      %add3A_188 = arith.addi %mul3A_186, %add3A_187 : i32
      %ge3A_189 = arith.constant 1 : i32
      %ge3A_190 = arith.cmpi sge, %add3A_188, %ge3A_189 : i32
      %convert_element_type3A_191 = arith.extui %ge3A_190 : i1 to i32
      %cond3A_192 = arith.constant 0 : i32
      %cond3A_193 = arith.cmpi ne, %convert_element_type3A_191, %cond3A_192 : i32
      scf.if %cond3A_193 {
        %sub3A_247 = arith.constant 1 : i32
        %sub3A_248 = arith.subi %add3A_188, %sub3A_247 : i32
        %dma_wait3A_249 = arith.constant 0 : i32
        %dma_wait3A_250 = tpu.memref_slice %arg8[%sub3A_248, %dma_wait3A_249] : memref<80x128xi32, #tpu.memory_space<vmem>> -> memref<1x128xi32, #tpu.memory_space<vmem>>
        %dma_wait3A_251 = tpu.memref_squeeze %dma_wait3A_250 : memref<1x128xi32, #tpu.memory_space<vmem>> -> memref<128xi32, #tpu.memory_space<vmem>>
        %dma_wait3A_252 = arith.constant 0 : i32
        %dma_wait3A_253 = arith.constant 0 : i32
        %dma_wait3A_254 = tpu.memref_slice %arg14[%dma_wait3A_252, %dma_wait3A_253] : memref<10240x32xf32, #tpu.memory_space<vmem_shared>> -> memref<10240x32xf32, #tpu.memory_space<vmem_shared>>
        tpu.wait_indirect_dma semaphore(%arg20 : memref<!tpu.dma_semaphore, #tpu.memory_space<semaphore_mem>>) src(%arg10 : memref<128x32xf32, #tpu.memory_space<vmem>>) dst(%dma_wait3A_254 : memref<10240x32xf32, #tpu.memory_space<vmem_shared>>)
      } else {
      }
      %add3A_194 = arith.constant 4 : i32
      %add3A_195 = arith.addi %add3A_188, %add3A_194 : i32
      %sub3A_196 = arith.constant 1 : i32
      %sub3A_197 = arith.subi %add3A_195, %sub3A_196 : i32
      %dma_start3A_198 = arith.constant 0 : i32
      %dma_start3A_199 = tpu.memref_slice %arg7[%sub3A_197, %dma_start3A_198] : memref<80x128xi32, #tpu.memory_space<vmem>> -> memref<1x128xi32, #tpu.memory_space<vmem>>
      %dma_start3A_200 = tpu.memref_squeeze %dma_start3A_199 : memref<1x128xi32, #tpu.memory_space<vmem>> -> memref<128xi32, #tpu.memory_space<vmem>>
      %dma_start3A_201 = arith.constant 0 : i32
      %dma_start3A_202 = arith.constant 0 : i32
      %dma_start3A_203 = tpu.memref_slice %arg13[%dma_start3A_201, %dma_start3A_202] : memref<10240x32xf32, #tpu.memory_space<vmem_shared>> -> memref<10240x32xf32, #tpu.memory_space<vmem_shared>>
      tpu.enqueue_indirect_dma source(%dma_start3A_203 : memref<10240x32xf32, #tpu.memory_space<vmem_shared>>) target(%arg10 : memref<128x32xf32, #tpu.memory_space<vmem>>) offsets(%dma_start3A_200 : memref<128xi32, #tpu.memory_space<vmem>>) semaphore(%arg16 : memref<!tpu.dma_semaphore, #tpu.memory_space<semaphore_mem>>)
      %dma_wait3A_204 = arith.constant 0 : i32
      %dma_wait3A_205 = tpu.memref_slice %arg7[%add3A_188, %dma_wait3A_204] : memref<80x128xi32, #tpu.memory_space<vmem>> -> memref<1x128xi32, #tpu.memory_space<vmem>>
      %dma_wait3A_206 = tpu.memref_squeeze %dma_wait3A_205 : memref<1x128xi32, #tpu.memory_space<vmem>> -> memref<128xi32, #tpu.memory_space<vmem>>
      %dma_wait3A_207 = arith.constant 0 : i32
      %dma_wait3A_208 = arith.constant 0 : i32
      %dma_wait3A_209 = tpu.memref_slice %arg13[%dma_wait3A_207, %dma_wait3A_208] : memref<10240x32xf32, #tpu.memory_space<vmem_shared>> -> memref<10240x32xf32, #tpu.memory_space<vmem_shared>>
      tpu.wait_indirect_dma semaphore(%arg17 : memref<!tpu.dma_semaphore, #tpu.memory_space<semaphore_mem>>) src(%dma_wait3A_209 : memref<10240x32xf32, #tpu.memory_space<vmem_shared>>) dst(%arg11 : memref<128x32xf32, #tpu.memory_space<vmem>>)
      %dma_start3A_210 = arith.constant 0 : i32
      %dma_start3A_211 = tpu.memref_slice %arg8[%add3A_188, %dma_start3A_210] : memref<80x128xi32, #tpu.memory_space<vmem>> -> memref<1x128xi32, #tpu.memory_space<vmem>>
      %dma_start3A_212 = tpu.memref_squeeze %dma_start3A_211 : memref<1x128xi32, #tpu.memory_space<vmem>> -> memref<128xi32, #tpu.memory_space<vmem>>
      %dma_start3A_213 = arith.constant 0 : i32
      %dma_start3A_214 = arith.constant 0 : i32
      %dma_start3A_215 = tpu.memref_slice %arg14[%dma_start3A_213, %dma_start3A_214] : memref<10240x32xf32, #tpu.memory_space<vmem_shared>> -> memref<10240x32xf32, #tpu.memory_space<vmem_shared>>
      tpu.enqueue_indirect_dma source(%arg11 : memref<128x32xf32, #tpu.memory_space<vmem>>) target(%dma_start3A_215 : memref<10240x32xf32, #tpu.memory_space<vmem_shared>>) offsets(%dma_start3A_212 : memref<128xi32, #tpu.memory_space<vmem>>) semaphore(%arg21 : memref<!tpu.dma_semaphore, #tpu.memory_space<semaphore_mem>>) {add = true}
      %mul3A_216 = arith.constant 4 : i32
      %mul3A_217 = arith.muli %scan3A_126, %mul3A_216 : i32
      %add3A_218 = arith.constant 3 : i32
      %add3A_219 = arith.addi %mul3A_217, %add3A_218 : i32
      %ge3A_220 = arith.constant 1 : i32
      %ge3A_221 = arith.cmpi sge, %add3A_219, %ge3A_220 : i32
      %convert_element_type3A_222 = arith.extui %ge3A_221 : i1 to i32
      %cond3A_223 = arith.constant 0 : i32
      %cond3A_224 = arith.cmpi ne, %convert_element_type3A_222, %cond3A_223 : i32
      scf.if %cond3A_224 {
        %sub3A_247 = arith.constant 1 : i32
        %sub3A_248 = arith.subi %add3A_219, %sub3A_247 : i32
        %dma_wait3A_249 = arith.constant 0 : i32
        %dma_wait3A_250 = tpu.memref_slice %arg8[%sub3A_248, %dma_wait3A_249] : memref<80x128xi32, #tpu.memory_space<vmem>> -> memref<1x128xi32, #tpu.memory_space<vmem>>
        %dma_wait3A_251 = tpu.memref_squeeze %dma_wait3A_250 : memref<1x128xi32, #tpu.memory_space<vmem>> -> memref<128xi32, #tpu.memory_space<vmem>>
        %dma_wait3A_252 = arith.constant 0 : i32
        %dma_wait3A_253 = arith.constant 0 : i32
        %dma_wait3A_254 = tpu.memref_slice %arg14[%dma_wait3A_252, %dma_wait3A_253] : memref<10240x32xf32, #tpu.memory_space<vmem_shared>> -> memref<10240x32xf32, #tpu.memory_space<vmem_shared>>
        tpu.wait_indirect_dma semaphore(%arg21 : memref<!tpu.dma_semaphore, #tpu.memory_space<semaphore_mem>>) src(%arg11 : memref<128x32xf32, #tpu.memory_space<vmem>>) dst(%dma_wait3A_254 : memref<10240x32xf32, #tpu.memory_space<vmem_shared>>)
      } else {
      }
      %add3A_225 = arith.constant 4 : i32
      %add3A_226 = arith.addi %add3A_219, %add3A_225 : i32
      %sub3A_227 = arith.constant 1 : i32
      %sub3A_228 = arith.subi %add3A_226, %sub3A_227 : i32
      %dma_start3A_229 = arith.constant 0 : i32
      %dma_start3A_230 = tpu.memref_slice %arg7[%sub3A_228, %dma_start3A_229] : memref<80x128xi32, #tpu.memory_space<vmem>> -> memref<1x128xi32, #tpu.memory_space<vmem>>
      %dma_start3A_231 = tpu.memref_squeeze %dma_start3A_230 : memref<1x128xi32, #tpu.memory_space<vmem>> -> memref<128xi32, #tpu.memory_space<vmem>>
      %dma_start3A_232 = arith.constant 0 : i32
      %dma_start3A_233 = arith.constant 0 : i32
      %dma_start3A_234 = tpu.memref_slice %arg13[%dma_start3A_232, %dma_start3A_233] : memref<10240x32xf32, #tpu.memory_space<vmem_shared>> -> memref<10240x32xf32, #tpu.memory_space<vmem_shared>>
      tpu.enqueue_indirect_dma source(%dma_start3A_234 : memref<10240x32xf32, #tpu.memory_space<vmem_shared>>) target(%arg11 : memref<128x32xf32, #tpu.memory_space<vmem>>) offsets(%dma_start3A_231 : memref<128xi32, #tpu.memory_space<vmem>>) semaphore(%arg17 : memref<!tpu.dma_semaphore, #tpu.memory_space<semaphore_mem>>)
      %dma_wait3A_235 = arith.constant 0 : i32
      %dma_wait3A_236 = tpu.memref_slice %arg7[%add3A_219, %dma_wait3A_235] : memref<80x128xi32, #tpu.memory_space<vmem>> -> memref<1x128xi32, #tpu.memory_space<vmem>>
      %dma_wait3A_237 = tpu.memref_squeeze %dma_wait3A_236 : memref<1x128xi32, #tpu.memory_space<vmem>> -> memref<128xi32, #tpu.memory_space<vmem>>
      %dma_wait3A_238 = arith.constant 0 : i32
      %dma_wait3A_239 = arith.constant 0 : i32
      %dma_wait3A_240 = tpu.memref_slice %arg13[%dma_wait3A_238, %dma_wait3A_239] : memref<10240x32xf32, #tpu.memory_space<vmem_shared>> -> memref<10240x32xf32, #tpu.memory_space<vmem_shared>>
      tpu.wait_indirect_dma semaphore(%arg18 : memref<!tpu.dma_semaphore, #tpu.memory_space<semaphore_mem>>) src(%dma_wait3A_240 : memref<10240x32xf32, #tpu.memory_space<vmem_shared>>) dst(%arg12 : memref<128x32xf32, #tpu.memory_space<vmem>>)
      %dma_start3A_241 = arith.constant 0 : i32
      %dma_start3A_242 = tpu.memref_slice %arg8[%add3A_219, %dma_start3A_241] : memref<80x128xi32, #tpu.memory_space<vmem>> -> memref<1x128xi32, #tpu.memory_space<vmem>>
      %dma_start3A_243 = tpu.memref_squeeze %dma_start3A_242 : memref<1x128xi32, #tpu.memory_space<vmem>> -> memref<128xi32, #tpu.memory_space<vmem>>
      %dma_start3A_244 = arith.constant 0 : i32
      %dma_start3A_245 = arith.constant 0 : i32
      %dma_start3A_246 = tpu.memref_slice %arg14[%dma_start3A_244, %dma_start3A_245] : memref<10240x32xf32, #tpu.memory_space<vmem_shared>> -> memref<10240x32xf32, #tpu.memory_space<vmem_shared>>
      tpu.enqueue_indirect_dma source(%arg12 : memref<128x32xf32, #tpu.memory_space<vmem>>) target(%dma_start3A_246 : memref<10240x32xf32, #tpu.memory_space<vmem_shared>>) offsets(%dma_start3A_243 : memref<128xi32, #tpu.memory_space<vmem>>) semaphore(%arg22 : memref<!tpu.dma_semaphore, #tpu.memory_space<semaphore_mem>>) {add = true}
    }
    %scan3A_27 = arith.constant 19 : i32
    %dma_wait3A = arith.constant 75 : i32
    %dma_wait3A_28 = arith.constant 0 : i32
    %dma_wait3A_29 = tpu.memref_slice %arg8[%dma_wait3A, %dma_wait3A_28] : memref<80x128xi32, #tpu.memory_space<vmem>> -> memref<1x128xi32, #tpu.memory_space<vmem>>
    %dma_wait3A_30 = tpu.memref_squeeze %dma_wait3A_29 : memref<1x128xi32, #tpu.memory_space<vmem>> -> memref<128xi32, #tpu.memory_space<vmem>>
    %dma_wait3A_31 = arith.constant 0 : i32
    %dma_wait3A_32 = arith.constant 0 : i32
    %dma_wait3A_33 = tpu.memref_slice %arg14[%dma_wait3A_31, %dma_wait3A_32] : memref<10240x32xf32, #tpu.memory_space<vmem_shared>> -> memref<10240x32xf32, #tpu.memory_space<vmem_shared>>
    tpu.wait_indirect_dma semaphore(%arg22 : memref<!tpu.dma_semaphore, #tpu.memory_space<semaphore_mem>>) src(%arg12 : memref<128x32xf32, #tpu.memory_space<vmem>>) dst(%dma_wait3A_33 : memref<10240x32xf32, #tpu.memory_space<vmem_shared>>)
    %dma_start3A_34 = arith.constant 79 : i32
    %dma_start3A_35 = arith.constant 0 : i32
    %dma_start3A_36 = tpu.memref_slice %arg7[%dma_start3A_34, %dma_start3A_35] : memref<80x128xi32, #tpu.memory_space<vmem>> -> memref<1x128xi32, #tpu.memory_space<vmem>>
    %dma_start3A_37 = tpu.memref_squeeze %dma_start3A_36 : memref<1x128xi32, #tpu.memory_space<vmem>> -> memref<128xi32, #tpu.memory_space<vmem>>
    %dma_start3A_38 = arith.constant 0 : i32
    %dma_start3A_39 = arith.constant 0 : i32
    %dma_start3A_40 = tpu.memref_slice %arg13[%dma_start3A_38, %dma_start3A_39] : memref<10240x32xf32, #tpu.memory_space<vmem_shared>> -> memref<10240x32xf32, #tpu.memory_space<vmem_shared>>
    tpu.enqueue_indirect_dma source(%dma_start3A_40 : memref<10240x32xf32, #tpu.memory_space<vmem_shared>>) target(%arg12 : memref<128x32xf32, #tpu.memory_space<vmem>>) offsets(%dma_start3A_37 : memref<128xi32, #tpu.memory_space<vmem>>) semaphore(%arg18 : memref<!tpu.dma_semaphore, #tpu.memory_space<semaphore_mem>>)
    %dma_wait3A_41 = arith.constant 76 : i32
    %dma_wait3A_42 = arith.constant 0 : i32
    %dma_wait3A_43 = tpu.memref_slice %arg7[%dma_wait3A_41, %dma_wait3A_42] : memref<80x128xi32, #tpu.memory_space<vmem>> -> memref<1x128xi32, #tpu.memory_space<vmem>>
    %dma_wait3A_44 = tpu.memref_squeeze %dma_wait3A_43 : memref<1x128xi32, #tpu.memory_space<vmem>> -> memref<128xi32, #tpu.memory_space<vmem>>
    %dma_wait3A_45 = arith.constant 0 : i32
    %dma_wait3A_46 = arith.constant 0 : i32
    %dma_wait3A_47 = tpu.memref_slice %arg13[%dma_wait3A_45, %dma_wait3A_46] : memref<10240x32xf32, #tpu.memory_space<vmem_shared>> -> memref<10240x32xf32, #tpu.memory_space<vmem_shared>>
    tpu.wait_indirect_dma semaphore(%arg15 : memref<!tpu.dma_semaphore, #tpu.memory_space<semaphore_mem>>) src(%dma_wait3A_47 : memref<10240x32xf32, #tpu.memory_space<vmem_shared>>) dst(%arg9 : memref<128x32xf32, #tpu.memory_space<vmem>>)
    %dma_start3A_48 = arith.constant 76 : i32
    %dma_start3A_49 = arith.constant 0 : i32
    %dma_start3A_50 = tpu.memref_slice %arg8[%dma_start3A_48, %dma_start3A_49] : memref<80x128xi32, #tpu.memory_space<vmem>> -> memref<1x128xi32, #tpu.memory_space<vmem>>
    %dma_start3A_51 = tpu.memref_squeeze %dma_start3A_50 : memref<1x128xi32, #tpu.memory_space<vmem>> -> memref<128xi32, #tpu.memory_space<vmem>>
    %dma_start3A_52 = arith.constant 0 : i32
    %dma_start3A_53 = arith.constant 0 : i32
    %dma_start3A_54 = tpu.memref_slice %arg14[%dma_start3A_52, %dma_start3A_53] : memref<10240x32xf32, #tpu.memory_space<vmem_shared>> -> memref<10240x32xf32, #tpu.memory_space<vmem_shared>>
    tpu.enqueue_indirect_dma source(%arg9 : memref<128x32xf32, #tpu.memory_space<vmem>>) target(%dma_start3A_54 : memref<10240x32xf32, #tpu.memory_space<vmem_shared>>) offsets(%dma_start3A_51 : memref<128xi32, #tpu.memory_space<vmem>>) semaphore(%arg19 : memref<!tpu.dma_semaphore, #tpu.memory_space<semaphore_mem>>) {add = true}
    %dma_wait3A_55 = arith.constant 77 : i32
    %dma_wait3A_56 = arith.constant 0 : i32
    %dma_wait3A_57 = tpu.memref_slice %arg7[%dma_wait3A_55, %dma_wait3A_56] : memref<80x128xi32, #tpu.memory_space<vmem>> -> memref<1x128xi32, #tpu.memory_space<vmem>>
    %dma_wait3A_58 = tpu.memref_squeeze %dma_wait3A_57 : memref<1x128xi32, #tpu.memory_space<vmem>> -> memref<128xi32, #tpu.memory_space<vmem>>
    %dma_wait3A_59 = arith.constant 0 : i32
    %dma_wait3A_60 = arith.constant 0 : i32
    %dma_wait3A_61 = tpu.memref_slice %arg13[%dma_wait3A_59, %dma_wait3A_60] : memref<10240x32xf32, #tpu.memory_space<vmem_shared>> -> memref<10240x32xf32, #tpu.memory_space<vmem_shared>>
    tpu.wait_indirect_dma semaphore(%arg16 : memref<!tpu.dma_semaphore, #tpu.memory_space<semaphore_mem>>) src(%dma_wait3A_61 : memref<10240x32xf32, #tpu.memory_space<vmem_shared>>) dst(%arg10 : memref<128x32xf32, #tpu.memory_space<vmem>>)
    %dma_start3A_62 = arith.constant 77 : i32
    %dma_start3A_63 = arith.constant 0 : i32
    %dma_start3A_64 = tpu.memref_slice %arg8[%dma_start3A_62, %dma_start3A_63] : memref<80x128xi32, #tpu.memory_space<vmem>> -> memref<1x128xi32, #tpu.memory_space<vmem>>
    %dma_start3A_65 = tpu.memref_squeeze %dma_start3A_64 : memref<1x128xi32, #tpu.memory_space<vmem>> -> memref<128xi32, #tpu.memory_space<vmem>>
    %dma_start3A_66 = arith.constant 0 : i32
    %dma_start3A_67 = arith.constant 0 : i32
    %dma_start3A_68 = tpu.memref_slice %arg14[%dma_start3A_66, %dma_start3A_67] : memref<10240x32xf32, #tpu.memory_space<vmem_shared>> -> memref<10240x32xf32, #tpu.memory_space<vmem_shared>>
    tpu.enqueue_indirect_dma source(%arg10 : memref<128x32xf32, #tpu.memory_space<vmem>>) target(%dma_start3A_68 : memref<10240x32xf32, #tpu.memory_space<vmem_shared>>) offsets(%dma_start3A_65 : memref<128xi32, #tpu.memory_space<vmem>>) semaphore(%arg20 : memref<!tpu.dma_semaphore, #tpu.memory_space<semaphore_mem>>) {add = true}
    %dma_wait3A_69 = arith.constant 78 : i32
    %dma_wait3A_70 = arith.constant 0 : i32
    %dma_wait3A_71 = tpu.memref_slice %arg7[%dma_wait3A_69, %dma_wait3A_70] : memref<80x128xi32, #tpu.memory_space<vmem>> -> memref<1x128xi32, #tpu.memory_space<vmem>>
    %dma_wait3A_72 = tpu.memref_squeeze %dma_wait3A_71 : memref<1x128xi32, #tpu.memory_space<vmem>> -> memref<128xi32, #tpu.memory_space<vmem>>
    %dma_wait3A_73 = arith.constant 0 : i32
    %dma_wait3A_74 = arith.constant 0 : i32
    %dma_wait3A_75 = tpu.memref_slice %arg13[%dma_wait3A_73, %dma_wait3A_74] : memref<10240x32xf32, #tpu.memory_space<vmem_shared>> -> memref<10240x32xf32, #tpu.memory_space<vmem_shared>>
    tpu.wait_indirect_dma semaphore(%arg17 : memref<!tpu.dma_semaphore, #tpu.memory_space<semaphore_mem>>) src(%dma_wait3A_75 : memref<10240x32xf32, #tpu.memory_space<vmem_shared>>) dst(%arg11 : memref<128x32xf32, #tpu.memory_space<vmem>>)
    %dma_start3A_76 = arith.constant 78 : i32
    %dma_start3A_77 = arith.constant 0 : i32
    %dma_start3A_78 = tpu.memref_slice %arg8[%dma_start3A_76, %dma_start3A_77] : memref<80x128xi32, #tpu.memory_space<vmem>> -> memref<1x128xi32, #tpu.memory_space<vmem>>
    %dma_start3A_79 = tpu.memref_squeeze %dma_start3A_78 : memref<1x128xi32, #tpu.memory_space<vmem>> -> memref<128xi32, #tpu.memory_space<vmem>>
    %dma_start3A_80 = arith.constant 0 : i32
    %dma_start3A_81 = arith.constant 0 : i32
    %dma_start3A_82 = tpu.memref_slice %arg14[%dma_start3A_80, %dma_start3A_81] : memref<10240x32xf32, #tpu.memory_space<vmem_shared>> -> memref<10240x32xf32, #tpu.memory_space<vmem_shared>>
    tpu.enqueue_indirect_dma source(%arg11 : memref<128x32xf32, #tpu.memory_space<vmem>>) target(%dma_start3A_82 : memref<10240x32xf32, #tpu.memory_space<vmem_shared>>) offsets(%dma_start3A_79 : memref<128xi32, #tpu.memory_space<vmem>>) semaphore(%arg21 : memref<!tpu.dma_semaphore, #tpu.memory_space<semaphore_mem>>) {add = true}
    %dma_wait3A_83 = arith.constant 79 : i32
    %dma_wait3A_84 = arith.constant 0 : i32
    %dma_wait3A_85 = tpu.memref_slice %arg7[%dma_wait3A_83, %dma_wait3A_84] : memref<80x128xi32, #tpu.memory_space<vmem>> -> memref<1x128xi32, #tpu.memory_space<vmem>>
    %dma_wait3A_86 = tpu.memref_squeeze %dma_wait3A_85 : memref<1x128xi32, #tpu.memory_space<vmem>> -> memref<128xi32, #tpu.memory_space<vmem>>
    %dma_wait3A_87 = arith.constant 0 : i32
    %dma_wait3A_88 = arith.constant 0 : i32
    %dma_wait3A_89 = tpu.memref_slice %arg13[%dma_wait3A_87, %dma_wait3A_88] : memref<10240x32xf32, #tpu.memory_space<vmem_shared>> -> memref<10240x32xf32, #tpu.memory_space<vmem_shared>>
    tpu.wait_indirect_dma semaphore(%arg18 : memref<!tpu.dma_semaphore, #tpu.memory_space<semaphore_mem>>) src(%dma_wait3A_89 : memref<10240x32xf32, #tpu.memory_space<vmem_shared>>) dst(%arg12 : memref<128x32xf32, #tpu.memory_space<vmem>>)
    %dma_start3A_90 = arith.constant 79 : i32
    %dma_start3A_91 = arith.constant 0 : i32
    %dma_start3A_92 = tpu.memref_slice %arg8[%dma_start3A_90, %dma_start3A_91] : memref<80x128xi32, #tpu.memory_space<vmem>> -> memref<1x128xi32, #tpu.memory_space<vmem>>
    %dma_start3A_93 = tpu.memref_squeeze %dma_start3A_92 : memref<1x128xi32, #tpu.memory_space<vmem>> -> memref<128xi32, #tpu.memory_space<vmem>>
    %dma_start3A_94 = arith.constant 0 : i32
    %dma_start3A_95 = arith.constant 0 : i32
    %dma_start3A_96 = tpu.memref_slice %arg14[%dma_start3A_94, %dma_start3A_95] : memref<10240x32xf32, #tpu.memory_space<vmem_shared>> -> memref<10240x32xf32, #tpu.memory_space<vmem_shared>>
    tpu.enqueue_indirect_dma source(%arg12 : memref<128x32xf32, #tpu.memory_space<vmem>>) target(%dma_start3A_96 : memref<10240x32xf32, #tpu.memory_space<vmem_shared>>) offsets(%dma_start3A_93 : memref<128xi32, #tpu.memory_space<vmem>>) semaphore(%arg22 : memref<!tpu.dma_semaphore, #tpu.memory_space<semaphore_mem>>) {add = true}
    %dma_wait3A_97 = arith.constant 76 : i32
    %dma_wait3A_98 = arith.constant 0 : i32
    %dma_wait3A_99 = tpu.memref_slice %arg8[%dma_wait3A_97, %dma_wait3A_98] : memref<80x128xi32, #tpu.memory_space<vmem>> -> memref<1x128xi32, #tpu.memory_space<vmem>>
    %dma_wait3A_100 = tpu.memref_squeeze %dma_wait3A_99 : memref<1x128xi32, #tpu.memory_space<vmem>> -> memref<128xi32, #tpu.memory_space<vmem>>
    %dma_wait3A_101 = arith.constant 0 : i32
    %dma_wait3A_102 = arith.constant 0 : i32
    %dma_wait3A_103 = tpu.memref_slice %arg14[%dma_wait3A_101, %dma_wait3A_102] : memref<10240x32xf32, #tpu.memory_space<vmem_shared>> -> memref<10240x32xf32, #tpu.memory_space<vmem_shared>>
    tpu.wait_indirect_dma semaphore(%arg19 : memref<!tpu.dma_semaphore, #tpu.memory_space<semaphore_mem>>) src(%arg9 : memref<128x32xf32, #tpu.memory_space<vmem>>) dst(%dma_wait3A_103 : memref<10240x32xf32, #tpu.memory_space<vmem_shared>>)
    %dma_wait3A_104 = arith.constant 77 : i32
    %dma_wait3A_105 = arith.constant 0 : i32
    %dma_wait3A_106 = tpu.memref_slice %arg8[%dma_wait3A_104, %dma_wait3A_105] : memref<80x128xi32, #tpu.memory_space<vmem>> -> memref<1x128xi32, #tpu.memory_space<vmem>>
    %dma_wait3A_107 = tpu.memref_squeeze %dma_wait3A_106 : memref<1x128xi32, #tpu.memory_space<vmem>> -> memref<128xi32, #tpu.memory_space<vmem>>
    %dma_wait3A_108 = arith.constant 0 : i32
    %dma_wait3A_109 = arith.constant 0 : i32
    %dma_wait3A_110 = tpu.memref_slice %arg14[%dma_wait3A_108, %dma_wait3A_109] : memref<10240x32xf32, #tpu.memory_space<vmem_shared>> -> memref<10240x32xf32, #tpu.memory_space<vmem_shared>>
    tpu.wait_indirect_dma semaphore(%arg20 : memref<!tpu.dma_semaphore, #tpu.memory_space<semaphore_mem>>) src(%arg10 : memref<128x32xf32, #tpu.memory_space<vmem>>) dst(%dma_wait3A_110 : memref<10240x32xf32, #tpu.memory_space<vmem_shared>>)
    %dma_wait3A_111 = arith.constant 78 : i32
    %dma_wait3A_112 = arith.constant 0 : i32
    %dma_wait3A_113 = tpu.memref_slice %arg8[%dma_wait3A_111, %dma_wait3A_112] : memref<80x128xi32, #tpu.memory_space<vmem>> -> memref<1x128xi32, #tpu.memory_space<vmem>>
    %dma_wait3A_114 = tpu.memref_squeeze %dma_wait3A_113 : memref<1x128xi32, #tpu.memory_space<vmem>> -> memref<128xi32, #tpu.memory_space<vmem>>
    %dma_wait3A_115 = arith.constant 0 : i32
    %dma_wait3A_116 = arith.constant 0 : i32
    %dma_wait3A_117 = tpu.memref_slice %arg14[%dma_wait3A_115, %dma_wait3A_116] : memref<10240x32xf32, #tpu.memory_space<vmem_shared>> -> memref<10240x32xf32, #tpu.memory_space<vmem_shared>>
    tpu.wait_indirect_dma semaphore(%arg21 : memref<!tpu.dma_semaphore, #tpu.memory_space<semaphore_mem>>) src(%arg11 : memref<128x32xf32, #tpu.memory_space<vmem>>) dst(%dma_wait3A_117 : memref<10240x32xf32, #tpu.memory_space<vmem_shared>>)
    %dma_wait3A_118 = arith.constant 79 : i32
    %dma_wait3A_119 = arith.constant 0 : i32
    %dma_wait3A_120 = tpu.memref_slice %arg8[%dma_wait3A_118, %dma_wait3A_119] : memref<80x128xi32, #tpu.memory_space<vmem>> -> memref<1x128xi32, #tpu.memory_space<vmem>>
    %dma_wait3A_121 = tpu.memref_squeeze %dma_wait3A_120 : memref<1x128xi32, #tpu.memory_space<vmem>> -> memref<128xi32, #tpu.memory_space<vmem>>
    %dma_wait3A_122 = arith.constant 0 : i32
    %dma_wait3A_123 = arith.constant 0 : i32
    %dma_wait3A_124 = tpu.memref_slice %arg14[%dma_wait3A_122, %dma_wait3A_123] : memref<10240x32xf32, #tpu.memory_space<vmem_shared>> -> memref<10240x32xf32, #tpu.memory_space<vmem_shared>>
    tpu.wait_indirect_dma semaphore(%arg22 : memref<!tpu.dma_semaphore, #tpu.memory_space<semaphore_mem>>) src(%arg12 : memref<128x32xf32, #tpu.memory_space<vmem>>) dst(%dma_wait3A_124 : memref<10240x32xf32, #tpu.memory_space<vmem_shared>>)
    %barrier3A_125 = arith.constant 0 : index
    tpu.barrier barrier_id(%barrier3A_125)
    "tpu.region"() ({
      %run_scoped3A = tpu.sem_alloc : memref<!tpu.dma_semaphore, #tpu.memory_space<semaphore_mem>>
      %dma_start3A_126 = arith.constant 0 : i32
      %dma_start3A_127 = tpu.memref_slice %arg6[%arg0, %mul3A_2, %dma_start3A_126] : memref<2x10240x32xf32, #tpu.memory_space<hbm>> -> memref<1x640x32xf32, #tpu.memory_space<hbm>>
      %dma_start3A_128 = tpu.memref_squeeze %dma_start3A_127 : memref<1x640x32xf32, #tpu.memory_space<hbm>> -> memref<640x32xf32, #tpu.memory_space<hbm>>
      %dma_start3A_129 = arith.constant 0 : i32
      %dma_start3A_130 = tpu.memref_slice %arg14[%mul3A_2, %dma_start3A_129] : memref<10240x32xf32, #tpu.memory_space<vmem_shared>> -> memref<640x32xf32, #tpu.memory_space<vmem_shared>>
      tpu.enqueue_dma source(%dma_start3A_130 : memref<640x32xf32, #tpu.memory_space<vmem_shared>>) target(%dma_start3A_128 : memref<640x32xf32, #tpu.memory_space<hbm>>) target_semaphore(%run_scoped3A : memref<!tpu.dma_semaphore, #tpu.memory_space<semaphore_mem>>)
      %dma_wait3A_131 = arith.constant 0 : i32
      %dma_wait3A_132 = tpu.memref_slice %arg6[%arg0, %mul3A_2, %dma_wait3A_131] : memref<2x10240x32xf32, #tpu.memory_space<hbm>> -> memref<1x640x32xf32, #tpu.memory_space<hbm>>
      %dma_wait3A_133 = tpu.memref_squeeze %dma_wait3A_132 : memref<1x640x32xf32, #tpu.memory_space<hbm>> -> memref<640x32xf32, #tpu.memory_space<hbm>>
      %dma_wait3A_134 = arith.constant 0 : i32
      %dma_wait3A_135 = tpu.memref_slice %arg14[%mul3A_2, %dma_wait3A_134] : memref<10240x32xf32, #tpu.memory_space<vmem_shared>> -> memref<640x32xf32, #tpu.memory_space<vmem_shared>>
      tpu.wait_dma2 semaphore(%run_scoped3A : memref<!tpu.dma_semaphore, #tpu.memory_space<semaphore_mem>>) src(%dma_wait3A_135 : memref<640x32xf32, #tpu.memory_space<vmem_shared>>) dst(%dma_wait3A_133 : memref<640x32xf32, #tpu.memory_space<hbm>>)
      tpu.yield
    }) : () -> ()
    return
  }
}

module attributes {stable_mosaic.version = 14 : i64} {
  func.func @body(%arg0: memref<2x2560x128xf32, #tpu.memory_space<vmem>>, %arg1: memref<10000x128xf32, #tpu.memory_space<vmem>>, %arg2: memref<128x32xf32, #tpu.memory_space<vmem>>, %arg3: memref<2500x128xf32, #tpu.memory_space<vmem>>, %arg4: memref<2560x128xf32, #tpu.memory_space<vmem>>) attributes {dimension_semantics = [], scalar_prefetch = 0 : i64, scratch_operands = 0 : i64, tpu.core_type = #tpu.core_type<tc>} {
    %get3A = arith.constant 0 : index
    %get3A_0 = arith.constant 0 : index
    %get3A_1 = arith.constant 0 : index
    %get3A_2 = vector.load %arg0[%get3A, %get3A_0, %get3A_1] : memref<2x2560x128xf32, #tpu.memory_space<vmem>>, vector<1x2560x128xf32>
    %get3A_3 = vector.shape_cast %get3A_2 : vector<1x2560x128xf32> to vector<2560x128xf32>
    %get3A_4 = arith.constant 1 : index
    %get3A_5 = arith.constant 0 : index
    %get3A_6 = arith.constant 0 : index
    %get3A_7 = vector.load %arg0[%get3A_4, %get3A_5, %get3A_6] : memref<2x2560x128xf32, #tpu.memory_space<vmem>>, vector<1x2560x128xf32>
    %get3A_8 = vector.shape_cast %get3A_7 : vector<1x2560x128xf32> to vector<2560x128xf32>
    %add3A = arith.addf %get3A_3, %get3A_8 : vector<2560x128xf32>
    %add3A_9 = arith.constant 1.000000e+00 : f32
    %add3A_10 = vector.broadcast %add3A_9 : f32 to vector<2560x128xf32>
    %add3A_11 = arith.addf %add3A, %add3A_10 : vector<2560x128xf32>
    %rsqrt3A = math.rsqrt %add3A_11 : vector<2560x128xf32>
    %slice3A = vector.extract_strided_slice %rsqrt3A {offsets = [0, 0], sizes = [2500, 128], strides = [1, 1]} : vector<2560x128xf32> to vector<2500x128xf32>
    %get3A_12 = arith.constant 0 : index
    %get3A_13 = arith.constant 0 : index
    %get3A_14 = vector.load %arg1[%get3A_12, %get3A_13] : memref<10000x128xf32, #tpu.memory_space<vmem>>, vector<10000x128xf32>
    %get3A_15 = arith.constant 0 : index
    %get3A_16 = arith.constant 0 : index
    %get3A_17 = vector.load %arg2[%get3A_15, %get3A_16] : memref<128x32xf32, #tpu.memory_space<vmem>>, vector<128x32xf32>
    %dot_general3A = arith.constant dense<0.000000e+00> : vector<10000x32xf32>
    %dot_general3A_18 = tpu.matmul %get3A_14, %get3A_17, %dot_general3A {dimension_numbers = #tpu.dot_dimension_numbers<[1], [0], [0], [1], [0, 0, 1, 1], [], []>, transpose_lhs_hint = false} : vector<10000x128xf32>, vector<128x32xf32>, vector<10000x32xf32> -> vector<10000x32xf32>
    %swap3A = arith.constant 0 : index
    %swap3A_19 = arith.constant 0 : index
    %swap3A_20 = vector.load %arg3[%swap3A, %swap3A_19] : memref<2500x128xf32, #tpu.memory_space<vmem>>, vector<2500x128xf32>
    tpu.vector_store %arg3[%swap3A, %swap3A_19], %slice3A {strides = array<i32>} : memref<2500x128xf32, #tpu.memory_space<vmem>>, vector<2500x128xf32>,
    %reshape3A = vector.shape_cast %dot_general3A_18 : vector<10000x32xf32> to vector<2500x4x32xf32>
    %slice3A_21 = vector.extract_strided_slice %reshape3A {offsets = [0, 0, 0], sizes = [2500, 1, 32], strides = [1, 1, 1]} : vector<2500x4x32xf32> to vector<2500x1x32xf32>
    %squeeze3A = vector.shape_cast %slice3A_21 : vector<2500x1x32xf32> to vector<2500x32xf32>
    %slice3A_22 = vector.extract_strided_slice %reshape3A {offsets = [0, 1, 0], sizes = [2500, 1, 32], strides = [1, 1, 1]} : vector<2500x4x32xf32> to vector<2500x1x32xf32>
    %squeeze3A_23 = vector.shape_cast %slice3A_22 : vector<2500x1x32xf32> to vector<2500x32xf32>
    %slice3A_24 = vector.extract_strided_slice %reshape3A {offsets = [0, 2, 0], sizes = [2500, 1, 32], strides = [1, 1, 1]} : vector<2500x4x32xf32> to vector<2500x1x32xf32>
    %squeeze3A_25 = vector.shape_cast %slice3A_24 : vector<2500x1x32xf32> to vector<2500x32xf32>
    %slice3A_26 = vector.extract_strided_slice %reshape3A {offsets = [0, 3, 0], sizes = [2500, 1, 32], strides = [1, 1, 1]} : vector<2500x4x32xf32> to vector<2500x1x32xf32>
    %squeeze3A_27 = vector.shape_cast %slice3A_26 : vector<2500x1x32xf32> to vector<2500x32xf32>
    %concatenate3A = tpu.concatenate %squeeze3A, %squeeze3A_23, %squeeze3A_25, %squeeze3A_27 in 1 : vector<2500x32xf32>, vector<2500x32xf32>, vector<2500x32xf32>, vector<2500x32xf32> -> vector<2500x128xf32>
    %mul3A = arith.mulf %concatenate3A, %slice3A : vector<2500x128xf32>
    %swap3A_28 = arith.constant 0 : index
    %swap3A_29 = arith.constant 0 : index
    %swap3A_30 = vector.load %arg4[%swap3A_28, %swap3A_29] : memref<2560x128xf32, #tpu.memory_space<vmem>>, vector<2500x128xf32>
    tpu.vector_store %arg4[%swap3A_28, %swap3A_29], %mul3A {strides = array<i32>} : memref<2560x128xf32, #tpu.memory_space<vmem>>, vector<2500x128xf32>,
    %broadcast_in_dim3A = arith.constant 0.000000e+00 : f32
    %broadcast_in_dim3A_31 = vector.broadcast %broadcast_in_dim3A : f32 to vector<60x128xf32>
    %swap3A_32 = arith.constant 2500 : index
    %swap3A_33 = arith.constant 0 : index
    %swap3A_34 = vector.load %arg4[%swap3A_32, %swap3A_33] : memref<2560x128xf32, #tpu.memory_space<vmem>>, vector<60x128xf32>
    tpu.vector_store %arg4[%swap3A_32, %swap3A_33], %broadcast_in_dim3A_31 {strides = array<i32>} : memref<2560x128xf32, #tpu.memory_space<vmem>>, vector<60x128xf32>,
    return
  }
}

module attributes {stable_mosaic.version = 14 : i64} {
  func.func @body(%arg0: memref<2x2560x128xf32, #tpu.memory_space<vmem>>, %arg1: memref<2560x128xf32, #tpu.memory_space<vmem>>, %arg2: memref<2500x128xf32, #tpu.memory_space<vmem>>, %arg3: memref<1x128xf32, #tpu.memory_space<vmem>>, %arg4: memref<1x128xf32, #tpu.memory_space<vmem>>, %arg5: memref<1x128xf32, #tpu.memory_space<vmem>>, %arg6: memref<128x128xf32, #tpu.memory_space<vmem>>, %arg7: memref<2560x128xf32, #tpu.memory_space<vmem>>) attributes {dimension_semantics = [], scalar_prefetch = 0 : i64, scratch_operands = 0 : i64, tpu.core_type = #tpu.core_type<tc>} {
    %get3A = arith.constant 0 : index
    %get3A_0 = arith.constant 0 : index
    %get3A_1 = arith.constant 0 : index
    %get3A_2 = vector.load %arg0[%get3A, %get3A_0, %get3A_1] : memref<2x2560x128xf32, #tpu.memory_space<vmem>>, vector<2x2560x128xf32>
    %get3A_3 = arith.constant 0 : index
    %get3A_4 = arith.constant 0 : index
    %get3A_5 = vector.load %arg2[%get3A_3, %get3A_4] : memref<2500x128xf32, #tpu.memory_space<vmem>>, vector<2500x128xf32>
    %slice3A = vector.extract_strided_slice %get3A_2 {offsets = [0, 0, 0], sizes = [1, 2500, 128], strides = [1, 1, 1]} : vector<2x2560x128xf32> to vector<1x2500x128xf32>
    %squeeze3A = vector.shape_cast %slice3A : vector<1x2500x128xf32> to vector<2500x128xf32>
    %slice3A_6 = vector.extract_strided_slice %get3A_2 {offsets = [1, 0, 0], sizes = [1, 2500, 128], strides = [1, 1, 1]} : vector<2x2560x128xf32> to vector<1x2500x128xf32>
    %squeeze3A_7 = vector.shape_cast %slice3A_6 : vector<1x2500x128xf32> to vector<2500x128xf32>
    %add3A = arith.addf %squeeze3A, %squeeze3A_7 : vector<2500x128xf32>
    %get3A_8 = arith.constant 0 : index
    %get3A_9 = arith.constant 0 : index
    %get3A_10 = vector.load %arg1[%get3A_8, %get3A_9] : memref<2560x128xf32, #tpu.memory_space<vmem>>, vector<2500x128xf32>
    %add3A_11 = arith.addf %add3A, %get3A_10 : vector<2500x128xf32>
    %mul3A = arith.mulf %get3A_5, %add3A_11 : vector<2500x128xf32>
    %get3A_12 = arith.constant 0 : index
    %get3A_13 = arith.constant 0 : index
    %get3A_14 = vector.load %arg3[%get3A_12, %get3A_13] : memref<1x128xf32, #tpu.memory_space<vmem>>, vector<1x128xf32>
    %add3A_15 = vector.broadcast %get3A_14 : vector<1x128xf32> to vector<2500x128xf32>
    %add3A_16 = arith.addf %mul3A, %add3A_15 : vector<2500x128xf32>
    %get3A_17 = arith.constant 0 : index
    %get3A_18 = arith.constant 0 : index
    %get3A_19 = vector.load %arg4[%get3A_17, %get3A_18] : memref<1x128xf32, #tpu.memory_space<vmem>>, vector<1x128xf32>
    %get3A_20 = arith.constant 0 : index
    %get3A_21 = arith.constant 0 : index
    %get3A_22 = vector.load %arg5[%get3A_20, %get3A_21] : memref<1x128xf32, #tpu.memory_space<vmem>>, vector<1x128xf32>
    %reduce_sum3A = arith.constant dense<0.000000e+00> : vector<128xf32>
    %reduce_sum3A_23 = vector.multi_reduction <add>, %add3A_16, %reduce_sum3A [0] : vector<2500x128xf32> to vector<128xf32>
    %broadcast_in_dim3A = vector.shape_cast %reduce_sum3A_23 : vector<128xf32> to vector<1x128xf32>
    %slice3A_24 = vector.extract_strided_slice %broadcast_in_dim3A {offsets = [0, 0], sizes = [1, 32], strides = [1, 1]} : vector<1x128xf32> to vector<1x32xf32>
    %slice3A_25 = vector.extract_strided_slice %broadcast_in_dim3A {offsets = [0, 32], sizes = [1, 32], strides = [1, 1]} : vector<1x128xf32> to vector<1x32xf32>
    %slice3A_26 = vector.extract_strided_slice %broadcast_in_dim3A {offsets = [0, 64], sizes = [1, 32], strides = [1, 1]} : vector<1x128xf32> to vector<1x32xf32>
    %slice3A_27 = vector.extract_strided_slice %broadcast_in_dim3A {offsets = [0, 96], sizes = [1, 32], strides = [1, 1]} : vector<1x128xf32> to vector<1x32xf32>
    %add3A_28 = arith.addf %slice3A_24, %slice3A_25 : vector<1x32xf32>
    %add3A_29 = arith.addf %add3A_28, %slice3A_26 : vector<1x32xf32>
    %add3A_30 = arith.addf %add3A_29, %slice3A_27 : vector<1x32xf32>
    %concatenate3A = tpu.concatenate %add3A_30, %add3A_30, %add3A_30, %add3A_30 in 1 : vector<1x32xf32>, vector<1x32xf32>, vector<1x32xf32>, vector<1x32xf32> -> vector<1x128xf32>
    %div3A = arith.constant 1.000000e+04 : f32
    %div3A_31 = vector.broadcast %div3A : f32 to vector<1x128xf32>
    %div3A_32 = arith.divf %concatenate3A, %div3A_31 : vector<1x128xf32>
    %sub3A = vector.broadcast %div3A_32 : vector<1x128xf32> to vector<2500x128xf32>
    %sub3A_33 = arith.subf %add3A_16, %sub3A : vector<2500x128xf32>
    %mul3A_34 = arith.mulf %sub3A_33, %sub3A_33 : vector<2500x128xf32>
    %reduce_sum3A_35 = arith.constant dense<0.000000e+00> : vector<128xf32>
    %reduce_sum3A_36 = vector.multi_reduction <add>, %mul3A_34, %reduce_sum3A_35 [0] : vector<2500x128xf32> to vector<128xf32>
    %broadcast_in_dim3A_37 = vector.shape_cast %reduce_sum3A_36 : vector<128xf32> to vector<1x128xf32>
    %slice3A_38 = vector.extract_strided_slice %broadcast_in_dim3A_37 {offsets = [0, 0], sizes = [1, 32], strides = [1, 1]} : vector<1x128xf32> to vector<1x32xf32>
    %slice3A_39 = vector.extract_strided_slice %broadcast_in_dim3A_37 {offsets = [0, 32], sizes = [1, 32], strides = [1, 1]} : vector<1x128xf32> to vector<1x32xf32>
    %slice3A_40 = vector.extract_strided_slice %broadcast_in_dim3A_37 {offsets = [0, 64], sizes = [1, 32], strides = [1, 1]} : vector<1x128xf32> to vector<1x32xf32>
    %slice3A_41 = vector.extract_strided_slice %broadcast_in_dim3A_37 {offsets = [0, 96], sizes = [1, 32], strides = [1, 1]} : vector<1x128xf32> to vector<1x32xf32>
    %add3A_42 = arith.addf %slice3A_38, %slice3A_39 : vector<1x32xf32>
    %add3A_43 = arith.addf %add3A_42, %slice3A_40 : vector<1x32xf32>
    %add3A_44 = arith.addf %add3A_43, %slice3A_41 : vector<1x32xf32>
    %concatenate3A_45 = tpu.concatenate %add3A_44, %add3A_44, %add3A_44, %add3A_44 in 1 : vector<1x32xf32>, vector<1x32xf32>, vector<1x32xf32>, vector<1x32xf32> -> vector<1x128xf32>
    %div3A_46 = arith.constant 1.000000e+04 : f32
    %div3A_47 = vector.broadcast %div3A_46 : f32 to vector<1x128xf32>
    %div3A_48 = arith.divf %concatenate3A_45, %div3A_47 : vector<1x128xf32>
    %add3A_49 = arith.constant 9.99999974E-6 : f32
    %add3A_50 = vector.broadcast %add3A_49 : f32 to vector<1x128xf32>
    %add3A_51 = arith.addf %div3A_48, %add3A_50 : vector<1x128xf32>
    %rsqrt3A = math.rsqrt %add3A_51 : vector<1x128xf32>
    %mul3A_52 = vector.broadcast %rsqrt3A : vector<1x128xf32> to vector<2500x128xf32>
    %mul3A_53 = arith.mulf %sub3A_33, %mul3A_52 : vector<2500x128xf32>
    %mul3A_54 = vector.broadcast %get3A_19 : vector<1x128xf32> to vector<2500x128xf32>
    %mul3A_55 = arith.mulf %mul3A_53, %mul3A_54 : vector<2500x128xf32>
    %add3A_56 = vector.broadcast %get3A_22 : vector<1x128xf32> to vector<2500x128xf32>
    %add3A_57 = arith.addf %mul3A_55, %add3A_56 : vector<2500x128xf32>
    %max3A = arith.constant 0.000000e+00 : f32
    %max3A_58 = vector.broadcast %max3A : f32 to vector<2500x128xf32>
    %max3A_59 = arith.maximumf %add3A_57, %max3A_58 : vector<2500x128xf32>
    %get3A_60 = arith.constant 0 : index
    %get3A_61 = arith.constant 0 : index
    %get3A_62 = vector.load %arg6[%get3A_60, %get3A_61] : memref<128x128xf32, #tpu.memory_space<vmem>>, vector<128x128xf32>
    %dot_general3A = arith.constant dense<0.000000e+00> : vector<2500x128xf32>
    %dot_general3A_63 = tpu.matmul %max3A_59, %get3A_62, %dot_general3A {dimension_numbers = #tpu.dot_dimension_numbers<[1], [0], [0], [1], [0, 0, 1, 1], [], []>, transpose_lhs_hint = false} : vector<2500x128xf32>, vector<128x128xf32>, vector<2500x128xf32> -> vector<2500x128xf32>
    %mul3A_64 = arith.mulf %dot_general3A_63, %get3A_5 : vector<2500x128xf32>
    %swap3A = arith.constant 0 : index
    %swap3A_65 = arith.constant 0 : index
    %swap3A_66 = vector.load %arg7[%swap3A, %swap3A_65] : memref<2560x128xf32, #tpu.memory_space<vmem>>, vector<2500x128xf32>
    tpu.vector_store %arg7[%swap3A, %swap3A_65], %mul3A_64 {strides = array<i32>} : memref<2560x128xf32, #tpu.memory_space<vmem>>, vector<2500x128xf32>,
    %broadcast_in_dim3A_67 = arith.constant 0.000000e+00 : f32
    %broadcast_in_dim3A_68 = vector.broadcast %broadcast_in_dim3A_67 : f32 to vector<60x128xf32>
    %swap3A_69 = arith.constant 2500 : index
    %swap3A_70 = arith.constant 0 : index
    %swap3A_71 = vector.load %arg7[%swap3A_69, %swap3A_70] : memref<2560x128xf32, #tpu.memory_space<vmem>>, vector<60x128xf32>
    tpu.vector_store %arg7[%swap3A_69, %swap3A_70], %broadcast_in_dim3A_68 {strides = array<i32>} : memref<2560x128xf32, #tpu.memory_space<vmem>>, vector<60x128xf32>,
    return
  }
}

module attributes {stable_mosaic.version = 14 : i64} {
  func.func @body(%arg0: memref<2x2560x128xf32, #tpu.memory_space<vmem>>, %arg1: memref<2560x128xf32, #tpu.memory_space<vmem>>, %arg2: memref<2500x128xf32, #tpu.memory_space<vmem>>, %arg3: memref<1x128xf32, #tpu.memory_space<vmem>>, %arg4: memref<1x128xf32, #tpu.memory_space<vmem>>, %arg5: memref<1x128xf32, #tpu.memory_space<vmem>>, %arg6: memref<2560x128xf32, #tpu.memory_space<vmem>>) attributes {dimension_semantics = [], scalar_prefetch = 0 : i64, scratch_operands = 0 : i64, tpu.core_type = #tpu.core_type<tc>} {
    %get3A = arith.constant 0 : index
    %get3A_0 = arith.constant 0 : index
    %get3A_1 = arith.constant 0 : index
    %get3A_2 = vector.load %arg0[%get3A, %get3A_0, %get3A_1] : memref<2x2560x128xf32, #tpu.memory_space<vmem>>, vector<2x2560x128xf32>
    %get3A_3 = arith.constant 0 : index
    %get3A_4 = arith.constant 0 : index
    %get3A_5 = vector.load %arg2[%get3A_3, %get3A_4] : memref<2500x128xf32, #tpu.memory_space<vmem>>, vector<2500x128xf32>
    %slice3A = vector.extract_strided_slice %get3A_2 {offsets = [0, 0, 0], sizes = [1, 2500, 128], strides = [1, 1, 1]} : vector<2x2560x128xf32> to vector<1x2500x128xf32>
    %squeeze3A = vector.shape_cast %slice3A : vector<1x2500x128xf32> to vector<2500x128xf32>
    %slice3A_6 = vector.extract_strided_slice %get3A_2 {offsets = [1, 0, 0], sizes = [1, 2500, 128], strides = [1, 1, 1]} : vector<2x2560x128xf32> to vector<1x2500x128xf32>
    %squeeze3A_7 = vector.shape_cast %slice3A_6 : vector<1x2500x128xf32> to vector<2500x128xf32>
    %add3A = arith.addf %squeeze3A, %squeeze3A_7 : vector<2500x128xf32>
    %get3A_8 = arith.constant 0 : index
    %get3A_9 = arith.constant 0 : index
    %get3A_10 = vector.load %arg1[%get3A_8, %get3A_9] : memref<2560x128xf32, #tpu.memory_space<vmem>>, vector<2500x128xf32>
    %add3A_11 = arith.addf %add3A, %get3A_10 : vector<2500x128xf32>
    %mul3A = arith.mulf %get3A_5, %add3A_11 : vector<2500x128xf32>
    %get3A_12 = arith.constant 0 : index
    %get3A_13 = arith.constant 0 : index
    %get3A_14 = vector.load %arg3[%get3A_12, %get3A_13] : memref<1x128xf32, #tpu.memory_space<vmem>>, vector<1x128xf32>
    %add3A_15 = vector.broadcast %get3A_14 : vector<1x128xf32> to vector<2500x128xf32>
    %add3A_16 = arith.addf %mul3A, %add3A_15 : vector<2500x128xf32>
    %get3A_17 = arith.constant 0 : index
    %get3A_18 = arith.constant 0 : index
    %get3A_19 = vector.load %arg4[%get3A_17, %get3A_18] : memref<1x128xf32, #tpu.memory_space<vmem>>, vector<1x128xf32>
    %get3A_20 = arith.constant 0 : index
    %get3A_21 = arith.constant 0 : index
    %get3A_22 = vector.load %arg5[%get3A_20, %get3A_21] : memref<1x128xf32, #tpu.memory_space<vmem>>, vector<1x128xf32>
    %reduce_sum3A = arith.constant dense<0.000000e+00> : vector<128xf32>
    %reduce_sum3A_23 = vector.multi_reduction <add>, %add3A_16, %reduce_sum3A [0] : vector<2500x128xf32> to vector<128xf32>
    %broadcast_in_dim3A = vector.shape_cast %reduce_sum3A_23 : vector<128xf32> to vector<1x128xf32>
    %slice3A_24 = vector.extract_strided_slice %broadcast_in_dim3A {offsets = [0, 0], sizes = [1, 32], strides = [1, 1]} : vector<1x128xf32> to vector<1x32xf32>
    %slice3A_25 = vector.extract_strided_slice %broadcast_in_dim3A {offsets = [0, 32], sizes = [1, 32], strides = [1, 1]} : vector<1x128xf32> to vector<1x32xf32>
    %slice3A_26 = vector.extract_strided_slice %broadcast_in_dim3A {offsets = [0, 64], sizes = [1, 32], strides = [1, 1]} : vector<1x128xf32> to vector<1x32xf32>
    %slice3A_27 = vector.extract_strided_slice %broadcast_in_dim3A {offsets = [0, 96], sizes = [1, 32], strides = [1, 1]} : vector<1x128xf32> to vector<1x32xf32>
    %add3A_28 = arith.addf %slice3A_24, %slice3A_25 : vector<1x32xf32>
    %add3A_29 = arith.addf %add3A_28, %slice3A_26 : vector<1x32xf32>
    %add3A_30 = arith.addf %add3A_29, %slice3A_27 : vector<1x32xf32>
    %concatenate3A = tpu.concatenate %add3A_30, %add3A_30, %add3A_30, %add3A_30 in 1 : vector<1x32xf32>, vector<1x32xf32>, vector<1x32xf32>, vector<1x32xf32> -> vector<1x128xf32>
    %div3A = arith.constant 1.000000e+04 : f32
    %div3A_31 = vector.broadcast %div3A : f32 to vector<1x128xf32>
    %div3A_32 = arith.divf %concatenate3A, %div3A_31 : vector<1x128xf32>
    %sub3A = vector.broadcast %div3A_32 : vector<1x128xf32> to vector<2500x128xf32>
    %sub3A_33 = arith.subf %add3A_16, %sub3A : vector<2500x128xf32>
    %mul3A_34 = arith.mulf %sub3A_33, %sub3A_33 : vector<2500x128xf32>
    %reduce_sum3A_35 = arith.constant dense<0.000000e+00> : vector<128xf32>
    %reduce_sum3A_36 = vector.multi_reduction <add>, %mul3A_34, %reduce_sum3A_35 [0] : vector<2500x128xf32> to vector<128xf32>
    %broadcast_in_dim3A_37 = vector.shape_cast %reduce_sum3A_36 : vector<128xf32> to vector<1x128xf32>
    %slice3A_38 = vector.extract_strided_slice %broadcast_in_dim3A_37 {offsets = [0, 0], sizes = [1, 32], strides = [1, 1]} : vector<1x128xf32> to vector<1x32xf32>
    %slice3A_39 = vector.extract_strided_slice %broadcast_in_dim3A_37 {offsets = [0, 32], sizes = [1, 32], strides = [1, 1]} : vector<1x128xf32> to vector<1x32xf32>
    %slice3A_40 = vector.extract_strided_slice %broadcast_in_dim3A_37 {offsets = [0, 64], sizes = [1, 32], strides = [1, 1]} : vector<1x128xf32> to vector<1x32xf32>
    %slice3A_41 = vector.extract_strided_slice %broadcast_in_dim3A_37 {offsets = [0, 96], sizes = [1, 32], strides = [1, 1]} : vector<1x128xf32> to vector<1x32xf32>
    %add3A_42 = arith.addf %slice3A_38, %slice3A_39 : vector<1x32xf32>
    %add3A_43 = arith.addf %add3A_42, %slice3A_40 : vector<1x32xf32>
    %add3A_44 = arith.addf %add3A_43, %slice3A_41 : vector<1x32xf32>
    %concatenate3A_45 = tpu.concatenate %add3A_44, %add3A_44, %add3A_44, %add3A_44 in 1 : vector<1x32xf32>, vector<1x32xf32>, vector<1x32xf32>, vector<1x32xf32> -> vector<1x128xf32>
    %div3A_46 = arith.constant 1.000000e+04 : f32
    %div3A_47 = vector.broadcast %div3A_46 : f32 to vector<1x128xf32>
    %div3A_48 = arith.divf %concatenate3A_45, %div3A_47 : vector<1x128xf32>
    %add3A_49 = arith.constant 9.99999974E-6 : f32
    %add3A_50 = vector.broadcast %add3A_49 : f32 to vector<1x128xf32>
    %add3A_51 = arith.addf %div3A_48, %add3A_50 : vector<1x128xf32>
    %rsqrt3A = math.rsqrt %add3A_51 : vector<1x128xf32>
    %mul3A_52 = vector.broadcast %rsqrt3A : vector<1x128xf32> to vector<2500x128xf32>
    %mul3A_53 = arith.mulf %sub3A_33, %mul3A_52 : vector<2500x128xf32>
    %mul3A_54 = vector.broadcast %get3A_19 : vector<1x128xf32> to vector<2500x128xf32>
    %mul3A_55 = arith.mulf %mul3A_53, %mul3A_54 : vector<2500x128xf32>
    %add3A_56 = vector.broadcast %get3A_22 : vector<1x128xf32> to vector<2500x128xf32>
    %add3A_57 = arith.addf %mul3A_55, %add3A_56 : vector<2500x128xf32>
    %swap3A = arith.constant 0 : index
    %swap3A_58 = arith.constant 0 : index
    %swap3A_59 = vector.load %arg6[%swap3A, %swap3A_58] : memref<2560x128xf32, #tpu.memory_space<vmem>>, vector<2500x128xf32>
    tpu.vector_store %arg6[%swap3A, %swap3A_58], %add3A_57 {strides = array<i32>} : memref<2560x128xf32, #tpu.memory_space<vmem>>, vector<2500x128xf32>,
    %broadcast_in_dim3A_60 = arith.constant 0.000000e+00 : f32
    %broadcast_in_dim3A_61 = vector.broadcast %broadcast_in_dim3A_60 : f32 to vector<60x128xf32>
    %swap3A_62 = arith.constant 2500 : index
    %swap3A_63 = arith.constant 0 : index
    %swap3A_64 = vector.load %arg6[%swap3A_62, %swap3A_63] : memref<2560x128xf32, #tpu.memory_space<vmem>>, vector<60x128xf32>
    tpu.vector_store %arg6[%swap3A_62, %swap3A_63], %broadcast_in_dim3A_61 {strides = array<i32>} : memref<2560x128xf32, #tpu.memory_space<vmem>>, vector<60x128xf32>,
    return
  }
}

</mosaic_0001>

<sc_bundles>
// kernel: kernel.12.cloned.1.call-start
scs
__scs_entry_jumppad:
0x0: {  	(pc) =	sbr.rel $0x88, $3  }
0x1: {  	(tag) =	ssettag $0x0;
	lr =	simm.s32 $0x1  }
0x2: {  	[smem:$0x3F8F] =	sst lr;
	_ =	strace $0xD0000000  }
0x3: {  	_ = 	snop  }
0x4: {  	_ = 	snop  }
0x5: {  	_ = 	snop  }
0x6: {  	_ = 	snop  }
0x7: {  	_ = 	snop  }
__scs_overlays_trampoline_lowered:
0x8: {  	[smem:$0x3F9E] =	sst s0  }
0x9: {  	[smem:$0x3F9F] =	sst s1  }
0xa: {  	[smem:$0x3FA0] =	sst s2  }
0xb: {  	[smem:$0x3FA1] =	sst s3  }
0xc: {  	[smem:$0x3FA2] =	sst s4  }
0xd: {  	[smem:$0x3FA3] =	sst s5  }
0xe: {  	[smem:$0x3FA4] =	sst s6  }
0xf: {  	[smem:$0x3FA5] =	sst s7  }
0x10: {  	[smem:$0x3FA6] =	sst s8  }
0x11: {  	[smem:$0x3FA7] =	sst s9;
	s0 =	simm.s32 @!p0 $0x0  }
0x12: {  	s1 =	sld [smem:$0x3F8D];
	s0 =	simm.s32 @p0 $0x1  }
0x13: {  	[smem:$0x3FA8] =	sst s0;
	s0 =	simm.s32 @!p1 $0x0  }
0x14: {  	s2 =	sld [smem:$0x3F8C];
	s0 =	simm.s32 @p1 $0x1  }
0x15: {  	[smem:$0x3FA9] =	sst s0;
	s0 =	simm.s32 @!p2 $0x0  }
0x16: {  	s3 =	sld [smem:$0x3FDB];
	s0 =	simm.s32 @p2 $0x1  }
0x17: {  	s4 =	simm.s32 $0x1BF5;
	[smem:$0x3FAB] =	sst s0  }
0x18: {  	s0 =	sld [smem:$0x3F8E];
	_ =	swait.ge [sflag:s4], $0x0  }
0x19: {  	s7 =	sld [smem:$0x3F8F]  }
0x1a: {  	s8 =	sadd.s32 $0xFFFFE003, lr  }
0x1b: {  	s9 =	sadd.s32 $0xFFFFFEF7, lr;
	s5 =	simm.s32 $0xFFFFFFFF;
	p2 =	slt.u32 s8, $0xFFFFF086  }
0x1c: {  	p1 =	slt.u32 s9, $0xF7A;
	s5 =	simm.s32 @!p2 $0x0  }
0x1d: {  	s5 =	simm.s32 @p1 $0x1;
	p0 =	seq.s32 s7, s2  }
0x1e: {  	s7 =	smul.u32 @!p0 $0xF7A, s2;
	p2 =	seq.s32 @!p0 s5, $0x0  }
0x1f: {  	s9 =	smul.u32 $0xF7A, s1;
	s8 =	simm.s32 @!p0 $0x1BF5;
	p2 =	por !p2, p0  }
0x20: {  	[sflag:s8] =	ssyncset.s32 @!p0 $0xFFFFF086;
	s6 =	sadd.s32 @!p0 s3, s7;
	s7 =	simm.s32 @!p0 $0x108  }
0x21: {  	s3 =	sadd.s32 s3, s9;
	s6 =	sadd.s32 @!p0 $0x88, s6;
	s7 =	simm.s32 @p2 $0x1082  }
0x22: {  	[simem:s7], [sflag:s8] =	dma.local @!p0 [hbm:s6], $0xF7A  }
0x23: {  	s9 =	sor.u32 $0xD0000000, s2;
	s6 =	simm.s32 $0x108;
	_ =	swait.ge @!p0 [sflag:s8], $0x0  }
0x24: {  	s3 =	sadd.s32 $0x88, s3;
	s6 =	simm.s32 @!p1 $0x1082;
	[sflag:s4] =	ssyncset.s32 $0xFFFFF086  }
0x25: {  	[simem:s6], [sflag:s4] =	dma.local [hbm:s3], $0xF7A  }
0x26: {  	[smem:$0x3F8F] =	sst s1;
	(tag) =	ssettag s2;
	_ =	strace s9  }
0x27: {  	s1 =	sld [smem:$0x3F9F]  }
0x28: {  	s2 =	sld [smem:$0x3FA0]  }
0x29: {  	s4 =	sld [smem:$0x3FA2]  }
0x2a: {  	p0 =	seq.s32 s5, $0x0;
	s5 =	sld [smem:$0x3FA3]  }
0x2b: {  	s6 =	sld [smem:$0x3FA4]  }
0x2c: {  	s7 =	sld [smem:$0x3FA5]  }
0x2d: {  	s3 =	simm.s32 $0x108;
	s8 =	sld [smem:$0x3FA6]  }
0x2e: {  	s3 =	simm.s32 @!p0 $0x1082;
	s9 =	sld [smem:$0x3FA7]  }
0x2f: {  	lr =	sadd.s32 s0, s3;
	s0 =	sld [smem:$0x3F9E]  }
0x30: {  	s3 =	sld [smem:$0x3FA1]  }
0x31: {  	[smem:$0x3FAA] =	sst s10  }
0x32: {  	s10 =	sld [smem:$0x3FA8];
	_ =	sdelay $0x3  }
0x33: {  	p0 =	seq.s32 s10, $0x1;
	s10 =	sld [smem:$0x3FAA];
	_ =	sdelay $0x3  }
0x34: {  	[smem:$0x3FAA] =	sst s10  }
0x35: {  	s10 =	sld [smem:$0x3FA9];
	_ =	sdelay $0x3  }
0x36: {  	p1 =	seq.s32 s10, $0x1;
	s10 =	sld [smem:$0x3FAA];
	_ =	sdelay $0x3  }
0x37: {  	[smem:$0x3FAA] =	sst s10  }
0x38: {  	s10 =	sld [smem:$0x3FAB]  }
0x39: {  	_ = 	snop;
	(pc) =	sbr.ind lr, $3  }
0x3a: {  	_ = 	snop  }
0x3b: {  	_ = 	snop  }
0x3c: {  	p2 =	seq.s32 s10, $0x1;
	s10 =	sld [smem:$0x3FAA]  }
0x3d: {  	_ =	shalt  }
0x3e: {  	_ =	shalt  }
0x3f: {  	_ =	shalt  }
0x40: {  	_ =	shalt  }
0x41: {  	_ =	shalt  }
0x42: {  	_ =	shalt  }
0x43: {  	_ =	shalt  }
0x44: {  	_ =	shalt  }
0x45: {  	_ =	shalt  }
0x46: {  	_ =	shalt  }
0x47: {  	_ =	shalt  }
0x48: {  	_ =	shalt  }
0x49: {  	_ =	shalt  }
0x4a: {  	_ =	shalt  }
0x4b: {  	_ =	shalt  }
0x4c: {  	_ =	shalt  }
0x4d: {  	_ =	shalt  }
0x4e: {  	_ =	shalt  }
0x4f: {  	_ =	shalt  }
0x50: {  	_ =	shalt  }
0x51: {  	_ =	shalt  }
0x52: {  	_ =	shalt  }
0x53: {  	_ =	shalt  }
0x54: {  	_ =	shalt  }
0x55: {  	_ =	shalt  }
0x56: {  	_ =	shalt  }
0x57: {  	_ =	shalt  }
0x58: {  	_ =	shalt  }
0x59: {  	_ =	shalt  }
0x5a: {  	_ =	shalt  }
0x5b: {  	_ =	shalt  }
0x5c: {  	_ =	shalt  }
0x5d: {  	_ =	shalt  }
0x5e: {  	_ =	shalt  }
0x5f: {  	_ =	shalt  }
0x60: {  	_ =	shalt  }
0x61: {  	_ =	shalt  }
0x62: {  	_ =	shalt  }
0x63: {  	_ =	shalt  }
0x64: {  	_ =	shalt  }
0x65: {  	_ =	shalt  }
0x66: {  	_ =	shalt  }
0x67: {  	_ =	shalt  }
0x68: {  	_ =	shalt  }
0x69: {  	_ =	shalt  }
0x6a: {  	_ =	shalt  }
0x6b: {  	_ =	shalt  }
0x6c: {  	_ =	shalt  }
0x6d: {  	_ =	shalt  }
0x6e: {  	_ =	shalt  }
0x6f: {  	_ =	shalt  }
0x70: {  	_ =	shalt  }
0x71: {  	_ =	shalt  }
0x72: {  	_ =	shalt  }
0x73: {  	_ =	shalt  }
0x74: {  	_ =	shalt  }
0x75: {  	_ =	shalt  }
0x76: {  	_ =	shalt  }
0x77: {  	_ =	shalt  }
0x78: {  	_ =	shalt  }
0x79: {  	_ =	shalt  }
0x7a: {  	_ =	shalt  }
0x7b: {  	_ =	shalt  }
0x7c: {  	_ =	shalt  }
0x7d: {  	_ =	shalt  }
0x7e: {  	_ =	shalt  }
0x7f: {  	_ =	shalt  }
0x80: {  	_ =	shalt  }
0x81: {  	_ =	shalt  }
0x82: {  	_ =	shalt  }
0x83: {  	_ =	shalt  }
0x84: {  	_ =	shalt  }
0x85: {  	_ =	shalt  }
0x86: {  	_ =	shalt  }
0x87: {  	_ =	shalt  }
.Lfunc_end0:
.L_simem_size_0:
called_computation_lowered:
.L_overlay_start_0:
0x88: {  	s2 =	sld [smem:$0x3FD9]  }
0x89: {  	s3 =	sld [smem:$0x3FFE];
	_ =	sdelay $0x1  }
0x8a: {  	s1 =	srdreg.scid  }
0x8b: {  	s0 =	sand.u32 $0x1, s1  }
0x8c: {  	s17 =	sshll.u32 s0, $0xA;
	s2 =	sadd.s32 s3, s2  }
0x8d: {  	s2 =	sadd.s32 s2, s17  }
0x8e: {  	[smem:$0x3FB6] =	sst s2  }
0x8f: {  	_ = 	snop  }
0x90: {  	s2 =	sld [smem:$0x3FD0];
	(tm) =	ssettm $0x1  }
0x91: {  	s18 =	sld [smem:$0x3FFB];
	_ =	sdelay $0x3  }
0x92: {  	_ =	strace s18  }
0x93: {  	s3 =	sld [smem:$0x3FFC];
	_ =	sdelay $0x3  }
0x94: {  	_ =	strace s3  }
0x95: {  	s3 =	sld [smem:$0x3FFD];
	_ =	sdelay $0x3  }
0x96: {  	_ =	strace s3  }
0x97: {  	_ =	strace $0x8FFFFFFF  }
0x98: {  	s19 =	sld [smem:$0x3FDB];
	_ =	sdelay $0x1  }
0x99: {  	s4 =	simm.s32 $_scs_section_size  }
0x9a: {  	s5 =	simm.s32 $_size__tile_overlayer_lowered;
	s6 =	simm.s32 $_tile_overlayer_lowered  }
0x9b: {  	s22 =	simm.s32 $0x1BFF;
	s21 =	sshll.u32 s6, $0x1;
	s3 =	sadd.s32 s4, s19  }
0x9c: {  	s7 =	simm.s32 $0x0;
	s20 =	sshll.u32 s5, $0x1;
	s5 =	sadd.s32 s21, s3  }
0x9d: {  	[timem:s7], [sflag:s22] =	dma.local [hbm:s5], s20  }
0x9e: {  	_ =	swait.ge [sflag:s22], s20  }
0x9f: {  	s4 =	ssub.s32 $0x0, s20;
	[sflag:s22] =	ssyncset.done $0x0  }
0xa0: {  	[sflag:s22] =	ssyncadd.s32 s4;
	_ =	sdelay $0x1  }
0xa1: {  	s23 =	simm.s32 $0x1B8B  }
0xa2: {  	_ =	swait.ge [sflag:s23], $0x1  }
0xa3: {  	[sflag:s23] =	ssyncset.done $0x0  }
0xa4: {  	s25 =	simm.s32 $0x1B8E;
	s24 =	sld [smem:$0x3FFE];
	[sflag:s23] =	ssyncadd.s32 $0xFFFFFFFF  }
0xa5: {  	s26 =	simm.s32 $execute0_lowered;
	[smem:$0x3FD2] =	sst s25  }
0xa6: {  	s5 =	sshll.u32 s26, $0x1;
	_ =	strace $0x80000046;
	[dreg:$0x1] =	wrdreg $0xFFFFFFFF  }
0xa7: {  	s28 =	simm.s32 $_size_execute0_lowered;
	s3 =	sadd.s32 s3, s5;
	[dreg:$0x0] =	wrdreg $0x0  }
0xa8: {  	s5 =	sshll.u32 s28, $0x1;
	[dreg:$0x2] =	wrdreg s3  }
0xa9: {  	[dreg:$0x3] =	wrdreg s5  }
0xaa: {  	[dreg:$0x4] =	wrdreg $0xC0  }
0xab: {  	_ =	task [dreg:s7], $0x5FFFF  }
0xac: {  	[dreg:$0x1] =	wrdreg $0xFFFFFFFF  }
0xad: {  	[dreg:$0x0] =	wrdreg $0x60  }
0xae: {  	[dreg:$0x2] =	wrdreg s24  }
0xaf: {  	[dreg:$0x3] =	wrdreg s2  }
0xb0: {  	[dreg:$0x4] =	wrdreg $0x38000  }
0xb1: {  	[dreg:$0x5] =	wrdreg $0x9  }
0xb2: {  	_ =	task.clear_ibuf [dreg:s7], $0x6FFFF;
	_ =	strace $0x90000046  }
0xb3: {  	s29 =	simm.s32 $0x9;
	_ =	strace $0x80000048  }
0xb4: {  	_ =	swait.ge [sflag:s29], $0x1  }
0xb5: {  	[sflag:s29] =	ssyncadd.s32 $0xFFFFFFFF  }
0xb6: {  	_ =	strace $0x90000048  }
0xb7: {  	_ =	sfence  }
0xb8: {  	s30 =	sld [smem:$0x0];
	_ =	sdelay $0x2  }
0xb9: {  	s31 =	sshll.u32 s1, $0xD;
	s1 =	sshrl.u32 s1, $0x2  }
0xba: {  	s3 =	sand.u32 $0x4000, s31;
	s1 =	sadd.s32 s1, s30  }
0xbb: {  	s0 =	sor.u32 s3, s0;
	s1 =	sshll.u32 s1, $0x11  }
0xbc: {  	s0 =	sor.u32 s1, s0  }
0xbd: {  	s0 =	sadd.s32 $0x8F2B, s0  }
0xbe: {  	[sflag:s0] =	ssyncadd.remote.s32 $0x1  }
0xbf: {  	_ =	sfence.sel $0xFFFF  }
0xc0: {  	[dreg:$0x0] =	wrdreg $0xFFFFFFFF;
	(pc) =	sbr.abs _section_cstart, $3  }
0xc1: {  	[dreg:$0x1] =	wrdreg $0xFFFFFFFF  }
0xc2: {  	_ =	task.clear_ibuf [dreg:s7], $0x2FFFF;
	_ =	strace $0x9FFFFFFF  }
0xc3: {  	(tm) =	ssettm $0x7FFFFFFF  }
tec
execute0_lowered:
.L_overlay_start_1:
0x0: {  	(tag) =	ssettag $0x1  }
0x1: {  	s6 =	rddreg [dreg:$0x0]  }
0x2: {  	s2 =	rddreg [dreg:$0x1]  }
0x3: {  	s3 =	rddreg [dreg:$0x2]  }
0x4: {  	s0 =	rddreg [dreg:$0x3]  }
0x5: {  	s4 =	srdreg.scid;
	s1 =	stileid.u32;
	s12 =	simm.s32 $0x2800  }
0x6: {  	s13 =	simm.s32 $0x80;
	s14 =	simm.s32 $0x100;
	s15 =	simm.s32 $0x180  }
0x7: {  	s16 =	simm.s32 $0x1;
	s17 =	simm.s32 $0x2;
	s18 =	simm.s32 $0x3  }
0x8: {  	s19 =	simm.s32 $0x4;
	s20 =	simm.s32 $0x0;
	s5 =	sand.u32 $0x1, s4  }
0x9: {  	s7 =	sshll.u32 s1, $0x1;
	s8 =	smul.u32 $0x5000, s1;
	s4 =	simm.s32 $0x0  }
0xa: {  	s31 =	sshll.u32 s1, $0x6;
	s7 =	sor.u32 s5, s7;
	s9 =	smul.u32 $0x50000, s5  }
0xb: {  	[smem:$0x7FF] =	sst s4;
	s10 =	ssub.s32 $0x2, s5;
	s5 =	sadd.s32 $0xF200, s6  }
0xc: {  	s7 =	smul.u32 $0x500, s7;
	_ =	strace $0x80000047;
	s9 =	sadd.s32 s8, s9  }
0xd: {  	s30 =	sshrl.u32 s10, $0x1;
	s11 =	sadd.s32 s8, s3;
	s9 =	sshrl.u32 s9, $0x3  }
0xe: {  	s10 =	ssub.s32 s10, s30;
	s7 =	sadd.s32 s7, s6;
	s9 =	sadd.s32 s9, s6  }
0xf: {  	s6 =	sor.u32 $0x1C05, s31;
	s7 =	sadd.s32 $0x5200, s7;
	s8 =	sadd.s32 $0xF400, s9  }
0x10: {  	s9 =	smax.u32 s10, $0x1;
	s10 =	sshrl.u32 s11, $0x3;
	s11 =	simm.s32 $0x5  }
.LBB2_1:
0x11: {  	[spmem:s10], [sflag:s6] =	dma.local [hbm:s2], $0xA00  }
0x12: {  	_ =	swait.ge [sflag:s11], $0xA00  }
0x13: {  	[sflag:s11] =	ssyncset.done $0x0  }
0x14: {  	[sflag:s11] =	ssyncadd.s32 $0xFFFFF600  }
0x15: {  	[tilespmem:s4], [sflag:$0x5] =	stream.linear.gather [hbm4b:s7+s4], $0x2800, $0x38;
	[tilespmem:$0x8800] =	vst v63  }
0x16: {  	_ =	swait.ge [sflag:s11], $0x2800  }
0x17: {  	[sflag:s11] =	ssyncset.done $0x0  }
0x18: {  	[sflag:s11] =	ssyncadd.s32 $0xFFFFD800  }
0x19: {  	[tilespmem:s12], [sflag:$0x5] =	stream.linear.gather [hbm4b:s5+s4], $0x1000, $0x38;
	[tilespmem:$0x8800] =	vst v63  }
0x1a: {  	_ =	swait.ge [sflag:s11], $0x1000  }
0x1b: {  	[sflag:s11] =	ssyncset.done $0x0  }
0x1c: {  	[sflag:s11] =	ssyncadd.s32 $0xFFFFF000  }
0x1d: {  	[bflag:$0x0] =	sbarrier.arrive $0xFFFF  }
0x1e: {  	[spmem:s3] =	stream.indirect.scatter.add.f32 [tilespmem:s12], [sflag:$0x1], $0x20, s4, s13, $0xb8;
	[tilespmem:$0x8800] =	vst v63  }
0x1f: {  	_ = 	snop  }
0x20: {  	[spmem:s3] =	stream.indirect.scatter.add.f32 [tilespmem:s12], [sflag:$0x2], $0x20, s13, s13, $0xb8;
	[tilespmem:$0x8800] =	vst v63  }
0x21: {  	_ = 	snop  }
0x22: {  	[spmem:s3] =	stream.indirect.scatter.add.f32 [tilespmem:s12], [sflag:$0x3], $0x20, s14, s13, $0xb8;
	[tilespmem:$0x8800] =	vst v63  }
0x23: {  	_ = 	snop  }
0x24: {  	[spmem:s3] =	stream.indirect.scatter.add.f32 [tilespmem:s12], [sflag:$0x4], $0x20, s15, s13, $0xb8;
	[tilespmem:$0x8800] =	vst v63  }
0x25: {  	_ =	swait.ge [sflag:s16], $0x1000  }
0x26: {  	[sflag:s16] =	ssyncset.done $0x0  }
0x27: {  	s21 =	simm.s32 $0x200;
	[sflag:s16] =	ssyncadd.s32 $0xFFFFF000  }
0x28: {  	[spmem:s3] =	stream.indirect.scatter.add.f32 [tilespmem:s12], [sflag:$0x1], $0x20, s21, s13, $0xb8;
	[tilespmem:$0x8800] =	vst v63  }
0x29: {  	_ =	swait.ge [sflag:s17], $0x1000  }
0x2a: {  	[sflag:s17] =	ssyncset.done $0x0  }
0x2b: {  	s30 =	simm.s32 $0x280;
	[sflag:s17] =	ssyncadd.s32 $0xFFFFF000  }
0x2c: {  	[spmem:s3] =	stream.indirect.scatter.add.f32 [tilespmem:s12], [sflag:$0x2], $0x20, s30, s13, $0xb8;
	[tilespmem:$0x8800] =	vst v63  }
0x2d: {  	_ =	swait.ge [sflag:s18], $0x1000  }
0x2e: {  	[sflag:s18] =	ssyncset.done $0x0  }
0x2f: {  	s31 =	simm.s32 $0x300;
	[sflag:s18] =	ssyncadd.s32 $0xFFFFF000  }
0x30: {  	[spmem:s3] =	stream.indirect.scatter.add.f32 [tilespmem:s12], [sflag:$0x3], $0x20, s31, s13, $0xb8;
	[tilespmem:$0x8800] =	vst v63  }
0x31: {  	_ =	swait.ge [sflag:s19], $0x1000  }
0x32: {  	[sflag:s19] =	ssyncset.done $0x0  }
0x33: {  	s22 =	simm.s32 $0x380;
	s21 =	simm.s32 $0xFFFF7000;
	[sflag:s19] =	ssyncadd.s32 $0xFFFFF000  }
.LBB2_2:
0x34: {  	[spmem:s3] =	stream.indirect.scatter.add.f32 [tilespmem:s12], [sflag:$0x4], $0x20, s22, s13, $0xb8;
	[tilespmem:$0x8800] =	vst v63  }
0x35: {  	s22 =	smov.u32 s21  }
0x36: {  	p0 =	sne.s32 s21, $0xFFFFF800;
	s21 =	sadd.s32 $0x800, s21;
	_ =	swait.ge [sflag:s16], $0x1000  }
0x37: {  	s22 =	sshra.s32 s22, $0x2;
	[sflag:s16] =	ssyncset.done $0x0  }
0x38: {  	s23 =	sadd.s32 $0x2800, s22;
	[sflag:s16] =	ssyncadd.s32 $0xFFFFF000  }
0x39: {  	[spmem:s3] =	stream.indirect.scatter.add.f32 [tilespmem:s12], [sflag:$0x1], $0x20, s23, s13, $0xb8;
	[tilespmem:$0x8800] =	vst v63  }
0x3a: {  	_ =	swait.ge [sflag:s17], $0x1000  }
0x3b: {  	[sflag:s17] =	ssyncset.done $0x0  }
0x3c: {  	s23 =	sadd.s32 $0x2880, s22;
	[sflag:s17] =	ssyncadd.s32 $0xFFFFF000  }
0x3d: {  	[spmem:s3] =	stream.indirect.scatter.add.f32 [tilespmem:s12], [sflag:$0x2], $0x20, s23, s13, $0xb8;
	[tilespmem:$0x8800] =	vst v63  }
0x3e: {  	_ =	swait.ge [sflag:s18], $0x1000  }
0x3f: {  	[sflag:s18] =	ssyncset.done $0x0  }
.Ltmp0:
0x40: {  	s23 =	sadd.s32 $0x2900, s22;
	[sflag:s18] =	ssyncadd.s32 $0xFFFFF000;
	(pc) =	sbr.rel @p0 .LBB2_2-.Ltmp0, $4  }
0x41: {  	[spmem:s3] =	stream.indirect.scatter.add.f32 [tilespmem:s12], [sflag:$0x3], $0x20, s23, s13, $0xb8;
	[tilespmem:$0x8800] =	vst v63  }
0x42: {  	_ =	swait.ge [sflag:s19], $0x1000  }
0x43: {  	[sflag:s19] =	ssyncset.done $0x0  }
0x44: {  	s22 =	sadd.s32 $0x2980, s22;
	[sflag:s19] =	ssyncadd.s32 $0xFFFFF000  }
0x45: {  	[spmem:s3] =	stream.indirect.scatter.add.f32 [tilespmem:s12], [sflag:$0x4], $0x20, s22, s13, $0xb8;
	[tilespmem:$0x8800] =	vst v63  }
0x46: {  	_ =	swait.ge [sflag:s16], $0x1000  }
0x47: {  	[sflag:s16] =	ssyncset.done $0x0  }
0x48: {  	[sflag:s16] =	ssyncadd.s32 $0xFFFFF000  }
0x49: {  	_ =	swait.ge [sflag:s17], $0x1000  }
0x4a: {  	[sflag:s17] =	ssyncset.done $0x0  }
0x4b: {  	[sflag:s17] =	ssyncadd.s32 $0xFFFFF000  }
0x4c: {  	_ =	swait.ge [sflag:s18], $0x1000  }
0x4d: {  	[sflag:s18] =	ssyncset.done $0x0  }
0x4e: {  	[sflag:s18] =	ssyncadd.s32 $0xFFFFF000  }
0x4f: {  	_ =	swait.ge [sflag:s19], $0x1000  }
0x50: {  	s20 =	sadd.s32 $0x1, s20;
	[sflag:s19] =	ssyncset.done $0x0  }
0x51: {  	p0 =	sne.s32 s20, s9;
	[sflag:s19] =	ssyncadd.s32 $0xFFFFF000  }
.Ltmp1:
0x52: {  	[bflag:$0x0] =	sbarrier.arrive $0xFFFF;
	(pc) =	sbr.rel @p0 .LBB2_1-.Ltmp1, $4  }
0x53: {  	[hbm:s8], [sflag:s6] =	dma.local [spmem:s10], $0xA00  }
0x54: {  	_ =	swait.ge [sflag:s11], $0xA00  }
0x55: {  	[sflag:s11] =	ssyncset.done $0x0  }
0x56: {  	[sflag:s11] =	ssyncadd.s32 $0xFFFFF600  }
0x57: {  	_ =	sfence.sel $0x180000  }
0x58: {  	[bflag:$0x0] =	sbarrier.arrive $0xFFFF  }
0x59: {  	p0 =	sne.s32 s1, $0x0;
	_ =	strace $0x90000047  }
0x5a: {  	s0 =	sadd.s32 @!p0 $0x100000, s0;
	[bflag:$0x2] =	sbarrier.arrive $0xFFFF  }
0x5b: {  	[sflag:s0] =	ssyncadd.tile.s32 @!p0 $0x1;
	_ =	shalt  }
.Lfunc_end2:
_tile_overlayer_lowered:
.L_overlay_start_2:
0x5c: {  	(tag) =	ssettag $0x2  }
0x5d: {  	s0 =	rddreg [dreg:$0x0];
	s2 =	stileid.u32  }
0x5e: {  	s1 =	rddreg [dreg:$0x1];
	p0 =	sne.s32 s2, $0x0  }
0x5f: {  	s3 =	rddreg [dreg:$0x2];
	[bflag:$0x3] =	sbarrier.arrive $0xFFFF;
	s2 =	simm.s32 @!p0 $0x1C05  }
0x60: {  	[timem:s3], [sflag:s2] =	dma.local @!p0 [hbm:s0], s1  }
0x61: {  	s0 =	simm.s32 @!p0 $0x5  }
0x62: {  	_ =	swait.ge @!p0 [sflag:s0], s1  }
0x63: {  	s1 =	ssub.s32 @!p0 $0x0, s1;
	[sflag:s0] =	ssyncset.done @!p0 $0x0  }
0x64: {  	[sflag:s0] =	ssyncadd.s32 @!p0 s1  }
0x65: {  	[bflag:$0x3] =	sbarrier.arrive $0xFFFF  }
0x66: {  	_ =	shalt  }

// kernel: kernel.15.cloned.1.call-start
scs
__scs_entry_jumppad:
0x0: {  	(pc) =	sbr.rel $0x88, $3  }
0x1: {  	(tag) =	ssettag $0x0;
	lr =	simm.s32 $0x1  }
0x2: {  	[smem:$0x3F8F] =	sst lr;
	_ =	strace $0xD0000000  }
0x3: {  	_ = 	snop  }
0x4: {  	_ = 	snop  }
0x5: {  	_ = 	snop  }
0x6: {  	_ = 	snop  }
0x7: {  	_ = 	snop  }
__scs_overlays_trampoline_lowered:
0x8: {  	[smem:$0x3F9E] =	sst s0  }
0x9: {  	[smem:$0x3F9F] =	sst s1  }
0xa: {  	[smem:$0x3FA0] =	sst s2  }
0xb: {  	[smem:$0x3FA1] =	sst s3  }
0xc: {  	[smem:$0x3FA2] =	sst s4  }
0xd: {  	[smem:$0x3FA3] =	sst s5  }
0xe: {  	[smem:$0x3FA4] =	sst s6  }
0xf: {  	[smem:$0x3FA5] =	sst s7  }
0x10: {  	[smem:$0x3FA6] =	sst s8  }
0x11: {  	[smem:$0x3FA7] =	sst s9;
	s0 =	simm.s32 @!p0 $0x0  }
0x12: {  	s1 =	sld [smem:$0x3F8D];
	s0 =	simm.s32 @p0 $0x1  }
0x13: {  	[smem:$0x3FA8] =	sst s0;
	s0 =	simm.s32 @!p1 $0x0  }
0x14: {  	s2 =	sld [smem:$0x3F8C];
	s0 =	simm.s32 @p1 $0x1  }
0x15: {  	[smem:$0x3FA9] =	sst s0;
	s0 =	simm.s32 @!p2 $0x0  }
0x16: {  	s3 =	sld [smem:$0x3FDB];
	s0 =	simm.s32 @p2 $0x1  }
0x17: {  	s4 =	simm.s32 $0x1BF5;
	[smem:$0x3FAB] =	sst s0  }
0x18: {  	s0 =	sld [smem:$0x3F8E];
	_ =	swait.ge [sflag:s4], $0x0  }
0x19: {  	s7 =	sld [smem:$0x3F8F]  }
0x1a: {  	s8 =	sadd.s32 $0xFFFFE003, lr  }
0x1b: {  	s9 =	sadd.s32 $0xFFFFFEF7, lr;
	s5 =	simm.s32 $0xFFFFFFFF;
	p2 =	slt.u32 s8, $0xFFFFF086  }
0x1c: {  	p1 =	slt.u32 s9, $0xF7A;
	s5 =	simm.s32 @!p2 $0x0  }
0x1d: {  	s5 =	simm.s32 @p1 $0x1;
	p0 =	seq.s32 s7, s2  }
0x1e: {  	s7 =	smul.u32 @!p0 $0xF7A, s2;
	p2 =	seq.s32 @!p0 s5, $0x0  }
0x1f: {  	s9 =	smul.u32 $0xF7A, s1;
	s8 =	simm.s32 @!p0 $0x1BF5;
	p2 =	por !p2, p0  }
0x20: {  	[sflag:s8] =	ssyncset.s32 @!p0 $0xFFFFF086;
	s6 =	sadd.s32 @!p0 s3, s7;
	s7 =	simm.s32 @!p0 $0x108  }
0x21: {  	s3 =	sadd.s32 s3, s9;
	s6 =	sadd.s32 @!p0 $0x88, s6;
	s7 =	simm.s32 @p2 $0x1082  }
0x22: {  	[simem:s7], [sflag:s8] =	dma.local @!p0 [hbm:s6], $0xF7A  }
0x23: {  	s9 =	sor.u32 $0xD0000000, s2;
	s6 =	simm.s32 $0x108;
	_ =	swait.ge @!p0 [sflag:s8], $0x0  }
0x24: {  	s3 =	sadd.s32 $0x88, s3;
	s6 =	simm.s32 @!p1 $0x1082;
	[sflag:s4] =	ssyncset.s32 $0xFFFFF086  }
0x25: {  	[simem:s6], [sflag:s4] =	dma.local [hbm:s3], $0xF7A  }
0x26: {  	[smem:$0x3F8F] =	sst s1;
	(tag) =	ssettag s2;
	_ =	strace s9  }
0x27: {  	s1 =	sld [smem:$0x3F9F]  }
0x28: {  	s2 =	sld [smem:$0x3FA0]  }
0x29: {  	s4 =	sld [smem:$0x3FA2]  }
0x2a: {  	p0 =	seq.s32 s5, $0x0;
	s5 =	sld [smem:$0x3FA3]  }
0x2b: {  	s6 =	sld [smem:$0x3FA4]  }
0x2c: {  	s7 =	sld [smem:$0x3FA5]  }
0x2d: {  	s3 =	simm.s32 $0x108;
	s8 =	sld [smem:$0x3FA6]  }
0x2e: {  	s3 =	simm.s32 @!p0 $0x1082;
	s9 =	sld [smem:$0x3FA7]  }
0x2f: {  	lr =	sadd.s32 s0, s3;
	s0 =	sld [smem:$0x3F9E]  }
0x30: {  	s3 =	sld [smem:$0x3FA1]  }
0x31: {  	[smem:$0x3FAA] =	sst s10  }
0x32: {  	s10 =	sld [smem:$0x3FA8];
	_ =	sdelay $0x3  }
0x33: {  	p0 =	seq.s32 s10, $0x1;
	s10 =	sld [smem:$0x3FAA];
	_ =	sdelay $0x3  }
0x34: {  	[smem:$0x3FAA] =	sst s10  }
0x35: {  	s10 =	sld [smem:$0x3FA9];
	_ =	sdelay $0x3  }
0x36: {  	p1 =	seq.s32 s10, $0x1;
	s10 =	sld [smem:$0x3FAA];
	_ =	sdelay $0x3  }
0x37: {  	[smem:$0x3FAA] =	sst s10  }
0x38: {  	s10 =	sld [smem:$0x3FAB]  }
0x39: {  	_ = 	snop;
	(pc) =	sbr.ind lr, $3  }
0x3a: {  	_ = 	snop  }
0x3b: {  	_ = 	snop  }
0x3c: {  	p2 =	seq.s32 s10, $0x1;
	s10 =	sld [smem:$0x3FAA]  }
0x3d: {  	_ =	shalt  }
0x3e: {  	_ =	shalt  }
0x3f: {  	_ =	shalt  }
0x40: {  	_ =	shalt  }
0x41: {  	_ =	shalt  }
0x42: {  	_ =	shalt  }
0x43: {  	_ =	shalt  }
0x44: {  	_ =	shalt  }
0x45: {  	_ =	shalt  }
0x46: {  	_ =	shalt  }
0x47: {  	_ =	shalt  }
0x48: {  	_ =	shalt  }
0x49: {  	_ =	shalt  }
0x4a: {  	_ =	shalt  }
0x4b: {  	_ =	shalt  }
0x4c: {  	_ =	shalt  }
0x4d: {  	_ =	shalt  }
0x4e: {  	_ =	shalt  }
0x4f: {  	_ =	shalt  }
0x50: {  	_ =	shalt  }
0x51: {  	_ =	shalt  }
0x52: {  	_ =	shalt  }
0x53: {  	_ =	shalt  }
0x54: {  	_ =	shalt  }
0x55: {  	_ =	shalt  }
0x56: {  	_ =	shalt  }
0x57: {  	_ =	shalt  }
0x58: {  	_ =	shalt  }
0x59: {  	_ =	shalt  }
0x5a: {  	_ =	shalt  }
0x5b: {  	_ =	shalt  }
0x5c: {  	_ =	shalt  }
0x5d: {  	_ =	shalt  }
0x5e: {  	_ =	shalt  }
0x5f: {  	_ =	shalt  }
0x60: {  	_ =	shalt  }
0x61: {  	_ =	shalt  }
0x62: {  	_ =	shalt  }
0x63: {  	_ =	shalt  }
0x64: {  	_ =	shalt  }
0x65: {  	_ =	shalt  }
0x66: {  	_ =	shalt  }
0x67: {  	_ =	shalt  }
0x68: {  	_ =	shalt  }
0x69: {  	_ =	shalt  }
0x6a: {  	_ =	shalt  }
0x6b: {  	_ =	shalt  }
0x6c: {  	_ =	shalt  }
0x6d: {  	_ =	shalt  }
0x6e: {  	_ =	shalt  }
0x6f: {  	_ =	shalt  }
0x70: {  	_ =	shalt  }
0x71: {  	_ =	shalt  }
0x72: {  	_ =	shalt  }
0x73: {  	_ =	shalt  }
0x74: {  	_ =	shalt  }
0x75: {  	_ =	shalt  }
0x76: {  	_ =	shalt  }
0x77: {  	_ =	shalt  }
0x78: {  	_ =	shalt  }
0x79: {  	_ =	shalt  }
0x7a: {  	_ =	shalt  }
0x7b: {  	_ =	shalt  }
0x7c: {  	_ =	shalt  }
0x7d: {  	_ =	shalt  }
0x7e: {  	_ =	shalt  }
0x7f: {  	_ =	shalt  }
0x80: {  	_ =	shalt  }
0x81: {  	_ =	shalt  }
0x82: {  	_ =	shalt  }
0x83: {  	_ =	shalt  }
0x84: {  	_ =	shalt  }
0x85: {  	_ =	shalt  }
0x86: {  	_ =	shalt  }
0x87: {  	_ =	shalt  }
.Lfunc_end0:
.L_simem_size_0:
called_computation.1_lowered:
.L_overlay_start_0:
0x88: {  	s2 =	sld [smem:$0x3FD9]  }
0x89: {  	s3 =	sld [smem:$0x3FFE];
	_ =	sdelay $0x1  }
0x8a: {  	s1 =	srdreg.scid  }
0x8b: {  	s0 =	sand.u32 $0x1, s1  }
0x8c: {  	s17 =	sshll.u32 s0, $0xA;
	s2 =	sadd.s32 s3, s2  }
0x8d: {  	s2 =	sadd.s32 s2, s17  }
0x8e: {  	[smem:$0x3FB6] =	sst s2  }
0x8f: {  	_ = 	snop  }
0x90: {  	s2 =	sld [smem:$0x3FD0];
	(tm) =	ssettm $0x1  }
0x91: {  	s18 =	sld [smem:$0x3FFB];
	_ =	sdelay $0x3  }
0x92: {  	_ =	strace s18  }
0x93: {  	s3 =	sld [smem:$0x3FFC];
	_ =	sdelay $0x3  }
0x94: {  	_ =	strace s3  }
0x95: {  	s3 =	sld [smem:$0x3FFD];
	_ =	sdelay $0x3  }
0x96: {  	_ =	strace s3  }
0x97: {  	_ =	strace $0x8FFFFFFF  }
0x98: {  	s19 =	sld [smem:$0x3FDB];
	_ =	sdelay $0x1  }
0x99: {  	s4 =	simm.s32 $_scs_section_size  }
0x9a: {  	s5 =	simm.s32 $_size__tile_overlayer_lowered;
	s6 =	simm.s32 $_tile_overlayer_lowered  }
0x9b: {  	s22 =	simm.s32 $0x1BFF;
	s21 =	sshll.u32 s6, $0x1;
	s3 =	sadd.s32 s4, s19  }
0x9c: {  	s7 =	simm.s32 $0x0;
	s20 =	sshll.u32 s5, $0x1;
	s5 =	sadd.s32 s21, s3  }
0x9d: {  	[timem:s7], [sflag:s22] =	dma.local [hbm:s5], s20  }
0x9e: {  	_ =	swait.ge [sflag:s22], s20  }
0x9f: {  	s4 =	ssub.s32 $0x0, s20;
	[sflag:s22] =	ssyncset.done $0x0  }
0xa0: {  	[sflag:s22] =	ssyncadd.s32 s4;
	_ =	sdelay $0x1  }
0xa1: {  	s23 =	simm.s32 $0x1B8B  }
0xa2: {  	_ =	swait.ge [sflag:s23], $0x1  }
0xa3: {  	[sflag:s23] =	ssyncset.done $0x0  }
0xa4: {  	s25 =	simm.s32 $0x1B8E;
	s24 =	sld [smem:$0x3FFE];
	[sflag:s23] =	ssyncadd.s32 $0xFFFFFFFF  }
0xa5: {  	s26 =	simm.s32 $execute0_lowered;
	[smem:$0x3FD2] =	sst s25  }
0xa6: {  	s5 =	sshll.u32 s26, $0x1;
	_ =	strace $0x80000049;
	[dreg:$0x1] =	wrdreg $0xFFFFFFFF  }
0xa7: {  	s28 =	simm.s32 $_size_execute0_lowered;
	s3 =	sadd.s32 s3, s5;
	[dreg:$0x0] =	wrdreg $0x0  }
0xa8: {  	s5 =	sshll.u32 s28, $0x1;
	[dreg:$0x2] =	wrdreg s3  }
0xa9: {  	[dreg:$0x3] =	wrdreg s5  }
0xaa: {  	[dreg:$0x4] =	wrdreg $0xC0  }
0xab: {  	_ =	task [dreg:s7], $0x5FFFF  }
0xac: {  	[dreg:$0x1] =	wrdreg $0xFFFFFFFF  }
0xad: {  	[dreg:$0x0] =	wrdreg $0x60  }
0xae: {  	[dreg:$0x2] =	wrdreg s24  }
0xaf: {  	[dreg:$0x3] =	wrdreg s2  }
0xb0: {  	[dreg:$0x4] =	wrdreg $0x90000  }
0xb1: {  	[dreg:$0x5] =	wrdreg $0xE0000  }
0xb2: {  	[dreg:$0x6] =	wrdreg $0x9  }
0xb3: {  	_ =	task.clear_ibuf [dreg:s7], $0x7FFFF;
	_ =	strace $0x90000049  }
0xb4: {  	s29 =	simm.s32 $0x9;
	_ =	strace $0x8000004B  }
0xb5: {  	_ =	swait.ge [sflag:s29], $0x1  }
0xb6: {  	[sflag:s29] =	ssyncadd.s32 $0xFFFFFFFF  }
0xb7: {  	_ =	strace $0x9000004B  }
0xb8: {  	_ =	sfence  }
0xb9: {  	s30 =	sld [smem:$0x0];
	_ =	sdelay $0x2  }
0xba: {  	s31 =	sshll.u32 s1, $0xD;
	s1 =	sshrl.u32 s1, $0x2  }
0xbb: {  	s3 =	sand.u32 $0x4000, s31;
	s1 =	sadd.s32 s1, s30  }
0xbc: {  	s0 =	sor.u32 s3, s0;
	s1 =	sshll.u32 s1, $0x11  }
0xbd: {  	s0 =	sor.u32 s1, s0  }
0xbe: {  	s0 =	sadd.s32 $0x8F2B, s0  }
0xbf: {  	[sflag:s0] =	ssyncadd.remote.s32 $0x1  }
0xc0: {  	_ =	sfence.sel $0xFFFF  }
0xc1: {  	[dreg:$0x0] =	wrdreg $0xFFFFFFFF;
	(pc) =	sbr.abs _section_cstart, $3  }
0xc2: {  	[dreg:$0x1] =	wrdreg $0xFFFFFFFF  }
0xc3: {  	_ =	task.clear_ibuf [dreg:s7], $0x2FFFF;
	_ =	strace $0x9FFFFFFF  }
0xc4: {  	(tm) =	ssettm $0x7FFFFFFF  }
0xc5: {  	_ =	shalt  }
tec
execute0_lowered:
.L_overlay_start_1:
0x0: {  	(tag) =	ssettag $0x1  }
0x1: {  	s0 =	rddreg [dreg:$0x0]  }
0x2: {  	s1 =	srdreg.scid;
	s3 =	rddreg [dreg:$0x2]  }
0x3: {  	s10 =	stileid.u32;
	s4 =	rddreg [dreg:$0x3];
	s5 =	simm.s32 $0x0  }
0x4: {  	s13 =	simm.s32 $0x9;
	s15 =	simm.s32 $0x2800;
	s16 =	simm.s32 $0x80  }
0x5: {  	s17 =	simm.s32 $0x5000;
	s18 =	simm.s32 $0x6000;
	s20 =	simm.s32 $0x7000  }
0x6: {  	s22 =	simm.s32 $0x8000;
	s23 =	simm.s32 $0x1;
	s24 =	simm.s32 $0x5  }
0x7: {  	s26 =	simm.s32 $0x2;
	s29 =	simm.s32 $0x6;
	s31 =	simm.s32 $0x3  }
0x8: {  	s19 =	simm.s32 $0x4;
	s25 =	simm.s32 $0x8;
	s21 =	simm.s32 $0x4F80  }
0x9: {  	s28 =	simm.s32 $0x0;
	s1 =	sand.u32 $0x1, s1;
	s2 =	sshll.u32 s10, $0x1  }
0xa: {  	s8 =	smul.u32 $0x5000, s10;
	[smem:$0x7FF] =	sst s5;
	s30 =	sshll.u32 s10, $0x6  }
0xb: {  	s2 =	sor.u32 s1, s2;
	s6 =	smul.u32 $0x50000, s1;
	_ =	strace $0x8000004A  }
0xc: {  	s1 =	ssub.s32 $0x2, s1;
	s2 =	smul.u32 $0x500, s2;
	s7 =	sshrl.u32 s8, $0x3  }
0xd: {  	s9 =	sshrl.u32 s1, $0x1;
	s12 =	sadd.s32 s8, s3;
	s14 =	sadd.s32 s8, s4  }
0xe: {  	s6 =	sadd.s32 s8, s6;
	s7 =	sadd.s32 s7, s0;
	s1 =	ssub.s32 s1, s9  }
0xf: {  	s12 =	sshrl.u32 s12, $0x3;
	s14 =	sshrl.u32 s14, $0x3;
	s6 =	sshrl.u32 s6, $0x3  }
0x10: {  	s2 =	sadd.s32 s2, s0;
	s11 =	smax.u32 s1, $0x1;
	s0 =	sadd.s32 s6, s0  }
0x11: {  	s6 =	sadd.s32 $0xF200, s7;
	s7 =	sor.u32 $0x1C09, s30;
	s8 =	sadd.s32 $0x23400, s2  }
0x12: {  	s9 =	sadd.s32 $0x5200, s2;
	s10 =	sadd.s32 $0x2D400, s0;
	s0 =	simm.s32 $0x7  }
.LBB2_1:
0x13: {  	[spmem:s12], [sflag:s7] =	dma.local [hbm:s6], $0xA00  }
0x14: {  	_ =	swait.ge [sflag:s13], $0xA00  }
0x15: {  	[sflag:s13] =	ssyncset.done $0x0  }
0x16: {  	[sflag:s13] =	ssyncadd.s32 $0xFFFFF600  }
0x17: {  	s1 =	rddreg [dreg:$0x1]  }
0x18: {  	[spmem:s14], [sflag:s7] =	dma.local [hbm:s1], $0xA00  }
0x19: {  	_ =	swait.ge [sflag:s13], $0xA00  }
0x1a: {  	[sflag:s13] =	ssyncset.done $0x0  }
0x1b: {  	[sflag:s13] =	ssyncadd.s32 $0xFFFFF600  }
0x1c: {  	[tilespmem:s5], [sflag:$0x9] =	stream.linear.gather [hbm4b:s8+s5], $0x2800, $0x38;
	[tilespmem:$0x13000] =	vst v63  }
0x1d: {  	_ =	swait.ge [sflag:s13], $0x2800  }
0x1e: {  	[sflag:s13] =	ssyncset.done $0x0  }
0x1f: {  	[sflag:s13] =	ssyncadd.s32 $0xFFFFD800  }
0x20: {  	[tilespmem:s15], [sflag:$0x9] =	stream.linear.gather [hbm4b:s9+s5], $0x2800, $0x38;
	[tilespmem:$0x13000] =	vst v63  }
0x21: {  	_ =	swait.ge [sflag:s13], $0x2800  }
0x22: {  	[sflag:s13] =	ssyncset.done $0x0  }
0x23: {  	[sflag:s13] =	ssyncadd.s32 $0xFFFFD800  }
0x24: {  	[bflag:$0x0] =	sbarrier.arrive $0xFFFF  }
0x25: {  	[tilespmem:s17], [sflag:$0x1] =	stream.indirect.gather [spmem:s3], $0x20, s5, s16, $0xb8;
	[tilespmem:$0x13000] =	vst v63  }
0x26: {  	_ = 	snop  }
0x27: {  	[tilespmem:s18], [sflag:$0x2] =	stream.indirect.gather [spmem:s3], $0x20, s16, s16, $0xb8;
	[tilespmem:$0x13000] =	vst v63  }
0x28: {  	s2 =	simm.s32 $0x100  }
0x29: {  	[tilespmem:s20], [sflag:$0x3] =	stream.indirect.gather [spmem:s3], $0x20, s2, s16, $0xb8;
	[tilespmem:$0x13000] =	vst v63  }
0x2a: {  	s2 =	simm.s32 $0x180  }
0x2b: {  	[tilespmem:s22], [sflag:$0x4] =	stream.indirect.gather [spmem:s3], $0x20, s2, s16, $0xb8;
	[tilespmem:$0x13000] =	vst v63  }
0x2c: {  	_ =	swait.ge [sflag:s23], $0x1000  }
0x2d: {  	[sflag:s23] =	ssyncset.done $0x0  }
0x2e: {  	[sflag:s23] =	ssyncadd.s32 $0xFFFFF000  }
0x2f: {  	[spmem:s4] =	stream.indirect.scatter.add.f32 [tilespmem:s17], [sflag:$0x5], $0x20, s15, s16, $0xb8;
	[tilespmem:$0x13000] =	vst v63  }
0x30: {  	_ =	swait.ge [sflag:s24], $0x1000  }
0x31: {  	[sflag:s24] =	ssyncset.done $0x0  }
0x32: {  	s2 =	simm.s32 $0x200;
	[sflag:s24] =	ssyncadd.s32 $0xFFFFF000  }
0x33: {  	[tilespmem:s17], [sflag:$0x1] =	stream.indirect.gather [spmem:s3], $0x20, s2, s16, $0xb8;
	[tilespmem:$0x13000] =	vst v63  }
0x34: {  	_ =	swait.ge [sflag:s26], $0x1000  }
0x35: {  	[sflag:s26] =	ssyncset.done $0x0  }
0x36: {  	s2 =	simm.s32 $0x2880;
	[sflag:s26] =	ssyncadd.s32 $0xFFFFF000  }
0x37: {  	[spmem:s4] =	stream.indirect.scatter.add.f32 [tilespmem:s18], [sflag:$0x6], $0x20, s2, s16, $0xb8;
	[tilespmem:$0x13000] =	vst v63  }
0x38: {  	_ =	swait.ge [sflag:s29], $0x1000  }
0x39: {  	[sflag:s29] =	ssyncset.done $0x0  }
0x3a: {  	s2 =	simm.s32 $0x280;
	[sflag:s29] =	ssyncadd.s32 $0xFFFFF000  }
0x3b: {  	[tilespmem:s18], [sflag:$0x2] =	stream.indirect.gather [spmem:s3], $0x20, s2, s16, $0xb8;
	[tilespmem:$0x13000] =	vst v63  }
0x3c: {  	_ =	swait.ge [sflag:s31], $0x1000  }
0x3d: {  	[sflag:s31] =	ssyncset.done $0x0  }
0x3e: {  	s2 =	simm.s32 $0x2900;
	[sflag:s31] =	ssyncadd.s32 $0xFFFFF000  }
0x3f: {  	[spmem:s4] =	stream.indirect.scatter.add.f32 [tilespmem:s20], [sflag:$0x7], $0x20, s2, s16, $0xb8;
	[tilespmem:$0x13000] =	vst v63  }
0x40: {  	_ =	swait.ge [sflag:s0], $0x1000  }
0x41: {  	[sflag:s0] =	ssyncset.done $0x0  }
0x42: {  	s2 =	simm.s32 $0x300;
	[sflag:s0] =	ssyncadd.s32 $0xFFFFF000  }
0x43: {  	[tilespmem:s20], [sflag:$0x3] =	stream.indirect.gather [spmem:s3], $0x20, s2, s16, $0xb8;
	[tilespmem:$0x13000] =	vst v63  }
0x44: {  	_ =	swait.ge [sflag:s19], $0x1000  }
0x45: {  	[sflag:s19] =	ssyncset.done $0x0  }
0x46: {  	s2 =	simm.s32 $0x2980;
	[sflag:s19] =	ssyncadd.s32 $0xFFFFF000  }
0x47: {  	[spmem:s4] =	stream.indirect.scatter.add.f32 [tilespmem:s22], [sflag:$0x8], $0x20, s2, s16, $0xb8;
	[tilespmem:$0x13000] =	vst v63  }
0x48: {  	_ =	swait.ge [sflag:s25], $0x1000  }
0x49: {  	[sflag:s25] =	ssyncset.done $0x0  }
0x4a: {  	s2 =	simm.s32 $0x380;
	[sflag:s25] =	ssyncadd.s32 $0xFFFFF000  }
0x4b: {  	[tilespmem:s22], [sflag:$0x4] =	stream.indirect.gather [spmem:s3], $0x20, s2, s16, $0xb8;
	[tilespmem:$0x13000] =	vst v63  }
0x4c: {  	_ =	swait.ge [sflag:s23], $0x1000  }
0x4d: {  	[sflag:s23] =	ssyncset.done $0x0  }
0x4e: {  	s1 =	simm.s32 $0x2A00;
	[sflag:s23] =	ssyncadd.s32 $0xFFFFF000  }
0x4f: {  	[spmem:s4] =	stream.indirect.scatter.add.f32 [tilespmem:s17], [sflag:$0x5], $0x20, s1, s16, $0xb8;
	[tilespmem:$0x13000] =	vst v63  }
0x50: {  	_ =	swait.ge [sflag:s24], $0x1000  }
0x51: {  	[sflag:s24] =	ssyncset.done $0x0  }
0x52: {  	s1 =	simm.s32 $0x400;
	[sflag:s24] =	ssyncadd.s32 $0xFFFFF000  }
0x53: {  	[tilespmem:s17], [sflag:$0x1] =	stream.indirect.gather [spmem:s3], $0x20, s1, s16, $0xb8;
	[tilespmem:$0x13000] =	vst v63  }
0x54: {  	_ =	swait.ge [sflag:s26], $0x1000  }
0x55: {  	[sflag:s26] =	ssyncset.done $0x0  }
0x56: {  	s1 =	simm.s32 $0x2A80;
	[sflag:s26] =	ssyncadd.s32 $0xFFFFF000  }
0x57: {  	[spmem:s4] =	stream.indirect.scatter.add.f32 [tilespmem:s18], [sflag:$0x6], $0x20, s1, s16, $0xb8;
	[tilespmem:$0x13000] =	vst v63  }
0x58: {  	_ =	swait.ge [sflag:s29], $0x1000  }
0x59: {  	[sflag:s29] =	ssyncset.done $0x0  }
0x5a: {  	s1 =	simm.s32 $0x480;
	[sflag:s29] =	ssyncadd.s32 $0xFFFFF000  }
0x5b: {  	[tilespmem:s18], [sflag:$0x2] =	stream.indirect.gather [spmem:s3], $0x20, s1, s16, $0xb8;
	[tilespmem:$0x13000] =	vst v63  }
0x5c: {  	_ =	swait.ge [sflag:s31], $0x1000  }
0x5d: {  	[sflag:s31] =	ssyncset.done $0x0  }
0x5e: {  	s1 =	simm.s32 $0x2B00;
	[sflag:s31] =	ssyncadd.s32 $0xFFFFF000  }
0x5f: {  	[spmem:s4] =	stream.indirect.scatter.add.f32 [tilespmem:s20], [sflag:$0x7], $0x20, s1, s16, $0xb8;
	[tilespmem:$0x13000] =	vst v63  }
0x60: {  	_ =	swait.ge [sflag:s0], $0x1000  }
0x61: {  	[sflag:s0] =	ssyncset.done $0x0  }
0x62: {  	s1 =	simm.s32 $0x500;
	[sflag:s0] =	ssyncadd.s32 $0xFFFFF000  }
0x63: {  	[tilespmem:s20], [sflag:$0x3] =	stream.indirect.gather [spmem:s3], $0x20, s1, s16, $0xb8;
	[tilespmem:$0x13000] =	vst v63  }
0x64: {  	_ =	swait.ge [sflag:s19], $0x1000  }
0x65: {  	[sflag:s19] =	ssyncset.done $0x0  }
0x66: {  	s30 =	simm.s32 $0x800;
	s2 =	simm.s32 $0x2B80;
	[sflag:s19] =	ssyncadd.s32 $0xFFFFF000  }
.LBB2_2:
0x67: {  	[spmem:s4] =	stream.indirect.scatter.add.f32 [tilespmem:s22], [sflag:$0x8], $0x20, s2, s16, $0xb8;
	[tilespmem:$0x13000] =	vst v63  }
0x68: {  	s2 =	smov.u32 s30  }
0x69: {  	p0 =	sne.s32 s30, $0x8800;
	s30 =	sadd.s32 $0x800, s30;
	_ =	swait.ge [sflag:s25], $0x1000  }
0x6a: {  	s2 =	sshra.s32 s2, $0x2;
	[sflag:s25] =	ssyncset.done $0x0  }
0x6b: {  	s1 =	sadd.s32 $0x380, s2;
	[sflag:s25] =	ssyncadd.s32 $0xFFFFF000  }
0x6c: {  	[tilespmem:s22], [sflag:$0x4] =	stream.indirect.gather [spmem:s3], $0x20, s1, s16, $0xb8;
	[tilespmem:$0x13000] =	vst v63  }
0x6d: {  	_ =	swait.ge [sflag:s23], $0x1000  }
0x6e: {  	[sflag:s23] =	ssyncset.done $0x0  }
0x6f: {  	s1 =	sadd.s32 $0x2A00, s2;
	[sflag:s23] =	ssyncadd.s32 $0xFFFFF000  }
0x70: {  	[spmem:s4] =	stream.indirect.scatter.add.f32 [tilespmem:s17], [sflag:$0x5], $0x20, s1, s16, $0xb8;
	[tilespmem:$0x13000] =	vst v63  }
0x71: {  	_ =	swait.ge [sflag:s24], $0x1000  }
0x72: {  	[sflag:s24] =	ssyncset.done $0x0  }
0x73: {  	s1 =	sadd.s32 $0x400, s2;
	[sflag:s24] =	ssyncadd.s32 $0xFFFFF000  }
0x74: {  	[tilespmem:s17], [sflag:$0x1] =	stream.indirect.gather [spmem:s3], $0x20, s1, s16, $0xb8;
	[tilespmem:$0x13000] =	vst v63  }
0x75: {  	_ =	swait.ge [sflag:s26], $0x1000  }
0x76: {  	[sflag:s26] =	ssyncset.done $0x0  }
0x77: {  	s1 =	sadd.s32 $0x2A80, s2;
	[sflag:s26] =	ssyncadd.s32 $0xFFFFF000  }
0x78: {  	[spmem:s4] =	stream.indirect.scatter.add.f32 [tilespmem:s18], [sflag:$0x6], $0x20, s1, s16, $0xb8;
	[tilespmem:$0x13000] =	vst v63  }
0x79: {  	_ =	swait.ge [sflag:s29], $0x1000  }
0x7a: {  	[sflag:s29] =	ssyncset.done $0x0  }
0x7b: {  	s1 =	sadd.s32 $0x480, s2;
	[sflag:s29] =	ssyncadd.s32 $0xFFFFF000  }
0x7c: {  	[tilespmem:s18], [sflag:$0x2] =	stream.indirect.gather [spmem:s3], $0x20, s1, s16, $0xb8;
	[tilespmem:$0x13000] =	vst v63  }
0x7d: {  	_ =	swait.ge [sflag:s31], $0x1000  }
0x7e: {  	[sflag:s31] =	ssyncset.done $0x0  }
0x7f: {  	s1 =	sadd.s32 $0x2B00, s2;
	[sflag:s31] =	ssyncadd.s32 $0xFFFFF000  }
0x80: {  	[spmem:s4] =	stream.indirect.scatter.add.f32 [tilespmem:s20], [sflag:$0x7], $0x20, s1, s16, $0xb8;
	[tilespmem:$0x13000] =	vst v63  }
0x81: {  	_ =	swait.ge [sflag:s0], $0x1000  }
0x82: {  	[sflag:s0] =	ssyncset.done $0x0  }
.Ltmp0:
0x83: {  	s1 =	sadd.s32 $0x500, s2;
	[sflag:s0] =	ssyncadd.s32 $0xFFFFF000;
	(pc) =	sbr.rel @p0 .LBB2_2-.Ltmp0, $4  }
0x84: {  	[tilespmem:s20], [sflag:$0x3] =	stream.indirect.gather [spmem:s3], $0x20, s1, s16, $0xb8;
	[tilespmem:$0x13000] =	vst v63  }
0x85: {  	_ =	swait.ge [sflag:s19], $0x1000  }
0x86: {  	[sflag:s19] =	ssyncset.done $0x0  }
0x87: {  	s2 =	sadd.s32 $0x2B80, s2;
	[sflag:s19] =	ssyncadd.s32 $0xFFFFF000  }
0x88: {  	[spmem:s4] =	stream.indirect.scatter.add.f32 [tilespmem:s22], [sflag:$0x8], $0x20, s2, s16, $0xb8;
	[tilespmem:$0x13000] =	vst v63  }
0x89: {  	_ =	swait.ge [sflag:s25], $0x1000  }
0x8a: {  	[sflag:s25] =	ssyncset.done $0x0  }
0x8b: {  	s1 =	simm.s32 $0x2780;
	[sflag:s25] =	ssyncadd.s32 $0xFFFFF000  }
0x8c: {  	[tilespmem:s22], [sflag:$0x4] =	stream.indirect.gather [spmem:s3], $0x20, s1, s16, $0xb8;
	[tilespmem:$0x13000] =	vst v63  }
0x8d: {  	_ =	swait.ge [sflag:s23], $0x1000  }
0x8e: {  	[sflag:s23] =	ssyncset.done $0x0  }
0x8f: {  	s30 =	simm.s32 $0x4E00;
	[sflag:s23] =	ssyncadd.s32 $0xFFFFF000  }
0x90: {  	[spmem:s4] =	stream.indirect.scatter.add.f32 [tilespmem:s17], [sflag:$0x5], $0x20, s30, s16, $0xb8;
	[tilespmem:$0x13000] =	vst v63  }
0x91: {  	_ =	swait.ge [sflag:s26], $0x1000  }
0x92: {  	[sflag:s26] =	ssyncset.done $0x0  }
0x93: {  	s2 =	simm.s32 $0x4E80;
	[sflag:s26] =	ssyncadd.s32 $0xFFFFF000  }
0x94: {  	[spmem:s4] =	stream.indirect.scatter.add.f32 [tilespmem:s18], [sflag:$0x6], $0x20, s2, s16, $0xb8;
	[tilespmem:$0x13000] =	vst v63  }
0x95: {  	_ =	swait.ge [sflag:s31], $0x1000  }
0x96: {  	[sflag:s31] =	ssyncset.done $0x0  }
0x97: {  	s30 =	simm.s32 $0x4F00;
	[sflag:s31] =	ssyncadd.s32 $0xFFFFF000  }
0x98: {  	[spmem:s4] =	stream.indirect.scatter.add.f32 [tilespmem:s20], [sflag:$0x7], $0x20, s30, s16, $0xb8;
	[tilespmem:$0x13000] =	vst v63  }
0x99: {  	_ =	swait.ge [sflag:s19], $0x1000  }
0x9a: {  	[sflag:s19] =	ssyncset.done $0x0  }
0x9b: {  	[sflag:s19] =	ssyncadd.s32 $0xFFFFF000  }
0x9c: {  	[spmem:s4] =	stream.indirect.scatter.add.f32 [tilespmem:s22], [sflag:$0x8], $0x20, s21, s16, $0xb8;
	[tilespmem:$0x13000] =	vst v63  }
0x9d: {  	_ =	swait.ge [sflag:s24], $0x1000  }
0x9e: {  	[sflag:s24] =	ssyncset.done $0x0  }
0x9f: {  	[sflag:s24] =	ssyncadd.s32 $0xFFFFF000  }
0xa0: {  	_ =	swait.ge [sflag:s29], $0x1000  }
0xa1: {  	[sflag:s29] =	ssyncset.done $0x0  }
0xa2: {  	[sflag:s29] =	ssyncadd.s32 $0xFFFFF000  }
0xa3: {  	_ =	swait.ge [sflag:s0], $0x1000  }
0xa4: {  	[sflag:s0] =	ssyncset.done $0x0  }
0xa5: {  	[sflag:s0] =	ssyncadd.s32 $0xFFFFF000  }
0xa6: {  	_ =	swait.ge [sflag:s25], $0x1000  }
0xa7: {  	s28 =	sadd.s32 $0x1, s28;
	[sflag:s25] =	ssyncset.done $0x0  }
0xa8: {  	p0 =	sne.s32 s28, s11;
	[sflag:s25] =	ssyncadd.s32 $0xFFFFF000  }
.Ltmp1:
0xa9: {  	[bflag:$0x0] =	sbarrier.arrive $0xFFFF;
	(pc) =	sbr.rel @p0 .LBB2_1-.Ltmp1, $4  }
0xaa: {  	[hbm:s10], [sflag:s7] =	dma.local [spmem:s14], $0xA00  }
0xab: {  	_ =	swait.ge [sflag:s13], $0xA00  }
0xac: {  	[sflag:s13] =	ssyncset.done $0x0  }
0xad: {  	[sflag:s13] =	ssyncadd.s32 $0xFFFFF600  }
0xae: {  	_ =	sfence.sel $0x180000  }
0xaf: {  	[bflag:$0x0] =	sbarrier.arrive $0xFFFF  }
0xb0: {  	_ =	strace $0x9000004A  }
0xb1: {  	s0 =	stileid.u32;
	[bflag:$0x2] =	sbarrier.arrive $0xFFFF  }
0xb2: {  	p0 =	sne.s32 s0, $0x0;
	s0 =	rddreg [dreg:$0x4]  }
0xb3: {  	s0 =	sadd.s32 @!p0 $0x100000, s0  }
0xb4: {  	[sflag:s0] =	ssyncadd.tile.s32 @!p0 $0x1;
	_ =	shalt  }
.Lfunc_end2:
_tile_overlayer_lowered:
.L_overlay_start_2:
0xb5: {  	(tag) =	ssettag $0x2  }
0xb6: {  	s0 =	rddreg [dreg:$0x0];
	s2 =	stileid.u32  }
0xb7: {  	s1 =	rddreg [dreg:$0x1];
	p0 =	sne.s32 s2, $0x0  }
0xb8: {  	s3 =	rddreg [dreg:$0x2];
	[bflag:$0x3] =	sbarrier.arrive $0xFFFF;
	s2 =	simm.s32 @!p0 $0x1C09  }
0xb9: {  	[timem:s3], [sflag:s2] =	dma.local @!p0 [hbm:s0], s1  }
0xba: {  	s0 =	simm.s32 @!p0 $0x9  }
0xbb: {  	_ =	swait.ge @!p0 [sflag:s0], s1  }
0xbc: {  	s1 =	ssub.s32 @!p0 $0x0, s1;
	[sflag:s0] =	ssyncset.done @!p0 $0x0  }
0xbd: {  	[sflag:s0] =	ssyncadd.s32 @!p0 s1  }
0xbe: {  	[bflag:$0x3] =	sbarrier.arrive $0xFFFF  }
0xbf: {  	_ =	shalt  }

// kernel: kernel.18.cloned.1.call-start
scs
__scs_entry_jumppad:
0x0: {  	(pc) =	sbr.rel $0x88, $3  }
0x1: {  	(tag) =	ssettag $0x0;
	lr =	simm.s32 $0x1  }
0x2: {  	[smem:$0x3F8F] =	sst lr;
	_ =	strace $0xD0000000  }
0x3: {  	_ = 	snop  }
0x4: {  	_ = 	snop  }
0x5: {  	_ = 	snop  }
0x6: {  	_ = 	snop  }
0x7: {  	_ = 	snop  }
__scs_overlays_trampoline_lowered:
0x8: {  	[smem:$0x3F9E] =	sst s0  }
0x9: {  	[smem:$0x3F9F] =	sst s1  }
0xa: {  	[smem:$0x3FA0] =	sst s2  }
0xb: {  	[smem:$0x3FA1] =	sst s3  }
0xc: {  	[smem:$0x3FA2] =	sst s4  }
0xd: {  	[smem:$0x3FA3] =	sst s5  }
0xe: {  	[smem:$0x3FA4] =	sst s6  }
0xf: {  	[smem:$0x3FA5] =	sst s7  }
0x10: {  	[smem:$0x3FA6] =	sst s8  }
0x11: {  	[smem:$0x3FA7] =	sst s9;
	s0 =	simm.s32 @!p0 $0x0  }
0x12: {  	s1 =	sld [smem:$0x3F8D];
	s0 =	simm.s32 @p0 $0x1  }
0x13: {  	[smem:$0x3FA8] =	sst s0;
	s0 =	simm.s32 @!p1 $0x0  }
0x14: {  	s2 =	sld [smem:$0x3F8C];
	s0 =	simm.s32 @p1 $0x1  }
0x15: {  	[smem:$0x3FA9] =	sst s0;
	s0 =	simm.s32 @!p2 $0x0  }
0x16: {  	s3 =	sld [smem:$0x3FDB];
	s0 =	simm.s32 @p2 $0x1  }
0x17: {  	s4 =	simm.s32 $0x1BF5;
	[smem:$0x3FAB] =	sst s0  }
0x18: {  	s0 =	sld [smem:$0x3F8E];
	_ =	swait.ge [sflag:s4], $0x0  }
0x19: {  	s7 =	sld [smem:$0x3F8F]  }
0x1a: {  	s8 =	sadd.s32 $0xFFFFE003, lr  }
0x1b: {  	s9 =	sadd.s32 $0xFFFFFEF7, lr;
	s5 =	simm.s32 $0xFFFFFFFF;
	p2 =	slt.u32 s8, $0xFFFFF086  }
0x1c: {  	p1 =	slt.u32 s9, $0xF7A;
	s5 =	simm.s32 @!p2 $0x0  }
0x1d: {  	s5 =	simm.s32 @p1 $0x1;
	p0 =	seq.s32 s7, s2  }
0x1e: {  	s7 =	smul.u32 @!p0 $0xF7A, s2;
	p2 =	seq.s32 @!p0 s5, $0x0  }
0x1f: {  	s9 =	smul.u32 $0xF7A, s1;
	s8 =	simm.s32 @!p0 $0x1BF5;
	p2 =	por !p2, p0  }
0x20: {  	[sflag:s8] =	ssyncset.s32 @!p0 $0xFFFFF086;
	s6 =	sadd.s32 @!p0 s3, s7;
	s7 =	simm.s32 @!p0 $0x108  }
0x21: {  	s3 =	sadd.s32 s3, s9;
	s6 =	sadd.s32 @!p0 $0x88, s6;
	s7 =	simm.s32 @p2 $0x1082  }
0x22: {  	[simem:s7], [sflag:s8] =	dma.local @!p0 [hbm:s6], $0xF7A  }
0x23: {  	s9 =	sor.u32 $0xD0000000, s2;
	s6 =	simm.s32 $0x108;
	_ =	swait.ge @!p0 [sflag:s8], $0x0  }
0x24: {  	s3 =	sadd.s32 $0x88, s3;
	s6 =	simm.s32 @!p1 $0x1082;
	[sflag:s4] =	ssyncset.s32 $0xFFFFF086  }
0x25: {  	[simem:s6], [sflag:s4] =	dma.local [hbm:s3], $0xF7A  }
0x26: {  	[smem:$0x3F8F] =	sst s1;
	(tag) =	ssettag s2;
	_ =	strace s9  }
0x27: {  	s1 =	sld [smem:$0x3F9F]  }
0x28: {  	s2 =	sld [smem:$0x3FA0]  }
0x29: {  	s4 =	sld [smem:$0x3FA2]  }
0x2a: {  	p0 =	seq.s32 s5, $0x0;
	s5 =	sld [smem:$0x3FA3]  }
0x2b: {  	s6 =	sld [smem:$0x3FA4]  }
0x2c: {  	s7 =	sld [smem:$0x3FA5]  }
0x2d: {  	s3 =	simm.s32 $0x108;
	s8 =	sld [smem:$0x3FA6]  }
0x2e: {  	s3 =	simm.s32 @!p0 $0x1082;
	s9 =	sld [smem:$0x3FA7]  }
0x2f: {  	lr =	sadd.s32 s0, s3;
	s0 =	sld [smem:$0x3F9E]  }
0x30: {  	s3 =	sld [smem:$0x3FA1]  }
0x31: {  	[smem:$0x3FAA] =	sst s10  }
0x32: {  	s10 =	sld [smem:$0x3FA8];
	_ =	sdelay $0x3  }
0x33: {  	p0 =	seq.s32 s10, $0x1;
	s10 =	sld [smem:$0x3FAA];
	_ =	sdelay $0x3  }
0x34: {  	[smem:$0x3FAA] =	sst s10  }
0x35: {  	s10 =	sld [smem:$0x3FA9];
	_ =	sdelay $0x3  }
0x36: {  	p1 =	seq.s32 s10, $0x1;
	s10 =	sld [smem:$0x3FAA];
	_ =	sdelay $0x3  }
0x37: {  	[smem:$0x3FAA] =	sst s10  }
0x38: {  	s10 =	sld [smem:$0x3FAB]  }
0x39: {  	_ = 	snop;
	(pc) =	sbr.ind lr, $3  }
0x3a: {  	_ = 	snop  }
0x3b: {  	_ = 	snop  }
0x3c: {  	p2 =	seq.s32 s10, $0x1;
	s10 =	sld [smem:$0x3FAA]  }
0x3d: {  	_ =	shalt  }
0x3e: {  	_ =	shalt  }
0x3f: {  	_ =	shalt  }
0x40: {  	_ =	shalt  }
0x41: {  	_ =	shalt  }
0x42: {  	_ =	shalt  }
0x43: {  	_ =	shalt  }
0x44: {  	_ =	shalt  }
0x45: {  	_ =	shalt  }
0x46: {  	_ =	shalt  }
0x47: {  	_ =	shalt  }
0x48: {  	_ =	shalt  }
0x49: {  	_ =	shalt  }
0x4a: {  	_ =	shalt  }
0x4b: {  	_ =	shalt  }
0x4c: {  	_ =	shalt  }
0x4d: {  	_ =	shalt  }
0x4e: {  	_ =	shalt  }
0x4f: {  	_ =	shalt  }
0x50: {  	_ =	shalt  }
0x51: {  	_ =	shalt  }
0x52: {  	_ =	shalt  }
0x53: {  	_ =	shalt  }
0x54: {  	_ =	shalt  }
0x55: {  	_ =	shalt  }
0x56: {  	_ =	shalt  }
0x57: {  	_ =	shalt  }
0x58: {  	_ =	shalt  }
0x59: {  	_ =	shalt  }
0x5a: {  	_ =	shalt  }
0x5b: {  	_ =	shalt  }
0x5c: {  	_ =	shalt  }
0x5d: {  	_ =	shalt  }
0x5e: {  	_ =	shalt  }
0x5f: {  	_ =	shalt  }
0x60: {  	_ =	shalt  }
0x61: {  	_ =	shalt  }
0x62: {  	_ =	shalt  }
0x63: {  	_ =	shalt  }
0x64: {  	_ =	shalt  }
0x65: {  	_ =	shalt  }
0x66: {  	_ =	shalt  }
0x67: {  	_ =	shalt  }
0x68: {  	_ =	shalt  }
0x69: {  	_ =	shalt  }
0x6a: {  	_ =	shalt  }
0x6b: {  	_ =	shalt  }
0x6c: {  	_ =	shalt  }
0x6d: {  	_ =	shalt  }
0x6e: {  	_ =	shalt  }
0x6f: {  	_ =	shalt  }
0x70: {  	_ =	shalt  }
0x71: {  	_ =	shalt  }
0x72: {  	_ =	shalt  }
0x73: {  	_ =	shalt  }
0x74: {  	_ =	shalt  }
0x75: {  	_ =	shalt  }
0x76: {  	_ =	shalt  }
0x77: {  	_ =	shalt  }
0x78: {  	_ =	shalt  }
0x79: {  	_ =	shalt  }
0x7a: {  	_ =	shalt  }
0x7b: {  	_ =	shalt  }
0x7c: {  	_ =	shalt  }
0x7d: {  	_ =	shalt  }
0x7e: {  	_ =	shalt  }
0x7f: {  	_ =	shalt  }
0x80: {  	_ =	shalt  }
0x81: {  	_ =	shalt  }
0x82: {  	_ =	shalt  }
0x83: {  	_ =	shalt  }
0x84: {  	_ =	shalt  }
0x85: {  	_ =	shalt  }
0x86: {  	_ =	shalt  }
0x87: {  	_ =	shalt  }
.Lfunc_end0:
.L_simem_size_0:
called_computation.2_lowered:
.L_overlay_start_0:
0x88: {  	s2 =	sld [smem:$0x3FD9]  }
0x89: {  	s3 =	sld [smem:$0x3FFE];
	_ =	sdelay $0x1  }
0x8a: {  	s1 =	srdreg.scid  }
0x8b: {  	s0 =	sand.u32 $0x1, s1  }
0x8c: {  	s17 =	sshll.u32 s0, $0xA;
	s2 =	sadd.s32 s3, s2  }
0x8d: {  	s2 =	sadd.s32 s2, s17  }
0x8e: {  	[smem:$0x3FB6] =	sst s2  }
0x8f: {  	_ = 	snop  }
0x90: {  	s2 =	sld [smem:$0x3FD0];
	(tm) =	ssettm $0x1  }
0x91: {  	s18 =	sld [smem:$0x3FFB];
	_ =	sdelay $0x3  }
0x92: {  	_ =	strace s18  }
0x93: {  	s3 =	sld [smem:$0x3FFC];
	_ =	sdelay $0x3  }
0x94: {  	_ =	strace s3  }
0x95: {  	s3 =	sld [smem:$0x3FFD];
	_ =	sdelay $0x3  }
0x96: {  	_ =	strace s3  }
0x97: {  	_ =	strace $0x8FFFFFFF  }
0x98: {  	s19 =	sld [smem:$0x3FDB];
	_ =	sdelay $0x1  }
0x99: {  	s4 =	simm.s32 $_scs_section_size  }
0x9a: {  	s5 =	simm.s32 $_size__tile_overlayer_lowered;
	s6 =	simm.s32 $_tile_overlayer_lowered  }
0x9b: {  	s22 =	simm.s32 $0x1BFF;
	s21 =	sshll.u32 s6, $0x1;
	s3 =	sadd.s32 s4, s19  }
0x9c: {  	s7 =	simm.s32 $0x0;
	s20 =	sshll.u32 s5, $0x1;
	s5 =	sadd.s32 s21, s3  }
0x9d: {  	[timem:s7], [sflag:s22] =	dma.local [hbm:s5], s20  }
0x9e: {  	_ =	swait.ge [sflag:s22], s20  }
0x9f: {  	s4 =	ssub.s32 $0x0, s20;
	[sflag:s22] =	ssyncset.done $0x0  }
0xa0: {  	[sflag:s22] =	ssyncadd.s32 s4;
	_ =	sdelay $0x1  }
0xa1: {  	s23 =	simm.s32 $0x1B8B  }
0xa2: {  	_ =	swait.ge [sflag:s23], $0x1  }
0xa3: {  	[sflag:s23] =	ssyncset.done $0x0  }
0xa4: {  	s25 =	simm.s32 $0x1B8E;
	s24 =	sld [smem:$0x3FFE];
	[sflag:s23] =	ssyncadd.s32 $0xFFFFFFFF  }
0xa5: {  	s26 =	simm.s32 $execute0_lowered;
	[smem:$0x3FD2] =	sst s25  }
0xa6: {  	s5 =	sshll.u32 s26, $0x1;
	_ =	strace $0x8000004C;
	[dreg:$0x1] =	wrdreg $0xFFFFFFFF  }
0xa7: {  	s28 =	simm.s32 $_size_execute0_lowered;
	s3 =	sadd.s32 s3, s5;
	[dreg:$0x0] =	wrdreg $0x0  }
0xa8: {  	s5 =	sshll.u32 s28, $0x1;
	[dreg:$0x2] =	wrdreg s3  }
0xa9: {  	[dreg:$0x3] =	wrdreg s5  }
0xaa: {  	[dreg:$0x4] =	wrdreg $0xC0  }
0xab: {  	_ =	task [dreg:s7], $0x5FFFF  }
0xac: {  	[dreg:$0x1] =	wrdreg $0xFFFFFFFF  }
0xad: {  	[dreg:$0x0] =	wrdreg $0x60  }
0xae: {  	[dreg:$0x2] =	wrdreg s24  }
0xaf: {  	[dreg:$0x3] =	wrdreg s2  }
0xb0: {  	[dreg:$0x4] =	wrdreg $0x90000  }
0xb1: {  	[dreg:$0x5] =	wrdreg $0xE0000  }
0xb2: {  	[dreg:$0x6] =	wrdreg $0x9  }
0xb3: {  	_ =	task.clear_ibuf [dreg:s7], $0x7FFFF;
	_ =	strace $0x9000004C  }
0xb4: {  	s29 =	simm.s32 $0x9;
	_ =	strace $0x8000004E  }
0xb5: {  	_ =	swait.ge [sflag:s29], $0x1  }
0xb6: {  	[sflag:s29] =	ssyncadd.s32 $0xFFFFFFFF  }
0xb7: {  	_ =	strace $0x9000004E  }
0xb8: {  	_ =	sfence  }
0xb9: {  	s30 =	sld [smem:$0x0];
	_ =	sdelay $0x2  }
0xba: {  	s31 =	sshll.u32 s1, $0xD;
	s1 =	sshrl.u32 s1, $0x2  }
0xbb: {  	s3 =	sand.u32 $0x4000, s31;
	s1 =	sadd.s32 s1, s30  }
0xbc: {  	s0 =	sor.u32 s3, s0;
	s1 =	sshll.u32 s1, $0x11  }
0xbd: {  	s0 =	sor.u32 s1, s0  }
0xbe: {  	s0 =	sadd.s32 $0x8F2B, s0  }
0xbf: {  	[sflag:s0] =	ssyncadd.remote.s32 $0x1  }
0xc0: {  	_ =	sfence.sel $0xFFFF  }
0xc1: {  	[dreg:$0x0] =	wrdreg $0xFFFFFFFF;
	(pc) =	sbr.abs _section_cstart, $3  }
0xc2: {  	[dreg:$0x1] =	wrdreg $0xFFFFFFFF  }
0xc3: {  	_ =	task.clear_ibuf [dreg:s7], $0x2FFFF;
	_ =	strace $0x9FFFFFFF  }
0xc4: {  	(tm) =	ssettm $0x7FFFFFFF  }
0xc5: {  	_ =	shalt  }
tec
execute0_lowered:
.L_overlay_start_1:
0x0: {  	(tag) =	ssettag $0x1  }
0x1: {  	s0 =	rddreg [dreg:$0x0]  }
0x2: {  	s1 =	srdreg.scid;
	s3 =	rddreg [dreg:$0x2]  }
0x3: {  	s10 =	stileid.u32;
	s4 =	rddreg [dreg:$0x3];
	s5 =	simm.s32 $0x0  }
0x4: {  	s13 =	simm.s32 $0x9;
	s15 =	simm.s32 $0x2800;
	s16 =	simm.s32 $0x80  }
0x5: {  	s17 =	simm.s32 $0x5000;
	s18 =	simm.s32 $0x6000;
	s20 =	simm.s32 $0x7000  }
0x6: {  	s22 =	simm.s32 $0x8000;
	s23 =	simm.s32 $0x1;
	s24 =	simm.s32 $0x5  }
0x7: {  	s26 =	simm.s32 $0x2;
	s29 =	simm.s32 $0x6;
	s31 =	simm.s32 $0x3  }
0x8: {  	s19 =	simm.s32 $0x4;
	s25 =	simm.s32 $0x8;
	s21 =	simm.s32 $0x4F80  }
0x9: {  	s28 =	simm.s32 $0x0;
	s1 =	sand.u32 $0x1, s1;
	s2 =	sshll.u32 s10, $0x1  }
0xa: {  	s8 =	smul.u32 $0x5000, s10;
	[smem:$0x7FF] =	sst s5;
	s30 =	sshll.u32 s10, $0x6  }
0xb: {  	s2 =	sor.u32 s1, s2;
	s6 =	smul.u32 $0x50000, s1;
	_ =	strace $0x8000004D  }
0xc: {  	s1 =	ssub.s32 $0x2, s1;
	s2 =	smul.u32 $0x500, s2;
	s7 =	sshrl.u32 s8, $0x3  }
0xd: {  	s9 =	sshrl.u32 s1, $0x1;
	s12 =	sadd.s32 s8, s3;
	s14 =	sadd.s32 s8, s4  }
0xe: {  	s6 =	sadd.s32 s8, s6;
	s7 =	sadd.s32 s7, s0;
	s1 =	ssub.s32 s1, s9  }
0xf: {  	s12 =	sshrl.u32 s12, $0x3;
	s14 =	sshrl.u32 s14, $0x3;
	s6 =	sshrl.u32 s6, $0x3  }
0x10: {  	s2 =	sadd.s32 s2, s0;
	s11 =	smax.u32 s1, $0x1;
	s0 =	sadd.s32 s6, s0  }
0x11: {  	s6 =	sadd.s32 $0xF200, s7;
	s7 =	sor.u32 $0x1C09, s30;
	s8 =	sadd.s32 $0x23400, s2  }
0x12: {  	s9 =	sadd.s32 $0x5200, s2;
	s10 =	sadd.s32 $0x2D400, s0;
	s0 =	simm.s32 $0x7  }
.LBB2_1:
0x13: {  	[spmem:s12], [sflag:s7] =	dma.local [hbm:s6], $0xA00  }
0x14: {  	_ =	swait.ge [sflag:s13], $0xA00  }
0x15: {  	[sflag:s13] =	ssyncset.done $0x0  }
0x16: {  	[sflag:s13] =	ssyncadd.s32 $0xFFFFF600  }
0x17: {  	s1 =	rddreg [dreg:$0x1]  }
0x18: {  	[spmem:s14], [sflag:s7] =	dma.local [hbm:s1], $0xA00  }
0x19: {  	_ =	swait.ge [sflag:s13], $0xA00  }
0x1a: {  	[sflag:s13] =	ssyncset.done $0x0  }
0x1b: {  	[sflag:s13] =	ssyncadd.s32 $0xFFFFF600  }
0x1c: {  	[tilespmem:s5], [sflag:$0x9] =	stream.linear.gather [hbm4b:s8+s5], $0x2800, $0x38;
	[tilespmem:$0x13000] =	vst v63  }
0x1d: {  	_ =	swait.ge [sflag:s13], $0x2800  }
0x1e: {  	[sflag:s13] =	ssyncset.done $0x0  }
0x1f: {  	[sflag:s13] =	ssyncadd.s32 $0xFFFFD800  }
0x20: {  	[tilespmem:s15], [sflag:$0x9] =	stream.linear.gather [hbm4b:s9+s5], $0x2800, $0x38;
	[tilespmem:$0x13000] =	vst v63  }
0x21: {  	_ =	swait.ge [sflag:s13], $0x2800  }
0x22: {  	[sflag:s13] =	ssyncset.done $0x0  }
0x23: {  	[sflag:s13] =	ssyncadd.s32 $0xFFFFD800  }
0x24: {  	[bflag:$0x0] =	sbarrier.arrive $0xFFFF  }
0x25: {  	[tilespmem:s17], [sflag:$0x1] =	stream.indirect.gather [spmem:s3], $0x20, s5, s16, $0xb8;
	[tilespmem:$0x13000] =	vst v63  }
0x26: {  	_ = 	snop  }
0x27: {  	[tilespmem:s18], [sflag:$0x2] =	stream.indirect.gather [spmem:s3], $0x20, s16, s16, $0xb8;
	[tilespmem:$0x13000] =	vst v63  }
0x28: {  	s2 =	simm.s32 $0x100  }
0x29: {  	[tilespmem:s20], [sflag:$0x3] =	stream.indirect.gather [spmem:s3], $0x20, s2, s16, $0xb8;
	[tilespmem:$0x13000] =	vst v63  }
0x2a: {  	s2 =	simm.s32 $0x180  }
0x2b: {  	[tilespmem:s22], [sflag:$0x4] =	stream.indirect.gather [spmem:s3], $0x20, s2, s16, $0xb8;
	[tilespmem:$0x13000] =	vst v63  }
0x2c: {  	_ =	swait.ge [sflag:s23], $0x1000  }
0x2d: {  	[sflag:s23] =	ssyncset.done $0x0  }
0x2e: {  	[sflag:s23] =	ssyncadd.s32 $0xFFFFF000  }
0x2f: {  	[spmem:s4] =	stream.indirect.scatter.add.f32 [tilespmem:s17], [sflag:$0x5], $0x20, s15, s16, $0xb8;
	[tilespmem:$0x13000] =	vst v63  }
0x30: {  	_ =	swait.ge [sflag:s24], $0x1000  }
0x31: {  	[sflag:s24] =	ssyncset.done $0x0  }
0x32: {  	s2 =	simm.s32 $0x200;
	[sflag:s24] =	ssyncadd.s32 $0xFFFFF000  }
0x33: {  	[tilespmem:s17], [sflag:$0x1] =	stream.indirect.gather [spmem:s3], $0x20, s2, s16, $0xb8;
	[tilespmem:$0x13000] =	vst v63  }
0x34: {  	_ =	swait.ge [sflag:s26], $0x1000  }
0x35: {  	[sflag:s26] =	ssyncset.done $0x0  }
0x36: {  	s2 =	simm.s32 $0x2880;
	[sflag:s26] =	ssyncadd.s32 $0xFFFFF000  }
0x37: {  	[spmem:s4] =	stream.indirect.scatter.add.f32 [tilespmem:s18], [sflag:$0x6], $0x20, s2, s16, $0xb8;
	[tilespmem:$0x13000] =	vst v63  }
0x38: {  	_ =	swait.ge [sflag:s29], $0x1000  }
0x39: {  	[sflag:s29] =	ssyncset.done $0x0  }
0x3a: {  	s2 =	simm.s32 $0x280;
	[sflag:s29] =	ssyncadd.s32 $0xFFFFF000  }
0x3b: {  	[tilespmem:s18], [sflag:$0x2] =	stream.indirect.gather [spmem:s3], $0x20, s2, s16, $0xb8;
	[tilespmem:$0x13000] =	vst v63  }
0x3c: {  	_ =	swait.ge [sflag:s31], $0x1000  }
0x3d: {  	[sflag:s31] =	ssyncset.done $0x0  }
0x3e: {  	s2 =	simm.s32 $0x2900;
	[sflag:s31] =	ssyncadd.s32 $0xFFFFF000  }
0x3f: {  	[spmem:s4] =	stream.indirect.scatter.add.f32 [tilespmem:s20], [sflag:$0x7], $0x20, s2, s16, $0xb8;
	[tilespmem:$0x13000] =	vst v63  }
0x40: {  	_ =	swait.ge [sflag:s0], $0x1000  }
0x41: {  	[sflag:s0] =	ssyncset.done $0x0  }
0x42: {  	s2 =	simm.s32 $0x300;
	[sflag:s0] =	ssyncadd.s32 $0xFFFFF000  }
0x43: {  	[tilespmem:s20], [sflag:$0x3] =	stream.indirect.gather [spmem:s3], $0x20, s2, s16, $0xb8;
	[tilespmem:$0x13000] =	vst v63  }
0x44: {  	_ =	swait.ge [sflag:s19], $0x1000  }
0x45: {  	[sflag:s19] =	ssyncset.done $0x0  }
0x46: {  	s2 =	simm.s32 $0x2980;
	[sflag:s19] =	ssyncadd.s32 $0xFFFFF000  }
0x47: {  	[spmem:s4] =	stream.indirect.scatter.add.f32 [tilespmem:s22], [sflag:$0x8], $0x20, s2, s16, $0xb8;
	[tilespmem:$0x13000] =	vst v63  }
0x48: {  	_ =	swait.ge [sflag:s25], $0x1000  }
0x49: {  	[sflag:s25] =	ssyncset.done $0x0  }
0x4a: {  	s2 =	simm.s32 $0x380;
	[sflag:s25] =	ssyncadd.s32 $0xFFFFF000  }
0x4b: {  	[tilespmem:s22], [sflag:$0x4] =	stream.indirect.gather [spmem:s3], $0x20, s2, s16, $0xb8;
	[tilespmem:$0x13000] =	vst v63  }
0x4c: {  	_ =	swait.ge [sflag:s23], $0x1000  }
0x4d: {  	[sflag:s23] =	ssyncset.done $0x0  }
0x4e: {  	s1 =	simm.s32 $0x2A00;
	[sflag:s23] =	ssyncadd.s32 $0xFFFFF000  }
0x4f: {  	[spmem:s4] =	stream.indirect.scatter.add.f32 [tilespmem:s17], [sflag:$0x5], $0x20, s1, s16, $0xb8;
	[tilespmem:$0x13000] =	vst v63  }
0x50: {  	_ =	swait.ge [sflag:s24], $0x1000  }
0x51: {  	[sflag:s24] =	ssyncset.done $0x0  }
0x52: {  	s1 =	simm.s32 $0x400;
	[sflag:s24] =	ssyncadd.s32 $0xFFFFF000  }
0x53: {  	[tilespmem:s17], [sflag:$0x1] =	stream.indirect.gather [spmem:s3], $0x20, s1, s16, $0xb8;
	[tilespmem:$0x13000] =	vst v63  }
0x54: {  	_ =	swait.ge [sflag:s26], $0x1000  }
0x55: {  	[sflag:s26] =	ssyncset.done $0x0  }
0x56: {  	s1 =	simm.s32 $0x2A80;
	[sflag:s26] =	ssyncadd.s32 $0xFFFFF000  }
0x57: {  	[spmem:s4] =	stream.indirect.scatter.add.f32 [tilespmem:s18], [sflag:$0x6], $0x20, s1, s16, $0xb8;
	[tilespmem:$0x13000] =	vst v63  }
0x58: {  	_ =	swait.ge [sflag:s29], $0x1000  }
0x59: {  	[sflag:s29] =	ssyncset.done $0x0  }
0x5a: {  	s1 =	simm.s32 $0x480;
	[sflag:s29] =	ssyncadd.s32 $0xFFFFF000  }
0x5b: {  	[tilespmem:s18], [sflag:$0x2] =	stream.indirect.gather [spmem:s3], $0x20, s1, s16, $0xb8;
	[tilespmem:$0x13000] =	vst v63  }
0x5c: {  	_ =	swait.ge [sflag:s31], $0x1000  }
0x5d: {  	[sflag:s31] =	ssyncset.done $0x0  }
0x5e: {  	s1 =	simm.s32 $0x2B00;
	[sflag:s31] =	ssyncadd.s32 $0xFFFFF000  }
0x5f: {  	[spmem:s4] =	stream.indirect.scatter.add.f32 [tilespmem:s20], [sflag:$0x7], $0x20, s1, s16, $0xb8;
	[tilespmem:$0x13000] =	vst v63  }
0x60: {  	_ =	swait.ge [sflag:s0], $0x1000  }
0x61: {  	[sflag:s0] =	ssyncset.done $0x0  }
0x62: {  	s1 =	simm.s32 $0x500;
	[sflag:s0] =	ssyncadd.s32 $0xFFFFF000  }
0x63: {  	[tilespmem:s20], [sflag:$0x3] =	stream.indirect.gather [spmem:s3], $0x20, s1, s16, $0xb8;
	[tilespmem:$0x13000] =	vst v63  }
0x64: {  	_ =	swait.ge [sflag:s19], $0x1000  }
0x65: {  	[sflag:s19] =	ssyncset.done $0x0  }
0x66: {  	s30 =	simm.s32 $0x800;
	s2 =	simm.s32 $0x2B80;
	[sflag:s19] =	ssyncadd.s32 $0xFFFFF000  }
.LBB2_2:
0x67: {  	[spmem:s4] =	stream.indirect.scatter.add.f32 [tilespmem:s22], [sflag:$0x8], $0x20, s2, s16, $0xb8;
	[tilespmem:$0x13000] =	vst v63  }
0x68: {  	s2 =	smov.u32 s30  }
0x69: {  	p0 =	sne.s32 s30, $0x8800;
	s30 =	sadd.s32 $0x800, s30;
	_ =	swait.ge [sflag:s25], $0x1000  }
0x6a: {  	s2 =	sshra.s32 s2, $0x2;
	[sflag:s25] =	ssyncset.done $0x0  }
0x6b: {  	s1 =	sadd.s32 $0x380, s2;
	[sflag:s25] =	ssyncadd.s32 $0xFFFFF000  }
0x6c: {  	[tilespmem:s22], [sflag:$0x4] =	stream.indirect.gather [spmem:s3], $0x20, s1, s16, $0xb8;
	[tilespmem:$0x13000] =	vst v63  }
0x6d: {  	_ =	swait.ge [sflag:s23], $0x1000  }
0x6e: {  	[sflag:s23] =	ssyncset.done $0x0  }
0x6f: {  	s1 =	sadd.s32 $0x2A00, s2;
	[sflag:s23] =	ssyncadd.s32 $0xFFFFF000  }
0x70: {  	[spmem:s4] =	stream.indirect.scatter.add.f32 [tilespmem:s17], [sflag:$0x5], $0x20, s1, s16, $0xb8;
	[tilespmem:$0x13000] =	vst v63  }
0x71: {  	_ =	swait.ge [sflag:s24], $0x1000  }
0x72: {  	[sflag:s24] =	ssyncset.done $0x0  }
0x73: {  	s1 =	sadd.s32 $0x400, s2;
	[sflag:s24] =	ssyncadd.s32 $0xFFFFF000  }
0x74: {  	[tilespmem:s17], [sflag:$0x1] =	stream.indirect.gather [spmem:s3], $0x20, s1, s16, $0xb8;
	[tilespmem:$0x13000] =	vst v63  }
0x75: {  	_ =	swait.ge [sflag:s26], $0x1000  }
0x76: {  	[sflag:s26] =	ssyncset.done $0x0  }
0x77: {  	s1 =	sadd.s32 $0x2A80, s2;
	[sflag:s26] =	ssyncadd.s32 $0xFFFFF000  }
0x78: {  	[spmem:s4] =	stream.indirect.scatter.add.f32 [tilespmem:s18], [sflag:$0x6], $0x20, s1, s16, $0xb8;
	[tilespmem:$0x13000] =	vst v63  }
0x79: {  	_ =	swait.ge [sflag:s29], $0x1000  }
0x7a: {  	[sflag:s29] =	ssyncset.done $0x0  }
0x7b: {  	s1 =	sadd.s32 $0x480, s2;
	[sflag:s29] =	ssyncadd.s32 $0xFFFFF000  }
0x7c: {  	[tilespmem:s18], [sflag:$0x2] =	stream.indirect.gather [spmem:s3], $0x20, s1, s16, $0xb8;
	[tilespmem:$0x13000] =	vst v63  }
0x7d: {  	_ =	swait.ge [sflag:s31], $0x1000  }
0x7e: {  	[sflag:s31] =	ssyncset.done $0x0  }
0x7f: {  	s1 =	sadd.s32 $0x2B00, s2;
	[sflag:s31] =	ssyncadd.s32 $0xFFFFF000  }
0x80: {  	[spmem:s4] =	stream.indirect.scatter.add.f32 [tilespmem:s20], [sflag:$0x7], $0x20, s1, s16, $0xb8;
	[tilespmem:$0x13000] =	vst v63  }
0x81: {  	_ =	swait.ge [sflag:s0], $0x1000  }
0x82: {  	[sflag:s0] =	ssyncset.done $0x0  }
.Ltmp0:
0x83: {  	s1 =	sadd.s32 $0x500, s2;
	[sflag:s0] =	ssyncadd.s32 $0xFFFFF000;
	(pc) =	sbr.rel @p0 .LBB2_2-.Ltmp0, $4  }
0x84: {  	[tilespmem:s20], [sflag:$0x3] =	stream.indirect.gather [spmem:s3], $0x20, s1, s16, $0xb8;
	[tilespmem:$0x13000] =	vst v63  }
0x85: {  	_ =	swait.ge [sflag:s19], $0x1000  }
0x86: {  	[sflag:s19] =	ssyncset.done $0x0  }
0x87: {  	s2 =	sadd.s32 $0x2B80, s2;
	[sflag:s19] =	ssyncadd.s32 $0xFFFFF000  }
0x88: {  	[spmem:s4] =	stream.indirect.scatter.add.f32 [tilespmem:s22], [sflag:$0x8], $0x20, s2, s16, $0xb8;
	[tilespmem:$0x13000] =	vst v63  }
0x89: {  	_ =	swait.ge [sflag:s25], $0x1000  }
0x8a: {  	[sflag:s25] =	ssyncset.done $0x0  }
0x8b: {  	s1 =	simm.s32 $0x2780;
	[sflag:s25] =	ssyncadd.s32 $0xFFFFF000  }
0x8c: {  	[tilespmem:s22], [sflag:$0x4] =	stream.indirect.gather [spmem:s3], $0x20, s1, s16, $0xb8;
	[tilespmem:$0x13000] =	vst v63  }
0x8d: {  	_ =	swait.ge [sflag:s23], $0x1000  }
0x8e: {  	[sflag:s23] =	ssyncset.done $0x0  }
0x8f: {  	s30 =	simm.s32 $0x4E00;
	[sflag:s23] =	ssyncadd.s32 $0xFFFFF000  }
0x90: {  	[spmem:s4] =	stream.indirect.scatter.add.f32 [tilespmem:s17], [sflag:$0x5], $0x20, s30, s16, $0xb8;
	[tilespmem:$0x13000] =	vst v63  }
0x91: {  	_ =	swait.ge [sflag:s26], $0x1000  }
0x92: {  	[sflag:s26] =	ssyncset.done $0x0  }
0x93: {  	s2 =	simm.s32 $0x4E80;
	[sflag:s26] =	ssyncadd.s32 $0xFFFFF000  }
0x94: {  	[spmem:s4] =	stream.indirect.scatter.add.f32 [tilespmem:s18], [sflag:$0x6], $0x20, s2, s16, $0xb8;
	[tilespmem:$0x13000] =	vst v63  }
0x95: {  	_ =	swait.ge [sflag:s31], $0x1000  }
0x96: {  	[sflag:s31] =	ssyncset.done $0x0  }
0x97: {  	s30 =	simm.s32 $0x4F00;
	[sflag:s31] =	ssyncadd.s32 $0xFFFFF000  }
0x98: {  	[spmem:s4] =	stream.indirect.scatter.add.f32 [tilespmem:s20], [sflag:$0x7], $0x20, s30, s16, $0xb8;
	[tilespmem:$0x13000] =	vst v63  }
0x99: {  	_ =	swait.ge [sflag:s19], $0x1000  }
0x9a: {  	[sflag:s19] =	ssyncset.done $0x0  }
0x9b: {  	[sflag:s19] =	ssyncadd.s32 $0xFFFFF000  }
0x9c: {  	[spmem:s4] =	stream.indirect.scatter.add.f32 [tilespmem:s22], [sflag:$0x8], $0x20, s21, s16, $0xb8;
	[tilespmem:$0x13000] =	vst v63  }
0x9d: {  	_ =	swait.ge [sflag:s24], $0x1000  }
0x9e: {  	[sflag:s24] =	ssyncset.done $0x0  }
0x9f: {  	[sflag:s24] =	ssyncadd.s32 $0xFFFFF000  }
0xa0: {  	_ =	swait.ge [sflag:s29], $0x1000  }
0xa1: {  	[sflag:s29] =	ssyncset.done $0x0  }
0xa2: {  	[sflag:s29] =	ssyncadd.s32 $0xFFFFF000  }
0xa3: {  	_ =	swait.ge [sflag:s0], $0x1000  }
0xa4: {  	[sflag:s0] =	ssyncset.done $0x0  }
0xa5: {  	[sflag:s0] =	ssyncadd.s32 $0xFFFFF000  }
0xa6: {  	_ =	swait.ge [sflag:s25], $0x1000  }
0xa7: {  	s28 =	sadd.s32 $0x1, s28;
	[sflag:s25] =	ssyncset.done $0x0  }
0xa8: {  	p0 =	sne.s32 s28, s11;
	[sflag:s25] =	ssyncadd.s32 $0xFFFFF000  }
.Ltmp1:
0xa9: {  	[bflag:$0x0] =	sbarrier.arrive $0xFFFF;
	(pc) =	sbr.rel @p0 .LBB2_1-.Ltmp1, $4  }
0xaa: {  	[hbm:s10], [sflag:s7] =	dma.local [spmem:s14], $0xA00  }
0xab: {  	_ =	swait.ge [sflag:s13], $0xA00  }
0xac: {  	[sflag:s13] =	ssyncset.done $0x0  }
0xad: {  	[sflag:s13] =	ssyncadd.s32 $0xFFFFF600  }
0xae: {  	_ =	sfence.sel $0x180000  }
0xaf: {  	[bflag:$0x0] =	sbarrier.arrive $0xFFFF  }
0xb0: {  	_ =	strace $0x9000004D  }
0xb1: {  	s0 =	stileid.u32;
	[bflag:$0x2] =	sbarrier.arrive $0xFFFF  }
0xb2: {  	p0 =	sne.s32 s0, $0x0;
	s0 =	rddreg [dreg:$0x4]  }
0xb3: {  	s0 =	sadd.s32 @!p0 $0x100000, s0  }
0xb4: {  	[sflag:s0] =	ssyncadd.tile.s32 @!p0 $0x1;
	_ =	shalt  }
.Lfunc_end2:
_tile_overlayer_lowered:
.L_overlay_start_2:
0xb5: {  	(tag) =	ssettag $0x2  }
0xb6: {  	s0 =	rddreg [dreg:$0x0];
	s2 =	stileid.u32  }
0xb7: {  	s1 =	rddreg [dreg:$0x1];
	p0 =	sne.s32 s2, $0x0  }
0xb8: {  	s3 =	rddreg [dreg:$0x2];
	[bflag:$0x3] =	sbarrier.arrive $0xFFFF;
	s2 =	simm.s32 @!p0 $0x1C09  }
0xb9: {  	[timem:s3], [sflag:s2] =	dma.local @!p0 [hbm:s0], s1  }
0xba: {  	s0 =	simm.s32 @!p0 $0x9  }
0xbb: {  	_ =	swait.ge @!p0 [sflag:s0], s1  }
0xbc: {  	s1 =	ssub.s32 @!p0 $0x0, s1;
	[sflag:s0] =	ssyncset.done @!p0 $0x0  }
0xbd: {  	[sflag:s0] =	ssyncadd.s32 @!p0 s1  }
0xbe: {  	[bflag:$0x3] =	sbarrier.arrive $0xFFFF  }
0xbf: {  	_ =	shalt  }

// kernel: kernel.21.cloned.1.call-start
scs
__scs_entry_jumppad:
0x0: {  	(pc) =	sbr.rel $0x88, $3  }
0x1: {  	(tag) =	ssettag $0x0;
	lr =	simm.s32 $0x1  }
0x2: {  	[smem:$0x3F8F] =	sst lr;
	_ =	strace $0xD0000000  }
0x3: {  	_ = 	snop  }
0x4: {  	_ = 	snop  }
0x5: {  	_ = 	snop  }
0x6: {  	_ = 	snop  }
0x7: {  	_ = 	snop  }
__scs_overlays_trampoline_lowered:
0x8: {  	[smem:$0x3F9E] =	sst s0  }
0x9: {  	[smem:$0x3F9F] =	sst s1  }
0xa: {  	[smem:$0x3FA0] =	sst s2  }
0xb: {  	[smem:$0x3FA1] =	sst s3  }
0xc: {  	[smem:$0x3FA2] =	sst s4  }
0xd: {  	[smem:$0x3FA3] =	sst s5  }
0xe: {  	[smem:$0x3FA4] =	sst s6  }
0xf: {  	[smem:$0x3FA5] =	sst s7  }
0x10: {  	[smem:$0x3FA6] =	sst s8  }
0x11: {  	[smem:$0x3FA7] =	sst s9;
	s0 =	simm.s32 @!p0 $0x0  }
0x12: {  	s1 =	sld [smem:$0x3F8D];
	s0 =	simm.s32 @p0 $0x1  }
0x13: {  	[smem:$0x3FA8] =	sst s0;
	s0 =	simm.s32 @!p1 $0x0  }
0x14: {  	s2 =	sld [smem:$0x3F8C];
	s0 =	simm.s32 @p1 $0x1  }
0x15: {  	[smem:$0x3FA9] =	sst s0;
	s0 =	simm.s32 @!p2 $0x0  }
0x16: {  	s3 =	sld [smem:$0x3FDB];
	s0 =	simm.s32 @p2 $0x1  }
0x17: {  	s4 =	simm.s32 $0x1BF5;
	[smem:$0x3FAB] =	sst s0  }
0x18: {  	s0 =	sld [smem:$0x3F8E];
	_ =	swait.ge [sflag:s4], $0x0  }
0x19: {  	s7 =	sld [smem:$0x3F8F]  }
0x1a: {  	s8 =	sadd.s32 $0xFFFFE003, lr  }
0x1b: {  	s9 =	sadd.s32 $0xFFFFFEF7, lr;
	s5 =	simm.s32 $0xFFFFFFFF;
	p2 =	slt.u32 s8, $0xFFFFF086  }
0x1c: {  	p1 =	slt.u32 s9, $0xF7A;
	s5 =	simm.s32 @!p2 $0x0  }
0x1d: {  	s5 =	simm.s32 @p1 $0x1;
	p0 =	seq.s32 s7, s2  }
0x1e: {  	s7 =	smul.u32 @!p0 $0xF7A, s2;
	p2 =	seq.s32 @!p0 s5, $0x0  }
0x1f: {  	s9 =	smul.u32 $0xF7A, s1;
	s8 =	simm.s32 @!p0 $0x1BF5;
	p2 =	por !p2, p0  }
0x20: {  	[sflag:s8] =	ssyncset.s32 @!p0 $0xFFFFF086;
	s6 =	sadd.s32 @!p0 s3, s7;
	s7 =	simm.s32 @!p0 $0x108  }
0x21: {  	s3 =	sadd.s32 s3, s9;
	s6 =	sadd.s32 @!p0 $0x88, s6;
	s7 =	simm.s32 @p2 $0x1082  }
0x22: {  	[simem:s7], [sflag:s8] =	dma.local @!p0 [hbm:s6], $0xF7A  }
0x23: {  	s9 =	sor.u32 $0xD0000000, s2;
	s6 =	simm.s32 $0x108;
	_ =	swait.ge @!p0 [sflag:s8], $0x0  }
0x24: {  	s3 =	sadd.s32 $0x88, s3;
	s6 =	simm.s32 @!p1 $0x1082;
	[sflag:s4] =	ssyncset.s32 $0xFFFFF086  }
0x25: {  	[simem:s6], [sflag:s4] =	dma.local [hbm:s3], $0xF7A  }
0x26: {  	[smem:$0x3F8F] =	sst s1;
	(tag) =	ssettag s2;
	_ =	strace s9  }
0x27: {  	s1 =	sld [smem:$0x3F9F]  }
0x28: {  	s2 =	sld [smem:$0x3FA0]  }
0x29: {  	s4 =	sld [smem:$0x3FA2]  }
0x2a: {  	p0 =	seq.s32 s5, $0x0;
	s5 =	sld [smem:$0x3FA3]  }
0x2b: {  	s6 =	sld [smem:$0x3FA4]  }
0x2c: {  	s7 =	sld [smem:$0x3FA5]  }
0x2d: {  	s3 =	simm.s32 $0x108;
	s8 =	sld [smem:$0x3FA6]  }
0x2e: {  	s3 =	simm.s32 @!p0 $0x1082;
	s9 =	sld [smem:$0x3FA7]  }
0x2f: {  	lr =	sadd.s32 s0, s3;
	s0 =	sld [smem:$0x3F9E]  }
0x30: {  	s3 =	sld [smem:$0x3FA1]  }
0x31: {  	[smem:$0x3FAA] =	sst s10  }
0x32: {  	s10 =	sld [smem:$0x3FA8];
	_ =	sdelay $0x3  }
0x33: {  	p0 =	seq.s32 s10, $0x1;
	s10 =	sld [smem:$0x3FAA];
	_ =	sdelay $0x3  }
0x34: {  	[smem:$0x3FAA] =	sst s10  }
0x35: {  	s10 =	sld [smem:$0x3FA9];
	_ =	sdelay $0x3  }
0x36: {  	p1 =	seq.s32 s10, $0x1;
	s10 =	sld [smem:$0x3FAA];
	_ =	sdelay $0x3  }
0x37: {  	[smem:$0x3FAA] =	sst s10  }
0x38: {  	s10 =	sld [smem:$0x3FAB]  }
0x39: {  	_ = 	snop;
	(pc) =	sbr.ind lr, $3  }
0x3a: {  	_ = 	snop  }
0x3b: {  	_ = 	snop  }
0x3c: {  	p2 =	seq.s32 s10, $0x1;
	s10 =	sld [smem:$0x3FAA]  }
0x3d: {  	_ =	shalt  }
0x3e: {  	_ =	shalt  }
0x3f: {  	_ =	shalt  }
0x40: {  	_ =	shalt  }
0x41: {  	_ =	shalt  }
0x42: {  	_ =	shalt  }
0x43: {  	_ =	shalt  }
0x44: {  	_ =	shalt  }
0x45: {  	_ =	shalt  }
0x46: {  	_ =	shalt  }
0x47: {  	_ =	shalt  }
0x48: {  	_ =	shalt  }
0x49: {  	_ =	shalt  }
0x4a: {  	_ =	shalt  }
0x4b: {  	_ =	shalt  }
0x4c: {  	_ =	shalt  }
0x4d: {  	_ =	shalt  }
0x4e: {  	_ =	shalt  }
0x4f: {  	_ =	shalt  }
0x50: {  	_ =	shalt  }
0x51: {  	_ =	shalt  }
0x52: {  	_ =	shalt  }
0x53: {  	_ =	shalt  }
0x54: {  	_ =	shalt  }
0x55: {  	_ =	shalt  }
0x56: {  	_ =	shalt  }
0x57: {  	_ =	shalt  }
0x58: {  	_ =	shalt  }
0x59: {  	_ =	shalt  }
0x5a: {  	_ =	shalt  }
0x5b: {  	_ =	shalt  }
0x5c: {  	_ =	shalt  }
0x5d: {  	_ =	shalt  }
0x5e: {  	_ =	shalt  }
0x5f: {  	_ =	shalt  }
0x60: {  	_ =	shalt  }
0x61: {  	_ =	shalt  }
0x62: {  	_ =	shalt  }
0x63: {  	_ =	shalt  }
0x64: {  	_ =	shalt  }
0x65: {  	_ =	shalt  }
0x66: {  	_ =	shalt  }
0x67: {  	_ =	shalt  }
0x68: {  	_ =	shalt  }
0x69: {  	_ =	shalt  }
0x6a: {  	_ =	shalt  }
0x6b: {  	_ =	shalt  }
0x6c: {  	_ =	shalt  }
0x6d: {  	_ =	shalt  }
0x6e: {  	_ =	shalt  }
0x6f: {  	_ =	shalt  }
0x70: {  	_ =	shalt  }
0x71: {  	_ =	shalt  }
0x72: {  	_ =	shalt  }
0x73: {  	_ =	shalt  }
0x74: {  	_ =	shalt  }
0x75: {  	_ =	shalt  }
0x76: {  	_ =	shalt  }
0x77: {  	_ =	shalt  }
0x78: {  	_ =	shalt  }
0x79: {  	_ =	shalt  }
0x7a: {  	_ =	shalt  }
0x7b: {  	_ =	shalt  }
0x7c: {  	_ =	shalt  }
0x7d: {  	_ =	shalt  }
0x7e: {  	_ =	shalt  }
0x7f: {  	_ =	shalt  }
0x80: {  	_ =	shalt  }
0x81: {  	_ =	shalt  }
0x82: {  	_ =	shalt  }
0x83: {  	_ =	shalt  }
0x84: {  	_ =	shalt  }
0x85: {  	_ =	shalt  }
0x86: {  	_ =	shalt  }
0x87: {  	_ =	shalt  }
.Lfunc_end0:
.L_simem_size_0:
called_computation.3_lowered:
.L_overlay_start_0:
0x88: {  	s2 =	sld [smem:$0x3FD9]  }
0x89: {  	s3 =	sld [smem:$0x3FFE];
	_ =	sdelay $0x1  }
0x8a: {  	s1 =	srdreg.scid  }
0x8b: {  	s0 =	sand.u32 $0x1, s1  }
0x8c: {  	s17 =	sshll.u32 s0, $0xA;
	s2 =	sadd.s32 s3, s2  }
0x8d: {  	s2 =	sadd.s32 s2, s17  }
0x8e: {  	[smem:$0x3FB6] =	sst s2  }
0x8f: {  	_ = 	snop  }
0x90: {  	s2 =	sld [smem:$0x3FD0];
	(tm) =	ssettm $0x1  }
0x91: {  	s18 =	sld [smem:$0x3FFB];
	_ =	sdelay $0x3  }
0x92: {  	_ =	strace s18  }
0x93: {  	s3 =	sld [smem:$0x3FFC];
	_ =	sdelay $0x3  }
0x94: {  	_ =	strace s3  }
0x95: {  	s3 =	sld [smem:$0x3FFD];
	_ =	sdelay $0x3  }
0x96: {  	_ =	strace s3  }
0x97: {  	_ =	strace $0x8FFFFFFF  }
0x98: {  	s19 =	sld [smem:$0x3FDB];
	_ =	sdelay $0x1  }
0x99: {  	s4 =	simm.s32 $_scs_section_size  }
0x9a: {  	s5 =	simm.s32 $_size__tile_overlayer_lowered;
	s6 =	simm.s32 $_tile_overlayer_lowered  }
0x9b: {  	s22 =	simm.s32 $0x1BFF;
	s21 =	sshll.u32 s6, $0x1;
	s3 =	sadd.s32 s4, s19  }
0x9c: {  	s7 =	simm.s32 $0x0;
	s20 =	sshll.u32 s5, $0x1;
	s5 =	sadd.s32 s21, s3  }
0x9d: {  	[timem:s7], [sflag:s22] =	dma.local [hbm:s5], s20  }
0x9e: {  	_ =	swait.ge [sflag:s22], s20  }
0x9f: {  	s4 =	ssub.s32 $0x0, s20;
	[sflag:s22] =	ssyncset.done $0x0  }
0xa0: {  	[sflag:s22] =	ssyncadd.s32 s4;
	_ =	sdelay $0x1  }
0xa1: {  	s23 =	simm.s32 $0x1B8B  }
0xa2: {  	_ =	swait.ge [sflag:s23], $0x1  }
0xa3: {  	[sflag:s23] =	ssyncset.done $0x0  }
0xa4: {  	s25 =	simm.s32 $0x1B8E;
	s24 =	sld [smem:$0x3FFE];
	[sflag:s23] =	ssyncadd.s32 $0xFFFFFFFF  }
0xa5: {  	s26 =	simm.s32 $execute0_lowered;
	[smem:$0x3FD2] =	sst s25  }
0xa6: {  	s5 =	sshll.u32 s26, $0x1;
	_ =	strace $0x8000004F;
	[dreg:$0x1] =	wrdreg $0xFFFFFFFF  }
0xa7: {  	s28 =	simm.s32 $_size_execute0_lowered;
	s3 =	sadd.s32 s3, s5;
	[dreg:$0x0] =	wrdreg $0x0  }
0xa8: {  	s5 =	sshll.u32 s28, $0x1;
	[dreg:$0x2] =	wrdreg s3  }
0xa9: {  	[dreg:$0x3] =	wrdreg s5  }
0xaa: {  	[dreg:$0x4] =	wrdreg $0xC0  }
0xab: {  	_ =	task [dreg:s7], $0x5FFFF  }
0xac: {  	[dreg:$0x1] =	wrdreg $0xFFFFFFFF  }
0xad: {  	[dreg:$0x0] =	wrdreg $0x60  }
0xae: {  	[dreg:$0x2] =	wrdreg s24  }
0xaf: {  	[dreg:$0x3] =	wrdreg s2  }
0xb0: {  	[dreg:$0x4] =	wrdreg $0x90000  }
0xb1: {  	[dreg:$0x5] =	wrdreg $0xE0000  }
0xb2: {  	[dreg:$0x6] =	wrdreg $0x9  }
0xb3: {  	_ =	task.clear_ibuf [dreg:s7], $0x7FFFF;
	_ =	strace $0x9000004F  }
0xb4: {  	s29 =	simm.s32 $0x9;
	_ =	strace $0x80000051  }
0xb5: {  	_ =	swait.ge [sflag:s29], $0x1  }
0xb6: {  	[sflag:s29] =	ssyncadd.s32 $0xFFFFFFFF  }
0xb7: {  	_ =	strace $0x90000051  }
0xb8: {  	_ =	sfence  }
0xb9: {  	s30 =	sld [smem:$0x0];
	_ =	sdelay $0x2  }
0xba: {  	s31 =	sshll.u32 s1, $0xD;
	s1 =	sshrl.u32 s1, $0x2  }
0xbb: {  	s3 =	sand.u32 $0x4000, s31;
	s1 =	sadd.s32 s1, s30  }
0xbc: {  	s0 =	sor.u32 s3, s0;
	s1 =	sshll.u32 s1, $0x11  }
0xbd: {  	s0 =	sor.u32 s1, s0  }
0xbe: {  	s0 =	sadd.s32 $0x8F2B, s0  }
0xbf: {  	[sflag:s0] =	ssyncadd.remote.s32 $0x1  }
0xc0: {  	_ =	sfence.sel $0xFFFF  }
0xc1: {  	[dreg:$0x0] =	wrdreg $0xFFFFFFFF;
	(pc) =	sbr.abs _section_cstart, $3  }
0xc2: {  	[dreg:$0x1] =	wrdreg $0xFFFFFFFF  }
0xc3: {  	_ =	task.clear_ibuf [dreg:s7], $0x2FFFF;
	_ =	strace $0x9FFFFFFF  }
0xc4: {  	(tm) =	ssettm $0x7FFFFFFF  }
0xc5: {  	_ =	shalt  }
tec
execute0_lowered:
.L_overlay_start_1:
0x0: {  	(tag) =	ssettag $0x1  }
0x1: {  	s0 =	rddreg [dreg:$0x0]  }
0x2: {  	s1 =	srdreg.scid;
	s3 =	rddreg [dreg:$0x2]  }
0x3: {  	s10 =	stileid.u32;
	s4 =	rddreg [dreg:$0x3];
	s5 =	simm.s32 $0x0  }
0x4: {  	s13 =	simm.s32 $0x9;
	s15 =	simm.s32 $0x2800;
	s16 =	simm.s32 $0x80  }
0x5: {  	s17 =	simm.s32 $0x5000;
	s18 =	simm.s32 $0x6000;
	s20 =	simm.s32 $0x7000  }
0x6: {  	s22 =	simm.s32 $0x8000;
	s23 =	simm.s32 $0x1;
	s24 =	simm.s32 $0x5  }
0x7: {  	s26 =	simm.s32 $0x2;
	s29 =	simm.s32 $0x6;
	s31 =	simm.s32 $0x3  }
0x8: {  	s19 =	simm.s32 $0x4;
	s25 =	simm.s32 $0x8;
	s21 =	simm.s32 $0x4F80  }
0x9: {  	s28 =	simm.s32 $0x0;
	s1 =	sand.u32 $0x1, s1;
	s2 =	sshll.u32 s10, $0x1  }
0xa: {  	s8 =	smul.u32 $0x5000, s10;
	[smem:$0x7FF] =	sst s5;
	s30 =	sshll.u32 s10, $0x6  }
0xb: {  	s2 =	sor.u32 s1, s2;
	s6 =	smul.u32 $0x50000, s1;
	_ =	strace $0x80000050  }
0xc: {  	s1 =	ssub.s32 $0x2, s1;
	s2 =	smul.u32 $0x500, s2;
	s7 =	sshrl.u32 s8, $0x3  }
0xd: {  	s9 =	sshrl.u32 s1, $0x1;
	s12 =	sadd.s32 s8, s3;
	s14 =	sadd.s32 s8, s4  }
0xe: {  	s6 =	sadd.s32 s8, s6;
	s7 =	sadd.s32 s7, s0;
	s1 =	ssub.s32 s1, s9  }
0xf: {  	s12 =	sshrl.u32 s12, $0x3;
	s14 =	sshrl.u32 s14, $0x3;
	s6 =	sshrl.u32 s6, $0x3  }
0x10: {  	s2 =	sadd.s32 s2, s0;
	s11 =	smax.u32 s1, $0x1;
	s0 =	sadd.s32 s6, s0  }
0x11: {  	s6 =	sadd.s32 $0xF200, s7;
	s7 =	sor.u32 $0x1C09, s30;
	s8 =	sadd.s32 $0x23400, s2  }
0x12: {  	s9 =	sadd.s32 $0x5200, s2;
	s10 =	sadd.s32 $0x2D400, s0;
	s0 =	simm.s32 $0x7  }
.LBB2_1:
0x13: {  	[spmem:s12], [sflag:s7] =	dma.local [hbm:s6], $0xA00  }
0x14: {  	_ =	swait.ge [sflag:s13], $0xA00  }
0x15: {  	[sflag:s13] =	ssyncset.done $0x0  }
0x16: {  	[sflag:s13] =	ssyncadd.s32 $0xFFFFF600  }
0x17: {  	s1 =	rddreg [dreg:$0x1]  }
0x18: {  	[spmem:s14], [sflag:s7] =	dma.local [hbm:s1], $0xA00  }
0x19: {  	_ =	swait.ge [sflag:s13], $0xA00  }
0x1a: {  	[sflag:s13] =	ssyncset.done $0x0  }
0x1b: {  	[sflag:s13] =	ssyncadd.s32 $0xFFFFF600  }
0x1c: {  	[tilespmem:s5], [sflag:$0x9] =	stream.linear.gather [hbm4b:s8+s5], $0x2800, $0x38;
	[tilespmem:$0x13000] =	vst v63  }
0x1d: {  	_ =	swait.ge [sflag:s13], $0x2800  }
0x1e: {  	[sflag:s13] =	ssyncset.done $0x0  }
0x1f: {  	[sflag:s13] =	ssyncadd.s32 $0xFFFFD800  }
0x20: {  	[tilespmem:s15], [sflag:$0x9] =	stream.linear.gather [hbm4b:s9+s5], $0x2800, $0x38;
	[tilespmem:$0x13000] =	vst v63  }
0x21: {  	_ =	swait.ge [sflag:s13], $0x2800  }
0x22: {  	[sflag:s13] =	ssyncset.done $0x0  }
0x23: {  	[sflag:s13] =	ssyncadd.s32 $0xFFFFD800  }
0x24: {  	[bflag:$0x0] =	sbarrier.arrive $0xFFFF  }
0x25: {  	[tilespmem:s17], [sflag:$0x1] =	stream.indirect.gather [spmem:s3], $0x20, s5, s16, $0xb8;
	[tilespmem:$0x13000] =	vst v63  }
0x26: {  	_ = 	snop  }
0x27: {  	[tilespmem:s18], [sflag:$0x2] =	stream.indirect.gather [spmem:s3], $0x20, s16, s16, $0xb8;
	[tilespmem:$0x13000] =	vst v63  }
0x28: {  	s2 =	simm.s32 $0x100  }
0x29: {  	[tilespmem:s20], [sflag:$0x3] =	stream.indirect.gather [spmem:s3], $0x20, s2, s16, $0xb8;
	[tilespmem:$0x13000] =	vst v63  }
0x2a: {  	s2 =	simm.s32 $0x180  }
0x2b: {  	[tilespmem:s22], [sflag:$0x4] =	stream.indirect.gather [spmem:s3], $0x20, s2, s16, $0xb8;
	[tilespmem:$0x13000] =	vst v63  }
0x2c: {  	_ =	swait.ge [sflag:s23], $0x1000  }
0x2d: {  	[sflag:s23] =	ssyncset.done $0x0  }
0x2e: {  	[sflag:s23] =	ssyncadd.s32 $0xFFFFF000  }
0x2f: {  	[spmem:s4] =	stream.indirect.scatter.add.f32 [tilespmem:s17], [sflag:$0x5], $0x20, s15, s16, $0xb8;
	[tilespmem:$0x13000] =	vst v63  }
0x30: {  	_ =	swait.ge [sflag:s24], $0x1000  }
0x31: {  	[sflag:s24] =	ssyncset.done $0x0  }
0x32: {  	s2 =	simm.s32 $0x200;
	[sflag:s24] =	ssyncadd.s32 $0xFFFFF000  }
0x33: {  	[tilespmem:s17], [sflag:$0x1] =	stream.indirect.gather [spmem:s3], $0x20, s2, s16, $0xb8;
	[tilespmem:$0x13000] =	vst v63  }
0x34: {  	_ =	swait.ge [sflag:s26], $0x1000  }
0x35: {  	[sflag:s26] =	ssyncset.done $0x0  }
0x36: {  	s2 =	simm.s32 $0x2880;
	[sflag:s26] =	ssyncadd.s32 $0xFFFFF000  }
0x37: {  	[spmem:s4] =	stream.indirect.scatter.add.f32 [tilespmem:s18], [sflag:$0x6], $0x20, s2, s16, $0xb8;
	[tilespmem:$0x13000] =	vst v63  }
0x38: {  	_ =	swait.ge [sflag:s29], $0x1000  }
0x39: {  	[sflag:s29] =	ssyncset.done $0x0  }
0x3a: {  	s2 =	simm.s32 $0x280;
	[sflag:s29] =	ssyncadd.s32 $0xFFFFF000  }
0x3b: {  	[tilespmem:s18], [sflag:$0x2] =	stream.indirect.gather [spmem:s3], $0x20, s2, s16, $0xb8;
	[tilespmem:$0x13000] =	vst v63  }
0x3c: {  	_ =	swait.ge [sflag:s31], $0x1000  }
0x3d: {  	[sflag:s31] =	ssyncset.done $0x0  }
0x3e: {  	s2 =	simm.s32 $0x2900;
	[sflag:s31] =	ssyncadd.s32 $0xFFFFF000  }
0x3f: {  	[spmem:s4] =	stream.indirect.scatter.add.f32 [tilespmem:s20], [sflag:$0x7], $0x20, s2, s16, $0xb8;
	[tilespmem:$0x13000] =	vst v63  }
0x40: {  	_ =	swait.ge [sflag:s0], $0x1000  }
0x41: {  	[sflag:s0] =	ssyncset.done $0x0  }
0x42: {  	s2 =	simm.s32 $0x300;
	[sflag:s0] =	ssyncadd.s32 $0xFFFFF000  }
0x43: {  	[tilespmem:s20], [sflag:$0x3] =	stream.indirect.gather [spmem:s3], $0x20, s2, s16, $0xb8;
	[tilespmem:$0x13000] =	vst v63  }
0x44: {  	_ =	swait.ge [sflag:s19], $0x1000  }
0x45: {  	[sflag:s19] =	ssyncset.done $0x0  }
0x46: {  	s2 =	simm.s32 $0x2980;
	[sflag:s19] =	ssyncadd.s32 $0xFFFFF000  }
0x47: {  	[spmem:s4] =	stream.indirect.scatter.add.f32 [tilespmem:s22], [sflag:$0x8], $0x20, s2, s16, $0xb8;
	[tilespmem:$0x13000] =	vst v63  }
0x48: {  	_ =	swait.ge [sflag:s25], $0x1000  }
0x49: {  	[sflag:s25] =	ssyncset.done $0x0  }
0x4a: {  	s2 =	simm.s32 $0x380;
	[sflag:s25] =	ssyncadd.s32 $0xFFFFF000  }
0x4b: {  	[tilespmem:s22], [sflag:$0x4] =	stream.indirect.gather [spmem:s3], $0x20, s2, s16, $0xb8;
	[tilespmem:$0x13000] =	vst v63  }
0x4c: {  	_ =	swait.ge [sflag:s23], $0x1000  }
0x4d: {  	[sflag:s23] =	ssyncset.done $0x0  }
0x4e: {  	s1 =	simm.s32 $0x2A00;
	[sflag:s23] =	ssyncadd.s32 $0xFFFFF000  }
0x4f: {  	[spmem:s4] =	stream.indirect.scatter.add.f32 [tilespmem:s17], [sflag:$0x5], $0x20, s1, s16, $0xb8;
	[tilespmem:$0x13000] =	vst v63  }
0x50: {  	_ =	swait.ge [sflag:s24], $0x1000  }
0x51: {  	[sflag:s24] =	ssyncset.done $0x0  }
0x52: {  	s1 =	simm.s32 $0x400;
	[sflag:s24] =	ssyncadd.s32 $0xFFFFF000  }
0x53: {  	[tilespmem:s17], [sflag:$0x1] =	stream.indirect.gather [spmem:s3], $0x20, s1, s16, $0xb8;
	[tilespmem:$0x13000] =	vst v63  }
0x54: {  	_ =	swait.ge [sflag:s26], $0x1000  }
0x55: {  	[sflag:s26] =	ssyncset.done $0x0  }
0x56: {  	s1 =	simm.s32 $0x2A80;
	[sflag:s26] =	ssyncadd.s32 $0xFFFFF000  }
0x57: {  	[spmem:s4] =	stream.indirect.scatter.add.f32 [tilespmem:s18], [sflag:$0x6], $0x20, s1, s16, $0xb8;
	[tilespmem:$0x13000] =	vst v63  }
0x58: {  	_ =	swait.ge [sflag:s29], $0x1000  }
0x59: {  	[sflag:s29] =	ssyncset.done $0x0  }
0x5a: {  	s1 =	simm.s32 $0x480;
	[sflag:s29] =	ssyncadd.s32 $0xFFFFF000  }
0x5b: {  	[tilespmem:s18], [sflag:$0x2] =	stream.indirect.gather [spmem:s3], $0x20, s1, s16, $0xb8;
	[tilespmem:$0x13000] =	vst v63  }
0x5c: {  	_ =	swait.ge [sflag:s31], $0x1000  }
0x5d: {  	[sflag:s31] =	ssyncset.done $0x0  }
0x5e: {  	s1 =	simm.s32 $0x2B00;
	[sflag:s31] =	ssyncadd.s32 $0xFFFFF000  }
0x5f: {  	[spmem:s4] =	stream.indirect.scatter.add.f32 [tilespmem:s20], [sflag:$0x7], $0x20, s1, s16, $0xb8;
	[tilespmem:$0x13000] =	vst v63  }
0x60: {  	_ =	swait.ge [sflag:s0], $0x1000  }
0x61: {  	[sflag:s0] =	ssyncset.done $0x0  }
0x62: {  	s1 =	simm.s32 $0x500;
	[sflag:s0] =	ssyncadd.s32 $0xFFFFF000  }
0x63: {  	[tilespmem:s20], [sflag:$0x3] =	stream.indirect.gather [spmem:s3], $0x20, s1, s16, $0xb8;
	[tilespmem:$0x13000] =	vst v63  }
0x64: {  	_ =	swait.ge [sflag:s19], $0x1000  }
0x65: {  	[sflag:s19] =	ssyncset.done $0x0  }
0x66: {  	s30 =	simm.s32 $0x800;
	s2 =	simm.s32 $0x2B80;
	[sflag:s19] =	ssyncadd.s32 $0xFFFFF000  }
.LBB2_2:
0x67: {  	[spmem:s4] =	stream.indirect.scatter.add.f32 [tilespmem:s22], [sflag:$0x8], $0x20, s2, s16, $0xb8;
	[tilespmem:$0x13000] =	vst v63  }
0x68: {  	s2 =	smov.u32 s30  }
0x69: {  	p0 =	sne.s32 s30, $0x8800;
	s30 =	sadd.s32 $0x800, s30;
	_ =	swait.ge [sflag:s25], $0x1000  }
0x6a: {  	s2 =	sshra.s32 s2, $0x2;
	[sflag:s25] =	ssyncset.done $0x0  }
0x6b: {  	s1 =	sadd.s32 $0x380, s2;
	[sflag:s25] =	ssyncadd.s32 $0xFFFFF000  }
0x6c: {  	[tilespmem:s22], [sflag:$0x4] =	stream.indirect.gather [spmem:s3], $0x20, s1, s16, $0xb8;
	[tilespmem:$0x13000] =	vst v63  }
0x6d: {  	_ =	swait.ge [sflag:s23], $0x1000  }
0x6e: {  	[sflag:s23] =	ssyncset.done $0x0  }
0x6f: {  	s1 =	sadd.s32 $0x2A00, s2;
	[sflag:s23] =	ssyncadd.s32 $0xFFFFF000  }
0x70: {  	[spmem:s4] =	stream.indirect.scatter.add.f32 [tilespmem:s17], [sflag:$0x5], $0x20, s1, s16, $0xb8;
	[tilespmem:$0x13000] =	vst v63  }
0x71: {  	_ =	swait.ge [sflag:s24], $0x1000  }
0x72: {  	[sflag:s24] =	ssyncset.done $0x0  }
0x73: {  	s1 =	sadd.s32 $0x400, s2;
	[sflag:s24] =	ssyncadd.s32 $0xFFFFF000  }
0x74: {  	[tilespmem:s17], [sflag:$0x1] =	stream.indirect.gather [spmem:s3], $0x20, s1, s16, $0xb8;
	[tilespmem:$0x13000] =	vst v63  }
0x75: {  	_ =	swait.ge [sflag:s26], $0x1000  }
0x76: {  	[sflag:s26] =	ssyncset.done $0x0  }
0x77: {  	s1 =	sadd.s32 $0x2A80, s2;
	[sflag:s26] =	ssyncadd.s32 $0xFFFFF000  }
0x78: {  	[spmem:s4] =	stream.indirect.scatter.add.f32 [tilespmem:s18], [sflag:$0x6], $0x20, s1, s16, $0xb8;
	[tilespmem:$0x13000] =	vst v63  }
0x79: {  	_ =	swait.ge [sflag:s29], $0x1000  }
0x7a: {  	[sflag:s29] =	ssyncset.done $0x0  }
0x7b: {  	s1 =	sadd.s32 $0x480, s2;
	[sflag:s29] =	ssyncadd.s32 $0xFFFFF000  }
0x7c: {  	[tilespmem:s18], [sflag:$0x2] =	stream.indirect.gather [spmem:s3], $0x20, s1, s16, $0xb8;
	[tilespmem:$0x13000] =	vst v63  }
0x7d: {  	_ =	swait.ge [sflag:s31], $0x1000  }
0x7e: {  	[sflag:s31] =	ssyncset.done $0x0  }
0x7f: {  	s1 =	sadd.s32 $0x2B00, s2;
	[sflag:s31] =	ssyncadd.s32 $0xFFFFF000  }
0x80: {  	[spmem:s4] =	stream.indirect.scatter.add.f32 [tilespmem:s20], [sflag:$0x7], $0x20, s1, s16, $0xb8;
	[tilespmem:$0x13000] =	vst v63  }
0x81: {  	_ =	swait.ge [sflag:s0], $0x1000  }
0x82: {  	[sflag:s0] =	ssyncset.done $0x0  }
.Ltmp0:
0x83: {  	s1 =	sadd.s32 $0x500, s2;
	[sflag:s0] =	ssyncadd.s32 $0xFFFFF000;
	(pc) =	sbr.rel @p0 .LBB2_2-.Ltmp0, $4  }
0x84: {  	[tilespmem:s20], [sflag:$0x3] =	stream.indirect.gather [spmem:s3], $0x20, s1, s16, $0xb8;
	[tilespmem:$0x13000] =	vst v63  }
0x85: {  	_ =	swait.ge [sflag:s19], $0x1000  }
0x86: {  	[sflag:s19] =	ssyncset.done $0x0  }
0x87: {  	s2 =	sadd.s32 $0x2B80, s2;
	[sflag:s19] =	ssyncadd.s32 $0xFFFFF000  }
0x88: {  	[spmem:s4] =	stream.indirect.scatter.add.f32 [tilespmem:s22], [sflag:$0x8], $0x20, s2, s16, $0xb8;
	[tilespmem:$0x13000] =	vst v63  }
0x89: {  	_ =	swait.ge [sflag:s25], $0x1000  }
0x8a: {  	[sflag:s25] =	ssyncset.done $0x0  }
0x8b: {  	s1 =	simm.s32 $0x2780;
	[sflag:s25] =	ssyncadd.s32 $0xFFFFF000  }
0x8c: {  	[tilespmem:s22], [sflag:$0x4] =	stream.indirect.gather [spmem:s3], $0x20, s1, s16, $0xb8;
	[tilespmem:$0x13000] =	vst v63  }
0x8d: {  	_ =	swait.ge [sflag:s23], $0x1000  }
0x8e: {  	[sflag:s23] =	ssyncset.done $0x0  }
0x8f: {  	s30 =	simm.s32 $0x4E00;
	[sflag:s23] =	ssyncadd.s32 $0xFFFFF000  }
0x90: {  	[spmem:s4] =	stream.indirect.scatter.add.f32 [tilespmem:s17], [sflag:$0x5], $0x20, s30, s16, $0xb8;
	[tilespmem:$0x13000] =	vst v63  }
0x91: {  	_ =	swait.ge [sflag:s26], $0x1000  }
0x92: {  	[sflag:s26] =	ssyncset.done $0x0  }
0x93: {  	s2 =	simm.s32 $0x4E80;
	[sflag:s26] =	ssyncadd.s32 $0xFFFFF000  }
0x94: {  	[spmem:s4] =	stream.indirect.scatter.add.f32 [tilespmem:s18], [sflag:$0x6], $0x20, s2, s16, $0xb8;
	[tilespmem:$0x13000] =	vst v63  }
0x95: {  	_ =	swait.ge [sflag:s31], $0x1000  }
0x96: {  	[sflag:s31] =	ssyncset.done $0x0  }
0x97: {  	s30 =	simm.s32 $0x4F00;
	[sflag:s31] =	ssyncadd.s32 $0xFFFFF000  }
0x98: {  	[spmem:s4] =	stream.indirect.scatter.add.f32 [tilespmem:s20], [sflag:$0x7], $0x20, s30, s16, $0xb8;
	[tilespmem:$0x13000] =	vst v63  }
0x99: {  	_ =	swait.ge [sflag:s19], $0x1000  }
0x9a: {  	[sflag:s19] =	ssyncset.done $0x0  }
0x9b: {  	[sflag:s19] =	ssyncadd.s32 $0xFFFFF000  }
0x9c: {  	[spmem:s4] =	stream.indirect.scatter.add.f32 [tilespmem:s22], [sflag:$0x8], $0x20, s21, s16, $0xb8;
	[tilespmem:$0x13000] =	vst v63  }
0x9d: {  	_ =	swait.ge [sflag:s24], $0x1000  }
0x9e: {  	[sflag:s24] =	ssyncset.done $0x0  }
0x9f: {  	[sflag:s24] =	ssyncadd.s32 $0xFFFFF000  }
0xa0: {  	_ =	swait.ge [sflag:s29], $0x1000  }
0xa1: {  	[sflag:s29] =	ssyncset.done $0x0  }
0xa2: {  	[sflag:s29] =	ssyncadd.s32 $0xFFFFF000  }
0xa3: {  	_ =	swait.ge [sflag:s0], $0x1000  }
0xa4: {  	[sflag:s0] =	ssyncset.done $0x0  }
0xa5: {  	[sflag:s0] =	ssyncadd.s32 $0xFFFFF000  }
0xa6: {  	_ =	swait.ge [sflag:s25], $0x1000  }
0xa7: {  	s28 =	sadd.s32 $0x1, s28;
	[sflag:s25] =	ssyncset.done $0x0  }
0xa8: {  	p0 =	sne.s32 s28, s11;
	[sflag:s25] =	ssyncadd.s32 $0xFFFFF000  }
.Ltmp1:
0xa9: {  	[bflag:$0x0] =	sbarrier.arrive $0xFFFF;
	(pc) =	sbr.rel @p0 .LBB2_1-.Ltmp1, $4  }
0xaa: {  	[hbm:s10], [sflag:s7] =	dma.local [spmem:s14], $0xA00  }
0xab: {  	_ =	swait.ge [sflag:s13], $0xA00  }
0xac: {  	[sflag:s13] =	ssyncset.done $0x0  }
0xad: {  	[sflag:s13] =	ssyncadd.s32 $0xFFFFF600  }
0xae: {  	_ =	sfence.sel $0x180000  }
0xaf: {  	[bflag:$0x0] =	sbarrier.arrive $0xFFFF  }
0xb0: {  	_ =	strace $0x90000050  }
0xb1: {  	s0 =	stileid.u32;
	[bflag:$0x2] =	sbarrier.arrive $0xFFFF  }
0xb2: {  	p0 =	sne.s32 s0, $0x0;
	s0 =	rddreg [dreg:$0x4]  }
0xb3: {  	s0 =	sadd.s32 @!p0 $0x100000, s0  }
0xb4: {  	[sflag:s0] =	ssyncadd.tile.s32 @!p0 $0x1;
	_ =	shalt  }
.Lfunc_end2:
_tile_overlayer_lowered:
.L_overlay_start_2:
0xb5: {  	(tag) =	ssettag $0x2  }
0xb6: {  	s0 =	rddreg [dreg:$0x0];
	s2 =	stileid.u32  }
0xb7: {  	s1 =	rddreg [dreg:$0x1];
	p0 =	sne.s32 s2, $0x0  }
0xb8: {  	s3 =	rddreg [dreg:$0x2];
	[bflag:$0x3] =	sbarrier.arrive $0xFFFF;
	s2 =	simm.s32 @!p0 $0x1C09  }
0xb9: {  	[timem:s3], [sflag:s2] =	dma.local @!p0 [hbm:s0], s1  }
0xba: {  	s0 =	simm.s32 @!p0 $0x9  }
0xbb: {  	_ =	swait.ge @!p0 [sflag:s0], s1  }
0xbc: {  	s1 =	ssub.s32 @!p0 $0x0, s1;
	[sflag:s0] =	ssyncset.done @!p0 $0x0  }
0xbd: {  	[sflag:s0] =	ssyncadd.s32 @!p0 s1  }
0xbe: {  	[bflag:$0x3] =	sbarrier.arrive $0xFFFF  }
0xbf: {  	_ =	shalt  }

// kernel: kernel.24.cloned.1.call-start
scs
__scs_entry_jumppad:
0x0: {  	(pc) =	sbr.rel $0x88, $3  }
0x1: {  	(tag) =	ssettag $0x0;
	lr =	simm.s32 $0x1  }
0x2: {  	[smem:$0x3F8F] =	sst lr;
	_ =	strace $0xD0000000  }
0x3: {  	_ = 	snop  }
0x4: {  	_ = 	snop  }
0x5: {  	_ = 	snop  }
0x6: {  	_ = 	snop  }
0x7: {  	_ = 	snop  }
__scs_overlays_trampoline_lowered:
0x8: {  	[smem:$0x3F9E] =	sst s0  }
0x9: {  	[smem:$0x3F9F] =	sst s1  }
0xa: {  	[smem:$0x3FA0] =	sst s2  }
0xb: {  	[smem:$0x3FA1] =	sst s3  }
0xc: {  	[smem:$0x3FA2] =	sst s4  }
0xd: {  	[smem:$0x3FA3] =	sst s5  }
0xe: {  	[smem:$0x3FA4] =	sst s6  }
0xf: {  	[smem:$0x3FA5] =	sst s7  }
0x10: {  	[smem:$0x3FA6] =	sst s8  }
0x11: {  	[smem:$0x3FA7] =	sst s9;
	s0 =	simm.s32 @!p0 $0x0  }
0x12: {  	s1 =	sld [smem:$0x3F8D];
	s0 =	simm.s32 @p0 $0x1  }
0x13: {  	[smem:$0x3FA8] =	sst s0;
	s0 =	simm.s32 @!p1 $0x0  }
0x14: {  	s2 =	sld [smem:$0x3F8C];
	s0 =	simm.s32 @p1 $0x1  }
0x15: {  	[smem:$0x3FA9] =	sst s0;
	s0 =	simm.s32 @!p2 $0x0  }
0x16: {  	s3 =	sld [smem:$0x3FDB];
	s0 =	simm.s32 @p2 $0x1  }
0x17: {  	s4 =	simm.s32 $0x1BF5;
	[smem:$0x3FAB] =	sst s0  }
0x18: {  	s0 =	sld [smem:$0x3F8E];
	_ =	swait.ge [sflag:s4], $0x0  }
0x19: {  	s7 =	sld [smem:$0x3F8F]  }
0x1a: {  	s8 =	sadd.s32 $0xFFFFE003, lr  }
0x1b: {  	s9 =	sadd.s32 $0xFFFFFEF7, lr;
	s5 =	simm.s32 $0xFFFFFFFF;
	p2 =	slt.u32 s8, $0xFFFFF086  }
0x1c: {  	p1 =	slt.u32 s9, $0xF7A;
	s5 =	simm.s32 @!p2 $0x0  }
0x1d: {  	s5 =	simm.s32 @p1 $0x1;
	p0 =	seq.s32 s7, s2  }
0x1e: {  	s7 =	smul.u32 @!p0 $0xF7A, s2;
	p2 =	seq.s32 @!p0 s5, $0x0  }
0x1f: {  	s9 =	smul.u32 $0xF7A, s1;
	s8 =	simm.s32 @!p0 $0x1BF5;
	p2 =	por !p2, p0  }
0x20: {  	[sflag:s8] =	ssyncset.s32 @!p0 $0xFFFFF086;
	s6 =	sadd.s32 @!p0 s3, s7;
	s7 =	simm.s32 @!p0 $0x108  }
0x21: {  	s3 =	sadd.s32 s3, s9;
	s6 =	sadd.s32 @!p0 $0x88, s6;
	s7 =	simm.s32 @p2 $0x1082  }
0x22: {  	[simem:s7], [sflag:s8] =	dma.local @!p0 [hbm:s6], $0xF7A  }
0x23: {  	s9 =	sor.u32 $0xD0000000, s2;
	s6 =	simm.s32 $0x108;
	_ =	swait.ge @!p0 [sflag:s8], $0x0  }
0x24: {  	s3 =	sadd.s32 $0x88, s3;
	s6 =	simm.s32 @!p1 $0x1082;
	[sflag:s4] =	ssyncset.s32 $0xFFFFF086  }
0x25: {  	[simem:s6], [sflag:s4] =	dma.local [hbm:s3], $0xF7A  }
0x26: {  	[smem:$0x3F8F] =	sst s1;
	(tag) =	ssettag s2;
	_ =	strace s9  }
0x27: {  	s1 =	sld [smem:$0x3F9F]  }
0x28: {  	s2 =	sld [smem:$0x3FA0]  }
0x29: {  	s4 =	sld [smem:$0x3FA2]  }
0x2a: {  	p0 =	seq.s32 s5, $0x0;
	s5 =	sld [smem:$0x3FA3]  }
0x2b: {  	s6 =	sld [smem:$0x3FA4]  }
0x2c: {  	s7 =	sld [smem:$0x3FA5]  }
0x2d: {  	s3 =	simm.s32 $0x108;
	s8 =	sld [smem:$0x3FA6]  }
0x2e: {  	s3 =	simm.s32 @!p0 $0x1082;
	s9 =	sld [smem:$0x3FA7]  }
0x2f: {  	lr =	sadd.s32 s0, s3;
	s0 =	sld [smem:$0x3F9E]  }
0x30: {  	s3 =	sld [smem:$0x3FA1]  }
0x31: {  	[smem:$0x3FAA] =	sst s10  }
0x32: {  	s10 =	sld [smem:$0x3FA8];
	_ =	sdelay $0x3  }
0x33: {  	p0 =	seq.s32 s10, $0x1;
	s10 =	sld [smem:$0x3FAA];
	_ =	sdelay $0x3  }
0x34: {  	[smem:$0x3FAA] =	sst s10  }
0x35: {  	s10 =	sld [smem:$0x3FA9];
	_ =	sdelay $0x3  }
0x36: {  	p1 =	seq.s32 s10, $0x1;
	s10 =	sld [smem:$0x3FAA];
	_ =	sdelay $0x3  }
0x37: {  	[smem:$0x3FAA] =	sst s10  }
0x38: {  	s10 =	sld [smem:$0x3FAB]  }
0x39: {  	_ = 	snop;
	(pc) =	sbr.ind lr, $3  }
0x3a: {  	_ = 	snop  }
0x3b: {  	_ = 	snop  }
0x3c: {  	p2 =	seq.s32 s10, $0x1;
	s10 =	sld [smem:$0x3FAA]  }
0x3d: {  	_ =	shalt  }
0x3e: {  	_ =	shalt  }
0x3f: {  	_ =	shalt  }
0x40: {  	_ =	shalt  }
0x41: {  	_ =	shalt  }
0x42: {  	_ =	shalt  }
0x43: {  	_ =	shalt  }
0x44: {  	_ =	shalt  }
0x45: {  	_ =	shalt  }
0x46: {  	_ =	shalt  }
0x47: {  	_ =	shalt  }
0x48: {  	_ =	shalt  }
0x49: {  	_ =	shalt  }
0x4a: {  	_ =	shalt  }
0x4b: {  	_ =	shalt  }
0x4c: {  	_ =	shalt  }
0x4d: {  	_ =	shalt  }
0x4e: {  	_ =	shalt  }
0x4f: {  	_ =	shalt  }
0x50: {  	_ =	shalt  }
0x51: {  	_ =	shalt  }
0x52: {  	_ =	shalt  }
0x53: {  	_ =	shalt  }
0x54: {  	_ =	shalt  }
0x55: {  	_ =	shalt  }
0x56: {  	_ =	shalt  }
0x57: {  	_ =	shalt  }
0x58: {  	_ =	shalt  }
0x59: {  	_ =	shalt  }
0x5a: {  	_ =	shalt  }
0x5b: {  	_ =	shalt  }
0x5c: {  	_ =	shalt  }
0x5d: {  	_ =	shalt  }
0x5e: {  	_ =	shalt  }
0x5f: {  	_ =	shalt  }
0x60: {  	_ =	shalt  }
0x61: {  	_ =	shalt  }
0x62: {  	_ =	shalt  }
0x63: {  	_ =	shalt  }
0x64: {  	_ =	shalt  }
0x65: {  	_ =	shalt  }
0x66: {  	_ =	shalt  }
0x67: {  	_ =	shalt  }
0x68: {  	_ =	shalt  }
0x69: {  	_ =	shalt  }
0x6a: {  	_ =	shalt  }
0x6b: {  	_ =	shalt  }
0x6c: {  	_ =	shalt  }
0x6d: {  	_ =	shalt  }
0x6e: {  	_ =	shalt  }
0x6f: {  	_ =	shalt  }
0x70: {  	_ =	shalt  }
0x71: {  	_ =	shalt  }
0x72: {  	_ =	shalt  }
0x73: {  	_ =	shalt  }
0x74: {  	_ =	shalt  }
0x75: {  	_ =	shalt  }
0x76: {  	_ =	shalt  }
0x77: {  	_ =	shalt  }
0x78: {  	_ =	shalt  }
0x79: {  	_ =	shalt  }
0x7a: {  	_ =	shalt  }
0x7b: {  	_ =	shalt  }
0x7c: {  	_ =	shalt  }
0x7d: {  	_ =	shalt  }
0x7e: {  	_ =	shalt  }
0x7f: {  	_ =	shalt  }
0x80: {  	_ =	shalt  }
0x81: {  	_ =	shalt  }
0x82: {  	_ =	shalt  }
0x83: {  	_ =	shalt  }
0x84: {  	_ =	shalt  }
0x85: {  	_ =	shalt  }
0x86: {  	_ =	shalt  }
0x87: {  	_ =	shalt  }
.Lfunc_end0:
.L_simem_size_0:
called_computation.4_lowered:
.L_overlay_start_0:
0x88: {  	s2 =	sld [smem:$0x3FD9]  }
0x89: {  	s3 =	sld [smem:$0x3FFE];
	_ =	sdelay $0x1  }
0x8a: {  	s1 =	srdreg.scid  }
0x8b: {  	s0 =	sand.u32 $0x1, s1  }
0x8c: {  	s17 =	sshll.u32 s0, $0xA;
	s2 =	sadd.s32 s3, s2  }
0x8d: {  	s2 =	sadd.s32 s2, s17  }
0x8e: {  	[smem:$0x3FB6] =	sst s2  }
0x8f: {  	_ = 	snop  }
0x90: {  	s2 =	sld [smem:$0x3FD0];
	(tm) =	ssettm $0x1  }
0x91: {  	s18 =	sld [smem:$0x3FFB];
	_ =	sdelay $0x3  }
0x92: {  	_ =	strace s18  }
0x93: {  	s3 =	sld [smem:$0x3FFC];
	_ =	sdelay $0x3  }
0x94: {  	_ =	strace s3  }
0x95: {  	s3 =	sld [smem:$0x3FFD];
	_ =	sdelay $0x3  }
0x96: {  	_ =	strace s3  }
0x97: {  	_ =	strace $0x8FFFFFFF  }
0x98: {  	s19 =	sld [smem:$0x3FDB];
	_ =	sdelay $0x1  }
0x99: {  	s4 =	simm.s32 $_scs_section_size  }
0x9a: {  	s5 =	simm.s32 $_size__tile_overlayer_lowered;
	s6 =	simm.s32 $_tile_overlayer_lowered  }
0x9b: {  	s22 =	simm.s32 $0x1BFF;
	s21 =	sshll.u32 s6, $0x1;
	s3 =	sadd.s32 s4, s19  }
0x9c: {  	s7 =	simm.s32 $0x0;
	s20 =	sshll.u32 s5, $0x1;
	s5 =	sadd.s32 s21, s3  }
0x9d: {  	[timem:s7], [sflag:s22] =	dma.local [hbm:s5], s20  }
0x9e: {  	_ =	swait.ge [sflag:s22], s20  }
0x9f: {  	s4 =	ssub.s32 $0x0, s20;
	[sflag:s22] =	ssyncset.done $0x0  }
0xa0: {  	[sflag:s22] =	ssyncadd.s32 s4;
	_ =	sdelay $0x1  }
0xa1: {  	s23 =	simm.s32 $0x1B8B  }
0xa2: {  	_ =	swait.ge [sflag:s23], $0x1  }
0xa3: {  	[sflag:s23] =	ssyncset.done $0x0  }
0xa4: {  	s25 =	simm.s32 $0x1B8E;
	s24 =	sld [smem:$0x3FFE];
	[sflag:s23] =	ssyncadd.s32 $0xFFFFFFFF  }
0xa5: {  	s26 =	simm.s32 $execute0_lowered;
	[smem:$0x3FD2] =	sst s25  }
0xa6: {  	s5 =	sshll.u32 s26, $0x1;
	_ =	strace $0x80000052;
	[dreg:$0x1] =	wrdreg $0xFFFFFFFF  }
0xa7: {  	s28 =	simm.s32 $_size_execute0_lowered;
	s3 =	sadd.s32 s3, s5;
	[dreg:$0x0] =	wrdreg $0x0  }
0xa8: {  	s5 =	sshll.u32 s28, $0x1;
	[dreg:$0x2] =	wrdreg s3  }
0xa9: {  	[dreg:$0x3] =	wrdreg s5  }
0xaa: {  	[dreg:$0x4] =	wrdreg $0xC0  }
0xab: {  	_ =	task [dreg:s7], $0x5FFFF  }
0xac: {  	[dreg:$0x1] =	wrdreg $0xFFFFFFFF  }
0xad: {  	[dreg:$0x0] =	wrdreg $0x60  }
0xae: {  	[dreg:$0x2] =	wrdreg s24  }
0xaf: {  	[dreg:$0x3] =	wrdreg s2  }
0xb0: {  	[dreg:$0x4] =	wrdreg $0x90000  }
0xb1: {  	[dreg:$0x5] =	wrdreg $0xE0000  }
0xb2: {  	[dreg:$0x6] =	wrdreg $0x9  }
0xb3: {  	_ =	task.clear_ibuf [dreg:s7], $0x7FFFF;
	_ =	strace $0x90000052  }
0xb4: {  	s29 =	simm.s32 $0x9;
	_ =	strace $0x80000054  }
0xb5: {  	_ =	swait.ge [sflag:s29], $0x1  }
0xb6: {  	[sflag:s29] =	ssyncadd.s32 $0xFFFFFFFF  }
0xb7: {  	_ =	strace $0x90000054  }
0xb8: {  	_ =	sfence  }
0xb9: {  	s30 =	sld [smem:$0x0];
	_ =	sdelay $0x2  }
0xba: {  	s31 =	sshll.u32 s1, $0xD;
	s1 =	sshrl.u32 s1, $0x2  }
0xbb: {  	s3 =	sand.u32 $0x4000, s31;
	s1 =	sadd.s32 s1, s30  }
0xbc: {  	s0 =	sor.u32 s3, s0;
	s1 =	sshll.u32 s1, $0x11  }
0xbd: {  	s0 =	sor.u32 s1, s0  }
0xbe: {  	s0 =	sadd.s32 $0x8F2B, s0  }
0xbf: {  	[sflag:s0] =	ssyncadd.remote.s32 $0x1  }
0xc0: {  	_ =	sfence.sel $0xFFFF  }
0xc1: {  	[dreg:$0x0] =	wrdreg $0xFFFFFFFF;
	(pc) =	sbr.abs _section_cstart, $3  }
0xc2: {  	[dreg:$0x1] =	wrdreg $0xFFFFFFFF  }
0xc3: {  	_ =	task.clear_ibuf [dreg:s7], $0x2FFFF;
	_ =	strace $0x9FFFFFFF  }
0xc4: {  	(tm) =	ssettm $0x7FFFFFFF  }
0xc5: {  	_ =	shalt  }
tec
execute0_lowered:
.L_overlay_start_1:
0x0: {  	(tag) =	ssettag $0x1  }
0x1: {  	s0 =	rddreg [dreg:$0x0]  }
0x2: {  	s1 =	srdreg.scid;
	s3 =	rddreg [dreg:$0x2]  }
0x3: {  	s10 =	stileid.u32;
	s4 =	rddreg [dreg:$0x3];
	s5 =	simm.s32 $0x0  }
0x4: {  	s13 =	simm.s32 $0x9;
	s15 =	simm.s32 $0x2800;
	s16 =	simm.s32 $0x80  }
0x5: {  	s17 =	simm.s32 $0x5000;
	s18 =	simm.s32 $0x6000;
	s20 =	simm.s32 $0x7000  }
0x6: {  	s22 =	simm.s32 $0x8000;
	s23 =	simm.s32 $0x1;
	s24 =	simm.s32 $0x5  }
0x7: {  	s26 =	simm.s32 $0x2;
	s29 =	simm.s32 $0x6;
	s31 =	simm.s32 $0x3  }
0x8: {  	s19 =	simm.s32 $0x4;
	s25 =	simm.s32 $0x8;
	s21 =	simm.s32 $0x4F80  }
0x9: {  	s28 =	simm.s32 $0x0;
	s1 =	sand.u32 $0x1, s1;
	s2 =	sshll.u32 s10, $0x1  }
0xa: {  	s8 =	smul.u32 $0x5000, s10;
	[smem:$0x7FF] =	sst s5;
	s30 =	sshll.u32 s10, $0x6  }
0xb: {  	s2 =	sor.u32 s1, s2;
	s6 =	smul.u32 $0x50000, s1;
	_ =	strace $0x80000053  }
0xc: {  	s1 =	ssub.s32 $0x2, s1;
	s2 =	smul.u32 $0x500, s2;
	s7 =	sshrl.u32 s8, $0x3  }
0xd: {  	s9 =	sshrl.u32 s1, $0x1;
	s12 =	sadd.s32 s8, s3;
	s14 =	sadd.s32 s8, s4  }
0xe: {  	s6 =	sadd.s32 s8, s6;
	s7 =	sadd.s32 s7, s0;
	s1 =	ssub.s32 s1, s9  }
0xf: {  	s12 =	sshrl.u32 s12, $0x3;
	s14 =	sshrl.u32 s14, $0x3;
	s6 =	sshrl.u32 s6, $0x3  }
0x10: {  	s2 =	sadd.s32 s2, s0;
	s11 =	smax.u32 s1, $0x1;
	s0 =	sadd.s32 s6, s0  }
0x11: {  	s6 =	sadd.s32 $0xF200, s7;
	s7 =	sor.u32 $0x1C09, s30;
	s8 =	sadd.s32 $0x23400, s2  }
0x12: {  	s9 =	sadd.s32 $0x5200, s2;
	s10 =	sadd.s32 $0x2D400, s0;
	s0 =	simm.s32 $0x7  }
.LBB2_1:
0x13: {  	[spmem:s12], [sflag:s7] =	dma.local [hbm:s6], $0xA00  }
0x14: {  	_ =	swait.ge [sflag:s13], $0xA00  }
0x15: {  	[sflag:s13] =	ssyncset.done $0x0  }
0x16: {  	[sflag:s13] =	ssyncadd.s32 $0xFFFFF600  }
0x17: {  	s1 =	rddreg [dreg:$0x1]  }
0x18: {  	[spmem:s14], [sflag:s7] =	dma.local [hbm:s1], $0xA00  }
0x19: {  	_ =	swait.ge [sflag:s13], $0xA00  }
0x1a: {  	[sflag:s13] =	ssyncset.done $0x0  }
0x1b: {  	[sflag:s13] =	ssyncadd.s32 $0xFFFFF600  }
0x1c: {  	[tilespmem:s5], [sflag:$0x9] =	stream.linear.gather [hbm4b:s8+s5], $0x2800, $0x38;
	[tilespmem:$0x13000] =	vst v63  }
0x1d: {  	_ =	swait.ge [sflag:s13], $0x2800  }
0x1e: {  	[sflag:s13] =	ssyncset.done $0x0  }
0x1f: {  	[sflag:s13] =	ssyncadd.s32 $0xFFFFD800  }
0x20: {  	[tilespmem:s15], [sflag:$0x9] =	stream.linear.gather [hbm4b:s9+s5], $0x2800, $0x38;
	[tilespmem:$0x13000] =	vst v63  }
0x21: {  	_ =	swait.ge [sflag:s13], $0x2800  }
0x22: {  	[sflag:s13] =	ssyncset.done $0x0  }
0x23: {  	[sflag:s13] =	ssyncadd.s32 $0xFFFFD800  }
0x24: {  	[bflag:$0x0] =	sbarrier.arrive $0xFFFF  }
0x25: {  	[tilespmem:s17], [sflag:$0x1] =	stream.indirect.gather [spmem:s3], $0x20, s5, s16, $0xb8;
	[tilespmem:$0x13000] =	vst v63  }
0x26: {  	_ = 	snop  }
0x27: {  	[tilespmem:s18], [sflag:$0x2] =	stream.indirect.gather [spmem:s3], $0x20, s16, s16, $0xb8;
	[tilespmem:$0x13000] =	vst v63  }
0x28: {  	s2 =	simm.s32 $0x100  }
0x29: {  	[tilespmem:s20], [sflag:$0x3] =	stream.indirect.gather [spmem:s3], $0x20, s2, s16, $0xb8;
	[tilespmem:$0x13000] =	vst v63  }
0x2a: {  	s2 =	simm.s32 $0x180  }
0x2b: {  	[tilespmem:s22], [sflag:$0x4] =	stream.indirect.gather [spmem:s3], $0x20, s2, s16, $0xb8;
	[tilespmem:$0x13000] =	vst v63  }
0x2c: {  	_ =	swait.ge [sflag:s23], $0x1000  }
0x2d: {  	[sflag:s23] =	ssyncset.done $0x0  }
0x2e: {  	[sflag:s23] =	ssyncadd.s32 $0xFFFFF000  }
0x2f: {  	[spmem:s4] =	stream.indirect.scatter.add.f32 [tilespmem:s17], [sflag:$0x5], $0x20, s15, s16, $0xb8;
	[tilespmem:$0x13000] =	vst v63  }
0x30: {  	_ =	swait.ge [sflag:s24], $0x1000  }
0x31: {  	[sflag:s24] =	ssyncset.done $0x0  }
0x32: {  	s2 =	simm.s32 $0x200;
	[sflag:s24] =	ssyncadd.s32 $0xFFFFF000  }
0x33: {  	[tilespmem:s17], [sflag:$0x1] =	stream.indirect.gather [spmem:s3], $0x20, s2, s16, $0xb8;
	[tilespmem:$0x13000] =	vst v63  }
0x34: {  	_ =	swait.ge [sflag:s26], $0x1000  }
0x35: {  	[sflag:s26] =	ssyncset.done $0x0  }
0x36: {  	s2 =	simm.s32 $0x2880;
	[sflag:s26] =	ssyncadd.s32 $0xFFFFF000  }
0x37: {  	[spmem:s4] =	stream.indirect.scatter.add.f32 [tilespmem:s18], [sflag:$0x6], $0x20, s2, s16, $0xb8;
	[tilespmem:$0x13000] =	vst v63  }
0x38: {  	_ =	swait.ge [sflag:s29], $0x1000  }
0x39: {  	[sflag:s29] =	ssyncset.done $0x0  }
0x3a: {  	s2 =	simm.s32 $0x280;
	[sflag:s29] =	ssyncadd.s32 $0xFFFFF000  }
0x3b: {  	[tilespmem:s18], [sflag:$0x2] =	stream.indirect.gather [spmem:s3], $0x20, s2, s16, $0xb8;
	[tilespmem:$0x13000] =	vst v63  }
0x3c: {  	_ =	swait.ge [sflag:s31], $0x1000  }
0x3d: {  	[sflag:s31] =	ssyncset.done $0x0  }
0x3e: {  	s2 =	simm.s32 $0x2900;
	[sflag:s31] =	ssyncadd.s32 $0xFFFFF000  }
0x3f: {  	[spmem:s4] =	stream.indirect.scatter.add.f32 [tilespmem:s20], [sflag:$0x7], $0x20, s2, s16, $0xb8;
	[tilespmem:$0x13000] =	vst v63  }
0x40: {  	_ =	swait.ge [sflag:s0], $0x1000  }
0x41: {  	[sflag:s0] =	ssyncset.done $0x0  }
0x42: {  	s2 =	simm.s32 $0x300;
	[sflag:s0] =	ssyncadd.s32 $0xFFFFF000  }
0x43: {  	[tilespmem:s20], [sflag:$0x3] =	stream.indirect.gather [spmem:s3], $0x20, s2, s16, $0xb8;
	[tilespmem:$0x13000] =	vst v63  }
0x44: {  	_ =	swait.ge [sflag:s19], $0x1000  }
0x45: {  	[sflag:s19] =	ssyncset.done $0x0  }
0x46: {  	s2 =	simm.s32 $0x2980;
	[sflag:s19] =	ssyncadd.s32 $0xFFFFF000  }
0x47: {  	[spmem:s4] =	stream.indirect.scatter.add.f32 [tilespmem:s22], [sflag:$0x8], $0x20, s2, s16, $0xb8;
	[tilespmem:$0x13000] =	vst v63  }
0x48: {  	_ =	swait.ge [sflag:s25], $0x1000  }
0x49: {  	[sflag:s25] =	ssyncset.done $0x0  }
0x4a: {  	s2 =	simm.s32 $0x380;
	[sflag:s25] =	ssyncadd.s32 $0xFFFFF000  }
0x4b: {  	[tilespmem:s22], [sflag:$0x4] =	stream.indirect.gather [spmem:s3], $0x20, s2, s16, $0xb8;
	[tilespmem:$0x13000] =	vst v63  }
0x4c: {  	_ =	swait.ge [sflag:s23], $0x1000  }
0x4d: {  	[sflag:s23] =	ssyncset.done $0x0  }
0x4e: {  	s1 =	simm.s32 $0x2A00;
	[sflag:s23] =	ssyncadd.s32 $0xFFFFF000  }
0x4f: {  	[spmem:s4] =	stream.indirect.scatter.add.f32 [tilespmem:s17], [sflag:$0x5], $0x20, s1, s16, $0xb8;
	[tilespmem:$0x13000] =	vst v63  }
0x50: {  	_ =	swait.ge [sflag:s24], $0x1000  }
0x51: {  	[sflag:s24] =	ssyncset.done $0x0  }
0x52: {  	s1 =	simm.s32 $0x400;
	[sflag:s24] =	ssyncadd.s32 $0xFFFFF000  }
0x53: {  	[tilespmem:s17], [sflag:$0x1] =	stream.indirect.gather [spmem:s3], $0x20, s1, s16, $0xb8;
	[tilespmem:$0x13000] =	vst v63  }
0x54: {  	_ =	swait.ge [sflag:s26], $0x1000  }
0x55: {  	[sflag:s26] =	ssyncset.done $0x0  }
0x56: {  	s1 =	simm.s32 $0x2A80;
	[sflag:s26] =	ssyncadd.s32 $0xFFFFF000  }
0x57: {  	[spmem:s4] =	stream.indirect.scatter.add.f32 [tilespmem:s18], [sflag:$0x6], $0x20, s1, s16, $0xb8;
	[tilespmem:$0x13000] =	vst v63  }
0x58: {  	_ =	swait.ge [sflag:s29], $0x1000  }
0x59: {  	[sflag:s29] =	ssyncset.done $0x0  }
0x5a: {  	s1 =	simm.s32 $0x480;
	[sflag:s29] =	ssyncadd.s32 $0xFFFFF000  }
0x5b: {  	[tilespmem:s18], [sflag:$0x2] =	stream.indirect.gather [spmem:s3], $0x20, s1, s16, $0xb8;
	[tilespmem:$0x13000] =	vst v63  }
0x5c: {  	_ =	swait.ge [sflag:s31], $0x1000  }
0x5d: {  	[sflag:s31] =	ssyncset.done $0x0  }
0x5e: {  	s1 =	simm.s32 $0x2B00;
	[sflag:s31] =	ssyncadd.s32 $0xFFFFF000  }
0x5f: {  	[spmem:s4] =	stream.indirect.scatter.add.f32 [tilespmem:s20], [sflag:$0x7], $0x20, s1, s16, $0xb8;
	[tilespmem:$0x13000] =	vst v63  }
0x60: {  	_ =	swait.ge [sflag:s0], $0x1000  }
0x61: {  	[sflag:s0] =	ssyncset.done $0x0  }
0x62: {  	s1 =	simm.s32 $0x500;
	[sflag:s0] =	ssyncadd.s32 $0xFFFFF000  }
0x63: {  	[tilespmem:s20], [sflag:$0x3] =	stream.indirect.gather [spmem:s3], $0x20, s1, s16, $0xb8;
	[tilespmem:$0x13000] =	vst v63  }
0x64: {  	_ =	swait.ge [sflag:s19], $0x1000  }
0x65: {  	[sflag:s19] =	ssyncset.done $0x0  }
0x66: {  	s30 =	simm.s32 $0x800;
	s2 =	simm.s32 $0x2B80;
	[sflag:s19] =	ssyncadd.s32 $0xFFFFF000  }
.LBB2_2:
0x67: {  	[spmem:s4] =	stream.indirect.scatter.add.f32 [tilespmem:s22], [sflag:$0x8], $0x20, s2, s16, $0xb8;
	[tilespmem:$0x13000] =	vst v63  }
0x68: {  	s2 =	smov.u32 s30  }
0x69: {  	p0 =	sne.s32 s30, $0x8800;
	s30 =	sadd.s32 $0x800, s30;
	_ =	swait.ge [sflag:s25], $0x1000  }
0x6a: {  	s2 =	sshra.s32 s2, $0x2;
	[sflag:s25] =	ssyncset.done $0x0  }
0x6b: {  	s1 =	sadd.s32 $0x380, s2;
	[sflag:s25] =	ssyncadd.s32 $0xFFFFF000  }
0x6c: {  	[tilespmem:s22], [sflag:$0x4] =	stream.indirect.gather [spmem:s3], $0x20, s1, s16, $0xb8;
	[tilespmem:$0x13000] =	vst v63  }
0x6d: {  	_ =	swait.ge [sflag:s23], $0x1000  }
0x6e: {  	[sflag:s23] =	ssyncset.done $0x0  }
0x6f: {  	s1 =	sadd.s32 $0x2A00, s2;
	[sflag:s23] =	ssyncadd.s32 $0xFFFFF000  }
0x70: {  	[spmem:s4] =	stream.indirect.scatter.add.f32 [tilespmem:s17], [sflag:$0x5], $0x20, s1, s16, $0xb8;
	[tilespmem:$0x13000] =	vst v63  }
0x71: {  	_ =	swait.ge [sflag:s24], $0x1000  }
0x72: {  	[sflag:s24] =	ssyncset.done $0x0  }
0x73: {  	s1 =	sadd.s32 $0x400, s2;
	[sflag:s24] =	ssyncadd.s32 $0xFFFFF000  }
0x74: {  	[tilespmem:s17], [sflag:$0x1] =	stream.indirect.gather [spmem:s3], $0x20, s1, s16, $0xb8;
	[tilespmem:$0x13000] =	vst v63  }
0x75: {  	_ =	swait.ge [sflag:s26], $0x1000  }
0x76: {  	[sflag:s26] =	ssyncset.done $0x0  }
0x77: {  	s1 =	sadd.s32 $0x2A80, s2;
	[sflag:s26] =	ssyncadd.s32 $0xFFFFF000  }
0x78: {  	[spmem:s4] =	stream.indirect.scatter.add.f32 [tilespmem:s18], [sflag:$0x6], $0x20, s1, s16, $0xb8;
	[tilespmem:$0x13000] =	vst v63  }
0x79: {  	_ =	swait.ge [sflag:s29], $0x1000  }
0x7a: {  	[sflag:s29] =	ssyncset.done $0x0  }
0x7b: {  	s1 =	sadd.s32 $0x480, s2;
	[sflag:s29] =	ssyncadd.s32 $0xFFFFF000  }
0x7c: {  	[tilespmem:s18], [sflag:$0x2] =	stream.indirect.gather [spmem:s3], $0x20, s1, s16, $0xb8;
	[tilespmem:$0x13000] =	vst v63  }
0x7d: {  	_ =	swait.ge [sflag:s31], $0x1000  }
0x7e: {  	[sflag:s31] =	ssyncset.done $0x0  }
0x7f: {  	s1 =	sadd.s32 $0x2B00, s2;
	[sflag:s31] =	ssyncadd.s32 $0xFFFFF000  }
0x80: {  	[spmem:s4] =	stream.indirect.scatter.add.f32 [tilespmem:s20], [sflag:$0x7], $0x20, s1, s16, $0xb8;
	[tilespmem:$0x13000] =	vst v63  }
0x81: {  	_ =	swait.ge [sflag:s0], $0x1000  }
0x82: {  	[sflag:s0] =	ssyncset.done $0x0  }
.Ltmp0:
0x83: {  	s1 =	sadd.s32 $0x500, s2;
	[sflag:s0] =	ssyncadd.s32 $0xFFFFF000;
	(pc) =	sbr.rel @p0 .LBB2_2-.Ltmp0, $4  }
0x84: {  	[tilespmem:s20], [sflag:$0x3] =	stream.indirect.gather [spmem:s3], $0x20, s1, s16, $0xb8;
	[tilespmem:$0x13000] =	vst v63  }
0x85: {  	_ =	swait.ge [sflag:s19], $0x1000  }
0x86: {  	[sflag:s19] =	ssyncset.done $0x0  }
0x87: {  	s2 =	sadd.s32 $0x2B80, s2;
	[sflag:s19] =	ssyncadd.s32 $0xFFFFF000  }
0x88: {  	[spmem:s4] =	stream.indirect.scatter.add.f32 [tilespmem:s22], [sflag:$0x8], $0x20, s2, s16, $0xb8;
	[tilespmem:$0x13000] =	vst v63  }
0x89: {  	_ =	swait.ge [sflag:s25], $0x1000  }
0x8a: {  	[sflag:s25] =	ssyncset.done $0x0  }
0x8b: {  	s1 =	simm.s32 $0x2780;
	[sflag:s25] =	ssyncadd.s32 $0xFFFFF000  }
0x8c: {  	[tilespmem:s22], [sflag:$0x4] =	stream.indirect.gather [spmem:s3], $0x20, s1, s16, $0xb8;
	[tilespmem:$0x13000] =	vst v63  }
0x8d: {  	_ =	swait.ge [sflag:s23], $0x1000  }
0x8e: {  	[sflag:s23] =	ssyncset.done $0x0  }
0x8f: {  	s30 =	simm.s32 $0x4E00;
	[sflag:s23] =	ssyncadd.s32 $0xFFFFF000  }
0x90: {  	[spmem:s4] =	stream.indirect.scatter.add.f32 [tilespmem:s17], [sflag:$0x5], $0x20, s30, s16, $0xb8;
	[tilespmem:$0x13000] =	vst v63  }
0x91: {  	_ =	swait.ge [sflag:s26], $0x1000  }
0x92: {  	[sflag:s26] =	ssyncset.done $0x0  }
0x93: {  	s2 =	simm.s32 $0x4E80;
	[sflag:s26] =	ssyncadd.s32 $0xFFFFF000  }
0x94: {  	[spmem:s4] =	stream.indirect.scatter.add.f32 [tilespmem:s18], [sflag:$0x6], $0x20, s2, s16, $0xb8;
	[tilespmem:$0x13000] =	vst v63  }
0x95: {  	_ =	swait.ge [sflag:s31], $0x1000  }
0x96: {  	[sflag:s31] =	ssyncset.done $0x0  }
0x97: {  	s30 =	simm.s32 $0x4F00;
	[sflag:s31] =	ssyncadd.s32 $0xFFFFF000  }
0x98: {  	[spmem:s4] =	stream.indirect.scatter.add.f32 [tilespmem:s20], [sflag:$0x7], $0x20, s30, s16, $0xb8;
	[tilespmem:$0x13000] =	vst v63  }
0x99: {  	_ =	swait.ge [sflag:s19], $0x1000  }
0x9a: {  	[sflag:s19] =	ssyncset.done $0x0  }
0x9b: {  	[sflag:s19] =	ssyncadd.s32 $0xFFFFF000  }
0x9c: {  	[spmem:s4] =	stream.indirect.scatter.add.f32 [tilespmem:s22], [sflag:$0x8], $0x20, s21, s16, $0xb8;
	[tilespmem:$0x13000] =	vst v63  }
0x9d: {  	_ =	swait.ge [sflag:s24], $0x1000  }
0x9e: {  	[sflag:s24] =	ssyncset.done $0x0  }
0x9f: {  	[sflag:s24] =	ssyncadd.s32 $0xFFFFF000  }
0xa0: {  	_ =	swait.ge [sflag:s29], $0x1000  }
0xa1: {  	[sflag:s29] =	ssyncset.done $0x0  }
0xa2: {  	[sflag:s29] =	ssyncadd.s32 $0xFFFFF000  }
0xa3: {  	_ =	swait.ge [sflag:s0], $0x1000  }
0xa4: {  	[sflag:s0] =	ssyncset.done $0x0  }
0xa5: {  	[sflag:s0] =	ssyncadd.s32 $0xFFFFF000  }
0xa6: {  	_ =	swait.ge [sflag:s25], $0x1000  }
0xa7: {  	s28 =	sadd.s32 $0x1, s28;
	[sflag:s25] =	ssyncset.done $0x0  }
0xa8: {  	p0 =	sne.s32 s28, s11;
	[sflag:s25] =	ssyncadd.s32 $0xFFFFF000  }
.Ltmp1:
0xa9: {  	[bflag:$0x0] =	sbarrier.arrive $0xFFFF;
	(pc) =	sbr.rel @p0 .LBB2_1-.Ltmp1, $4  }
0xaa: {  	[hbm:s10], [sflag:s7] =	dma.local [spmem:s14], $0xA00  }
0xab: {  	_ =	swait.ge [sflag:s13], $0xA00  }
0xac: {  	[sflag:s13] =	ssyncset.done $0x0  }
0xad: {  	[sflag:s13] =	ssyncadd.s32 $0xFFFFF600  }
0xae: {  	_ =	sfence.sel $0x180000  }
0xaf: {  	[bflag:$0x0] =	sbarrier.arrive $0xFFFF  }
0xb0: {  	_ =	strace $0x90000053  }
0xb1: {  	s0 =	stileid.u32;
	[bflag:$0x2] =	sbarrier.arrive $0xFFFF  }
0xb2: {  	p0 =	sne.s32 s0, $0x0;
	s0 =	rddreg [dreg:$0x4]  }
0xb3: {  	s0 =	sadd.s32 @!p0 $0x100000, s0  }
0xb4: {  	[sflag:s0] =	ssyncadd.tile.s32 @!p0 $0x1;
	_ =	shalt  }
.Lfunc_end2:
_tile_overlayer_lowered:
.L_overlay_start_2:
0xb5: {  	(tag) =	ssettag $0x2  }
0xb6: {  	s0 =	rddreg [dreg:$0x0];
	s2 =	stileid.u32  }
0xb7: {  	s1 =	rddreg [dreg:$0x1];
	p0 =	sne.s32 s2, $0x0  }
0xb8: {  	s3 =	rddreg [dreg:$0x2];
	[bflag:$0x3] =	sbarrier.arrive $0xFFFF;
	s2 =	simm.s32 @!p0 $0x1C09  }
0xb9: {  	[timem:s3], [sflag:s2] =	dma.local @!p0 [hbm:s0], s1  }
0xba: {  	s0 =	simm.s32 @!p0 $0x9  }
0xbb: {  	_ =	swait.ge @!p0 [sflag:s0], s1  }
0xbc: {  	s1 =	ssub.s32 @!p0 $0x0, s1;
	[sflag:s0] =	ssyncset.done @!p0 $0x0  }
0xbd: {  	[sflag:s0] =	ssyncadd.s32 @!p0 s1  }
0xbe: {  	[bflag:$0x3] =	sbarrier.arrive $0xFFFF  }
0xbf: {  	_ =	shalt  }

</sc_bundles>
